<compile_context>
chip_gen: v7x
topology: tpu7x:2x2x1
jax: 0.10.2.dev20260603
libtpu: 0.0.44.dev20260713+nightly
codegen_flags: <defaults>
</compile_context>

<pallas_src>
import functools

import jax
import jax.numpy as jnp
from jax import lax
from jax.experimental import pallas as pl
from jax.experimental.pallas import tpu as pltpu
from jax.experimental.pallas import tpu_sc as plsc

EPS = 1e-5
NG = 64
NC = 2
NS = 16
NW = NC * NS
K = 80



def _deg_call(dst3, NP, G):
    mesh = plsc.VectorSubcoreMesh(core_axis_name="c", subcore_axis_name="s")
    rpt = NP // NS

    @functools.partial(
        pl.kernel,
        out_type=jax.ShapeDtypeStruct((NC, NP), jnp.float32),
        mesh=mesh,
        scratch_types=[
            pltpu.VMEM((G, K), jnp.int32),
            pltpu.VMEM((K,), jnp.float32),
            pltpu.VMEM((rpt,), jnp.float32),
            pltpu.VMEM_SHARED((NP,), jnp.float32),
        ],
    )
    def k(dst_hbm, out_hbm, idx_v, ones_v, buf_v, acc_sh):
        c = lax.axis_index("c")
        s = lax.axis_index("s")
        w = c * NS + s

        def fill_zero(i, carry):
            buf_v[pl.ds(i * 16, 16)] = jnp.zeros((16,), jnp.float32)
            return carry
        lax.fori_loop(0, rpt // 16, fill_zero, 0)

        def fill_one(i, carry):
            ones_v[pl.ds(i * 16, 16)] = jnp.ones((16,), jnp.float32)
            return carry
        lax.fori_loop(0, K // 16, fill_one, 0)

        pltpu.sync_copy(buf_v, acc_sh.at[pl.ds(s * rpt, rpt)])
        plsc.subcore_barrier()

        pltpu.sync_copy(dst_hbm.at[w], idx_v)

        def body(g, carry):
            pltpu.sync_copy(ones_v, acc_sh.at[idx_v.at[g]], add=True)
            return carry
        lax.fori_loop(0, G, body, 0)

        plsc.subcore_barrier()
        pltpu.sync_copy(acc_sh.at[pl.ds(s * rpt, rpt)], buf_v)
        pltpu.sync_copy(buf_v, out_hbm.at[c, pl.ds(s * rpt, rpt)])

    return k(dst3)


def _edge_aggregate_call(xws, src3, dst3, NP, G, KA, D):
    mesh = plsc.VectorSubcoreMesh(core_axis_name="c", subcore_axis_name="s")
    rpt = NP // NS
    ch = 64

    @functools.partial(
        pl.kernel,
        out_type=jax.ShapeDtypeStruct((NC, NP, D), jnp.float32),
        mesh=mesh,
        scratch_types=[
            pltpu.VMEM((G // 2, KA), jnp.int32),
            pltpu.VMEM((G // 2, KA), jnp.int32),
            pltpu.VMEM((KA, D), jnp.float32),
            pltpu.VMEM((KA, D), jnp.float32),
            pltpu.VMEM_SHARED((NP, D), jnp.float32),
            pltpu.SemaphoreType.DMA,
            pltpu.SemaphoreType.DMA,
        ],
    )
    def k(xws_hbm, src_hbm, dst_hbm, out_hbm, src_v, dst_v, r0, r1,
          acc_sh, gsem, ssem):
        c = lax.axis_index("c")
        s = lax.axis_index("s")
        w = c * NS + s
        rows = (r0, r1)
        G2 = G // 2

        def zrow(i, carry):
            for j in range(D // 16):
                r0[i, pl.ds(j * 16, 16)] = jnp.zeros((16,), jnp.float32)
            return carry
        lax.fori_loop(0, ch, zrow, 0)

        for t in range(rpt // ch):
            pltpu.sync_copy(r0.at[pl.ds(0, ch)], acc_sh.at[pl.ds(s * rpt + t * ch, ch)])
        plsc.subcore_barrier()

        for h in range(2):
            pltpu.sync_copy(src_hbm.at[w, pl.ds(h * G2, G2)], src_v)
            pltpu.sync_copy(dst_hbm.at[w, pl.ds(h * G2, G2)], dst_v)

            pltpu.async_copy(xws_hbm.at[src_v.at[0]], rows[0], gsem)

            def pair(p, carry):
                for b in range(2):
                    g = 2 * p + b
                    pltpu.make_async_copy(xws_hbm.at[src_v.at[g]], rows[b], gsem).wait()
                    pltpu.async_copy(rows[b], acc_sh.at[dst_v.at[g]], ssem, add=True)

                    @pl.when(g + 1 < G2)
                    def _():
                        @pl.when(g >= 1)
                        def _():
                            pltpu.make_async_copy(
                                rows[1 - b], acc_sh.at[dst_v.at[g - 1]], ssem
                            ).wait()
                        pltpu.async_copy(xws_hbm.at[src_v.at[g + 1]], rows[1 - b], gsem)
                return carry
            lax.fori_loop(0, G2 // 2, pair, 0)

            pltpu.make_async_copy(rows[G2 % 2], acc_sh.at[dst_v.at[G2 - 2]], ssem).wait()
            pltpu.make_async_copy(rows[1 - G2 % 2], acc_sh.at[dst_v.at[G2 - 1]], ssem).wait()

        plsc.subcore_barrier()
        for t in range(rpt // ch):
            pltpu.sync_copy(acc_sh.at[pl.ds(s * rpt + t * ch, ch)], r0.at[pl.ds(0, ch)])
            pltpu.sync_copy(r0.at[pl.ds(0, ch)], out_hbm.at[c, pl.ds(s * rpt + t * ch, ch)])

    return k(xws, src3, dst3)



def _xw_scale_call(x, W, deg0, deg1, C):
    N, DIN = x.shape
    D = W.shape[1]

    def body(x_ref, w_ref, d0_ref, d1_ref, xws_ref, dis_ref):
        deg = d0_ref[...] + d1_ref[...] + 1.0
        dis = lax.rsqrt(deg)
        xw = jnp.dot(x_ref[...], w_ref[...], preferred_element_type=jnp.float32, precision=lax.Precision.HIGHEST)
        xws_ref[...] = xw * dis
        dis_ref[...] = dis

    return pl.pallas_call(
        body,
        grid=(N // C,),
        in_specs=[
            pl.BlockSpec((C, DIN), lambda i: (i, 0)),
            pl.BlockSpec((DIN, D), lambda i: (0, 0)),
            pl.BlockSpec((C, 1), lambda i: (i, 0)),
            pl.BlockSpec((C, 1), lambda i: (i, 0)),
        ],
        out_specs=[
            pl.BlockSpec((C, D), lambda i: (i, 0)),
            pl.BlockSpec((C, 1), lambda i: (i, 0)),
        ],
        out_shape=[
            jax.ShapeDtypeStruct((N, D), jnp.float32),
            jax.ShapeDtypeStruct((N, 1), jnp.float32),
        ],
    )(x, W, deg0, deg1)


def _graphnorm_stats(S_scr, Q_scr, cnt_scr, msv):
    cinv = 1.0 / jnp.maximum(cnt_scr[...], 1.0)
    mean = S_scr[...] * cinv
    var = Q_scr[...] * cinv - mean * mean * (msv * (2.0 - msv))
    std = jnp.sqrt(jnp.maximum(var, 0.0) + EPS)
    return mean, std


def _layer_mid_call(a0, a1, xws, dis, b, batch, ms, w, gb, W2, C):
    N, D = xws.shape
    NB = N // C

    def body(a0_ref, a1_ref, xws_ref, dis_ref, b_ref, bat_ref, ms_ref, w_ref,
             gb_ref, W2_ref, o_ref, h_scr, S_scr, Q_scr, cnt_scr):
        p = pl.program_id(0)
        i = pl.program_id(1)
        bat = bat_ref[...][:, 0]

        @pl.when(p == 0)
        def _():
            h = dis_ref[...] * (a0_ref[...] + a1_ref[...] + xws_ref[...]) + b_ref[...][None, :]
            h_scr[pl.ds(i * C, C), :] = h
            oh = (lax.broadcasted_iota(jnp.int32, (NG, C), 0) == bat[None, :]).astype(jnp.float32)

            @pl.when(i == 0)
            def _():
                S_scr[...] = jnp.zeros_like(S_scr)
                Q_scr[...] = jnp.zeros_like(Q_scr)
                cnt_scr[...] = jnp.zeros_like(cnt_scr)

            S_scr[...] += jnp.dot(oh, h, preferred_element_type=jnp.float32, precision=lax.Precision.HIGHEST)
            Q_scr[...] += jnp.dot(oh, h * h, preferred_element_type=jnp.float32, precision=lax.Precision.HIGHEST)
            cnt_scr[...] += jnp.sum(oh, axis=1)[:, None]

        @pl.when(p == 1)
        def _():
            msv = ms_ref[...][None, :]
            mean, std = _graphnorm_stats(S_scr, Q_scr, cnt_scr, msv)
            ohT = (lax.broadcasted_iota(jnp.int32, (C, NG), 1) == bat[:, None]).astype(jnp.float32)
            mb = jnp.dot(ohT, mean, preferred_element_type=jnp.float32, precision=lax.Precision.HIGHEST)
            stdb = jnp.dot(ohT, std, preferred_element_type=jnp.float32, precision=lax.Precision.HIGHEST)
            out = h_scr[pl.ds(i * C, C), :] - mb * msv
            hn = jnp.maximum(w_ref[...][None, :] * out / stdb + gb_ref[...][None, :], 0.0)
            xw = jnp.dot(hn, W2_ref[...], preferred_element_type=jnp.float32, precision=lax.Precision.HIGHEST)
            o_ref[...] = xw * dis_ref[...]

    return pl.pallas_call(
        body,
        grid=(2, NB),
        in_specs=[
            pl.BlockSpec((C, D), lambda p, i: (i * (1 - p), 0)),
            pl.BlockSpec((C, D), lambda p, i: (i * (1 - p), 0)),
            pl.BlockSpec((C, D), lambda p, i: (i * (1 - p), 0)),
            pl.BlockSpec((C, 1), lambda p, i: (i, 0)),
            pl.BlockSpec((D,), lambda p, i: (0,)),
            pl.BlockSpec((C, 1), lambda p, i: (i, 0)),
            pl.BlockSpec((D,), lambda p, i: (0,)),
            pl.BlockSpec((D,), lambda p, i: (0,)),
            pl.BlockSpec((D,), lambda p, i: (0,)),
            pl.BlockSpec((D, D), lambda p, i: (0, 0)),
        ],
        out_specs=pl.BlockSpec((C, D), lambda p, i: (i * p, 0)),
        out_shape=jax.ShapeDtypeStruct((N, D), jnp.float32),
        scratch_shapes=[
            pltpu.VMEM((N, D), jnp.float32),
            pltpu.VMEM((NG, D), jnp.float32),
            pltpu.VMEM((NG, D), jnp.float32),
            pltpu.VMEM((NG, 1), jnp.float32),
        ],
    )(a0, a1, xws, dis, b, batch, ms, w, gb, W2)


def _layer_out_call(a0, a1, xws, dis, b, batch, ms, w, gb, lin_W, lin_b, C):
    N, D = xws.shape
    NB = N // C
    NCLS = lin_W.shape[1]

    def body(a0_ref, a1_ref, xws_ref, dis_ref, b_ref, bat_ref, ms_ref, w_ref,
             gb_ref, lW_ref, lb_ref, o_ref, h_scr, S_scr, Q_scr, cnt_scr, P_scr):
        p = pl.program_id(0)
        i = pl.program_id(1)
        bat = bat_ref[...][:, 0]

        @pl.when(p == 0)
        def _():
            h = dis_ref[...] * (a0_ref[...] + a1_ref[...] + xws_ref[...]) + b_ref[...][None, :]
            h_scr[pl.ds(i * C, C), :] = h
            oh = (lax.broadcasted_iota(jnp.int32, (NG, C), 0) == bat[None, :]).astype(jnp.float32)

            @pl.when(i == 0)
            def _():
                S_scr[...] = jnp.zeros_like(S_scr)
                Q_scr[...] = jnp.zeros_like(Q_scr)
                cnt_scr[...] = jnp.zeros_like(cnt_scr)

            S_scr[...] += jnp.dot(oh, h, preferred_element_type=jnp.float32, precision=lax.Precision.HIGHEST)
            Q_scr[...] += jnp.dot(oh, h * h, preferred_element_type=jnp.float32, precision=lax.Precision.HIGHEST)
            cnt_scr[...] += jnp.sum(oh, axis=1)[:, None]

        @pl.when(p == 1)
        def _():
            msv = ms_ref[...][None, :]
            mean, std = _graphnorm_stats(S_scr, Q_scr, cnt_scr, msv)
            ohT = (lax.broadcasted_iota(jnp.int32, (C, NG), 1) == bat[:, None]).astype(jnp.float32)
            mb = jnp.dot(ohT, mean, preferred_element_type=jnp.float32, precision=lax.Precision.HIGHEST)
            stdb = jnp.dot(ohT, std, preferred_element_type=jnp.float32, precision=lax.Precision.HIGHEST)
            out = h_scr[pl.ds(i * C, C), :] - mb * msv
            hn = jnp.maximum(w_ref[...][None, :] * out / stdb + gb_ref[...][None, :], 0.0)
            oh = (lax.broadcasted_iota(jnp.int32, (NG, C), 0) == bat[None, :]).astype(jnp.float32)

            @pl.when(i == 0)
            def _():
                P_scr[...] = jnp.zeros_like(P_scr)

            P_scr[...] += jnp.dot(oh, hn, preferred_element_type=jnp.float32, precision=lax.Precision.HIGHEST)

            @pl.when(i == NB - 1)
            def _():
                pooled = P_scr[...] / jnp.maximum(cnt_scr[...], 1.0)
                o_ref[...] = jnp.dot(pooled, lW_ref[...], preferred_element_type=jnp.float32, precision=lax.Precision.HIGHEST) + lb_ref[...][None, :]

    return pl.pallas_call(
        body,
        grid=(2, NB),
        in_specs=[
            pl.BlockSpec((C, D), lambda p, i: (i * (1 - p), 0)),
            pl.BlockSpec((C, D), lambda p, i: (i * (1 - p), 0)),
            pl.BlockSpec((C, D), lambda p, i: (i * (1 - p), 0)),
            pl.BlockSpec((C, 1), lambda p, i: (i * (1 - p), 0)),
            pl.BlockSpec((D,), lambda p, i: (0,)),
            pl.BlockSpec((C, 1), lambda p, i: (i, 0)),
            pl.BlockSpec((D,), lambda p, i: (0,)),
            pl.BlockSpec((D,), lambda p, i: (0,)),
            pl.BlockSpec((D,), lambda p, i: (0,)),
            pl.BlockSpec((D, NCLS), lambda p, i: (0, 0)),
            pl.BlockSpec((NCLS,), lambda p, i: (0,)),
        ],
        out_specs=pl.BlockSpec((NG, NCLS), lambda p, i: (0, 0)),
        out_shape=jax.ShapeDtypeStruct((NG, NCLS), jnp.float32),
        scratch_shapes=[
            pltpu.VMEM((N, D), jnp.float32),
            pltpu.VMEM((NG, D), jnp.float32),
            pltpu.VMEM((NG, D), jnp.float32),
            pltpu.VMEM((NG, 1), jnp.float32),
            pltpu.VMEM((NG, D), jnp.float32),
        ],
    )(a0, a1, xws, dis, b, batch, ms, w, gb, lin_W, lin_b)



def kernel(x, edge_index, batch, W1, b1, gn1_weight, gn1_bias, gn1_mean_scale,
           W2, b2, gn2_weight, gn2_bias, gn2_mean_scale, lin_W, lin_b):
    N, DIN = x.shape
    D = W1.shape[1]
    E = edge_index.shape[1]
    C = 2000

    Gd = E // (NW * K)
    NPd = ((N + (16 * NS) - 1) // (16 * NS)) * (16 * NS)
    dst3d = edge_index[1].reshape(NW, Gd, K)

    KA = 128
    Ga = -(-E // (NW * KA))
    Ga = -(-Ga // 4) * 4
    Ea = NW * KA * Ga
    pad = Ea - E
    NPa = -(-N // (NS * 64)) * (NS * 64)
    src_p = jnp.concatenate(
        [edge_index[0], jnp.arange(pad, dtype=jnp.int32) % N])
    dst_p = jnp.concatenate(
        [edge_index[1], N + (jnp.arange(pad, dtype=jnp.int32) % (NPa - N))])
    src3a = src_p.reshape(NW, Ga, KA)
    dst3a = dst_p.reshape(NW, Ga, KA)

    degp = _deg_call(dst3d, NPd, Gd)
    deg0, deg1 = degp[0, :N, None], degp[1, :N, None]

    batch2 = batch[:, None]
    xws1, dis = _xw_scale_call(x, W1, deg0, deg1, C)

    aggp1 = _edge_aggregate_call(xws1, src3a, dst3a, NPa, Ga, KA, D)
    xws2 = _layer_mid_call(aggp1[0], aggp1[1], xws1, dis, b1, batch2,
                           gn1_mean_scale, gn1_weight, gn1_bias, W2, C)

    aggp2 = _edge_aggregate_call(xws2, src3a, dst3a, NPa, Ga, KA, D)
    return _layer_out_call(aggp2[0], aggp2[1], xws2, dis, b2, batch2,
                           gn2_mean_scale, gn2_weight, gn2_bias, lin_W, lin_b, C)

# --- scband reference (transcript-rebuilt; emitter-appended) ---
"""Pipeline reference for scband-gcn-27848567947531 (READ-ONLY COPY).

The authoritative reference and input builder live on the scoring server;
editing this copy changes nothing except your own understanding.
"""

import jax, jax.numpy as jnp
import numpy as np

N = 10000
E = 320000
D_IN = 128
D_H = 128
N_CLASSES = 10
N_GRAPHS = 64
EPS = 1e-5


def _glorot(k, shape):
    lim = np.sqrt(6.0 / (shape[0] + shape[1]))
    return jax.random.uniform(k, shape, minval=-lim, maxval=lim, dtype=jnp.float32)


def setup_inputs(seed: int = 0) -> dict:
    key = jax.random.key(seed)
    ks = jax.random.split(key, 8)
    x = jax.random.normal(ks[0], (N, D_IN), dtype=jnp.float32)
    edge_index = jax.random.randint(ks[1], (2, E), 0, N, dtype=jnp.int32)
    batch = jnp.sort(jax.random.randint(ks[2], (N,), 0, N_GRAPHS, dtype=jnp.int32))
    W1 = _glorot(ks[3], (D_IN, D_H)); b1 = jnp.zeros((D_H,), jnp.float32)
    W2 = _glorot(ks[4], (D_H, D_H)); b2 = jnp.zeros((D_H,), jnp.float32)
    gn1_weight = jnp.ones((D_H,), jnp.float32); gn1_bias = jnp.zeros((D_H,), jnp.float32); gn1_mean_scale = jnp.ones((D_H,), jnp.float32)
    gn2_weight = jnp.ones((D_H,), jnp.float32); gn2_bias = jnp.zeros((D_H,), jnp.float32); gn2_mean_scale = jnp.ones((D_H,), jnp.float32)
    lin_W = _glorot(ks[5], (D_H, N_CLASSES)); lin_b = jnp.zeros((N_CLASSES,), jnp.float32)
    return {"x": x, "edge_index": edge_index, "batch": batch,
            "W1": W1, "b1": b1, "gn1_weight": gn1_weight, "gn1_bias": gn1_bias, "gn1_mean_scale": gn1_mean_scale,
            "W2": W2, "b2": b2, "gn2_weight": gn2_weight, "gn2_bias": gn2_bias, "gn2_mean_scale": gn2_mean_scale,
            "lin_W": lin_W, "lin_b": lin_b}


def _gcn_conv(x, src, dst, W, b):
    n = x.shape[0]
    loop = jnp.arange(n, dtype=src.dtype)
    s = jnp.concatenate([src, loop])
    d = jnp.concatenate([dst, loop])
    deg = jax.ops.segment_sum(jnp.ones(s.shape, x.dtype), d, num_segments=n)
    dis = jnp.where(deg > 0, jax.lax.rsqrt(jnp.maximum(deg, 1e-12)), 0.0)
    norm = dis[s] * dis[d]
    xw = x @ W
    msg = xw[s] * norm[:, None]
    return jax.ops.segment_sum(msg, d, num_segments=n) + b


def _graph_norm(x, batch, weight, bias, mean_scale, num_graphs):
    counts = jnp.maximum(jax.ops.segment_sum(jnp.ones((x.shape[0],), x.dtype), batch, num_segments=num_graphs), 1.0)
    mean = jax.ops.segment_sum(x, batch, num_segments=num_graphs) / counts[:, None]
    out = x - mean[batch] * mean_scale
    var = jax.ops.segment_sum(out * out, batch, num_segments=num_graphs) / counts[:, None]
    std = jnp.sqrt(var + EPS)
    return weight * out / std[batch] + bias


def reference(x, edge_index, batch, W1, b1, gn1_weight, gn1_bias, gn1_mean_scale, W2, b2, gn2_weight, gn2_bias, gn2_mean_scale, lin_W, lin_b):
    src, dst = edge_index[0], edge_index[1]
    h = _gcn_conv(x, src, dst, W1, b1)
    h = _graph_norm(h, batch, gn1_weight, gn1_bias, gn1_mean_scale, N_GRAPHS)
    h = jax.nn.relu(h)
    # dropout is identity in eval mode
    h = _gcn_conv(h, src, dst, W2, b2)
    h = _graph_norm(h, batch, gn2_weight, gn2_bias, gn2_mean_scale, N_GRAPHS)
    h = jax.nn.relu(h)
    counts = jnp.maximum(jax.ops.segment_sum(jnp.ones((h.shape[0],), h.dtype), batch, num_segments=N_GRAPHS), 1.0)
    pooled = jax.ops.segment_sum(h, batch, num_segments=N_GRAPHS) / counts[:, None]
    return pooled @ lin_W + lin_b

if __name__ == "__main__":
    import jax
    _d = setup_inputs()
    print(jax.jit(kernel)(*tuple(_d.values())))

</pallas_src>

<mosaic_0001>
#map = affine_map<(d0, d1) -> (0, 0)>
#map1 = affine_map<(d0, d1) -> (0, 0, 0)>
module attributes {stable_mosaic.version = 14 : i64} {
  func.func @k(%arg0: i32, %arg1: i32, %arg2: memref<10000x128xf32, #tpu.memory_space<hbm>>, %arg3: memref<32x80x128xi32, #tpu.memory_space<hbm>>, %arg4: memref<32x80x128xi32, #tpu.memory_space<hbm>>, %arg5: memref<2x10240x128xf32, #tpu.memory_space<hbm>>, %arg6: memref<40x128xi32, #tpu.memory_space<vmem>>, %arg7: memref<40x128xi32, #tpu.memory_space<vmem>>, %arg8: memref<128x128xf32, #tpu.memory_space<vmem>>, %arg9: memref<128x128xf32, #tpu.memory_space<vmem>>, %arg10: memref<10240x128xf32, #tpu.memory_space<vmem_shared>>, %arg11: memref<!tpu.dma_semaphore, #tpu.memory_space<semaphore_mem>>, %arg12: memref<!tpu.dma_semaphore, #tpu.memory_space<semaphore_mem>>) attributes {dimension_semantics = [#tpu.dimension_semantics<core_parallel>, #tpu.dimension_semantics<subcore_parallel>], iteration_bounds = array<i64: 2, 16>, scalar_prefetch = 0 : i64, scratch_operands = 7 : i64, tpu.core_type = #tpu.core_type<sc_vector_subcore>, window_params = [{transform_indices = #map}, {transform_indices = #map1}, {transform_indices = #map1}, {transform_indices = #map1}]} {
    %mul3A = arith.constant 16 : i32
    %mul3A_0 = arith.muli %arg0, %mul3A : i32
    %add3A = arith.addi %mul3A_0, %arg1 : i32
    %scan3A = arith.constant 0 : i32
    %scan3A_1 = arith.constant 0 : i32
    %scan3A_2 = arith.constant 64 : i32
    %scan3A_3 = arith.addi %scan3A_1, %scan3A_2 : i32
    %scan3A_4 = arith.constant 1 : i32
    scf.for %scan3A_179 = %scan3A_1 to %scan3A_3 step %scan3A_4  : i32 {
      %broadcast_in_dim3A = arith.constant 0.000000e+00 : f32
      %broadcast_in_dim3A_180 = vector.broadcast %broadcast_in_dim3A : f32 to vector<16xf32>
      %swap3A = arith.index_cast %scan3A_179 : i32 to index
      %swap3A_181 = arith.constant 0 : index
      %swap3A_182 = tpu.vector_load %arg8[%swap3A, %swap3A_181] {strides = array<i32>} : memref<128x128xf32, #tpu.memory_space<vmem>>, vector<1x16xf32>,
      %swap3A_183 = vector.shape_cast %swap3A_182 : vector<1x16xf32> to vector<16xf32>
      %swap3A_184 = vector.shape_cast %broadcast_in_dim3A_180 : vector<16xf32> to vector<1x16xf32>
      tpu.vector_store %arg8[%swap3A, %swap3A_181], %swap3A_184 {strides = array<i32>} : memref<128x128xf32, #tpu.memory_space<vmem>>, vector<1x16xf32>,
      %broadcast_in_dim3A_185 = arith.constant 0.000000e+00 : f32
      %broadcast_in_dim3A_186 = vector.broadcast %broadcast_in_dim3A_185 : f32 to vector<16xf32>
      %swap3A_187 = arith.index_cast %scan3A_179 : i32 to index
      %swap3A_188 = arith.constant 16 : index
      %swap3A_189 = tpu.vector_load %arg8[%swap3A_187, %swap3A_188] {strides = array<i32>} : memref<128x128xf32, #tpu.memory_space<vmem>>, vector<1x16xf32>,
      %swap3A_190 = vector.shape_cast %swap3A_189 : vector<1x16xf32> to vector<16xf32>
      %swap3A_191 = vector.shape_cast %broadcast_in_dim3A_186 : vector<16xf32> to vector<1x16xf32>
      tpu.vector_store %arg8[%swap3A_187, %swap3A_188], %swap3A_191 {strides = array<i32>} : memref<128x128xf32, #tpu.memory_space<vmem>>, vector<1x16xf32>,
      %broadcast_in_dim3A_192 = arith.constant 0.000000e+00 : f32
      %broadcast_in_dim3A_193 = vector.broadcast %broadcast_in_dim3A_192 : f32 to vector<16xf32>
      %swap3A_194 = arith.index_cast %scan3A_179 : i32 to index
      %swap3A_195 = arith.constant 32 : index
      %swap3A_196 = tpu.vector_load %arg8[%swap3A_194, %swap3A_195] {strides = array<i32>} : memref<128x128xf32, #tpu.memory_space<vmem>>, vector<1x16xf32>,
      %swap3A_197 = vector.shape_cast %swap3A_196 : vector<1x16xf32> to vector<16xf32>
      %swap3A_198 = vector.shape_cast %broadcast_in_dim3A_193 : vector<16xf32> to vector<1x16xf32>
      tpu.vector_store %arg8[%swap3A_194, %swap3A_195], %swap3A_198 {strides = array<i32>} : memref<128x128xf32, #tpu.memory_space<vmem>>, vector<1x16xf32>,
      %broadcast_in_dim3A_199 = arith.constant 0.000000e+00 : f32
      %broadcast_in_dim3A_200 = vector.broadcast %broadcast_in_dim3A_199 : f32 to vector<16xf32>
      %swap3A_201 = arith.index_cast %scan3A_179 : i32 to index
      %swap3A_202 = arith.constant 48 : index
      %swap3A_203 = tpu.vector_load %arg8[%swap3A_201, %swap3A_202] {strides = array<i32>} : memref<128x128xf32, #tpu.memory_space<vmem>>, vector<1x16xf32>,
      %swap3A_204 = vector.shape_cast %swap3A_203 : vector<1x16xf32> to vector<16xf32>
      %swap3A_205 = vector.shape_cast %broadcast_in_dim3A_200 : vector<16xf32> to vector<1x16xf32>
      tpu.vector_store %arg8[%swap3A_201, %swap3A_202], %swap3A_205 {strides = array<i32>} : memref<128x128xf32, #tpu.memory_space<vmem>>, vector<1x16xf32>,
      %broadcast_in_dim3A_206 = arith.constant 0.000000e+00 : f32
      %broadcast_in_dim3A_207 = vector.broadcast %broadcast_in_dim3A_206 : f32 to vector<16xf32>
      %swap3A_208 = arith.index_cast %scan3A_179 : i32 to index
      %swap3A_209 = arith.constant 64 : index
      %swap3A_210 = tpu.vector_load %arg8[%swap3A_208, %swap3A_209] {strides = array<i32>} : memref<128x128xf32, #tpu.memory_space<vmem>>, vector<1x16xf32>,
      %swap3A_211 = vector.shape_cast %swap3A_210 : vector<1x16xf32> to vector<16xf32>
      %swap3A_212 = vector.shape_cast %broadcast_in_dim3A_207 : vector<16xf32> to vector<1x16xf32>
      tpu.vector_store %arg8[%swap3A_208, %swap3A_209], %swap3A_212 {strides = array<i32>} : memref<128x128xf32, #tpu.memory_space<vmem>>, vector<1x16xf32>,
      %broadcast_in_dim3A_213 = arith.constant 0.000000e+00 : f32
      %broadcast_in_dim3A_214 = vector.broadcast %broadcast_in_dim3A_213 : f32 to vector<16xf32>
      %swap3A_215 = arith.index_cast %scan3A_179 : i32 to index
      %swap3A_216 = arith.constant 80 : index
      %swap3A_217 = tpu.vector_load %arg8[%swap3A_215, %swap3A_216] {strides = array<i32>} : memref<128x128xf32, #tpu.memory_space<vmem>>, vector<1x16xf32>,
      %swap3A_218 = vector.shape_cast %swap3A_217 : vector<1x16xf32> to vector<16xf32>
      %swap3A_219 = vector.shape_cast %broadcast_in_dim3A_214 : vector<16xf32> to vector<1x16xf32>
      tpu.vector_store %arg8[%swap3A_215, %swap3A_216], %swap3A_219 {strides = array<i32>} : memref<128x128xf32, #tpu.memory_space<vmem>>, vector<1x16xf32>,
      %broadcast_in_dim3A_220 = arith.constant 0.000000e+00 : f32
      %broadcast_in_dim3A_221 = vector.broadcast %broadcast_in_dim3A_220 : f32 to vector<16xf32>
      %swap3A_222 = arith.index_cast %scan3A_179 : i32 to index
      %swap3A_223 = arith.constant 96 : index
      %swap3A_224 = tpu.vector_load %arg8[%swap3A_222, %swap3A_223] {strides = array<i32>} : memref<128x128xf32, #tpu.memory_space<vmem>>, vector<1x16xf32>,
      %swap3A_225 = vector.shape_cast %swap3A_224 : vector<1x16xf32> to vector<16xf32>
      %swap3A_226 = vector.shape_cast %broadcast_in_dim3A_221 : vector<16xf32> to vector<1x16xf32>
      tpu.vector_store %arg8[%swap3A_222, %swap3A_223], %swap3A_226 {strides = array<i32>} : memref<128x128xf32, #tpu.memory_space<vmem>>, vector<1x16xf32>,
      %broadcast_in_dim3A_227 = arith.constant 0.000000e+00 : f32
      %broadcast_in_dim3A_228 = vector.broadcast %broadcast_in_dim3A_227 : f32 to vector<16xf32>
      %swap3A_229 = arith.index_cast %scan3A_179 : i32 to index
      %swap3A_230 = arith.constant 112 : index
      %swap3A_231 = tpu.vector_load %arg8[%swap3A_229, %swap3A_230] {strides = array<i32>} : memref<128x128xf32, #tpu.memory_space<vmem>>, vector<1x16xf32>,
      %swap3A_232 = vector.shape_cast %swap3A_231 : vector<1x16xf32> to vector<16xf32>
      %swap3A_233 = vector.shape_cast %broadcast_in_dim3A_228 : vector<16xf32> to vector<1x16xf32>
      tpu.vector_store %arg8[%swap3A_229, %swap3A_230], %swap3A_233 {strides = array<i32>} : memref<128x128xf32, #tpu.memory_space<vmem>>, vector<1x16xf32>,
    }
    %scan3A_5 = arith.constant 64 : i32
    %mul3A_6 = arith.constant 640 : i32
    %mul3A_7 = arith.muli %arg1, %mul3A_6 : i32
    %add3A_8 = arith.constant 0 : i32
    %add3A_9 = arith.addi %mul3A_7, %add3A_8 : i32
    "tpu.region"() ({
      %run_scoped3A = tpu.sem_alloc : memref<!tpu.dma_semaphore, #tpu.memory_space<semaphore_mem>>
      %dma_start3A_179 = arith.constant 0 : i32
      %dma_start3A_180 = arith.constant 0 : i32
      %dma_start3A_181 = tpu.memref_slice %arg8[%dma_start3A_179, %dma_start3A_180] : memref<128x128xf32, #tpu.memory_space<vmem>> -> memref<64x128xf32, #tpu.memory_space<vmem>>
      %dma_start3A_182 = arith.constant 0 : i32
      %dma_start3A_183 = tpu.memref_slice %arg10[%add3A_9, %dma_start3A_182] : memref<10240x128xf32, #tpu.memory_space<vmem_shared>> -> memref<64x128xf32, #tpu.memory_space<vmem_shared>>
      %dma_start3A_184 = arith.constant 0 : i32
      %dma_start3A_185 = tpu.memref_slice %arg10[%add3A_9, %dma_start3A_184] : memref<10240x128xf32, #tpu.memory_space<vmem_shared>> -> memref<64x128xf32, #tpu.memory_space<vmem_shared>>
      %dma_start3A_186 = arith.constant 0 : i32
      %dma_start3A_187 = arith.constant 0 : i32
      %dma_start3A_188 = tpu.memref_slice %arg8[%dma_start3A_186, %dma_start3A_187] : memref<128x128xf32, #tpu.memory_space<vmem>> -> memref<64x128xf32, #tpu.memory_space<vmem>>
      tpu.enqueue_dma source(%dma_start3A_188 : memref<64x128xf32, #tpu.memory_space<vmem>>) target(%dma_start3A_185 : memref<64x128xf32, #tpu.memory_space<vmem_shared>>) target_semaphore(%run_scoped3A : memref<!tpu.dma_semaphore, #tpu.memory_space<semaphore_mem>>)
      %dma_wait3A_189 = arith.constant 0 : i32
      %dma_wait3A_190 = arith.constant 0 : i32
      %dma_wait3A_191 = tpu.memref_slice %arg8[%dma_wait3A_189, %dma_wait3A_190] : memref<128x128xf32, #tpu.memory_space<vmem>> -> memref<64x128xf32, #tpu.memory_space<vmem>>
      %dma_wait3A_192 = arith.constant 0 : i32
      %dma_wait3A_193 = tpu.memref_slice %arg10[%add3A_9, %dma_wait3A_192] : memref<10240x128xf32, #tpu.memory_space<vmem_shared>> -> memref<64x128xf32, #tpu.memory_space<vmem_shared>>
      %dma_wait3A_194 = arith.constant 0 : i32
      %dma_wait3A_195 = tpu.memref_slice %arg10[%add3A_9, %dma_wait3A_194] : memref<10240x128xf32, #tpu.memory_space<vmem_shared>> -> memref<64x128xf32, #tpu.memory_space<vmem_shared>>
      %dma_wait3A_196 = arith.constant 0 : i32
      %dma_wait3A_197 = arith.constant 0 : i32
      %dma_wait3A_198 = tpu.memref_slice %arg8[%dma_wait3A_196, %dma_wait3A_197] : memref<128x128xf32, #tpu.memory_space<vmem>> -> memref<64x128xf32, #tpu.memory_space<vmem>>
      tpu.wait_dma2 semaphore(%run_scoped3A : memref<!tpu.dma_semaphore, #tpu.memory_space<semaphore_mem>>) src(%dma_wait3A_198 : memref<64x128xf32, #tpu.memory_space<vmem>>) dst(%dma_wait3A_195 : memref<64x128xf32, #tpu.memory_space<vmem_shared>>)
      tpu.yield
    }) : () -> ()
    %mul3A_10 = arith.constant 640 : i32
    %mul3A_11 = arith.muli %arg1, %mul3A_10 : i32
    %add3A_12 = arith.constant 64 : i32
    %add3A_13 = arith.addi %mul3A_11, %add3A_12 : i32
    "tpu.region"() ({
      %run_scoped3A = tpu.sem_alloc : memref<!tpu.dma_semaphore, #tpu.memory_space<semaphore_mem>>
      %dma_start3A_179 = arith.constant 0 : i32
      %dma_start3A_180 = arith.constant 0 : i32
      %dma_start3A_181 = tpu.memref_slice %arg8[%dma_start3A_179, %dma_start3A_180] : memref<128x128xf32, #tpu.memory_space<vmem>> -> memref<64x128xf32, #tpu.memory_space<vmem>>
      %dma_start3A_182 = arith.constant 0 : i32
      %dma_start3A_183 = tpu.memref_slice %arg10[%add3A_13, %dma_start3A_182] : memref<10240x128xf32, #tpu.memory_space<vmem_shared>> -> memref<64x128xf32, #tpu.memory_space<vmem_shared>>
      %dma_start3A_184 = arith.constant 0 : i32
      %dma_start3A_185 = tpu.memref_slice %arg10[%add3A_13, %dma_start3A_184] : memref<10240x128xf32, #tpu.memory_space<vmem_shared>> -> memref<64x128xf32, #tpu.memory_space<vmem_shared>>
      %dma_start3A_186 = arith.constant 0 : i32
      %dma_start3A_187 = arith.constant 0 : i32
      %dma_start3A_188 = tpu.memref_slice %arg8[%dma_start3A_186, %dma_start3A_187] : memref<128x128xf32, #tpu.memory_space<vmem>> -> memref<64x128xf32, #tpu.memory_space<vmem>>
      tpu.enqueue_dma source(%dma_start3A_188 : memref<64x128xf32, #tpu.memory_space<vmem>>) target(%dma_start3A_185 : memref<64x128xf32, #tpu.memory_space<vmem_shared>>) target_semaphore(%run_scoped3A : memref<!tpu.dma_semaphore, #tpu.memory_space<semaphore_mem>>)
      %dma_wait3A_189 = arith.constant 0 : i32
      %dma_wait3A_190 = arith.constant 0 : i32
      %dma_wait3A_191 = tpu.memref_slice %arg8[%dma_wait3A_189, %dma_wait3A_190] : memref<128x128xf32, #tpu.memory_space<vmem>> -> memref<64x128xf32, #tpu.memory_space<vmem>>
      %dma_wait3A_192 = arith.constant 0 : i32
      %dma_wait3A_193 = tpu.memref_slice %arg10[%add3A_13, %dma_wait3A_192] : memref<10240x128xf32, #tpu.memory_space<vmem_shared>> -> memref<64x128xf32, #tpu.memory_space<vmem_shared>>
      %dma_wait3A_194 = arith.constant 0 : i32
      %dma_wait3A_195 = tpu.memref_slice %arg10[%add3A_13, %dma_wait3A_194] : memref<10240x128xf32, #tpu.memory_space<vmem_shared>> -> memref<64x128xf32, #tpu.memory_space<vmem_shared>>
      %dma_wait3A_196 = arith.constant 0 : i32
      %dma_wait3A_197 = arith.constant 0 : i32
      %dma_wait3A_198 = tpu.memref_slice %arg8[%dma_wait3A_196, %dma_wait3A_197] : memref<128x128xf32, #tpu.memory_space<vmem>> -> memref<64x128xf32, #tpu.memory_space<vmem>>
      tpu.wait_dma2 semaphore(%run_scoped3A : memref<!tpu.dma_semaphore, #tpu.memory_space<semaphore_mem>>) src(%dma_wait3A_198 : memref<64x128xf32, #tpu.memory_space<vmem>>) dst(%dma_wait3A_195 : memref<64x128xf32, #tpu.memory_space<vmem_shared>>)
      tpu.yield
    }) : () -> ()
    %mul3A_14 = arith.constant 640 : i32
    %mul3A_15 = arith.muli %arg1, %mul3A_14 : i32
    %add3A_16 = arith.constant 128 : i32
    %add3A_17 = arith.addi %mul3A_15, %add3A_16 : i32
    "tpu.region"() ({
      %run_scoped3A = tpu.sem_alloc : memref<!tpu.dma_semaphore, #tpu.memory_space<semaphore_mem>>
      %dma_start3A_179 = arith.constant 0 : i32
      %dma_start3A_180 = arith.constant 0 : i32
      %dma_start3A_181 = tpu.memref_slice %arg8[%dma_start3A_179, %dma_start3A_180] : memref<128x128xf32, #tpu.memory_space<vmem>> -> memref<64x128xf32, #tpu.memory_space<vmem>>
      %dma_start3A_182 = arith.constant 0 : i32
      %dma_start3A_183 = tpu.memref_slice %arg10[%add3A_17, %dma_start3A_182] : memref<10240x128xf32, #tpu.memory_space<vmem_shared>> -> memref<64x128xf32, #tpu.memory_space<vmem_shared>>
      %dma_start3A_184 = arith.constant 0 : i32
      %dma_start3A_185 = tpu.memref_slice %arg10[%add3A_17, %dma_start3A_184] : memref<10240x128xf32, #tpu.memory_space<vmem_shared>> -> memref<64x128xf32, #tpu.memory_space<vmem_shared>>
      %dma_start3A_186 = arith.constant 0 : i32
      %dma_start3A_187 = arith.constant 0 : i32
      %dma_start3A_188 = tpu.memref_slice %arg8[%dma_start3A_186, %dma_start3A_187] : memref<128x128xf32, #tpu.memory_space<vmem>> -> memref<64x128xf32, #tpu.memory_space<vmem>>
      tpu.enqueue_dma source(%dma_start3A_188 : memref<64x128xf32, #tpu.memory_space<vmem>>) target(%dma_start3A_185 : memref<64x128xf32, #tpu.memory_space<vmem_shared>>) target_semaphore(%run_scoped3A : memref<!tpu.dma_semaphore, #tpu.memory_space<semaphore_mem>>)
      %dma_wait3A_189 = arith.constant 0 : i32
      %dma_wait3A_190 = arith.constant 0 : i32
      %dma_wait3A_191 = tpu.memref_slice %arg8[%dma_wait3A_189, %dma_wait3A_190] : memref<128x128xf32, #tpu.memory_space<vmem>> -> memref<64x128xf32, #tpu.memory_space<vmem>>
      %dma_wait3A_192 = arith.constant 0 : i32
      %dma_wait3A_193 = tpu.memref_slice %arg10[%add3A_17, %dma_wait3A_192] : memref<10240x128xf32, #tpu.memory_space<vmem_shared>> -> memref<64x128xf32, #tpu.memory_space<vmem_shared>>
      %dma_wait3A_194 = arith.constant 0 : i32
      %dma_wait3A_195 = tpu.memref_slice %arg10[%add3A_17, %dma_wait3A_194] : memref<10240x128xf32, #tpu.memory_space<vmem_shared>> -> memref<64x128xf32, #tpu.memory_space<vmem_shared>>
      %dma_wait3A_196 = arith.constant 0 : i32
      %dma_wait3A_197 = arith.constant 0 : i32
      %dma_wait3A_198 = tpu.memref_slice %arg8[%dma_wait3A_196, %dma_wait3A_197] : memref<128x128xf32, #tpu.memory_space<vmem>> -> memref<64x128xf32, #tpu.memory_space<vmem>>
      tpu.wait_dma2 semaphore(%run_scoped3A : memref<!tpu.dma_semaphore, #tpu.memory_space<semaphore_mem>>) src(%dma_wait3A_198 : memref<64x128xf32, #tpu.memory_space<vmem>>) dst(%dma_wait3A_195 : memref<64x128xf32, #tpu.memory_space<vmem_shared>>)
      tpu.yield
    }) : () -> ()
    %mul3A_18 = arith.constant 640 : i32
    %mul3A_19 = arith.muli %arg1, %mul3A_18 : i32
    %add3A_20 = arith.constant 192 : i32
    %add3A_21 = arith.addi %mul3A_19, %add3A_20 : i32
    "tpu.region"() ({
      %run_scoped3A = tpu.sem_alloc : memref<!tpu.dma_semaphore, #tpu.memory_space<semaphore_mem>>
      %dma_start3A_179 = arith.constant 0 : i32
      %dma_start3A_180 = arith.constant 0 : i32
      %dma_start3A_181 = tpu.memref_slice %arg8[%dma_start3A_179, %dma_start3A_180] : memref<128x128xf32, #tpu.memory_space<vmem>> -> memref<64x128xf32, #tpu.memory_space<vmem>>
      %dma_start3A_182 = arith.constant 0 : i32
      %dma_start3A_183 = tpu.memref_slice %arg10[%add3A_21, %dma_start3A_182] : memref<10240x128xf32, #tpu.memory_space<vmem_shared>> -> memref<64x128xf32, #tpu.memory_space<vmem_shared>>
      %dma_start3A_184 = arith.constant 0 : i32
      %dma_start3A_185 = tpu.memref_slice %arg10[%add3A_21, %dma_start3A_184] : memref<10240x128xf32, #tpu.memory_space<vmem_shared>> -> memref<64x128xf32, #tpu.memory_space<vmem_shared>>
      %dma_start3A_186 = arith.constant 0 : i32
      %dma_start3A_187 = arith.constant 0 : i32
      %dma_start3A_188 = tpu.memref_slice %arg8[%dma_start3A_186, %dma_start3A_187] : memref<128x128xf32, #tpu.memory_space<vmem>> -> memref<64x128xf32, #tpu.memory_space<vmem>>
      tpu.enqueue_dma source(%dma_start3A_188 : memref<64x128xf32, #tpu.memory_space<vmem>>) target(%dma_start3A_185 : memref<64x128xf32, #tpu.memory_space<vmem_shared>>) target_semaphore(%run_scoped3A : memref<!tpu.dma_semaphore, #tpu.memory_space<semaphore_mem>>)
      %dma_wait3A_189 = arith.constant 0 : i32
      %dma_wait3A_190 = arith.constant 0 : i32
      %dma_wait3A_191 = tpu.memref_slice %arg8[%dma_wait3A_189, %dma_wait3A_190] : memref<128x128xf32, #tpu.memory_space<vmem>> -> memref<64x128xf32, #tpu.memory_space<vmem>>
      %dma_wait3A_192 = arith.constant 0 : i32
      %dma_wait3A_193 = tpu.memref_slice %arg10[%add3A_21, %dma_wait3A_192] : memref<10240x128xf32, #tpu.memory_space<vmem_shared>> -> memref<64x128xf32, #tpu.memory_space<vmem_shared>>
      %dma_wait3A_194 = arith.constant 0 : i32
      %dma_wait3A_195 = tpu.memref_slice %arg10[%add3A_21, %dma_wait3A_194] : memref<10240x128xf32, #tpu.memory_space<vmem_shared>> -> memref<64x128xf32, #tpu.memory_space<vmem_shared>>
      %dma_wait3A_196 = arith.constant 0 : i32
      %dma_wait3A_197 = arith.constant 0 : i32
      %dma_wait3A_198 = tpu.memref_slice %arg8[%dma_wait3A_196, %dma_wait3A_197] : memref<128x128xf32, #tpu.memory_space<vmem>> -> memref<64x128xf32, #tpu.memory_space<vmem>>
      tpu.wait_dma2 semaphore(%run_scoped3A : memref<!tpu.dma_semaphore, #tpu.memory_space<semaphore_mem>>) src(%dma_wait3A_198 : memref<64x128xf32, #tpu.memory_space<vmem>>) dst(%dma_wait3A_195 : memref<64x128xf32, #tpu.memory_space<vmem_shared>>)
      tpu.yield
    }) : () -> ()
    %mul3A_22 = arith.constant 640 : i32
    %mul3A_23 = arith.muli %arg1, %mul3A_22 : i32
    %add3A_24 = arith.constant 256 : i32
    %add3A_25 = arith.addi %mul3A_23, %add3A_24 : i32
    "tpu.region"() ({
      %run_scoped3A = tpu.sem_alloc : memref<!tpu.dma_semaphore, #tpu.memory_space<semaphore_mem>>
      %dma_start3A_179 = arith.constant 0 : i32
      %dma_start3A_180 = arith.constant 0 : i32
      %dma_start3A_181 = tpu.memref_slice %arg8[%dma_start3A_179, %dma_start3A_180] : memref<128x128xf32, #tpu.memory_space<vmem>> -> memref<64x128xf32, #tpu.memory_space<vmem>>
      %dma_start3A_182 = arith.constant 0 : i32
      %dma_start3A_183 = tpu.memref_slice %arg10[%add3A_25, %dma_start3A_182] : memref<10240x128xf32, #tpu.memory_space<vmem_shared>> -> memref<64x128xf32, #tpu.memory_space<vmem_shared>>
      %dma_start3A_184 = arith.constant 0 : i32
      %dma_start3A_185 = tpu.memref_slice %arg10[%add3A_25, %dma_start3A_184] : memref<10240x128xf32, #tpu.memory_space<vmem_shared>> -> memref<64x128xf32, #tpu.memory_space<vmem_shared>>
      %dma_start3A_186 = arith.constant 0 : i32
      %dma_start3A_187 = arith.constant 0 : i32
      %dma_start3A_188 = tpu.memref_slice %arg8[%dma_start3A_186, %dma_start3A_187] : memref<128x128xf32, #tpu.memory_space<vmem>> -> memref<64x128xf32, #tpu.memory_space<vmem>>
      tpu.enqueue_dma source(%dma_start3A_188 : memref<64x128xf32, #tpu.memory_space<vmem>>) target(%dma_start3A_185 : memref<64x128xf32, #tpu.memory_space<vmem_shared>>) target_semaphore(%run_scoped3A : memref<!tpu.dma_semaphore, #tpu.memory_space<semaphore_mem>>)
      %dma_wait3A_189 = arith.constant 0 : i32
      %dma_wait3A_190 = arith.constant 0 : i32
      %dma_wait3A_191 = tpu.memref_slice %arg8[%dma_wait3A_189, %dma_wait3A_190] : memref<128x128xf32, #tpu.memory_space<vmem>> -> memref<64x128xf32, #tpu.memory_space<vmem>>
      %dma_wait3A_192 = arith.constant 0 : i32
      %dma_wait3A_193 = tpu.memref_slice %arg10[%add3A_25, %dma_wait3A_192] : memref<10240x128xf32, #tpu.memory_space<vmem_shared>> -> memref<64x128xf32, #tpu.memory_space<vmem_shared>>
      %dma_wait3A_194 = arith.constant 0 : i32
      %dma_wait3A_195 = tpu.memref_slice %arg10[%add3A_25, %dma_wait3A_194] : memref<10240x128xf32, #tpu.memory_space<vmem_shared>> -> memref<64x128xf32, #tpu.memory_space<vmem_shared>>
      %dma_wait3A_196 = arith.constant 0 : i32
      %dma_wait3A_197 = arith.constant 0 : i32
      %dma_wait3A_198 = tpu.memref_slice %arg8[%dma_wait3A_196, %dma_wait3A_197] : memref<128x128xf32, #tpu.memory_space<vmem>> -> memref<64x128xf32, #tpu.memory_space<vmem>>
      tpu.wait_dma2 semaphore(%run_scoped3A : memref<!tpu.dma_semaphore, #tpu.memory_space<semaphore_mem>>) src(%dma_wait3A_198 : memref<64x128xf32, #tpu.memory_space<vmem>>) dst(%dma_wait3A_195 : memref<64x128xf32, #tpu.memory_space<vmem_shared>>)
      tpu.yield
    }) : () -> ()
    %mul3A_26 = arith.constant 640 : i32
    %mul3A_27 = arith.muli %arg1, %mul3A_26 : i32
    %add3A_28 = arith.constant 320 : i32
    %add3A_29 = arith.addi %mul3A_27, %add3A_28 : i32
    "tpu.region"() ({
      %run_scoped3A = tpu.sem_alloc : memref<!tpu.dma_semaphore, #tpu.memory_space<semaphore_mem>>
      %dma_start3A_179 = arith.constant 0 : i32
      %dma_start3A_180 = arith.constant 0 : i32
      %dma_start3A_181 = tpu.memref_slice %arg8[%dma_start3A_179, %dma_start3A_180] : memref<128x128xf32, #tpu.memory_space<vmem>> -> memref<64x128xf32, #tpu.memory_space<vmem>>
      %dma_start3A_182 = arith.constant 0 : i32
      %dma_start3A_183 = tpu.memref_slice %arg10[%add3A_29, %dma_start3A_182] : memref<10240x128xf32, #tpu.memory_space<vmem_shared>> -> memref<64x128xf32, #tpu.memory_space<vmem_shared>>
      %dma_start3A_184 = arith.constant 0 : i32
      %dma_start3A_185 = tpu.memref_slice %arg10[%add3A_29, %dma_start3A_184] : memref<10240x128xf32, #tpu.memory_space<vmem_shared>> -> memref<64x128xf32, #tpu.memory_space<vmem_shared>>
      %dma_start3A_186 = arith.constant 0 : i32
      %dma_start3A_187 = arith.constant 0 : i32
      %dma_start3A_188 = tpu.memref_slice %arg8[%dma_start3A_186, %dma_start3A_187] : memref<128x128xf32, #tpu.memory_space<vmem>> -> memref<64x128xf32, #tpu.memory_space<vmem>>
      tpu.enqueue_dma source(%dma_start3A_188 : memref<64x128xf32, #tpu.memory_space<vmem>>) target(%dma_start3A_185 : memref<64x128xf32, #tpu.memory_space<vmem_shared>>) target_semaphore(%run_scoped3A : memref<!tpu.dma_semaphore, #tpu.memory_space<semaphore_mem>>)
      %dma_wait3A_189 = arith.constant 0 : i32
      %dma_wait3A_190 = arith.constant 0 : i32
      %dma_wait3A_191 = tpu.memref_slice %arg8[%dma_wait3A_189, %dma_wait3A_190] : memref<128x128xf32, #tpu.memory_space<vmem>> -> memref<64x128xf32, #tpu.memory_space<vmem>>
      %dma_wait3A_192 = arith.constant 0 : i32
      %dma_wait3A_193 = tpu.memref_slice %arg10[%add3A_29, %dma_wait3A_192] : memref<10240x128xf32, #tpu.memory_space<vmem_shared>> -> memref<64x128xf32, #tpu.memory_space<vmem_shared>>
      %dma_wait3A_194 = arith.constant 0 : i32
      %dma_wait3A_195 = tpu.memref_slice %arg10[%add3A_29, %dma_wait3A_194] : memref<10240x128xf32, #tpu.memory_space<vmem_shared>> -> memref<64x128xf32, #tpu.memory_space<vmem_shared>>
      %dma_wait3A_196 = arith.constant 0 : i32
      %dma_wait3A_197 = arith.constant 0 : i32
      %dma_wait3A_198 = tpu.memref_slice %arg8[%dma_wait3A_196, %dma_wait3A_197] : memref<128x128xf32, #tpu.memory_space<vmem>> -> memref<64x128xf32, #tpu.memory_space<vmem>>
      tpu.wait_dma2 semaphore(%run_scoped3A : memref<!tpu.dma_semaphore, #tpu.memory_space<semaphore_mem>>) src(%dma_wait3A_198 : memref<64x128xf32, #tpu.memory_space<vmem>>) dst(%dma_wait3A_195 : memref<64x128xf32, #tpu.memory_space<vmem_shared>>)
      tpu.yield
    }) : () -> ()
    %mul3A_30 = arith.constant 640 : i32
    %mul3A_31 = arith.muli %arg1, %mul3A_30 : i32
    %add3A_32 = arith.constant 384 : i32
    %add3A_33 = arith.addi %mul3A_31, %add3A_32 : i32
    "tpu.region"() ({
      %run_scoped3A = tpu.sem_alloc : memref<!tpu.dma_semaphore, #tpu.memory_space<semaphore_mem>>
      %dma_start3A_179 = arith.constant 0 : i32
      %dma_start3A_180 = arith.constant 0 : i32
      %dma_start3A_181 = tpu.memref_slice %arg8[%dma_start3A_179, %dma_start3A_180] : memref<128x128xf32, #tpu.memory_space<vmem>> -> memref<64x128xf32, #tpu.memory_space<vmem>>
      %dma_start3A_182 = arith.constant 0 : i32
      %dma_start3A_183 = tpu.memref_slice %arg10[%add3A_33, %dma_start3A_182] : memref<10240x128xf32, #tpu.memory_space<vmem_shared>> -> memref<64x128xf32, #tpu.memory_space<vmem_shared>>
      %dma_start3A_184 = arith.constant 0 : i32
      %dma_start3A_185 = tpu.memref_slice %arg10[%add3A_33, %dma_start3A_184] : memref<10240x128xf32, #tpu.memory_space<vmem_shared>> -> memref<64x128xf32, #tpu.memory_space<vmem_shared>>
      %dma_start3A_186 = arith.constant 0 : i32
      %dma_start3A_187 = arith.constant 0 : i32
      %dma_start3A_188 = tpu.memref_slice %arg8[%dma_start3A_186, %dma_start3A_187] : memref<128x128xf32, #tpu.memory_space<vmem>> -> memref<64x128xf32, #tpu.memory_space<vmem>>
      tpu.enqueue_dma source(%dma_start3A_188 : memref<64x128xf32, #tpu.memory_space<vmem>>) target(%dma_start3A_185 : memref<64x128xf32, #tpu.memory_space<vmem_shared>>) target_semaphore(%run_scoped3A : memref<!tpu.dma_semaphore, #tpu.memory_space<semaphore_mem>>)
      %dma_wait3A_189 = arith.constant 0 : i32
      %dma_wait3A_190 = arith.constant 0 : i32
      %dma_wait3A_191 = tpu.memref_slice %arg8[%dma_wait3A_189, %dma_wait3A_190] : memref<128x128xf32, #tpu.memory_space<vmem>> -> memref<64x128xf32, #tpu.memory_space<vmem>>
      %dma_wait3A_192 = arith.constant 0 : i32
      %dma_wait3A_193 = tpu.memref_slice %arg10[%add3A_33, %dma_wait3A_192] : memref<10240x128xf32, #tpu.memory_space<vmem_shared>> -> memref<64x128xf32, #tpu.memory_space<vmem_shared>>
      %dma_wait3A_194 = arith.constant 0 : i32
      %dma_wait3A_195 = tpu.memref_slice %arg10[%add3A_33, %dma_wait3A_194] : memref<10240x128xf32, #tpu.memory_space<vmem_shared>> -> memref<64x128xf32, #tpu.memory_space<vmem_shared>>
      %dma_wait3A_196 = arith.constant 0 : i32
      %dma_wait3A_197 = arith.constant 0 : i32
      %dma_wait3A_198 = tpu.memref_slice %arg8[%dma_wait3A_196, %dma_wait3A_197] : memref<128x128xf32, #tpu.memory_space<vmem>> -> memref<64x128xf32, #tpu.memory_space<vmem>>
      tpu.wait_dma2 semaphore(%run_scoped3A : memref<!tpu.dma_semaphore, #tpu.memory_space<semaphore_mem>>) src(%dma_wait3A_198 : memref<64x128xf32, #tpu.memory_space<vmem>>) dst(%dma_wait3A_195 : memref<64x128xf32, #tpu.memory_space<vmem_shared>>)
      tpu.yield
    }) : () -> ()
    %mul3A_34 = arith.constant 640 : i32
    %mul3A_35 = arith.muli %arg1, %mul3A_34 : i32
    %add3A_36 = arith.constant 448 : i32
    %add3A_37 = arith.addi %mul3A_35, %add3A_36 : i32
    "tpu.region"() ({
      %run_scoped3A = tpu.sem_alloc : memref<!tpu.dma_semaphore, #tpu.memory_space<semaphore_mem>>
      %dma_start3A_179 = arith.constant 0 : i32
      %dma_start3A_180 = arith.constant 0 : i32
      %dma_start3A_181 = tpu.memref_slice %arg8[%dma_start3A_179, %dma_start3A_180] : memref<128x128xf32, #tpu.memory_space<vmem>> -> memref<64x128xf32, #tpu.memory_space<vmem>>
      %dma_start3A_182 = arith.constant 0 : i32
      %dma_start3A_183 = tpu.memref_slice %arg10[%add3A_37, %dma_start3A_182] : memref<10240x128xf32, #tpu.memory_space<vmem_shared>> -> memref<64x128xf32, #tpu.memory_space<vmem_shared>>
      %dma_start3A_184 = arith.constant 0 : i32
      %dma_start3A_185 = tpu.memref_slice %arg10[%add3A_37, %dma_start3A_184] : memref<10240x128xf32, #tpu.memory_space<vmem_shared>> -> memref<64x128xf32, #tpu.memory_space<vmem_shared>>
      %dma_start3A_186 = arith.constant 0 : i32
      %dma_start3A_187 = arith.constant 0 : i32
      %dma_start3A_188 = tpu.memref_slice %arg8[%dma_start3A_186, %dma_start3A_187] : memref<128x128xf32, #tpu.memory_space<vmem>> -> memref<64x128xf32, #tpu.memory_space<vmem>>
      tpu.enqueue_dma source(%dma_start3A_188 : memref<64x128xf32, #tpu.memory_space<vmem>>) target(%dma_start3A_185 : memref<64x128xf32, #tpu.memory_space<vmem_shared>>) target_semaphore(%run_scoped3A : memref<!tpu.dma_semaphore, #tpu.memory_space<semaphore_mem>>)
      %dma_wait3A_189 = arith.constant 0 : i32
      %dma_wait3A_190 = arith.constant 0 : i32
      %dma_wait3A_191 = tpu.memref_slice %arg8[%dma_wait3A_189, %dma_wait3A_190] : memref<128x128xf32, #tpu.memory_space<vmem>> -> memref<64x128xf32, #tpu.memory_space<vmem>>
      %dma_wait3A_192 = arith.constant 0 : i32
      %dma_wait3A_193 = tpu.memref_slice %arg10[%add3A_37, %dma_wait3A_192] : memref<10240x128xf32, #tpu.memory_space<vmem_shared>> -> memref<64x128xf32, #tpu.memory_space<vmem_shared>>
      %dma_wait3A_194 = arith.constant 0 : i32
      %dma_wait3A_195 = tpu.memref_slice %arg10[%add3A_37, %dma_wait3A_194] : memref<10240x128xf32, #tpu.memory_space<vmem_shared>> -> memref<64x128xf32, #tpu.memory_space<vmem_shared>>
      %dma_wait3A_196 = arith.constant 0 : i32
      %dma_wait3A_197 = arith.constant 0 : i32
      %dma_wait3A_198 = tpu.memref_slice %arg8[%dma_wait3A_196, %dma_wait3A_197] : memref<128x128xf32, #tpu.memory_space<vmem>> -> memref<64x128xf32, #tpu.memory_space<vmem>>
      tpu.wait_dma2 semaphore(%run_scoped3A : memref<!tpu.dma_semaphore, #tpu.memory_space<semaphore_mem>>) src(%dma_wait3A_198 : memref<64x128xf32, #tpu.memory_space<vmem>>) dst(%dma_wait3A_195 : memref<64x128xf32, #tpu.memory_space<vmem_shared>>)
      tpu.yield
    }) : () -> ()
    %mul3A_38 = arith.constant 640 : i32
    %mul3A_39 = arith.muli %arg1, %mul3A_38 : i32
    %add3A_40 = arith.constant 512 : i32
    %add3A_41 = arith.addi %mul3A_39, %add3A_40 : i32
    "tpu.region"() ({
      %run_scoped3A = tpu.sem_alloc : memref<!tpu.dma_semaphore, #tpu.memory_space<semaphore_mem>>
      %dma_start3A_179 = arith.constant 0 : i32
      %dma_start3A_180 = arith.constant 0 : i32
      %dma_start3A_181 = tpu.memref_slice %arg8[%dma_start3A_179, %dma_start3A_180] : memref<128x128xf32, #tpu.memory_space<vmem>> -> memref<64x128xf32, #tpu.memory_space<vmem>>
      %dma_start3A_182 = arith.constant 0 : i32
      %dma_start3A_183 = tpu.memref_slice %arg10[%add3A_41, %dma_start3A_182] : memref<10240x128xf32, #tpu.memory_space<vmem_shared>> -> memref<64x128xf32, #tpu.memory_space<vmem_shared>>
      %dma_start3A_184 = arith.constant 0 : i32
      %dma_start3A_185 = tpu.memref_slice %arg10[%add3A_41, %dma_start3A_184] : memref<10240x128xf32, #tpu.memory_space<vmem_shared>> -> memref<64x128xf32, #tpu.memory_space<vmem_shared>>
      %dma_start3A_186 = arith.constant 0 : i32
      %dma_start3A_187 = arith.constant 0 : i32
      %dma_start3A_188 = tpu.memref_slice %arg8[%dma_start3A_186, %dma_start3A_187] : memref<128x128xf32, #tpu.memory_space<vmem>> -> memref<64x128xf32, #tpu.memory_space<vmem>>
      tpu.enqueue_dma source(%dma_start3A_188 : memref<64x128xf32, #tpu.memory_space<vmem>>) target(%dma_start3A_185 : memref<64x128xf32, #tpu.memory_space<vmem_shared>>) target_semaphore(%run_scoped3A : memref<!tpu.dma_semaphore, #tpu.memory_space<semaphore_mem>>)
      %dma_wait3A_189 = arith.constant 0 : i32
      %dma_wait3A_190 = arith.constant 0 : i32
      %dma_wait3A_191 = tpu.memref_slice %arg8[%dma_wait3A_189, %dma_wait3A_190] : memref<128x128xf32, #tpu.memory_space<vmem>> -> memref<64x128xf32, #tpu.memory_space<vmem>>
      %dma_wait3A_192 = arith.constant 0 : i32
      %dma_wait3A_193 = tpu.memref_slice %arg10[%add3A_41, %dma_wait3A_192] : memref<10240x128xf32, #tpu.memory_space<vmem_shared>> -> memref<64x128xf32, #tpu.memory_space<vmem_shared>>
      %dma_wait3A_194 = arith.constant 0 : i32
      %dma_wait3A_195 = tpu.memref_slice %arg10[%add3A_41, %dma_wait3A_194] : memref<10240x128xf32, #tpu.memory_space<vmem_shared>> -> memref<64x128xf32, #tpu.memory_space<vmem_shared>>
      %dma_wait3A_196 = arith.constant 0 : i32
      %dma_wait3A_197 = arith.constant 0 : i32
      %dma_wait3A_198 = tpu.memref_slice %arg8[%dma_wait3A_196, %dma_wait3A_197] : memref<128x128xf32, #tpu.memory_space<vmem>> -> memref<64x128xf32, #tpu.memory_space<vmem>>
      tpu.wait_dma2 semaphore(%run_scoped3A : memref<!tpu.dma_semaphore, #tpu.memory_space<semaphore_mem>>) src(%dma_wait3A_198 : memref<64x128xf32, #tpu.memory_space<vmem>>) dst(%dma_wait3A_195 : memref<64x128xf32, #tpu.memory_space<vmem_shared>>)
      tpu.yield
    }) : () -> ()
    %mul3A_42 = arith.constant 640 : i32
    %mul3A_43 = arith.muli %arg1, %mul3A_42 : i32
    %add3A_44 = arith.constant 576 : i32
    %add3A_45 = arith.addi %mul3A_43, %add3A_44 : i32
    "tpu.region"() ({
      %run_scoped3A = tpu.sem_alloc : memref<!tpu.dma_semaphore, #tpu.memory_space<semaphore_mem>>
      %dma_start3A_179 = arith.constant 0 : i32
      %dma_start3A_180 = arith.constant 0 : i32
      %dma_start3A_181 = tpu.memref_slice %arg8[%dma_start3A_179, %dma_start3A_180] : memref<128x128xf32, #tpu.memory_space<vmem>> -> memref<64x128xf32, #tpu.memory_space<vmem>>
      %dma_start3A_182 = arith.constant 0 : i32
      %dma_start3A_183 = tpu.memref_slice %arg10[%add3A_45, %dma_start3A_182] : memref<10240x128xf32, #tpu.memory_space<vmem_shared>> -> memref<64x128xf32, #tpu.memory_space<vmem_shared>>
      %dma_start3A_184 = arith.constant 0 : i32
      %dma_start3A_185 = tpu.memref_slice %arg10[%add3A_45, %dma_start3A_184] : memref<10240x128xf32, #tpu.memory_space<vmem_shared>> -> memref<64x128xf32, #tpu.memory_space<vmem_shared>>
      %dma_start3A_186 = arith.constant 0 : i32
      %dma_start3A_187 = arith.constant 0 : i32
      %dma_start3A_188 = tpu.memref_slice %arg8[%dma_start3A_186, %dma_start3A_187] : memref<128x128xf32, #tpu.memory_space<vmem>> -> memref<64x128xf32, #tpu.memory_space<vmem>>
      tpu.enqueue_dma source(%dma_start3A_188 : memref<64x128xf32, #tpu.memory_space<vmem>>) target(%dma_start3A_185 : memref<64x128xf32, #tpu.memory_space<vmem_shared>>) target_semaphore(%run_scoped3A : memref<!tpu.dma_semaphore, #tpu.memory_space<semaphore_mem>>)
      %dma_wait3A_189 = arith.constant 0 : i32
      %dma_wait3A_190 = arith.constant 0 : i32
      %dma_wait3A_191 = tpu.memref_slice %arg8[%dma_wait3A_189, %dma_wait3A_190] : memref<128x128xf32, #tpu.memory_space<vmem>> -> memref<64x128xf32, #tpu.memory_space<vmem>>
      %dma_wait3A_192 = arith.constant 0 : i32
      %dma_wait3A_193 = tpu.memref_slice %arg10[%add3A_45, %dma_wait3A_192] : memref<10240x128xf32, #tpu.memory_space<vmem_shared>> -> memref<64x128xf32, #tpu.memory_space<vmem_shared>>
      %dma_wait3A_194 = arith.constant 0 : i32
      %dma_wait3A_195 = tpu.memref_slice %arg10[%add3A_45, %dma_wait3A_194] : memref<10240x128xf32, #tpu.memory_space<vmem_shared>> -> memref<64x128xf32, #tpu.memory_space<vmem_shared>>
      %dma_wait3A_196 = arith.constant 0 : i32
      %dma_wait3A_197 = arith.constant 0 : i32
      %dma_wait3A_198 = tpu.memref_slice %arg8[%dma_wait3A_196, %dma_wait3A_197] : memref<128x128xf32, #tpu.memory_space<vmem>> -> memref<64x128xf32, #tpu.memory_space<vmem>>
      tpu.wait_dma2 semaphore(%run_scoped3A : memref<!tpu.dma_semaphore, #tpu.memory_space<semaphore_mem>>) src(%dma_wait3A_198 : memref<64x128xf32, #tpu.memory_space<vmem>>) dst(%dma_wait3A_195 : memref<64x128xf32, #tpu.memory_space<vmem_shared>>)
      tpu.yield
    }) : () -> ()
    %barrier3A = arith.constant 0 : index
    tpu.barrier barrier_id(%barrier3A)
    "tpu.region"() ({
      %run_scoped3A = tpu.sem_alloc : memref<!tpu.dma_semaphore, #tpu.memory_space<semaphore_mem>>
      %dma_start3A_179 = arith.constant 0 : i32
      %dma_start3A_180 = arith.constant 0 : i32
      %dma_start3A_181 = tpu.memref_slice %arg3[%add3A, %dma_start3A_179, %dma_start3A_180] : memref<32x80x128xi32, #tpu.memory_space<hbm>> -> memref<1x40x128xi32, #tpu.memory_space<hbm>>
      %dma_start3A_182 = tpu.memref_squeeze %dma_start3A_181 : memref<1x40x128xi32, #tpu.memory_space<hbm>> -> memref<40x128xi32, #tpu.memory_space<hbm>>
      %dma_start3A_183 = arith.constant 0 : i32
      %dma_start3A_184 = arith.constant 0 : i32
      %dma_start3A_185 = tpu.memref_slice %arg3[%add3A, %dma_start3A_183, %dma_start3A_184] : memref<32x80x128xi32, #tpu.memory_space<hbm>> -> memref<1x40x128xi32, #tpu.memory_space<hbm>>
      %dma_start3A_186 = tpu.memref_squeeze %dma_start3A_185 : memref<1x40x128xi32, #tpu.memory_space<hbm>> -> memref<40x128xi32, #tpu.memory_space<hbm>>
      tpu.enqueue_dma source(%dma_start3A_186 : memref<40x128xi32, #tpu.memory_space<hbm>>) target(%arg6 : memref<40x128xi32, #tpu.memory_space<vmem>>) target_semaphore(%run_scoped3A : memref<!tpu.dma_semaphore, #tpu.memory_space<semaphore_mem>>)
      %dma_wait3A_187 = arith.constant 0 : i32
      %dma_wait3A_188 = arith.constant 0 : i32
      %dma_wait3A_189 = tpu.memref_slice %arg3[%add3A, %dma_wait3A_187, %dma_wait3A_188] : memref<32x80x128xi32, #tpu.memory_space<hbm>> -> memref<1x40x128xi32, #tpu.memory_space<hbm>>
      %dma_wait3A_190 = tpu.memref_squeeze %dma_wait3A_189 : memref<1x40x128xi32, #tpu.memory_space<hbm>> -> memref<40x128xi32, #tpu.memory_space<hbm>>
      %dma_wait3A_191 = arith.constant 0 : i32
      %dma_wait3A_192 = arith.constant 0 : i32
      %dma_wait3A_193 = tpu.memref_slice %arg3[%add3A, %dma_wait3A_191, %dma_wait3A_192] : memref<32x80x128xi32, #tpu.memory_space<hbm>> -> memref<1x40x128xi32, #tpu.memory_space<hbm>>
      %dma_wait3A_194 = tpu.memref_squeeze %dma_wait3A_193 : memref<1x40x128xi32, #tpu.memory_space<hbm>> -> memref<40x128xi32, #tpu.memory_space<hbm>>
      tpu.wait_dma2 semaphore(%run_scoped3A : memref<!tpu.dma_semaphore, #tpu.memory_space<semaphore_mem>>) src(%dma_wait3A_194 : memref<40x128xi32, #tpu.memory_space<hbm>>) dst(%arg6 : memref<40x128xi32, #tpu.memory_space<vmem>>)
      tpu.yield
    }) : () -> ()
    "tpu.region"() ({
      %run_scoped3A = tpu.sem_alloc : memref<!tpu.dma_semaphore, #tpu.memory_space<semaphore_mem>>
      %dma_start3A_179 = arith.constant 0 : i32
      %dma_start3A_180 = arith.constant 0 : i32
      %dma_start3A_181 = tpu.memref_slice %arg4[%add3A, %dma_start3A_179, %dma_start3A_180] : memref<32x80x128xi32, #tpu.memory_space<hbm>> -> memref<1x40x128xi32, #tpu.memory_space<hbm>>
      %dma_start3A_182 = tpu.memref_squeeze %dma_start3A_181 : memref<1x40x128xi32, #tpu.memory_space<hbm>> -> memref<40x128xi32, #tpu.memory_space<hbm>>
      %dma_start3A_183 = arith.constant 0 : i32
      %dma_start3A_184 = arith.constant 0 : i32
      %dma_start3A_185 = tpu.memref_slice %arg4[%add3A, %dma_start3A_183, %dma_start3A_184] : memref<32x80x128xi32, #tpu.memory_space<hbm>> -> memref<1x40x128xi32, #tpu.memory_space<hbm>>
      %dma_start3A_186 = tpu.memref_squeeze %dma_start3A_185 : memref<1x40x128xi32, #tpu.memory_space<hbm>> -> memref<40x128xi32, #tpu.memory_space<hbm>>
      tpu.enqueue_dma source(%dma_start3A_186 : memref<40x128xi32, #tpu.memory_space<hbm>>) target(%arg7 : memref<40x128xi32, #tpu.memory_space<vmem>>) target_semaphore(%run_scoped3A : memref<!tpu.dma_semaphore, #tpu.memory_space<semaphore_mem>>)
      %dma_wait3A_187 = arith.constant 0 : i32
      %dma_wait3A_188 = arith.constant 0 : i32
      %dma_wait3A_189 = tpu.memref_slice %arg4[%add3A, %dma_wait3A_187, %dma_wait3A_188] : memref<32x80x128xi32, #tpu.memory_space<hbm>> -> memref<1x40x128xi32, #tpu.memory_space<hbm>>
      %dma_wait3A_190 = tpu.memref_squeeze %dma_wait3A_189 : memref<1x40x128xi32, #tpu.memory_space<hbm>> -> memref<40x128xi32, #tpu.memory_space<hbm>>
      %dma_wait3A_191 = arith.constant 0 : i32
      %dma_wait3A_192 = arith.constant 0 : i32
      %dma_wait3A_193 = tpu.memref_slice %arg4[%add3A, %dma_wait3A_191, %dma_wait3A_192] : memref<32x80x128xi32, #tpu.memory_space<hbm>> -> memref<1x40x128xi32, #tpu.memory_space<hbm>>
      %dma_wait3A_194 = tpu.memref_squeeze %dma_wait3A_193 : memref<1x40x128xi32, #tpu.memory_space<hbm>> -> memref<40x128xi32, #tpu.memory_space<hbm>>
      tpu.wait_dma2 semaphore(%run_scoped3A : memref<!tpu.dma_semaphore, #tpu.memory_space<semaphore_mem>>) src(%dma_wait3A_194 : memref<40x128xi32, #tpu.memory_space<hbm>>) dst(%arg7 : memref<40x128xi32, #tpu.memory_space<vmem>>)
      tpu.yield
    }) : () -> ()
    %dma_start3A = arith.constant 0 : i32
    %dma_start3A_46 = arith.constant 0 : i32
    %dma_start3A_47 = tpu.memref_slice %arg6[%dma_start3A, %dma_start3A_46] : memref<40x128xi32, #tpu.memory_space<vmem>> -> memref<1x128xi32, #tpu.memory_space<vmem>>
    %dma_start3A_48 = tpu.memref_squeeze %dma_start3A_47 : memref<1x128xi32, #tpu.memory_space<vmem>> -> memref<128xi32, #tpu.memory_space<vmem>>
    %dma_start3A_49 = arith.constant 0 : i32
    %dma_start3A_50 = arith.constant 0 : i32
    %dma_start3A_51 = tpu.memref_slice %arg2[%dma_start3A_49, %dma_start3A_50] : memref<10000x128xf32, #tpu.memory_space<hbm>> -> memref<10000x128xf32, #tpu.memory_space<hbm>>
    tpu.enqueue_indirect_dma source(%dma_start3A_51 : memref<10000x128xf32, #tpu.memory_space<hbm>>) target(%arg8 : memref<128x128xf32, #tpu.memory_space<vmem>>) offsets(%dma_start3A_48 : memref<128xi32, #tpu.memory_space<vmem>>) semaphore(%arg11 : memref<!tpu.dma_semaphore, #tpu.memory_space<semaphore_mem>>)
    %scan3A_52 = arith.constant 0 : i32
    %scan3A_53 = arith.constant 0 : i32
    %scan3A_54 = arith.constant 20 : i32
    %scan3A_55 = arith.addi %scan3A_53, %scan3A_54 : i32
    %scan3A_56 = arith.constant 1 : i32
    scf.for %scan3A_179 = %scan3A_53 to %scan3A_55 step %scan3A_56  : i32 {
      %mul3A_180 = arith.constant 2 : i32
      %mul3A_181 = arith.muli %mul3A_180, %scan3A_179 : i32
      %add3A_182 = arith.constant 0 : i32
      %add3A_183 = arith.addi %mul3A_181, %add3A_182 : i32
      %dma_wait3A_184 = arith.constant 0 : i32
      %dma_wait3A_185 = tpu.memref_slice %arg6[%add3A_183, %dma_wait3A_184] : memref<40x128xi32, #tpu.memory_space<vmem>> -> memref<1x128xi32, #tpu.memory_space<vmem>>
      %dma_wait3A_186 = tpu.memref_squeeze %dma_wait3A_185 : memref<1x128xi32, #tpu.memory_space<vmem>> -> memref<128xi32, #tpu.memory_space<vmem>>
      %dma_wait3A_187 = arith.constant 0 : i32
      %dma_wait3A_188 = arith.constant 0 : i32
      %dma_wait3A_189 = tpu.memref_slice %arg2[%dma_wait3A_187, %dma_wait3A_188] : memref<10000x128xf32, #tpu.memory_space<hbm>> -> memref<10000x128xf32, #tpu.memory_space<hbm>>
      tpu.wait_indirect_dma semaphore(%arg11 : memref<!tpu.dma_semaphore, #tpu.memory_space<semaphore_mem>>) src(%dma_wait3A_189 : memref<10000x128xf32, #tpu.memory_space<hbm>>) dst(%arg8 : memref<128x128xf32, #tpu.memory_space<vmem>>)
      %dma_start3A_190 = arith.constant 0 : i32
      %dma_start3A_191 = tpu.memref_slice %arg7[%add3A_183, %dma_start3A_190] : memref<40x128xi32, #tpu.memory_space<vmem>> -> memref<1x128xi32, #tpu.memory_space<vmem>>
      %dma_start3A_192 = tpu.memref_squeeze %dma_start3A_191 : memref<1x128xi32, #tpu.memory_space<vmem>> -> memref<128xi32, #tpu.memory_space<vmem>>
      %dma_start3A_193 = arith.constant 0 : i32
      %dma_start3A_194 = arith.constant 0 : i32
      %dma_start3A_195 = tpu.memref_slice %arg10[%dma_start3A_193, %dma_start3A_194] : memref<10240x128xf32, #tpu.memory_space<vmem_shared>> -> memref<10240x128xf32, #tpu.memory_space<vmem_shared>>
      tpu.enqueue_indirect_dma source(%arg8 : memref<128x128xf32, #tpu.memory_space<vmem>>) target(%dma_start3A_195 : memref<10240x128xf32, #tpu.memory_space<vmem_shared>>) offsets(%dma_start3A_192 : memref<128xi32, #tpu.memory_space<vmem>>) semaphore(%arg12 : memref<!tpu.dma_semaphore, #tpu.memory_space<semaphore_mem>>) {add = true}
      %add3A_196 = arith.constant 1 : i32
      %add3A_197 = arith.addi %add3A_183, %add3A_196 : i32
      %lt3A = arith.constant 40 : i32
      %lt3A_198 = arith.cmpi slt, %add3A_197, %lt3A : i32
      %convert_element_type3A = arith.extui %lt3A_198 : i1 to i32
      %cond3A = arith.constant 0 : i32
      %cond3A_199 = arith.cmpi ne, %convert_element_type3A, %cond3A : i32
      scf.if %cond3A_199 {
        %ge3A = arith.constant 1 : i32
        %ge3A_223 = arith.cmpi sge, %add3A_183, %ge3A : i32
        %convert_element_type3A_224 = arith.extui %ge3A_223 : i1 to i32
        %cond3A_225 = arith.constant 0 : i32
        %cond3A_226 = arith.cmpi ne, %convert_element_type3A_224, %cond3A_225 : i32
        scf.if %cond3A_226 {
          %sub3A = arith.constant 1 : i32
          %sub3A_235 = arith.subi %add3A_183, %sub3A : i32
          %dma_wait3A_236 = arith.constant 0 : i32
          %dma_wait3A_237 = tpu.memref_slice %arg7[%sub3A_235, %dma_wait3A_236] : memref<40x128xi32, #tpu.memory_space<vmem>> -> memref<1x128xi32, #tpu.memory_space<vmem>>
          %dma_wait3A_238 = tpu.memref_squeeze %dma_wait3A_237 : memref<1x128xi32, #tpu.memory_space<vmem>> -> memref<128xi32, #tpu.memory_space<vmem>>
          %dma_wait3A_239 = arith.constant 0 : i32
          %dma_wait3A_240 = arith.constant 0 : i32
          %dma_wait3A_241 = tpu.memref_slice %arg10[%dma_wait3A_239, %dma_wait3A_240] : memref<10240x128xf32, #tpu.memory_space<vmem_shared>> -> memref<10240x128xf32, #tpu.memory_space<vmem_shared>>
          tpu.wait_indirect_dma semaphore(%arg12 : memref<!tpu.dma_semaphore, #tpu.memory_space<semaphore_mem>>) src(%arg9 : memref<128x128xf32, #tpu.memory_space<vmem>>) dst(%dma_wait3A_241 : memref<10240x128xf32, #tpu.memory_space<vmem_shared>>)
        } else {
        }
        %add3A_227 = arith.constant 1 : i32
        %add3A_228 = arith.addi %add3A_183, %add3A_227 : i32
        %dma_start3A_229 = arith.constant 0 : i32
        %dma_start3A_230 = tpu.memref_slice %arg6[%add3A_228, %dma_start3A_229] : memref<40x128xi32, #tpu.memory_space<vmem>> -> memref<1x128xi32, #tpu.memory_space<vmem>>
        %dma_start3A_231 = tpu.memref_squeeze %dma_start3A_230 : memref<1x128xi32, #tpu.memory_space<vmem>> -> memref<128xi32, #tpu.memory_space<vmem>>
        %dma_start3A_232 = arith.constant 0 : i32
        %dma_start3A_233 = arith.constant 0 : i32
        %dma_start3A_234 = tpu.memref_slice %arg2[%dma_start3A_232, %dma_start3A_233] : memref<10000x128xf32, #tpu.memory_space<hbm>> -> memref<10000x128xf32, #tpu.memory_space<hbm>>
        tpu.enqueue_indirect_dma source(%dma_start3A_234 : memref<10000x128xf32, #tpu.memory_space<hbm>>) target(%arg9 : memref<128x128xf32, #tpu.memory_space<vmem>>) offsets(%dma_start3A_231 : memref<128xi32, #tpu.memory_space<vmem>>) semaphore(%arg11 : memref<!tpu.dma_semaphore, #tpu.memory_space<semaphore_mem>>)
      } else {
      }
      %mul3A_200 = arith.constant 2 : i32
      %mul3A_201 = arith.muli %mul3A_200, %scan3A_179 : i32
      %add3A_202 = arith.constant 1 : i32
      %add3A_203 = arith.addi %mul3A_201, %add3A_202 : i32
      %dma_wait3A_204 = arith.constant 0 : i32
      %dma_wait3A_205 = tpu.memref_slice %arg6[%add3A_203, %dma_wait3A_204] : memref<40x128xi32, #tpu.memory_space<vmem>> -> memref<1x128xi32, #tpu.memory_space<vmem>>
      %dma_wait3A_206 = tpu.memref_squeeze %dma_wait3A_205 : memref<1x128xi32, #tpu.memory_space<vmem>> -> memref<128xi32, #tpu.memory_space<vmem>>
      %dma_wait3A_207 = arith.constant 0 : i32
      %dma_wait3A_208 = arith.constant 0 : i32
      %dma_wait3A_209 = tpu.memref_slice %arg2[%dma_wait3A_207, %dma_wait3A_208] : memref<10000x128xf32, #tpu.memory_space<hbm>> -> memref<10000x128xf32, #tpu.memory_space<hbm>>
      tpu.wait_indirect_dma semaphore(%arg11 : memref<!tpu.dma_semaphore, #tpu.memory_space<semaphore_mem>>) src(%dma_wait3A_209 : memref<10000x128xf32, #tpu.memory_space<hbm>>) dst(%arg9 : memref<128x128xf32, #tpu.memory_space<vmem>>)
      %dma_start3A_210 = arith.constant 0 : i32
      %dma_start3A_211 = tpu.memref_slice %arg7[%add3A_203, %dma_start3A_210] : memref<40x128xi32, #tpu.memory_space<vmem>> -> memref<1x128xi32, #tpu.memory_space<vmem>>
      %dma_start3A_212 = tpu.memref_squeeze %dma_start3A_211 : memref<1x128xi32, #tpu.memory_space<vmem>> -> memref<128xi32, #tpu.memory_space<vmem>>
      %dma_start3A_213 = arith.constant 0 : i32
      %dma_start3A_214 = arith.constant 0 : i32
      %dma_start3A_215 = tpu.memref_slice %arg10[%dma_start3A_213, %dma_start3A_214] : memref<10240x128xf32, #tpu.memory_space<vmem_shared>> -> memref<10240x128xf32, #tpu.memory_space<vmem_shared>>
      tpu.enqueue_indirect_dma source(%arg9 : memref<128x128xf32, #tpu.memory_space<vmem>>) target(%dma_start3A_215 : memref<10240x128xf32, #tpu.memory_space<vmem_shared>>) offsets(%dma_start3A_212 : memref<128xi32, #tpu.memory_space<vmem>>) semaphore(%arg12 : memref<!tpu.dma_semaphore, #tpu.memory_space<semaphore_mem>>) {add = true}
      %add3A_216 = arith.constant 1 : i32
      %add3A_217 = arith.addi %add3A_203, %add3A_216 : i32
      %lt3A_218 = arith.constant 40 : i32
      %lt3A_219 = arith.cmpi slt, %add3A_217, %lt3A_218 : i32
      %convert_element_type3A_220 = arith.extui %lt3A_219 : i1 to i32
      %cond3A_221 = arith.constant 0 : i32
      %cond3A_222 = arith.cmpi ne, %convert_element_type3A_220, %cond3A_221 : i32
      scf.if %cond3A_222 {
        %ge3A = arith.constant 1 : i32
        %ge3A_223 = arith.cmpi sge, %add3A_203, %ge3A : i32
        %convert_element_type3A_224 = arith.extui %ge3A_223 : i1 to i32
        %cond3A_225 = arith.constant 0 : i32
        %cond3A_226 = arith.cmpi ne, %convert_element_type3A_224, %cond3A_225 : i32
        scf.if %cond3A_226 {
          %sub3A = arith.constant 1 : i32
          %sub3A_235 = arith.subi %add3A_203, %sub3A : i32
          %dma_wait3A_236 = arith.constant 0 : i32
          %dma_wait3A_237 = tpu.memref_slice %arg7[%sub3A_235, %dma_wait3A_236] : memref<40x128xi32, #tpu.memory_space<vmem>> -> memref<1x128xi32, #tpu.memory_space<vmem>>
          %dma_wait3A_238 = tpu.memref_squeeze %dma_wait3A_237 : memref<1x128xi32, #tpu.memory_space<vmem>> -> memref<128xi32, #tpu.memory_space<vmem>>
          %dma_wait3A_239 = arith.constant 0 : i32
          %dma_wait3A_240 = arith.constant 0 : i32
          %dma_wait3A_241 = tpu.memref_slice %arg10[%dma_wait3A_239, %dma_wait3A_240] : memref<10240x128xf32, #tpu.memory_space<vmem_shared>> -> memref<10240x128xf32, #tpu.memory_space<vmem_shared>>
          tpu.wait_indirect_dma semaphore(%arg12 : memref<!tpu.dma_semaphore, #tpu.memory_space<semaphore_mem>>) src(%arg8 : memref<128x128xf32, #tpu.memory_space<vmem>>) dst(%dma_wait3A_241 : memref<10240x128xf32, #tpu.memory_space<vmem_shared>>)
        } else {
        }
        %add3A_227 = arith.constant 1 : i32
        %add3A_228 = arith.addi %add3A_203, %add3A_227 : i32
        %dma_start3A_229 = arith.constant 0 : i32
        %dma_start3A_230 = tpu.memref_slice %arg6[%add3A_228, %dma_start3A_229] : memref<40x128xi32, #tpu.memory_space<vmem>> -> memref<1x128xi32, #tpu.memory_space<vmem>>
        %dma_start3A_231 = tpu.memref_squeeze %dma_start3A_230 : memref<1x128xi32, #tpu.memory_space<vmem>> -> memref<128xi32, #tpu.memory_space<vmem>>
        %dma_start3A_232 = arith.constant 0 : i32
        %dma_start3A_233 = arith.constant 0 : i32
        %dma_start3A_234 = tpu.memref_slice %arg2[%dma_start3A_232, %dma_start3A_233] : memref<10000x128xf32, #tpu.memory_space<hbm>> -> memref<10000x128xf32, #tpu.memory_space<hbm>>
        tpu.enqueue_indirect_dma source(%dma_start3A_234 : memref<10000x128xf32, #tpu.memory_space<hbm>>) target(%arg8 : memref<128x128xf32, #tpu.memory_space<vmem>>) offsets(%dma_start3A_231 : memref<128xi32, #tpu.memory_space<vmem>>) semaphore(%arg11 : memref<!tpu.dma_semaphore, #tpu.memory_space<semaphore_mem>>)
      } else {
      }
    }
    %scan3A_57 = arith.constant 20 : i32
    %dma_wait3A = arith.constant 38 : i32
    %dma_wait3A_58 = arith.constant 0 : i32
    %dma_wait3A_59 = tpu.memref_slice %arg7[%dma_wait3A, %dma_wait3A_58] : memref<40x128xi32, #tpu.memory_space<vmem>> -> memref<1x128xi32, #tpu.memory_space<vmem>>
    %dma_wait3A_60 = tpu.memref_squeeze %dma_wait3A_59 : memref<1x128xi32, #tpu.memory_space<vmem>> -> memref<128xi32, #tpu.memory_space<vmem>>
    %dma_wait3A_61 = arith.constant 0 : i32
    %dma_wait3A_62 = arith.constant 0 : i32
    %dma_wait3A_63 = tpu.memref_slice %arg10[%dma_wait3A_61, %dma_wait3A_62] : memref<10240x128xf32, #tpu.memory_space<vmem_shared>> -> memref<10240x128xf32, #tpu.memory_space<vmem_shared>>
    tpu.wait_indirect_dma semaphore(%arg12 : memref<!tpu.dma_semaphore, #tpu.memory_space<semaphore_mem>>) src(%arg8 : memref<128x128xf32, #tpu.memory_space<vmem>>) dst(%dma_wait3A_63 : memref<10240x128xf32, #tpu.memory_space<vmem_shared>>)
    %dma_wait3A_64 = arith.constant 39 : i32
    %dma_wait3A_65 = arith.constant 0 : i32
    %dma_wait3A_66 = tpu.memref_slice %arg7[%dma_wait3A_64, %dma_wait3A_65] : memref<40x128xi32, #tpu.memory_space<vmem>> -> memref<1x128xi32, #tpu.memory_space<vmem>>
    %dma_wait3A_67 = tpu.memref_squeeze %dma_wait3A_66 : memref<1x128xi32, #tpu.memory_space<vmem>> -> memref<128xi32, #tpu.memory_space<vmem>>
    %dma_wait3A_68 = arith.constant 0 : i32
    %dma_wait3A_69 = arith.constant 0 : i32
    %dma_wait3A_70 = tpu.memref_slice %arg10[%dma_wait3A_68, %dma_wait3A_69] : memref<10240x128xf32, #tpu.memory_space<vmem_shared>> -> memref<10240x128xf32, #tpu.memory_space<vmem_shared>>
    tpu.wait_indirect_dma semaphore(%arg12 : memref<!tpu.dma_semaphore, #tpu.memory_space<semaphore_mem>>) src(%arg9 : memref<128x128xf32, #tpu.memory_space<vmem>>) dst(%dma_wait3A_70 : memref<10240x128xf32, #tpu.memory_space<vmem_shared>>)
    "tpu.region"() ({
      %run_scoped3A = tpu.sem_alloc : memref<!tpu.dma_semaphore, #tpu.memory_space<semaphore_mem>>
      %dma_start3A_179 = arith.constant 40 : i32
      %dma_start3A_180 = arith.constant 0 : i32
      %dma_start3A_181 = tpu.memref_slice %arg3[%add3A, %dma_start3A_179, %dma_start3A_180] : memref<32x80x128xi32, #tpu.memory_space<hbm>> -> memref<1x40x128xi32, #tpu.memory_space<hbm>>
      %dma_start3A_182 = tpu.memref_squeeze %dma_start3A_181 : memref<1x40x128xi32, #tpu.memory_space<hbm>> -> memref<40x128xi32, #tpu.memory_space<hbm>>
      %dma_start3A_183 = arith.constant 40 : i32
      %dma_start3A_184 = arith.constant 0 : i32
      %dma_start3A_185 = tpu.memref_slice %arg3[%add3A, %dma_start3A_183, %dma_start3A_184] : memref<32x80x128xi32, #tpu.memory_space<hbm>> -> memref<1x40x128xi32, #tpu.memory_space<hbm>>
      %dma_start3A_186 = tpu.memref_squeeze %dma_start3A_185 : memref<1x40x128xi32, #tpu.memory_space<hbm>> -> memref<40x128xi32, #tpu.memory_space<hbm>>
      tpu.enqueue_dma source(%dma_start3A_186 : memref<40x128xi32, #tpu.memory_space<hbm>>) target(%arg6 : memref<40x128xi32, #tpu.memory_space<vmem>>) target_semaphore(%run_scoped3A : memref<!tpu.dma_semaphore, #tpu.memory_space<semaphore_mem>>)
      %dma_wait3A_187 = arith.constant 40 : i32
      %dma_wait3A_188 = arith.constant 0 : i32
      %dma_wait3A_189 = tpu.memref_slice %arg3[%add3A, %dma_wait3A_187, %dma_wait3A_188] : memref<32x80x128xi32, #tpu.memory_space<hbm>> -> memref<1x40x128xi32, #tpu.memory_space<hbm>>
      %dma_wait3A_190 = tpu.memref_squeeze %dma_wait3A_189 : memref<1x40x128xi32, #tpu.memory_space<hbm>> -> memref<40x128xi32, #tpu.memory_space<hbm>>
      %dma_wait3A_191 = arith.constant 40 : i32
      %dma_wait3A_192 = arith.constant 0 : i32
      %dma_wait3A_193 = tpu.memref_slice %arg3[%add3A, %dma_wait3A_191, %dma_wait3A_192] : memref<32x80x128xi32, #tpu.memory_space<hbm>> -> memref<1x40x128xi32, #tpu.memory_space<hbm>>
      %dma_wait3A_194 = tpu.memref_squeeze %dma_wait3A_193 : memref<1x40x128xi32, #tpu.memory_space<hbm>> -> memref<40x128xi32, #tpu.memory_space<hbm>>
      tpu.wait_dma2 semaphore(%run_scoped3A : memref<!tpu.dma_semaphore, #tpu.memory_space<semaphore_mem>>) src(%dma_wait3A_194 : memref<40x128xi32, #tpu.memory_space<hbm>>) dst(%arg6 : memref<40x128xi32, #tpu.memory_space<vmem>>)
      tpu.yield
    }) : () -> ()
    "tpu.region"() ({
      %run_scoped3A = tpu.sem_alloc : memref<!tpu.dma_semaphore, #tpu.memory_space<semaphore_mem>>
      %dma_start3A_179 = arith.constant 40 : i32
      %dma_start3A_180 = arith.constant 0 : i32
      %dma_start3A_181 = tpu.memref_slice %arg4[%add3A, %dma_start3A_179, %dma_start3A_180] : memref<32x80x128xi32, #tpu.memory_space<hbm>> -> memref<1x40x128xi32, #tpu.memory_space<hbm>>
      %dma_start3A_182 = tpu.memref_squeeze %dma_start3A_181 : memref<1x40x128xi32, #tpu.memory_space<hbm>> -> memref<40x128xi32, #tpu.memory_space<hbm>>
      %dma_start3A_183 = arith.constant 40 : i32
      %dma_start3A_184 = arith.constant 0 : i32
      %dma_start3A_185 = tpu.memref_slice %arg4[%add3A, %dma_start3A_183, %dma_start3A_184] : memref<32x80x128xi32, #tpu.memory_space<hbm>> -> memref<1x40x128xi32, #tpu.memory_space<hbm>>
      %dma_start3A_186 = tpu.memref_squeeze %dma_start3A_185 : memref<1x40x128xi32, #tpu.memory_space<hbm>> -> memref<40x128xi32, #tpu.memory_space<hbm>>
      tpu.enqueue_dma source(%dma_start3A_186 : memref<40x128xi32, #tpu.memory_space<hbm>>) target(%arg7 : memref<40x128xi32, #tpu.memory_space<vmem>>) target_semaphore(%run_scoped3A : memref<!tpu.dma_semaphore, #tpu.memory_space<semaphore_mem>>)
      %dma_wait3A_187 = arith.constant 40 : i32
      %dma_wait3A_188 = arith.constant 0 : i32
      %dma_wait3A_189 = tpu.memref_slice %arg4[%add3A, %dma_wait3A_187, %dma_wait3A_188] : memref<32x80x128xi32, #tpu.memory_space<hbm>> -> memref<1x40x128xi32, #tpu.memory_space<hbm>>
      %dma_wait3A_190 = tpu.memref_squeeze %dma_wait3A_189 : memref<1x40x128xi32, #tpu.memory_space<hbm>> -> memref<40x128xi32, #tpu.memory_space<hbm>>
      %dma_wait3A_191 = arith.constant 40 : i32
      %dma_wait3A_192 = arith.constant 0 : i32
      %dma_wait3A_193 = tpu.memref_slice %arg4[%add3A, %dma_wait3A_191, %dma_wait3A_192] : memref<32x80x128xi32, #tpu.memory_space<hbm>> -> memref<1x40x128xi32, #tpu.memory_space<hbm>>
      %dma_wait3A_194 = tpu.memref_squeeze %dma_wait3A_193 : memref<1x40x128xi32, #tpu.memory_space<hbm>> -> memref<40x128xi32, #tpu.memory_space<hbm>>
      tpu.wait_dma2 semaphore(%run_scoped3A : memref<!tpu.dma_semaphore, #tpu.memory_space<semaphore_mem>>) src(%dma_wait3A_194 : memref<40x128xi32, #tpu.memory_space<hbm>>) dst(%arg7 : memref<40x128xi32, #tpu.memory_space<vmem>>)
      tpu.yield
    }) : () -> ()
    %dma_start3A_71 = arith.constant 0 : i32
    %dma_start3A_72 = arith.constant 0 : i32
    %dma_start3A_73 = tpu.memref_slice %arg6[%dma_start3A_71, %dma_start3A_72] : memref<40x128xi32, #tpu.memory_space<vmem>> -> memref<1x128xi32, #tpu.memory_space<vmem>>
    %dma_start3A_74 = tpu.memref_squeeze %dma_start3A_73 : memref<1x128xi32, #tpu.memory_space<vmem>> -> memref<128xi32, #tpu.memory_space<vmem>>
    %dma_start3A_75 = arith.constant 0 : i32
    %dma_start3A_76 = arith.constant 0 : i32
    %dma_start3A_77 = tpu.memref_slice %arg2[%dma_start3A_75, %dma_start3A_76] : memref<10000x128xf32, #tpu.memory_space<hbm>> -> memref<10000x128xf32, #tpu.memory_space<hbm>>
    tpu.enqueue_indirect_dma source(%dma_start3A_77 : memref<10000x128xf32, #tpu.memory_space<hbm>>) target(%arg8 : memref<128x128xf32, #tpu.memory_space<vmem>>) offsets(%dma_start3A_74 : memref<128xi32, #tpu.memory_space<vmem>>) semaphore(%arg11 : memref<!tpu.dma_semaphore, #tpu.memory_space<semaphore_mem>>)
    %scan3A_78 = arith.constant 0 : i32
    %scan3A_79 = arith.constant 0 : i32
    %scan3A_80 = arith.constant 20 : i32
    %scan3A_81 = arith.addi %scan3A_79, %scan3A_80 : i32
    %scan3A_82 = arith.constant 1 : i32
    scf.for %scan3A_179 = %scan3A_79 to %scan3A_81 step %scan3A_82  : i32 {
      %mul3A_180 = arith.constant 2 : i32
      %mul3A_181 = arith.muli %mul3A_180, %scan3A_179 : i32
      %add3A_182 = arith.constant 0 : i32
      %add3A_183 = arith.addi %mul3A_181, %add3A_182 : i32
      %dma_wait3A_184 = arith.constant 0 : i32
      %dma_wait3A_185 = tpu.memref_slice %arg6[%add3A_183, %dma_wait3A_184] : memref<40x128xi32, #tpu.memory_space<vmem>> -> memref<1x128xi32, #tpu.memory_space<vmem>>
      %dma_wait3A_186 = tpu.memref_squeeze %dma_wait3A_185 : memref<1x128xi32, #tpu.memory_space<vmem>> -> memref<128xi32, #tpu.memory_space<vmem>>
      %dma_wait3A_187 = arith.constant 0 : i32
      %dma_wait3A_188 = arith.constant 0 : i32
      %dma_wait3A_189 = tpu.memref_slice %arg2[%dma_wait3A_187, %dma_wait3A_188] : memref<10000x128xf32, #tpu.memory_space<hbm>> -> memref<10000x128xf32, #tpu.memory_space<hbm>>
      tpu.wait_indirect_dma semaphore(%arg11 : memref<!tpu.dma_semaphore, #tpu.memory_space<semaphore_mem>>) src(%dma_wait3A_189 : memref<10000x128xf32, #tpu.memory_space<hbm>>) dst(%arg8 : memref<128x128xf32, #tpu.memory_space<vmem>>)
      %dma_start3A_190 = arith.constant 0 : i32
      %dma_start3A_191 = tpu.memref_slice %arg7[%add3A_183, %dma_start3A_190] : memref<40x128xi32, #tpu.memory_space<vmem>> -> memref<1x128xi32, #tpu.memory_space<vmem>>
      %dma_start3A_192 = tpu.memref_squeeze %dma_start3A_191 : memref<1x128xi32, #tpu.memory_space<vmem>> -> memref<128xi32, #tpu.memory_space<vmem>>
      %dma_start3A_193 = arith.constant 0 : i32
      %dma_start3A_194 = arith.constant 0 : i32
      %dma_start3A_195 = tpu.memref_slice %arg10[%dma_start3A_193, %dma_start3A_194] : memref<10240x128xf32, #tpu.memory_space<vmem_shared>> -> memref<10240x128xf32, #tpu.memory_space<vmem_shared>>
      tpu.enqueue_indirect_dma source(%arg8 : memref<128x128xf32, #tpu.memory_space<vmem>>) target(%dma_start3A_195 : memref<10240x128xf32, #tpu.memory_space<vmem_shared>>) offsets(%dma_start3A_192 : memref<128xi32, #tpu.memory_space<vmem>>) semaphore(%arg12 : memref<!tpu.dma_semaphore, #tpu.memory_space<semaphore_mem>>) {add = true}
      %add3A_196 = arith.constant 1 : i32
      %add3A_197 = arith.addi %add3A_183, %add3A_196 : i32
      %lt3A = arith.constant 40 : i32
      %lt3A_198 = arith.cmpi slt, %add3A_197, %lt3A : i32
      %convert_element_type3A = arith.extui %lt3A_198 : i1 to i32
      %cond3A = arith.constant 0 : i32
      %cond3A_199 = arith.cmpi ne, %convert_element_type3A, %cond3A : i32
      scf.if %cond3A_199 {
        %ge3A = arith.constant 1 : i32
        %ge3A_223 = arith.cmpi sge, %add3A_183, %ge3A : i32
        %convert_element_type3A_224 = arith.extui %ge3A_223 : i1 to i32
        %cond3A_225 = arith.constant 0 : i32
        %cond3A_226 = arith.cmpi ne, %convert_element_type3A_224, %cond3A_225 : i32
        scf.if %cond3A_226 {
          %sub3A = arith.constant 1 : i32
          %sub3A_235 = arith.subi %add3A_183, %sub3A : i32
          %dma_wait3A_236 = arith.constant 0 : i32
          %dma_wait3A_237 = tpu.memref_slice %arg7[%sub3A_235, %dma_wait3A_236] : memref<40x128xi32, #tpu.memory_space<vmem>> -> memref<1x128xi32, #tpu.memory_space<vmem>>
          %dma_wait3A_238 = tpu.memref_squeeze %dma_wait3A_237 : memref<1x128xi32, #tpu.memory_space<vmem>> -> memref<128xi32, #tpu.memory_space<vmem>>
          %dma_wait3A_239 = arith.constant 0 : i32
          %dma_wait3A_240 = arith.constant 0 : i32
          %dma_wait3A_241 = tpu.memref_slice %arg10[%dma_wait3A_239, %dma_wait3A_240] : memref<10240x128xf32, #tpu.memory_space<vmem_shared>> -> memref<10240x128xf32, #tpu.memory_space<vmem_shared>>
          tpu.wait_indirect_dma semaphore(%arg12 : memref<!tpu.dma_semaphore, #tpu.memory_space<semaphore_mem>>) src(%arg9 : memref<128x128xf32, #tpu.memory_space<vmem>>) dst(%dma_wait3A_241 : memref<10240x128xf32, #tpu.memory_space<vmem_shared>>)
        } else {
        }
        %add3A_227 = arith.constant 1 : i32
        %add3A_228 = arith.addi %add3A_183, %add3A_227 : i32
        %dma_start3A_229 = arith.constant 0 : i32
        %dma_start3A_230 = tpu.memref_slice %arg6[%add3A_228, %dma_start3A_229] : memref<40x128xi32, #tpu.memory_space<vmem>> -> memref<1x128xi32, #tpu.memory_space<vmem>>
        %dma_start3A_231 = tpu.memref_squeeze %dma_start3A_230 : memref<1x128xi32, #tpu.memory_space<vmem>> -> memref<128xi32, #tpu.memory_space<vmem>>
        %dma_start3A_232 = arith.constant 0 : i32
        %dma_start3A_233 = arith.constant 0 : i32
        %dma_start3A_234 = tpu.memref_slice %arg2[%dma_start3A_232, %dma_start3A_233] : memref<10000x128xf32, #tpu.memory_space<hbm>> -> memref<10000x128xf32, #tpu.memory_space<hbm>>
        tpu.enqueue_indirect_dma source(%dma_start3A_234 : memref<10000x128xf32, #tpu.memory_space<hbm>>) target(%arg9 : memref<128x128xf32, #tpu.memory_space<vmem>>) offsets(%dma_start3A_231 : memref<128xi32, #tpu.memory_space<vmem>>) semaphore(%arg11 : memref<!tpu.dma_semaphore, #tpu.memory_space<semaphore_mem>>)
      } else {
      }
      %mul3A_200 = arith.constant 2 : i32
      %mul3A_201 = arith.muli %mul3A_200, %scan3A_179 : i32
      %add3A_202 = arith.constant 1 : i32
      %add3A_203 = arith.addi %mul3A_201, %add3A_202 : i32
      %dma_wait3A_204 = arith.constant 0 : i32
      %dma_wait3A_205 = tpu.memref_slice %arg6[%add3A_203, %dma_wait3A_204] : memref<40x128xi32, #tpu.memory_space<vmem>> -> memref<1x128xi32, #tpu.memory_space<vmem>>
      %dma_wait3A_206 = tpu.memref_squeeze %dma_wait3A_205 : memref<1x128xi32, #tpu.memory_space<vmem>> -> memref<128xi32, #tpu.memory_space<vmem>>
      %dma_wait3A_207 = arith.constant 0 : i32
      %dma_wait3A_208 = arith.constant 0 : i32
      %dma_wait3A_209 = tpu.memref_slice %arg2[%dma_wait3A_207, %dma_wait3A_208] : memref<10000x128xf32, #tpu.memory_space<hbm>> -> memref<10000x128xf32, #tpu.memory_space<hbm>>
      tpu.wait_indirect_dma semaphore(%arg11 : memref<!tpu.dma_semaphore, #tpu.memory_space<semaphore_mem>>) src(%dma_wait3A_209 : memref<10000x128xf32, #tpu.memory_space<hbm>>) dst(%arg9 : memref<128x128xf32, #tpu.memory_space<vmem>>)
      %dma_start3A_210 = arith.constant 0 : i32
      %dma_start3A_211 = tpu.memref_slice %arg7[%add3A_203, %dma_start3A_210] : memref<40x128xi32, #tpu.memory_space<vmem>> -> memref<1x128xi32, #tpu.memory_space<vmem>>
      %dma_start3A_212 = tpu.memref_squeeze %dma_start3A_211 : memref<1x128xi32, #tpu.memory_space<vmem>> -> memref<128xi32, #tpu.memory_space<vmem>>
      %dma_start3A_213 = arith.constant 0 : i32
      %dma_start3A_214 = arith.constant 0 : i32
      %dma_start3A_215 = tpu.memref_slice %arg10[%dma_start3A_213, %dma_start3A_214] : memref<10240x128xf32, #tpu.memory_space<vmem_shared>> -> memref<10240x128xf32, #tpu.memory_space<vmem_shared>>
      tpu.enqueue_indirect_dma source(%arg9 : memref<128x128xf32, #tpu.memory_space<vmem>>) target(%dma_start3A_215 : memref<10240x128xf32, #tpu.memory_space<vmem_shared>>) offsets(%dma_start3A_212 : memref<128xi32, #tpu.memory_space<vmem>>) semaphore(%arg12 : memref<!tpu.dma_semaphore, #tpu.memory_space<semaphore_mem>>) {add = true}
      %add3A_216 = arith.constant 1 : i32
      %add3A_217 = arith.addi %add3A_203, %add3A_216 : i32
      %lt3A_218 = arith.constant 40 : i32
      %lt3A_219 = arith.cmpi slt, %add3A_217, %lt3A_218 : i32
      %convert_element_type3A_220 = arith.extui %lt3A_219 : i1 to i32
      %cond3A_221 = arith.constant 0 : i32
      %cond3A_222 = arith.cmpi ne, %convert_element_type3A_220, %cond3A_221 : i32
      scf.if %cond3A_222 {
        %ge3A = arith.constant 1 : i32
        %ge3A_223 = arith.cmpi sge, %add3A_203, %ge3A : i32
        %convert_element_type3A_224 = arith.extui %ge3A_223 : i1 to i32
        %cond3A_225 = arith.constant 0 : i32
        %cond3A_226 = arith.cmpi ne, %convert_element_type3A_224, %cond3A_225 : i32
        scf.if %cond3A_226 {
          %sub3A = arith.constant 1 : i32
          %sub3A_235 = arith.subi %add3A_203, %sub3A : i32
          %dma_wait3A_236 = arith.constant 0 : i32
          %dma_wait3A_237 = tpu.memref_slice %arg7[%sub3A_235, %dma_wait3A_236] : memref<40x128xi32, #tpu.memory_space<vmem>> -> memref<1x128xi32, #tpu.memory_space<vmem>>
          %dma_wait3A_238 = tpu.memref_squeeze %dma_wait3A_237 : memref<1x128xi32, #tpu.memory_space<vmem>> -> memref<128xi32, #tpu.memory_space<vmem>>
          %dma_wait3A_239 = arith.constant 0 : i32
          %dma_wait3A_240 = arith.constant 0 : i32
          %dma_wait3A_241 = tpu.memref_slice %arg10[%dma_wait3A_239, %dma_wait3A_240] : memref<10240x128xf32, #tpu.memory_space<vmem_shared>> -> memref<10240x128xf32, #tpu.memory_space<vmem_shared>>
          tpu.wait_indirect_dma semaphore(%arg12 : memref<!tpu.dma_semaphore, #tpu.memory_space<semaphore_mem>>) src(%arg8 : memref<128x128xf32, #tpu.memory_space<vmem>>) dst(%dma_wait3A_241 : memref<10240x128xf32, #tpu.memory_space<vmem_shared>>)
        } else {
        }
        %add3A_227 = arith.constant 1 : i32
        %add3A_228 = arith.addi %add3A_203, %add3A_227 : i32
        %dma_start3A_229 = arith.constant 0 : i32
        %dma_start3A_230 = tpu.memref_slice %arg6[%add3A_228, %dma_start3A_229] : memref<40x128xi32, #tpu.memory_space<vmem>> -> memref<1x128xi32, #tpu.memory_space<vmem>>
        %dma_start3A_231 = tpu.memref_squeeze %dma_start3A_230 : memref<1x128xi32, #tpu.memory_space<vmem>> -> memref<128xi32, #tpu.memory_space<vmem>>
        %dma_start3A_232 = arith.constant 0 : i32
        %dma_start3A_233 = arith.constant 0 : i32
        %dma_start3A_234 = tpu.memref_slice %arg2[%dma_start3A_232, %dma_start3A_233] : memref<10000x128xf32, #tpu.memory_space<hbm>> -> memref<10000x128xf32, #tpu.memory_space<hbm>>
        tpu.enqueue_indirect_dma source(%dma_start3A_234 : memref<10000x128xf32, #tpu.memory_space<hbm>>) target(%arg8 : memref<128x128xf32, #tpu.memory_space<vmem>>) offsets(%dma_start3A_231 : memref<128xi32, #tpu.memory_space<vmem>>) semaphore(%arg11 : memref<!tpu.dma_semaphore, #tpu.memory_space<semaphore_mem>>)
      } else {
      }
    }
    %scan3A_83 = arith.constant 20 : i32
    %dma_wait3A_84 = arith.constant 38 : i32
    %dma_wait3A_85 = arith.constant 0 : i32
    %dma_wait3A_86 = tpu.memref_slice %arg7[%dma_wait3A_84, %dma_wait3A_85] : memref<40x128xi32, #tpu.memory_space<vmem>> -> memref<1x128xi32, #tpu.memory_space<vmem>>
    %dma_wait3A_87 = tpu.memref_squeeze %dma_wait3A_86 : memref<1x128xi32, #tpu.memory_space<vmem>> -> memref<128xi32, #tpu.memory_space<vmem>>
    %dma_wait3A_88 = arith.constant 0 : i32
    %dma_wait3A_89 = arith.constant 0 : i32
    %dma_wait3A_90 = tpu.memref_slice %arg10[%dma_wait3A_88, %dma_wait3A_89] : memref<10240x128xf32, #tpu.memory_space<vmem_shared>> -> memref<10240x128xf32, #tpu.memory_space<vmem_shared>>
    tpu.wait_indirect_dma semaphore(%arg12 : memref<!tpu.dma_semaphore, #tpu.memory_space<semaphore_mem>>) src(%arg8 : memref<128x128xf32, #tpu.memory_space<vmem>>) dst(%dma_wait3A_90 : memref<10240x128xf32, #tpu.memory_space<vmem_shared>>)
    %dma_wait3A_91 = arith.constant 39 : i32
    %dma_wait3A_92 = arith.constant 0 : i32
    %dma_wait3A_93 = tpu.memref_slice %arg7[%dma_wait3A_91, %dma_wait3A_92] : memref<40x128xi32, #tpu.memory_space<vmem>> -> memref<1x128xi32, #tpu.memory_space<vmem>>
    %dma_wait3A_94 = tpu.memref_squeeze %dma_wait3A_93 : memref<1x128xi32, #tpu.memory_space<vmem>> -> memref<128xi32, #tpu.memory_space<vmem>>
    %dma_wait3A_95 = arith.constant 0 : i32
    %dma_wait3A_96 = arith.constant 0 : i32
    %dma_wait3A_97 = tpu.memref_slice %arg10[%dma_wait3A_95, %dma_wait3A_96] : memref<10240x128xf32, #tpu.memory_space<vmem_shared>> -> memref<10240x128xf32, #tpu.memory_space<vmem_shared>>
    tpu.wait_indirect_dma semaphore(%arg12 : memref<!tpu.dma_semaphore, #tpu.memory_space<semaphore_mem>>) src(%arg9 : memref<128x128xf32, #tpu.memory_space<vmem>>) dst(%dma_wait3A_97 : memref<10240x128xf32, #tpu.memory_space<vmem_shared>>)
    %barrier3A_98 = arith.constant 0 : index
    tpu.barrier barrier_id(%barrier3A_98)
    %mul3A_99 = arith.constant 640 : i32
    %mul3A_100 = arith.muli %arg1, %mul3A_99 : i32
    %add3A_101 = arith.constant 0 : i32
    %add3A_102 = arith.addi %mul3A_100, %add3A_101 : i32
    "tpu.region"() ({
      %run_scoped3A = tpu.sem_alloc : memref<!tpu.dma_semaphore, #tpu.memory_space<semaphore_mem>>
      %dma_start3A_179 = arith.constant 0 : i32
      %dma_start3A_180 = arith.constant 0 : i32
      %dma_start3A_181 = tpu.memref_slice %arg8[%dma_start3A_179, %dma_start3A_180] : memref<128x128xf32, #tpu.memory_space<vmem>> -> memref<64x128xf32, #tpu.memory_space<vmem>>
      %dma_start3A_182 = arith.constant 0 : i32
      %dma_start3A_183 = tpu.memref_slice %arg10[%add3A_102, %dma_start3A_182] : memref<10240x128xf32, #tpu.memory_space<vmem_shared>> -> memref<64x128xf32, #tpu.memory_space<vmem_shared>>
      %dma_start3A_184 = arith.constant 0 : i32
      %dma_start3A_185 = arith.constant 0 : i32
      %dma_start3A_186 = tpu.memref_slice %arg8[%dma_start3A_184, %dma_start3A_185] : memref<128x128xf32, #tpu.memory_space<vmem>> -> memref<64x128xf32, #tpu.memory_space<vmem>>
      %dma_start3A_187 = arith.constant 0 : i32
      %dma_start3A_188 = tpu.memref_slice %arg10[%add3A_102, %dma_start3A_187] : memref<10240x128xf32, #tpu.memory_space<vmem_shared>> -> memref<64x128xf32, #tpu.memory_space<vmem_shared>>
      tpu.enqueue_dma source(%dma_start3A_188 : memref<64x128xf32, #tpu.memory_space<vmem_shared>>) target(%dma_start3A_186 : memref<64x128xf32, #tpu.memory_space<vmem>>) target_semaphore(%run_scoped3A : memref<!tpu.dma_semaphore, #tpu.memory_space<semaphore_mem>>)
      %dma_wait3A_189 = arith.constant 0 : i32
      %dma_wait3A_190 = arith.constant 0 : i32
      %dma_wait3A_191 = tpu.memref_slice %arg8[%dma_wait3A_189, %dma_wait3A_190] : memref<128x128xf32, #tpu.memory_space<vmem>> -> memref<64x128xf32, #tpu.memory_space<vmem>>
      %dma_wait3A_192 = arith.constant 0 : i32
      %dma_wait3A_193 = tpu.memref_slice %arg10[%add3A_102, %dma_wait3A_192] : memref<10240x128xf32, #tpu.memory_space<vmem_shared>> -> memref<64x128xf32, #tpu.memory_space<vmem_shared>>
      %dma_wait3A_194 = arith.constant 0 : i32
      %dma_wait3A_195 = arith.constant 0 : i32
      %dma_wait3A_196 = tpu.memref_slice %arg8[%dma_wait3A_194, %dma_wait3A_195] : memref<128x128xf32, #tpu.memory_space<vmem>> -> memref<64x128xf32, #tpu.memory_space<vmem>>
      %dma_wait3A_197 = arith.constant 0 : i32
      %dma_wait3A_198 = tpu.memref_slice %arg10[%add3A_102, %dma_wait3A_197] : memref<10240x128xf32, #tpu.memory_space<vmem_shared>> -> memref<64x128xf32, #tpu.memory_space<vmem_shared>>
      tpu.wait_dma2 semaphore(%run_scoped3A : memref<!tpu.dma_semaphore, #tpu.memory_space<semaphore_mem>>) src(%dma_wait3A_198 : memref<64x128xf32, #tpu.memory_space<vmem_shared>>) dst(%dma_wait3A_196 : memref<64x128xf32, #tpu.memory_space<vmem>>)
      tpu.yield
    }) : () -> ()
    %mul3A_103 = arith.constant 640 : i32
    %mul3A_104 = arith.muli %arg1, %mul3A_103 : i32
    %add3A_105 = arith.constant 0 : i32
    %add3A_106 = arith.addi %mul3A_104, %add3A_105 : i32
    "tpu.region"() ({
      %run_scoped3A = tpu.sem_alloc : memref<!tpu.dma_semaphore, #tpu.memory_space<semaphore_mem>>
      %dma_start3A_179 = arith.constant 0 : i32
      %dma_start3A_180 = arith.constant 0 : i32
      %dma_start3A_181 = tpu.memref_slice %arg8[%dma_start3A_179, %dma_start3A_180] : memref<128x128xf32, #tpu.memory_space<vmem>> -> memref<64x128xf32, #tpu.memory_space<vmem>>
      %dma_start3A_182 = arith.constant 0 : i32
      %dma_start3A_183 = tpu.memref_slice %arg5[%arg0, %add3A_106, %dma_start3A_182] : memref<2x10240x128xf32, #tpu.memory_space<hbm>> -> memref<1x64x128xf32, #tpu.memory_space<hbm>>
      %dma_start3A_184 = tpu.memref_squeeze %dma_start3A_183 : memref<1x64x128xf32, #tpu.memory_space<hbm>> -> memref<64x128xf32, #tpu.memory_space<hbm>>
      %dma_start3A_185 = arith.constant 0 : i32
      %dma_start3A_186 = tpu.memref_slice %arg5[%arg0, %add3A_106, %dma_start3A_185] : memref<2x10240x128xf32, #tpu.memory_space<hbm>> -> memref<1x64x128xf32, #tpu.memory_space<hbm>>
      %dma_start3A_187 = tpu.memref_squeeze %dma_start3A_186 : memref<1x64x128xf32, #tpu.memory_space<hbm>> -> memref<64x128xf32, #tpu.memory_space<hbm>>
      %dma_start3A_188 = arith.constant 0 : i32
      %dma_start3A_189 = arith.constant 0 : i32
      %dma_start3A_190 = tpu.memref_slice %arg8[%dma_start3A_188, %dma_start3A_189] : memref<128x128xf32, #tpu.memory_space<vmem>> -> memref<64x128xf32, #tpu.memory_space<vmem>>
      tpu.enqueue_dma source(%dma_start3A_190 : memref<64x128xf32, #tpu.memory_space<vmem>>) target(%dma_start3A_187 : memref<64x128xf32, #tpu.memory_space<hbm>>) target_semaphore(%run_scoped3A : memref<!tpu.dma_semaphore, #tpu.memory_space<semaphore_mem>>)
      %dma_wait3A_191 = arith.constant 0 : i32
      %dma_wait3A_192 = arith.constant 0 : i32
      %dma_wait3A_193 = tpu.memref_slice %arg8[%dma_wait3A_191, %dma_wait3A_192] : memref<128x128xf32, #tpu.memory_space<vmem>> -> memref<64x128xf32, #tpu.memory_space<vmem>>
      %dma_wait3A_194 = arith.constant 0 : i32
      %dma_wait3A_195 = tpu.memref_slice %arg5[%arg0, %add3A_106, %dma_wait3A_194] : memref<2x10240x128xf32, #tpu.memory_space<hbm>> -> memref<1x64x128xf32, #tpu.memory_space<hbm>>
      %dma_wait3A_196 = tpu.memref_squeeze %dma_wait3A_195 : memref<1x64x128xf32, #tpu.memory_space<hbm>> -> memref<64x128xf32, #tpu.memory_space<hbm>>
      %dma_wait3A_197 = arith.constant 0 : i32
      %dma_wait3A_198 = tpu.memref_slice %arg5[%arg0, %add3A_106, %dma_wait3A_197] : memref<2x10240x128xf32, #tpu.memory_space<hbm>> -> memref<1x64x128xf32, #tpu.memory_space<hbm>>
      %dma_wait3A_199 = tpu.memref_squeeze %dma_wait3A_198 : memref<1x64x128xf32, #tpu.memory_space<hbm>> -> memref<64x128xf32, #tpu.memory_space<hbm>>
      %dma_wait3A_200 = arith.constant 0 : i32
      %dma_wait3A_201 = arith.constant 0 : i32
      %dma_wait3A_202 = tpu.memref_slice %arg8[%dma_wait3A_200, %dma_wait3A_201] : memref<128x128xf32, #tpu.memory_space<vmem>> -> memref<64x128xf32, #tpu.memory_space<vmem>>
      tpu.wait_dma2 semaphore(%run_scoped3A : memref<!tpu.dma_semaphore, #tpu.memory_space<semaphore_mem>>) src(%dma_wait3A_202 : memref<64x128xf32, #tpu.memory_space<vmem>>) dst(%dma_wait3A_199 : memref<64x128xf32, #tpu.memory_space<hbm>>)
      tpu.yield
    }) : () -> ()
    %mul3A_107 = arith.constant 640 : i32
    %mul3A_108 = arith.muli %arg1, %mul3A_107 : i32
    %add3A_109 = arith.constant 64 : i32
    %add3A_110 = arith.addi %mul3A_108, %add3A_109 : i32
    "tpu.region"() ({
      %run_scoped3A = tpu.sem_alloc : memref<!tpu.dma_semaphore, #tpu.memory_space<semaphore_mem>>
      %dma_start3A_179 = arith.constant 0 : i32
      %dma_start3A_180 = arith.constant 0 : i32
      %dma_start3A_181 = tpu.memref_slice %arg8[%dma_start3A_179, %dma_start3A_180] : memref<128x128xf32, #tpu.memory_space<vmem>> -> memref<64x128xf32, #tpu.memory_space<vmem>>
      %dma_start3A_182 = arith.constant 0 : i32
      %dma_start3A_183 = tpu.memref_slice %arg10[%add3A_110, %dma_start3A_182] : memref<10240x128xf32, #tpu.memory_space<vmem_shared>> -> memref<64x128xf32, #tpu.memory_space<vmem_shared>>
      %dma_start3A_184 = arith.constant 0 : i32
      %dma_start3A_185 = arith.constant 0 : i32
      %dma_start3A_186 = tpu.memref_slice %arg8[%dma_start3A_184, %dma_start3A_185] : memref<128x128xf32, #tpu.memory_space<vmem>> -> memref<64x128xf32, #tpu.memory_space<vmem>>
      %dma_start3A_187 = arith.constant 0 : i32
      %dma_start3A_188 = tpu.memref_slice %arg10[%add3A_110, %dma_start3A_187] : memref<10240x128xf32, #tpu.memory_space<vmem_shared>> -> memref<64x128xf32, #tpu.memory_space<vmem_shared>>
      tpu.enqueue_dma source(%dma_start3A_188 : memref<64x128xf32, #tpu.memory_space<vmem_shared>>) target(%dma_start3A_186 : memref<64x128xf32, #tpu.memory_space<vmem>>) target_semaphore(%run_scoped3A : memref<!tpu.dma_semaphore, #tpu.memory_space<semaphore_mem>>)
      %dma_wait3A_189 = arith.constant 0 : i32
      %dma_wait3A_190 = arith.constant 0 : i32
      %dma_wait3A_191 = tpu.memref_slice %arg8[%dma_wait3A_189, %dma_wait3A_190] : memref<128x128xf32, #tpu.memory_space<vmem>> -> memref<64x128xf32, #tpu.memory_space<vmem>>
      %dma_wait3A_192 = arith.constant 0 : i32
      %dma_wait3A_193 = tpu.memref_slice %arg10[%add3A_110, %dma_wait3A_192] : memref<10240x128xf32, #tpu.memory_space<vmem_shared>> -> memref<64x128xf32, #tpu.memory_space<vmem_shared>>
      %dma_wait3A_194 = arith.constant 0 : i32
      %dma_wait3A_195 = arith.constant 0 : i32
      %dma_wait3A_196 = tpu.memref_slice %arg8[%dma_wait3A_194, %dma_wait3A_195] : memref<128x128xf32, #tpu.memory_space<vmem>> -> memref<64x128xf32, #tpu.memory_space<vmem>>
      %dma_wait3A_197 = arith.constant 0 : i32
      %dma_wait3A_198 = tpu.memref_slice %arg10[%add3A_110, %dma_wait3A_197] : memref<10240x128xf32, #tpu.memory_space<vmem_shared>> -> memref<64x128xf32, #tpu.memory_space<vmem_shared>>
      tpu.wait_dma2 semaphore(%run_scoped3A : memref<!tpu.dma_semaphore, #tpu.memory_space<semaphore_mem>>) src(%dma_wait3A_198 : memref<64x128xf32, #tpu.memory_space<vmem_shared>>) dst(%dma_wait3A_196 : memref<64x128xf32, #tpu.memory_space<vmem>>)
      tpu.yield
    }) : () -> ()
    %mul3A_111 = arith.constant 640 : i32
    %mul3A_112 = arith.muli %arg1, %mul3A_111 : i32
    %add3A_113 = arith.constant 64 : i32
    %add3A_114 = arith.addi %mul3A_112, %add3A_113 : i32
    "tpu.region"() ({
      %run_scoped3A = tpu.sem_alloc : memref<!tpu.dma_semaphore, #tpu.memory_space<semaphore_mem>>
      %dma_start3A_179 = arith.constant 0 : i32
      %dma_start3A_180 = arith.constant 0 : i32
      %dma_start3A_181 = tpu.memref_slice %arg8[%dma_start3A_179, %dma_start3A_180] : memref<128x128xf32, #tpu.memory_space<vmem>> -> memref<64x128xf32, #tpu.memory_space<vmem>>
      %dma_start3A_182 = arith.constant 0 : i32
      %dma_start3A_183 = tpu.memref_slice %arg5[%arg0, %add3A_114, %dma_start3A_182] : memref<2x10240x128xf32, #tpu.memory_space<hbm>> -> memref<1x64x128xf32, #tpu.memory_space<hbm>>
      %dma_start3A_184 = tpu.memref_squeeze %dma_start3A_183 : memref<1x64x128xf32, #tpu.memory_space<hbm>> -> memref<64x128xf32, #tpu.memory_space<hbm>>
      %dma_start3A_185 = arith.constant 0 : i32
      %dma_start3A_186 = tpu.memref_slice %arg5[%arg0, %add3A_114, %dma_start3A_185] : memref<2x10240x128xf32, #tpu.memory_space<hbm>> -> memref<1x64x128xf32, #tpu.memory_space<hbm>>
      %dma_start3A_187 = tpu.memref_squeeze %dma_start3A_186 : memref<1x64x128xf32, #tpu.memory_space<hbm>> -> memref<64x128xf32, #tpu.memory_space<hbm>>
      %dma_start3A_188 = arith.constant 0 : i32
      %dma_start3A_189 = arith.constant 0 : i32
      %dma_start3A_190 = tpu.memref_slice %arg8[%dma_start3A_188, %dma_start3A_189] : memref<128x128xf32, #tpu.memory_space<vmem>> -> memref<64x128xf32, #tpu.memory_space<vmem>>
      tpu.enqueue_dma source(%dma_start3A_190 : memref<64x128xf32, #tpu.memory_space<vmem>>) target(%dma_start3A_187 : memref<64x128xf32, #tpu.memory_space<hbm>>) target_semaphore(%run_scoped3A : memref<!tpu.dma_semaphore, #tpu.memory_space<semaphore_mem>>)
      %dma_wait3A_191 = arith.constant 0 : i32
      %dma_wait3A_192 = arith.constant 0 : i32
      %dma_wait3A_193 = tpu.memref_slice %arg8[%dma_wait3A_191, %dma_wait3A_192] : memref<128x128xf32, #tpu.memory_space<vmem>> -> memref<64x128xf32, #tpu.memory_space<vmem>>
      %dma_wait3A_194 = arith.constant 0 : i32
      %dma_wait3A_195 = tpu.memref_slice %arg5[%arg0, %add3A_114, %dma_wait3A_194] : memref<2x10240x128xf32, #tpu.memory_space<hbm>> -> memref<1x64x128xf32, #tpu.memory_space<hbm>>
      %dma_wait3A_196 = tpu.memref_squeeze %dma_wait3A_195 : memref<1x64x128xf32, #tpu.memory_space<hbm>> -> memref<64x128xf32, #tpu.memory_space<hbm>>
      %dma_wait3A_197 = arith.constant 0 : i32
      %dma_wait3A_198 = tpu.memref_slice %arg5[%arg0, %add3A_114, %dma_wait3A_197] : memref<2x10240x128xf32, #tpu.memory_space<hbm>> -> memref<1x64x128xf32, #tpu.memory_space<hbm>>
      %dma_wait3A_199 = tpu.memref_squeeze %dma_wait3A_198 : memref<1x64x128xf32, #tpu.memory_space<hbm>> -> memref<64x128xf32, #tpu.memory_space<hbm>>
      %dma_wait3A_200 = arith.constant 0 : i32
      %dma_wait3A_201 = arith.constant 0 : i32
      %dma_wait3A_202 = tpu.memref_slice %arg8[%dma_wait3A_200, %dma_wait3A_201] : memref<128x128xf32, #tpu.memory_space<vmem>> -> memref<64x128xf32, #tpu.memory_space<vmem>>
      tpu.wait_dma2 semaphore(%run_scoped3A : memref<!tpu.dma_semaphore, #tpu.memory_space<semaphore_mem>>) src(%dma_wait3A_202 : memref<64x128xf32, #tpu.memory_space<vmem>>) dst(%dma_wait3A_199 : memref<64x128xf32, #tpu.memory_space<hbm>>)
      tpu.yield
    }) : () -> ()
    %mul3A_115 = arith.constant 640 : i32
    %mul3A_116 = arith.muli %arg1, %mul3A_115 : i32
    %add3A_117 = arith.constant 128 : i32
    %add3A_118 = arith.addi %mul3A_116, %add3A_117 : i32
    "tpu.region"() ({
      %run_scoped3A = tpu.sem_alloc : memref<!tpu.dma_semaphore, #tpu.memory_space<semaphore_mem>>
      %dma_start3A_179 = arith.constant 0 : i32
      %dma_start3A_180 = arith.constant 0 : i32
      %dma_start3A_181 = tpu.memref_slice %arg8[%dma_start3A_179, %dma_start3A_180] : memref<128x128xf32, #tpu.memory_space<vmem>> -> memref<64x128xf32, #tpu.memory_space<vmem>>
      %dma_start3A_182 = arith.constant 0 : i32
      %dma_start3A_183 = tpu.memref_slice %arg10[%add3A_118, %dma_start3A_182] : memref<10240x128xf32, #tpu.memory_space<vmem_shared>> -> memref<64x128xf32, #tpu.memory_space<vmem_shared>>
      %dma_start3A_184 = arith.constant 0 : i32
      %dma_start3A_185 = arith.constant 0 : i32
      %dma_start3A_186 = tpu.memref_slice %arg8[%dma_start3A_184, %dma_start3A_185] : memref<128x128xf32, #tpu.memory_space<vmem>> -> memref<64x128xf32, #tpu.memory_space<vmem>>
      %dma_start3A_187 = arith.constant 0 : i32
      %dma_start3A_188 = tpu.memref_slice %arg10[%add3A_118, %dma_start3A_187] : memref<10240x128xf32, #tpu.memory_space<vmem_shared>> -> memref<64x128xf32, #tpu.memory_space<vmem_shared>>
      tpu.enqueue_dma source(%dma_start3A_188 : memref<64x128xf32, #tpu.memory_space<vmem_shared>>) target(%dma_start3A_186 : memref<64x128xf32, #tpu.memory_space<vmem>>) target_semaphore(%run_scoped3A : memref<!tpu.dma_semaphore, #tpu.memory_space<semaphore_mem>>)
      %dma_wait3A_189 = arith.constant 0 : i32
      %dma_wait3A_190 = arith.constant 0 : i32
      %dma_wait3A_191 = tpu.memref_slice %arg8[%dma_wait3A_189, %dma_wait3A_190] : memref<128x128xf32, #tpu.memory_space<vmem>> -> memref<64x128xf32, #tpu.memory_space<vmem>>
      %dma_wait3A_192 = arith.constant 0 : i32
      %dma_wait3A_193 = tpu.memref_slice %arg10[%add3A_118, %dma_wait3A_192] : memref<10240x128xf32, #tpu.memory_space<vmem_shared>> -> memref<64x128xf32, #tpu.memory_space<vmem_shared>>
      %dma_wait3A_194 = arith.constant 0 : i32
      %dma_wait3A_195 = arith.constant 0 : i32
      %dma_wait3A_196 = tpu.memref_slice %arg8[%dma_wait3A_194, %dma_wait3A_195] : memref<128x128xf32, #tpu.memory_space<vmem>> -> memref<64x128xf32, #tpu.memory_space<vmem>>
      %dma_wait3A_197 = arith.constant 0 : i32
      %dma_wait3A_198 = tpu.memref_slice %arg10[%add3A_118, %dma_wait3A_197] : memref<10240x128xf32, #tpu.memory_space<vmem_shared>> -> memref<64x128xf32, #tpu.memory_space<vmem_shared>>
      tpu.wait_dma2 semaphore(%run_scoped3A : memref<!tpu.dma_semaphore, #tpu.memory_space<semaphore_mem>>) src(%dma_wait3A_198 : memref<64x128xf32, #tpu.memory_space<vmem_shared>>) dst(%dma_wait3A_196 : memref<64x128xf32, #tpu.memory_space<vmem>>)
      tpu.yield
    }) : () -> ()
    %mul3A_119 = arith.constant 640 : i32
    %mul3A_120 = arith.muli %arg1, %mul3A_119 : i32
    %add3A_121 = arith.constant 128 : i32
    %add3A_122 = arith.addi %mul3A_120, %add3A_121 : i32
    "tpu.region"() ({
      %run_scoped3A = tpu.sem_alloc : memref<!tpu.dma_semaphore, #tpu.memory_space<semaphore_mem>>
      %dma_start3A_179 = arith.constant 0 : i32
      %dma_start3A_180 = arith.constant 0 : i32
      %dma_start3A_181 = tpu.memref_slice %arg8[%dma_start3A_179, %dma_start3A_180] : memref<128x128xf32, #tpu.memory_space<vmem>> -> memref<64x128xf32, #tpu.memory_space<vmem>>
      %dma_start3A_182 = arith.constant 0 : i32
      %dma_start3A_183 = tpu.memref_slice %arg5[%arg0, %add3A_122, %dma_start3A_182] : memref<2x10240x128xf32, #tpu.memory_space<hbm>> -> memref<1x64x128xf32, #tpu.memory_space<hbm>>
      %dma_start3A_184 = tpu.memref_squeeze %dma_start3A_183 : memref<1x64x128xf32, #tpu.memory_space<hbm>> -> memref<64x128xf32, #tpu.memory_space<hbm>>
      %dma_start3A_185 = arith.constant 0 : i32
      %dma_start3A_186 = tpu.memref_slice %arg5[%arg0, %add3A_122, %dma_start3A_185] : memref<2x10240x128xf32, #tpu.memory_space<hbm>> -> memref<1x64x128xf32, #tpu.memory_space<hbm>>
      %dma_start3A_187 = tpu.memref_squeeze %dma_start3A_186 : memref<1x64x128xf32, #tpu.memory_space<hbm>> -> memref<64x128xf32, #tpu.memory_space<hbm>>
      %dma_start3A_188 = arith.constant 0 : i32
      %dma_start3A_189 = arith.constant 0 : i32
      %dma_start3A_190 = tpu.memref_slice %arg8[%dma_start3A_188, %dma_start3A_189] : memref<128x128xf32, #tpu.memory_space<vmem>> -> memref<64x128xf32, #tpu.memory_space<vmem>>
      tpu.enqueue_dma source(%dma_start3A_190 : memref<64x128xf32, #tpu.memory_space<vmem>>) target(%dma_start3A_187 : memref<64x128xf32, #tpu.memory_space<hbm>>) target_semaphore(%run_scoped3A : memref<!tpu.dma_semaphore, #tpu.memory_space<semaphore_mem>>)
      %dma_wait3A_191 = arith.constant 0 : i32
      %dma_wait3A_192 = arith.constant 0 : i32
      %dma_wait3A_193 = tpu.memref_slice %arg8[%dma_wait3A_191, %dma_wait3A_192] : memref<128x128xf32, #tpu.memory_space<vmem>> -> memref<64x128xf32, #tpu.memory_space<vmem>>
      %dma_wait3A_194 = arith.constant 0 : i32
      %dma_wait3A_195 = tpu.memref_slice %arg5[%arg0, %add3A_122, %dma_wait3A_194] : memref<2x10240x128xf32, #tpu.memory_space<hbm>> -> memref<1x64x128xf32, #tpu.memory_space<hbm>>
      %dma_wait3A_196 = tpu.memref_squeeze %dma_wait3A_195 : memref<1x64x128xf32, #tpu.memory_space<hbm>> -> memref<64x128xf32, #tpu.memory_space<hbm>>
      %dma_wait3A_197 = arith.constant 0 : i32
      %dma_wait3A_198 = tpu.memref_slice %arg5[%arg0, %add3A_122, %dma_wait3A_197] : memref<2x10240x128xf32, #tpu.memory_space<hbm>> -> memref<1x64x128xf32, #tpu.memory_space<hbm>>
      %dma_wait3A_199 = tpu.memref_squeeze %dma_wait3A_198 : memref<1x64x128xf32, #tpu.memory_space<hbm>> -> memref<64x128xf32, #tpu.memory_space<hbm>>
      %dma_wait3A_200 = arith.constant 0 : i32
      %dma_wait3A_201 = arith.constant 0 : i32
      %dma_wait3A_202 = tpu.memref_slice %arg8[%dma_wait3A_200, %dma_wait3A_201] : memref<128x128xf32, #tpu.memory_space<vmem>> -> memref<64x128xf32, #tpu.memory_space<vmem>>
      tpu.wait_dma2 semaphore(%run_scoped3A : memref<!tpu.dma_semaphore, #tpu.memory_space<semaphore_mem>>) src(%dma_wait3A_202 : memref<64x128xf32, #tpu.memory_space<vmem>>) dst(%dma_wait3A_199 : memref<64x128xf32, #tpu.memory_space<hbm>>)
      tpu.yield
    }) : () -> ()
    %mul3A_123 = arith.constant 640 : i32
    %mul3A_124 = arith.muli %arg1, %mul3A_123 : i32
    %add3A_125 = arith.constant 192 : i32
    %add3A_126 = arith.addi %mul3A_124, %add3A_125 : i32
    "tpu.region"() ({
      %run_scoped3A = tpu.sem_alloc : memref<!tpu.dma_semaphore, #tpu.memory_space<semaphore_mem>>
      %dma_start3A_179 = arith.constant 0 : i32
      %dma_start3A_180 = arith.constant 0 : i32
      %dma_start3A_181 = tpu.memref_slice %arg8[%dma_start3A_179, %dma_start3A_180] : memref<128x128xf32, #tpu.memory_space<vmem>> -> memref<64x128xf32, #tpu.memory_space<vmem>>
      %dma_start3A_182 = arith.constant 0 : i32
      %dma_start3A_183 = tpu.memref_slice %arg10[%add3A_126, %dma_start3A_182] : memref<10240x128xf32, #tpu.memory_space<vmem_shared>> -> memref<64x128xf32, #tpu.memory_space<vmem_shared>>
      %dma_start3A_184 = arith.constant 0 : i32
      %dma_start3A_185 = arith.constant 0 : i32
      %dma_start3A_186 = tpu.memref_slice %arg8[%dma_start3A_184, %dma_start3A_185] : memref<128x128xf32, #tpu.memory_space<vmem>> -> memref<64x128xf32, #tpu.memory_space<vmem>>
      %dma_start3A_187 = arith.constant 0 : i32
      %dma_start3A_188 = tpu.memref_slice %arg10[%add3A_126, %dma_start3A_187] : memref<10240x128xf32, #tpu.memory_space<vmem_shared>> -> memref<64x128xf32, #tpu.memory_space<vmem_shared>>
      tpu.enqueue_dma source(%dma_start3A_188 : memref<64x128xf32, #tpu.memory_space<vmem_shared>>) target(%dma_start3A_186 : memref<64x128xf32, #tpu.memory_space<vmem>>) target_semaphore(%run_scoped3A : memref<!tpu.dma_semaphore, #tpu.memory_space<semaphore_mem>>)
      %dma_wait3A_189 = arith.constant 0 : i32
      %dma_wait3A_190 = arith.constant 0 : i32
      %dma_wait3A_191 = tpu.memref_slice %arg8[%dma_wait3A_189, %dma_wait3A_190] : memref<128x128xf32, #tpu.memory_space<vmem>> -> memref<64x128xf32, #tpu.memory_space<vmem>>
      %dma_wait3A_192 = arith.constant 0 : i32
      %dma_wait3A_193 = tpu.memref_slice %arg10[%add3A_126, %dma_wait3A_192] : memref<10240x128xf32, #tpu.memory_space<vmem_shared>> -> memref<64x128xf32, #tpu.memory_space<vmem_shared>>
      %dma_wait3A_194 = arith.constant 0 : i32
      %dma_wait3A_195 = arith.constant 0 : i32
      %dma_wait3A_196 = tpu.memref_slice %arg8[%dma_wait3A_194, %dma_wait3A_195] : memref<128x128xf32, #tpu.memory_space<vmem>> -> memref<64x128xf32, #tpu.memory_space<vmem>>
      %dma_wait3A_197 = arith.constant 0 : i32
      %dma_wait3A_198 = tpu.memref_slice %arg10[%add3A_126, %dma_wait3A_197] : memref<10240x128xf32, #tpu.memory_space<vmem_shared>> -> memref<64x128xf32, #tpu.memory_space<vmem_shared>>
      tpu.wait_dma2 semaphore(%run_scoped3A : memref<!tpu.dma_semaphore, #tpu.memory_space<semaphore_mem>>) src(%dma_wait3A_198 : memref<64x128xf32, #tpu.memory_space<vmem_shared>>) dst(%dma_wait3A_196 : memref<64x128xf32, #tpu.memory_space<vmem>>)
      tpu.yield
    }) : () -> ()
    %mul3A_127 = arith.constant 640 : i32
    %mul3A_128 = arith.muli %arg1, %mul3A_127 : i32
    %add3A_129 = arith.constant 192 : i32
    %add3A_130 = arith.addi %mul3A_128, %add3A_129 : i32
    "tpu.region"() ({
      %run_scoped3A = tpu.sem_alloc : memref<!tpu.dma_semaphore, #tpu.memory_space<semaphore_mem>>
      %dma_start3A_179 = arith.constant 0 : i32
      %dma_start3A_180 = arith.constant 0 : i32
      %dma_start3A_181 = tpu.memref_slice %arg8[%dma_start3A_179, %dma_start3A_180] : memref<128x128xf32, #tpu.memory_space<vmem>> -> memref<64x128xf32, #tpu.memory_space<vmem>>
      %dma_start3A_182 = arith.constant 0 : i32
      %dma_start3A_183 = tpu.memref_slice %arg5[%arg0, %add3A_130, %dma_start3A_182] : memref<2x10240x128xf32, #tpu.memory_space<hbm>> -> memref<1x64x128xf32, #tpu.memory_space<hbm>>
      %dma_start3A_184 = tpu.memref_squeeze %dma_start3A_183 : memref<1x64x128xf32, #tpu.memory_space<hbm>> -> memref<64x128xf32, #tpu.memory_space<hbm>>
      %dma_start3A_185 = arith.constant 0 : i32
      %dma_start3A_186 = tpu.memref_slice %arg5[%arg0, %add3A_130, %dma_start3A_185] : memref<2x10240x128xf32, #tpu.memory_space<hbm>> -> memref<1x64x128xf32, #tpu.memory_space<hbm>>
      %dma_start3A_187 = tpu.memref_squeeze %dma_start3A_186 : memref<1x64x128xf32, #tpu.memory_space<hbm>> -> memref<64x128xf32, #tpu.memory_space<hbm>>
      %dma_start3A_188 = arith.constant 0 : i32
      %dma_start3A_189 = arith.constant 0 : i32
      %dma_start3A_190 = tpu.memref_slice %arg8[%dma_start3A_188, %dma_start3A_189] : memref<128x128xf32, #tpu.memory_space<vmem>> -> memref<64x128xf32, #tpu.memory_space<vmem>>
      tpu.enqueue_dma source(%dma_start3A_190 : memref<64x128xf32, #tpu.memory_space<vmem>>) target(%dma_start3A_187 : memref<64x128xf32, #tpu.memory_space<hbm>>) target_semaphore(%run_scoped3A : memref<!tpu.dma_semaphore, #tpu.memory_space<semaphore_mem>>)
      %dma_wait3A_191 = arith.constant 0 : i32
      %dma_wait3A_192 = arith.constant 0 : i32
      %dma_wait3A_193 = tpu.memref_slice %arg8[%dma_wait3A_191, %dma_wait3A_192] : memref<128x128xf32, #tpu.memory_space<vmem>> -> memref<64x128xf32, #tpu.memory_space<vmem>>
      %dma_wait3A_194 = arith.constant 0 : i32
      %dma_wait3A_195 = tpu.memref_slice %arg5[%arg0, %add3A_130, %dma_wait3A_194] : memref<2x10240x128xf32, #tpu.memory_space<hbm>> -> memref<1x64x128xf32, #tpu.memory_space<hbm>>
      %dma_wait3A_196 = tpu.memref_squeeze %dma_wait3A_195 : memref<1x64x128xf32, #tpu.memory_space<hbm>> -> memref<64x128xf32, #tpu.memory_space<hbm>>
      %dma_wait3A_197 = arith.constant 0 : i32
      %dma_wait3A_198 = tpu.memref_slice %arg5[%arg0, %add3A_130, %dma_wait3A_197] : memref<2x10240x128xf32, #tpu.memory_space<hbm>> -> memref<1x64x128xf32, #tpu.memory_space<hbm>>
      %dma_wait3A_199 = tpu.memref_squeeze %dma_wait3A_198 : memref<1x64x128xf32, #tpu.memory_space<hbm>> -> memref<64x128xf32, #tpu.memory_space<hbm>>
      %dma_wait3A_200 = arith.constant 0 : i32
      %dma_wait3A_201 = arith.constant 0 : i32
      %dma_wait3A_202 = tpu.memref_slice %arg8[%dma_wait3A_200, %dma_wait3A_201] : memref<128x128xf32, #tpu.memory_space<vmem>> -> memref<64x128xf32, #tpu.memory_space<vmem>>
      tpu.wait_dma2 semaphore(%run_scoped3A : memref<!tpu.dma_semaphore, #tpu.memory_space<semaphore_mem>>) src(%dma_wait3A_202 : memref<64x128xf32, #tpu.memory_space<vmem>>) dst(%dma_wait3A_199 : memref<64x128xf32, #tpu.memory_space<hbm>>)
      tpu.yield
    }) : () -> ()
    %mul3A_131 = arith.constant 640 : i32
    %mul3A_132 = arith.muli %arg1, %mul3A_131 : i32
    %add3A_133 = arith.constant 256 : i32
    %add3A_134 = arith.addi %mul3A_132, %add3A_133 : i32
    "tpu.region"() ({
      %run_scoped3A = tpu.sem_alloc : memref<!tpu.dma_semaphore, #tpu.memory_space<semaphore_mem>>
      %dma_start3A_179 = arith.constant 0 : i32
      %dma_start3A_180 = arith.constant 0 : i32
      %dma_start3A_181 = tpu.memref_slice %arg8[%dma_start3A_179, %dma_start3A_180] : memref<128x128xf32, #tpu.memory_space<vmem>> -> memref<64x128xf32, #tpu.memory_space<vmem>>
      %dma_start3A_182 = arith.constant 0 : i32
      %dma_start3A_183 = tpu.memref_slice %arg10[%add3A_134, %dma_start3A_182] : memref<10240x128xf32, #tpu.memory_space<vmem_shared>> -> memref<64x128xf32, #tpu.memory_space<vmem_shared>>
      %dma_start3A_184 = arith.constant 0 : i32
      %dma_start3A_185 = arith.constant 0 : i32
      %dma_start3A_186 = tpu.memref_slice %arg8[%dma_start3A_184, %dma_start3A_185] : memref<128x128xf32, #tpu.memory_space<vmem>> -> memref<64x128xf32, #tpu.memory_space<vmem>>
      %dma_start3A_187 = arith.constant 0 : i32
      %dma_start3A_188 = tpu.memref_slice %arg10[%add3A_134, %dma_start3A_187] : memref<10240x128xf32, #tpu.memory_space<vmem_shared>> -> memref<64x128xf32, #tpu.memory_space<vmem_shared>>
      tpu.enqueue_dma source(%dma_start3A_188 : memref<64x128xf32, #tpu.memory_space<vmem_shared>>) target(%dma_start3A_186 : memref<64x128xf32, #tpu.memory_space<vmem>>) target_semaphore(%run_scoped3A : memref<!tpu.dma_semaphore, #tpu.memory_space<semaphore_mem>>)
      %dma_wait3A_189 = arith.constant 0 : i32
      %dma_wait3A_190 = arith.constant 0 : i32
      %dma_wait3A_191 = tpu.memref_slice %arg8[%dma_wait3A_189, %dma_wait3A_190] : memref<128x128xf32, #tpu.memory_space<vmem>> -> memref<64x128xf32, #tpu.memory_space<vmem>>
      %dma_wait3A_192 = arith.constant 0 : i32
      %dma_wait3A_193 = tpu.memref_slice %arg10[%add3A_134, %dma_wait3A_192] : memref<10240x128xf32, #tpu.memory_space<vmem_shared>> -> memref<64x128xf32, #tpu.memory_space<vmem_shared>>
      %dma_wait3A_194 = arith.constant 0 : i32
      %dma_wait3A_195 = arith.constant 0 : i32
      %dma_wait3A_196 = tpu.memref_slice %arg8[%dma_wait3A_194, %dma_wait3A_195] : memref<128x128xf32, #tpu.memory_space<vmem>> -> memref<64x128xf32, #tpu.memory_space<vmem>>
      %dma_wait3A_197 = arith.constant 0 : i32
      %dma_wait3A_198 = tpu.memref_slice %arg10[%add3A_134, %dma_wait3A_197] : memref<10240x128xf32, #tpu.memory_space<vmem_shared>> -> memref<64x128xf32, #tpu.memory_space<vmem_shared>>
      tpu.wait_dma2 semaphore(%run_scoped3A : memref<!tpu.dma_semaphore, #tpu.memory_space<semaphore_mem>>) src(%dma_wait3A_198 : memref<64x128xf32, #tpu.memory_space<vmem_shared>>) dst(%dma_wait3A_196 : memref<64x128xf32, #tpu.memory_space<vmem>>)
      tpu.yield
    }) : () -> ()
    %mul3A_135 = arith.constant 640 : i32
    %mul3A_136 = arith.muli %arg1, %mul3A_135 : i32
    %add3A_137 = arith.constant 256 : i32
    %add3A_138 = arith.addi %mul3A_136, %add3A_137 : i32
    "tpu.region"() ({
      %run_scoped3A = tpu.sem_alloc : memref<!tpu.dma_semaphore, #tpu.memory_space<semaphore_mem>>
      %dma_start3A_179 = arith.constant 0 : i32
      %dma_start3A_180 = arith.constant 0 : i32
      %dma_start3A_181 = tpu.memref_slice %arg8[%dma_start3A_179, %dma_start3A_180] : memref<128x128xf32, #tpu.memory_space<vmem>> -> memref<64x128xf32, #tpu.memory_space<vmem>>
      %dma_start3A_182 = arith.constant 0 : i32
      %dma_start3A_183 = tpu.memref_slice %arg5[%arg0, %add3A_138, %dma_start3A_182] : memref<2x10240x128xf32, #tpu.memory_space<hbm>> -> memref<1x64x128xf32, #tpu.memory_space<hbm>>
      %dma_start3A_184 = tpu.memref_squeeze %dma_start3A_183 : memref<1x64x128xf32, #tpu.memory_space<hbm>> -> memref<64x128xf32, #tpu.memory_space<hbm>>
      %dma_start3A_185 = arith.constant 0 : i32
      %dma_start3A_186 = tpu.memref_slice %arg5[%arg0, %add3A_138, %dma_start3A_185] : memref<2x10240x128xf32, #tpu.memory_space<hbm>> -> memref<1x64x128xf32, #tpu.memory_space<hbm>>
      %dma_start3A_187 = tpu.memref_squeeze %dma_start3A_186 : memref<1x64x128xf32, #tpu.memory_space<hbm>> -> memref<64x128xf32, #tpu.memory_space<hbm>>
      %dma_start3A_188 = arith.constant 0 : i32
      %dma_start3A_189 = arith.constant 0 : i32
      %dma_start3A_190 = tpu.memref_slice %arg8[%dma_start3A_188, %dma_start3A_189] : memref<128x128xf32, #tpu.memory_space<vmem>> -> memref<64x128xf32, #tpu.memory_space<vmem>>
      tpu.enqueue_dma source(%dma_start3A_190 : memref<64x128xf32, #tpu.memory_space<vmem>>) target(%dma_start3A_187 : memref<64x128xf32, #tpu.memory_space<hbm>>) target_semaphore(%run_scoped3A : memref<!tpu.dma_semaphore, #tpu.memory_space<semaphore_mem>>)
      %dma_wait3A_191 = arith.constant 0 : i32
      %dma_wait3A_192 = arith.constant 0 : i32
      %dma_wait3A_193 = tpu.memref_slice %arg8[%dma_wait3A_191, %dma_wait3A_192] : memref<128x128xf32, #tpu.memory_space<vmem>> -> memref<64x128xf32, #tpu.memory_space<vmem>>
      %dma_wait3A_194 = arith.constant 0 : i32
      %dma_wait3A_195 = tpu.memref_slice %arg5[%arg0, %add3A_138, %dma_wait3A_194] : memref<2x10240x128xf32, #tpu.memory_space<hbm>> -> memref<1x64x128xf32, #tpu.memory_space<hbm>>
      %dma_wait3A_196 = tpu.memref_squeeze %dma_wait3A_195 : memref<1x64x128xf32, #tpu.memory_space<hbm>> -> memref<64x128xf32, #tpu.memory_space<hbm>>
      %dma_wait3A_197 = arith.constant 0 : i32
      %dma_wait3A_198 = tpu.memref_slice %arg5[%arg0, %add3A_138, %dma_wait3A_197] : memref<2x10240x128xf32, #tpu.memory_space<hbm>> -> memref<1x64x128xf32, #tpu.memory_space<hbm>>
      %dma_wait3A_199 = tpu.memref_squeeze %dma_wait3A_198 : memref<1x64x128xf32, #tpu.memory_space<hbm>> -> memref<64x128xf32, #tpu.memory_space<hbm>>
      %dma_wait3A_200 = arith.constant 0 : i32
      %dma_wait3A_201 = arith.constant 0 : i32
      %dma_wait3A_202 = tpu.memref_slice %arg8[%dma_wait3A_200, %dma_wait3A_201] : memref<128x128xf32, #tpu.memory_space<vmem>> -> memref<64x128xf32, #tpu.memory_space<vmem>>
      tpu.wait_dma2 semaphore(%run_scoped3A : memref<!tpu.dma_semaphore, #tpu.memory_space<semaphore_mem>>) src(%dma_wait3A_202 : memref<64x128xf32, #tpu.memory_space<vmem>>) dst(%dma_wait3A_199 : memref<64x128xf32, #tpu.memory_space<hbm>>)
      tpu.yield
    }) : () -> ()
    %mul3A_139 = arith.constant 640 : i32
    %mul3A_140 = arith.muli %arg1, %mul3A_139 : i32
    %add3A_141 = arith.constant 320 : i32
    %add3A_142 = arith.addi %mul3A_140, %add3A_141 : i32
    "tpu.region"() ({
      %run_scoped3A = tpu.sem_alloc : memref<!tpu.dma_semaphore, #tpu.memory_space<semaphore_mem>>
      %dma_start3A_179 = arith.constant 0 : i32
      %dma_start3A_180 = arith.constant 0 : i32
      %dma_start3A_181 = tpu.memref_slice %arg8[%dma_start3A_179, %dma_start3A_180] : memref<128x128xf32, #tpu.memory_space<vmem>> -> memref<64x128xf32, #tpu.memory_space<vmem>>
      %dma_start3A_182 = arith.constant 0 : i32
      %dma_start3A_183 = tpu.memref_slice %arg10[%add3A_142, %dma_start3A_182] : memref<10240x128xf32, #tpu.memory_space<vmem_shared>> -> memref<64x128xf32, #tpu.memory_space<vmem_shared>>
      %dma_start3A_184 = arith.constant 0 : i32
      %dma_start3A_185 = arith.constant 0 : i32
      %dma_start3A_186 = tpu.memref_slice %arg8[%dma_start3A_184, %dma_start3A_185] : memref<128x128xf32, #tpu.memory_space<vmem>> -> memref<64x128xf32, #tpu.memory_space<vmem>>
      %dma_start3A_187 = arith.constant 0 : i32
      %dma_start3A_188 = tpu.memref_slice %arg10[%add3A_142, %dma_start3A_187] : memref<10240x128xf32, #tpu.memory_space<vmem_shared>> -> memref<64x128xf32, #tpu.memory_space<vmem_shared>>
      tpu.enqueue_dma source(%dma_start3A_188 : memref<64x128xf32, #tpu.memory_space<vmem_shared>>) target(%dma_start3A_186 : memref<64x128xf32, #tpu.memory_space<vmem>>) target_semaphore(%run_scoped3A : memref<!tpu.dma_semaphore, #tpu.memory_space<semaphore_mem>>)
      %dma_wait3A_189 = arith.constant 0 : i32
      %dma_wait3A_190 = arith.constant 0 : i32
      %dma_wait3A_191 = tpu.memref_slice %arg8[%dma_wait3A_189, %dma_wait3A_190] : memref<128x128xf32, #tpu.memory_space<vmem>> -> memref<64x128xf32, #tpu.memory_space<vmem>>
      %dma_wait3A_192 = arith.constant 0 : i32
      %dma_wait3A_193 = tpu.memref_slice %arg10[%add3A_142, %dma_wait3A_192] : memref<10240x128xf32, #tpu.memory_space<vmem_shared>> -> memref<64x128xf32, #tpu.memory_space<vmem_shared>>
      %dma_wait3A_194 = arith.constant 0 : i32
      %dma_wait3A_195 = arith.constant 0 : i32
      %dma_wait3A_196 = tpu.memref_slice %arg8[%dma_wait3A_194, %dma_wait3A_195] : memref<128x128xf32, #tpu.memory_space<vmem>> -> memref<64x128xf32, #tpu.memory_space<vmem>>
      %dma_wait3A_197 = arith.constant 0 : i32
      %dma_wait3A_198 = tpu.memref_slice %arg10[%add3A_142, %dma_wait3A_197] : memref<10240x128xf32, #tpu.memory_space<vmem_shared>> -> memref<64x128xf32, #tpu.memory_space<vmem_shared>>
      tpu.wait_dma2 semaphore(%run_scoped3A : memref<!tpu.dma_semaphore, #tpu.memory_space<semaphore_mem>>) src(%dma_wait3A_198 : memref<64x128xf32, #tpu.memory_space<vmem_shared>>) dst(%dma_wait3A_196 : memref<64x128xf32, #tpu.memory_space<vmem>>)
      tpu.yield
    }) : () -> ()
    %mul3A_143 = arith.constant 640 : i32
    %mul3A_144 = arith.muli %arg1, %mul3A_143 : i32
    %add3A_145 = arith.constant 320 : i32
    %add3A_146 = arith.addi %mul3A_144, %add3A_145 : i32
    "tpu.region"() ({
      %run_scoped3A = tpu.sem_alloc : memref<!tpu.dma_semaphore, #tpu.memory_space<semaphore_mem>>
      %dma_start3A_179 = arith.constant 0 : i32
      %dma_start3A_180 = arith.constant 0 : i32
      %dma_start3A_181 = tpu.memref_slice %arg8[%dma_start3A_179, %dma_start3A_180] : memref<128x128xf32, #tpu.memory_space<vmem>> -> memref<64x128xf32, #tpu.memory_space<vmem>>
      %dma_start3A_182 = arith.constant 0 : i32
      %dma_start3A_183 = tpu.memref_slice %arg5[%arg0, %add3A_146, %dma_start3A_182] : memref<2x10240x128xf32, #tpu.memory_space<hbm>> -> memref<1x64x128xf32, #tpu.memory_space<hbm>>
      %dma_start3A_184 = tpu.memref_squeeze %dma_start3A_183 : memref<1x64x128xf32, #tpu.memory_space<hbm>> -> memref<64x128xf32, #tpu.memory_space<hbm>>
      %dma_start3A_185 = arith.constant 0 : i32
      %dma_start3A_186 = tpu.memref_slice %arg5[%arg0, %add3A_146, %dma_start3A_185] : memref<2x10240x128xf32, #tpu.memory_space<hbm>> -> memref<1x64x128xf32, #tpu.memory_space<hbm>>
      %dma_start3A_187 = tpu.memref_squeeze %dma_start3A_186 : memref<1x64x128xf32, #tpu.memory_space<hbm>> -> memref<64x128xf32, #tpu.memory_space<hbm>>
      %dma_start3A_188 = arith.constant 0 : i32
      %dma_start3A_189 = arith.constant 0 : i32
      %dma_start3A_190 = tpu.memref_slice %arg8[%dma_start3A_188, %dma_start3A_189] : memref<128x128xf32, #tpu.memory_space<vmem>> -> memref<64x128xf32, #tpu.memory_space<vmem>>
      tpu.enqueue_dma source(%dma_start3A_190 : memref<64x128xf32, #tpu.memory_space<vmem>>) target(%dma_start3A_187 : memref<64x128xf32, #tpu.memory_space<hbm>>) target_semaphore(%run_scoped3A : memref<!tpu.dma_semaphore, #tpu.memory_space<semaphore_mem>>)
      %dma_wait3A_191 = arith.constant 0 : i32
      %dma_wait3A_192 = arith.constant 0 : i32
      %dma_wait3A_193 = tpu.memref_slice %arg8[%dma_wait3A_191, %dma_wait3A_192] : memref<128x128xf32, #tpu.memory_space<vmem>> -> memref<64x128xf32, #tpu.memory_space<vmem>>
      %dma_wait3A_194 = arith.constant 0 : i32
      %dma_wait3A_195 = tpu.memref_slice %arg5[%arg0, %add3A_146, %dma_wait3A_194] : memref<2x10240x128xf32, #tpu.memory_space<hbm>> -> memref<1x64x128xf32, #tpu.memory_space<hbm>>
      %dma_wait3A_196 = tpu.memref_squeeze %dma_wait3A_195 : memref<1x64x128xf32, #tpu.memory_space<hbm>> -> memref<64x128xf32, #tpu.memory_space<hbm>>
      %dma_wait3A_197 = arith.constant 0 : i32
      %dma_wait3A_198 = tpu.memref_slice %arg5[%arg0, %add3A_146, %dma_wait3A_197] : memref<2x10240x128xf32, #tpu.memory_space<hbm>> -> memref<1x64x128xf32, #tpu.memory_space<hbm>>
      %dma_wait3A_199 = tpu.memref_squeeze %dma_wait3A_198 : memref<1x64x128xf32, #tpu.memory_space<hbm>> -> memref<64x128xf32, #tpu.memory_space<hbm>>
      %dma_wait3A_200 = arith.constant 0 : i32
      %dma_wait3A_201 = arith.constant 0 : i32
      %dma_wait3A_202 = tpu.memref_slice %arg8[%dma_wait3A_200, %dma_wait3A_201] : memref<128x128xf32, #tpu.memory_space<vmem>> -> memref<64x128xf32, #tpu.memory_space<vmem>>
      tpu.wait_dma2 semaphore(%run_scoped3A : memref<!tpu.dma_semaphore, #tpu.memory_space<semaphore_mem>>) src(%dma_wait3A_202 : memref<64x128xf32, #tpu.memory_space<vmem>>) dst(%dma_wait3A_199 : memref<64x128xf32, #tpu.memory_space<hbm>>)
      tpu.yield
    }) : () -> ()
    %mul3A_147 = arith.constant 640 : i32
    %mul3A_148 = arith.muli %arg1, %mul3A_147 : i32
    %add3A_149 = arith.constant 384 : i32
    %add3A_150 = arith.addi %mul3A_148, %add3A_149 : i32
    "tpu.region"() ({
      %run_scoped3A = tpu.sem_alloc : memref<!tpu.dma_semaphore, #tpu.memory_space<semaphore_mem>>
      %dma_start3A_179 = arith.constant 0 : i32
      %dma_start3A_180 = arith.constant 0 : i32
      %dma_start3A_181 = tpu.memref_slice %arg8[%dma_start3A_179, %dma_start3A_180] : memref<128x128xf32, #tpu.memory_space<vmem>> -> memref<64x128xf32, #tpu.memory_space<vmem>>
      %dma_start3A_182 = arith.constant 0 : i32
      %dma_start3A_183 = tpu.memref_slice %arg10[%add3A_150, %dma_start3A_182] : memref<10240x128xf32, #tpu.memory_space<vmem_shared>> -> memref<64x128xf32, #tpu.memory_space<vmem_shared>>
      %dma_start3A_184 = arith.constant 0 : i32
      %dma_start3A_185 = arith.constant 0 : i32
      %dma_start3A_186 = tpu.memref_slice %arg8[%dma_start3A_184, %dma_start3A_185] : memref<128x128xf32, #tpu.memory_space<vmem>> -> memref<64x128xf32, #tpu.memory_space<vmem>>
      %dma_start3A_187 = arith.constant 0 : i32
      %dma_start3A_188 = tpu.memref_slice %arg10[%add3A_150, %dma_start3A_187] : memref<10240x128xf32, #tpu.memory_space<vmem_shared>> -> memref<64x128xf32, #tpu.memory_space<vmem_shared>>
      tpu.enqueue_dma source(%dma_start3A_188 : memref<64x128xf32, #tpu.memory_space<vmem_shared>>) target(%dma_start3A_186 : memref<64x128xf32, #tpu.memory_space<vmem>>) target_semaphore(%run_scoped3A : memref<!tpu.dma_semaphore, #tpu.memory_space<semaphore_mem>>)
      %dma_wait3A_189 = arith.constant 0 : i32
      %dma_wait3A_190 = arith.constant 0 : i32
      %dma_wait3A_191 = tpu.memref_slice %arg8[%dma_wait3A_189, %dma_wait3A_190] : memref<128x128xf32, #tpu.memory_space<vmem>> -> memref<64x128xf32, #tpu.memory_space<vmem>>
      %dma_wait3A_192 = arith.constant 0 : i32
      %dma_wait3A_193 = tpu.memref_slice %arg10[%add3A_150, %dma_wait3A_192] : memref<10240x128xf32, #tpu.memory_space<vmem_shared>> -> memref<64x128xf32, #tpu.memory_space<vmem_shared>>
      %dma_wait3A_194 = arith.constant 0 : i32
      %dma_wait3A_195 = arith.constant 0 : i32
      %dma_wait3A_196 = tpu.memref_slice %arg8[%dma_wait3A_194, %dma_wait3A_195] : memref<128x128xf32, #tpu.memory_space<vmem>> -> memref<64x128xf32, #tpu.memory_space<vmem>>
      %dma_wait3A_197 = arith.constant 0 : i32
      %dma_wait3A_198 = tpu.memref_slice %arg10[%add3A_150, %dma_wait3A_197] : memref<10240x128xf32, #tpu.memory_space<vmem_shared>> -> memref<64x128xf32, #tpu.memory_space<vmem_shared>>
      tpu.wait_dma2 semaphore(%run_scoped3A : memref<!tpu.dma_semaphore, #tpu.memory_space<semaphore_mem>>) src(%dma_wait3A_198 : memref<64x128xf32, #tpu.memory_space<vmem_shared>>) dst(%dma_wait3A_196 : memref<64x128xf32, #tpu.memory_space<vmem>>)
      tpu.yield
    }) : () -> ()
    %mul3A_151 = arith.constant 640 : i32
    %mul3A_152 = arith.muli %arg1, %mul3A_151 : i32
    %add3A_153 = arith.constant 384 : i32
    %add3A_154 = arith.addi %mul3A_152, %add3A_153 : i32
    "tpu.region"() ({
      %run_scoped3A = tpu.sem_alloc : memref<!tpu.dma_semaphore, #tpu.memory_space<semaphore_mem>>
      %dma_start3A_179 = arith.constant 0 : i32
      %dma_start3A_180 = arith.constant 0 : i32
      %dma_start3A_181 = tpu.memref_slice %arg8[%dma_start3A_179, %dma_start3A_180] : memref<128x128xf32, #tpu.memory_space<vmem>> -> memref<64x128xf32, #tpu.memory_space<vmem>>
      %dma_start3A_182 = arith.constant 0 : i32
      %dma_start3A_183 = tpu.memref_slice %arg5[%arg0, %add3A_154, %dma_start3A_182] : memref<2x10240x128xf32, #tpu.memory_space<hbm>> -> memref<1x64x128xf32, #tpu.memory_space<hbm>>
      %dma_start3A_184 = tpu.memref_squeeze %dma_start3A_183 : memref<1x64x128xf32, #tpu.memory_space<hbm>> -> memref<64x128xf32, #tpu.memory_space<hbm>>
      %dma_start3A_185 = arith.constant 0 : i32
      %dma_start3A_186 = tpu.memref_slice %arg5[%arg0, %add3A_154, %dma_start3A_185] : memref<2x10240x128xf32, #tpu.memory_space<hbm>> -> memref<1x64x128xf32, #tpu.memory_space<hbm>>
      %dma_start3A_187 = tpu.memref_squeeze %dma_start3A_186 : memref<1x64x128xf32, #tpu.memory_space<hbm>> -> memref<64x128xf32, #tpu.memory_space<hbm>>
      %dma_start3A_188 = arith.constant 0 : i32
      %dma_start3A_189 = arith.constant 0 : i32
      %dma_start3A_190 = tpu.memref_slice %arg8[%dma_start3A_188, %dma_start3A_189] : memref<128x128xf32, #tpu.memory_space<vmem>> -> memref<64x128xf32, #tpu.memory_space<vmem>>
      tpu.enqueue_dma source(%dma_start3A_190 : memref<64x128xf32, #tpu.memory_space<vmem>>) target(%dma_start3A_187 : memref<64x128xf32, #tpu.memory_space<hbm>>) target_semaphore(%run_scoped3A : memref<!tpu.dma_semaphore, #tpu.memory_space<semaphore_mem>>)
      %dma_wait3A_191 = arith.constant 0 : i32
      %dma_wait3A_192 = arith.constant 0 : i32
      %dma_wait3A_193 = tpu.memref_slice %arg8[%dma_wait3A_191, %dma_wait3A_192] : memref<128x128xf32, #tpu.memory_space<vmem>> -> memref<64x128xf32, #tpu.memory_space<vmem>>
      %dma_wait3A_194 = arith.constant 0 : i32
      %dma_wait3A_195 = tpu.memref_slice %arg5[%arg0, %add3A_154, %dma_wait3A_194] : memref<2x10240x128xf32, #tpu.memory_space<hbm>> -> memref<1x64x128xf32, #tpu.memory_space<hbm>>
      %dma_wait3A_196 = tpu.memref_squeeze %dma_wait3A_195 : memref<1x64x128xf32, #tpu.memory_space<hbm>> -> memref<64x128xf32, #tpu.memory_space<hbm>>
      %dma_wait3A_197 = arith.constant 0 : i32
      %dma_wait3A_198 = tpu.memref_slice %arg5[%arg0, %add3A_154, %dma_wait3A_197] : memref<2x10240x128xf32, #tpu.memory_space<hbm>> -> memref<1x64x128xf32, #tpu.memory_space<hbm>>
      %dma_wait3A_199 = tpu.memref_squeeze %dma_wait3A_198 : memref<1x64x128xf32, #tpu.memory_space<hbm>> -> memref<64x128xf32, #tpu.memory_space<hbm>>
      %dma_wait3A_200 = arith.constant 0 : i32
      %dma_wait3A_201 = arith.constant 0 : i32
      %dma_wait3A_202 = tpu.memref_slice %arg8[%dma_wait3A_200, %dma_wait3A_201] : memref<128x128xf32, #tpu.memory_space<vmem>> -> memref<64x128xf32, #tpu.memory_space<vmem>>
      tpu.wait_dma2 semaphore(%run_scoped3A : memref<!tpu.dma_semaphore, #tpu.memory_space<semaphore_mem>>) src(%dma_wait3A_202 : memref<64x128xf32, #tpu.memory_space<vmem>>) dst(%dma_wait3A_199 : memref<64x128xf32, #tpu.memory_space<hbm>>)
      tpu.yield
    }) : () -> ()
    %mul3A_155 = arith.constant 640 : i32
    %mul3A_156 = arith.muli %arg1, %mul3A_155 : i32
    %add3A_157 = arith.constant 448 : i32
    %add3A_158 = arith.addi %mul3A_156, %add3A_157 : i32
    "tpu.region"() ({
      %run_scoped3A = tpu.sem_alloc : memref<!tpu.dma_semaphore, #tpu.memory_space<semaphore_mem>>
      %dma_start3A_179 = arith.constant 0 : i32
      %dma_start3A_180 = arith.constant 0 : i32
      %dma_start3A_181 = tpu.memref_slice %arg8[%dma_start3A_179, %dma_start3A_180] : memref<128x128xf32, #tpu.memory_space<vmem>> -> memref<64x128xf32, #tpu.memory_space<vmem>>
      %dma_start3A_182 = arith.constant 0 : i32
      %dma_start3A_183 = tpu.memref_slice %arg10[%add3A_158, %dma_start3A_182] : memref<10240x128xf32, #tpu.memory_space<vmem_shared>> -> memref<64x128xf32, #tpu.memory_space<vmem_shared>>
      %dma_start3A_184 = arith.constant 0 : i32
      %dma_start3A_185 = arith.constant 0 : i32
      %dma_start3A_186 = tpu.memref_slice %arg8[%dma_start3A_184, %dma_start3A_185] : memref<128x128xf32, #tpu.memory_space<vmem>> -> memref<64x128xf32, #tpu.memory_space<vmem>>
      %dma_start3A_187 = arith.constant 0 : i32
      %dma_start3A_188 = tpu.memref_slice %arg10[%add3A_158, %dma_start3A_187] : memref<10240x128xf32, #tpu.memory_space<vmem_shared>> -> memref<64x128xf32, #tpu.memory_space<vmem_shared>>
      tpu.enqueue_dma source(%dma_start3A_188 : memref<64x128xf32, #tpu.memory_space<vmem_shared>>) target(%dma_start3A_186 : memref<64x128xf32, #tpu.memory_space<vmem>>) target_semaphore(%run_scoped3A : memref<!tpu.dma_semaphore, #tpu.memory_space<semaphore_mem>>)
      %dma_wait3A_189 = arith.constant 0 : i32
      %dma_wait3A_190 = arith.constant 0 : i32
      %dma_wait3A_191 = tpu.memref_slice %arg8[%dma_wait3A_189, %dma_wait3A_190] : memref<128x128xf32, #tpu.memory_space<vmem>> -> memref<64x128xf32, #tpu.memory_space<vmem>>
      %dma_wait3A_192 = arith.constant 0 : i32
      %dma_wait3A_193 = tpu.memref_slice %arg10[%add3A_158, %dma_wait3A_192] : memref<10240x128xf32, #tpu.memory_space<vmem_shared>> -> memref<64x128xf32, #tpu.memory_space<vmem_shared>>
      %dma_wait3A_194 = arith.constant 0 : i32
      %dma_wait3A_195 = arith.constant 0 : i32
      %dma_wait3A_196 = tpu.memref_slice %arg8[%dma_wait3A_194, %dma_wait3A_195] : memref<128x128xf32, #tpu.memory_space<vmem>> -> memref<64x128xf32, #tpu.memory_space<vmem>>
      %dma_wait3A_197 = arith.constant 0 : i32
      %dma_wait3A_198 = tpu.memref_slice %arg10[%add3A_158, %dma_wait3A_197] : memref<10240x128xf32, #tpu.memory_space<vmem_shared>> -> memref<64x128xf32, #tpu.memory_space<vmem_shared>>
      tpu.wait_dma2 semaphore(%run_scoped3A : memref<!tpu.dma_semaphore, #tpu.memory_space<semaphore_mem>>) src(%dma_wait3A_198 : memref<64x128xf32, #tpu.memory_space<vmem_shared>>) dst(%dma_wait3A_196 : memref<64x128xf32, #tpu.memory_space<vmem>>)
      tpu.yield
    }) : () -> ()
    %mul3A_159 = arith.constant 640 : i32
    %mul3A_160 = arith.muli %arg1, %mul3A_159 : i32
    %add3A_161 = arith.constant 448 : i32
    %add3A_162 = arith.addi %mul3A_160, %add3A_161 : i32
    "tpu.region"() ({
      %run_scoped3A = tpu.sem_alloc : memref<!tpu.dma_semaphore, #tpu.memory_space<semaphore_mem>>
      %dma_start3A_179 = arith.constant 0 : i32
      %dma_start3A_180 = arith.constant 0 : i32
      %dma_start3A_181 = tpu.memref_slice %arg8[%dma_start3A_179, %dma_start3A_180] : memref<128x128xf32, #tpu.memory_space<vmem>> -> memref<64x128xf32, #tpu.memory_space<vmem>>
      %dma_start3A_182 = arith.constant 0 : i32
      %dma_start3A_183 = tpu.memref_slice %arg5[%arg0, %add3A_162, %dma_start3A_182] : memref<2x10240x128xf32, #tpu.memory_space<hbm>> -> memref<1x64x128xf32, #tpu.memory_space<hbm>>
      %dma_start3A_184 = tpu.memref_squeeze %dma_start3A_183 : memref<1x64x128xf32, #tpu.memory_space<hbm>> -> memref<64x128xf32, #tpu.memory_space<hbm>>
      %dma_start3A_185 = arith.constant 0 : i32
      %dma_start3A_186 = tpu.memref_slice %arg5[%arg0, %add3A_162, %dma_start3A_185] : memref<2x10240x128xf32, #tpu.memory_space<hbm>> -> memref<1x64x128xf32, #tpu.memory_space<hbm>>
      %dma_start3A_187 = tpu.memref_squeeze %dma_start3A_186 : memref<1x64x128xf32, #tpu.memory_space<hbm>> -> memref<64x128xf32, #tpu.memory_space<hbm>>
      %dma_start3A_188 = arith.constant 0 : i32
      %dma_start3A_189 = arith.constant 0 : i32
      %dma_start3A_190 = tpu.memref_slice %arg8[%dma_start3A_188, %dma_start3A_189] : memref<128x128xf32, #tpu.memory_space<vmem>> -> memref<64x128xf32, #tpu.memory_space<vmem>>
      tpu.enqueue_dma source(%dma_start3A_190 : memref<64x128xf32, #tpu.memory_space<vmem>>) target(%dma_start3A_187 : memref<64x128xf32, #tpu.memory_space<hbm>>) target_semaphore(%run_scoped3A : memref<!tpu.dma_semaphore, #tpu.memory_space<semaphore_mem>>)
      %dma_wait3A_191 = arith.constant 0 : i32
      %dma_wait3A_192 = arith.constant 0 : i32
      %dma_wait3A_193 = tpu.memref_slice %arg8[%dma_wait3A_191, %dma_wait3A_192] : memref<128x128xf32, #tpu.memory_space<vmem>> -> memref<64x128xf32, #tpu.memory_space<vmem>>
      %dma_wait3A_194 = arith.constant 0 : i32
      %dma_wait3A_195 = tpu.memref_slice %arg5[%arg0, %add3A_162, %dma_wait3A_194] : memref<2x10240x128xf32, #tpu.memory_space<hbm>> -> memref<1x64x128xf32, #tpu.memory_space<hbm>>
      %dma_wait3A_196 = tpu.memref_squeeze %dma_wait3A_195 : memref<1x64x128xf32, #tpu.memory_space<hbm>> -> memref<64x128xf32, #tpu.memory_space<hbm>>
      %dma_wait3A_197 = arith.constant 0 : i32
      %dma_wait3A_198 = tpu.memref_slice %arg5[%arg0, %add3A_162, %dma_wait3A_197] : memref<2x10240x128xf32, #tpu.memory_space<hbm>> -> memref<1x64x128xf32, #tpu.memory_space<hbm>>
      %dma_wait3A_199 = tpu.memref_squeeze %dma_wait3A_198 : memref<1x64x128xf32, #tpu.memory_space<hbm>> -> memref<64x128xf32, #tpu.memory_space<hbm>>
      %dma_wait3A_200 = arith.constant 0 : i32
      %dma_wait3A_201 = arith.constant 0 : i32
      %dma_wait3A_202 = tpu.memref_slice %arg8[%dma_wait3A_200, %dma_wait3A_201] : memref<128x128xf32, #tpu.memory_space<vmem>> -> memref<64x128xf32, #tpu.memory_space<vmem>>
      tpu.wait_dma2 semaphore(%run_scoped3A : memref<!tpu.dma_semaphore, #tpu.memory_space<semaphore_mem>>) src(%dma_wait3A_202 : memref<64x128xf32, #tpu.memory_space<vmem>>) dst(%dma_wait3A_199 : memref<64x128xf32, #tpu.memory_space<hbm>>)
      tpu.yield
    }) : () -> ()
    %mul3A_163 = arith.constant 640 : i32
    %mul3A_164 = arith.muli %arg1, %mul3A_163 : i32
    %add3A_165 = arith.constant 512 : i32
    %add3A_166 = arith.addi %mul3A_164, %add3A_165 : i32
    "tpu.region"() ({
      %run_scoped3A = tpu.sem_alloc : memref<!tpu.dma_semaphore, #tpu.memory_space<semaphore_mem>>
      %dma_start3A_179 = arith.constant 0 : i32
      %dma_start3A_180 = arith.constant 0 : i32
      %dma_start3A_181 = tpu.memref_slice %arg8[%dma_start3A_179, %dma_start3A_180] : memref<128x128xf32, #tpu.memory_space<vmem>> -> memref<64x128xf32, #tpu.memory_space<vmem>>
      %dma_start3A_182 = arith.constant 0 : i32
      %dma_start3A_183 = tpu.memref_slice %arg10[%add3A_166, %dma_start3A_182] : memref<10240x128xf32, #tpu.memory_space<vmem_shared>> -> memref<64x128xf32, #tpu.memory_space<vmem_shared>>
      %dma_start3A_184 = arith.constant 0 : i32
      %dma_start3A_185 = arith.constant 0 : i32
      %dma_start3A_186 = tpu.memref_slice %arg8[%dma_start3A_184, %dma_start3A_185] : memref<128x128xf32, #tpu.memory_space<vmem>> -> memref<64x128xf32, #tpu.memory_space<vmem>>
      %dma_start3A_187 = arith.constant 0 : i32
      %dma_start3A_188 = tpu.memref_slice %arg10[%add3A_166, %dma_start3A_187] : memref<10240x128xf32, #tpu.memory_space<vmem_shared>> -> memref<64x128xf32, #tpu.memory_space<vmem_shared>>
      tpu.enqueue_dma source(%dma_start3A_188 : memref<64x128xf32, #tpu.memory_space<vmem_shared>>) target(%dma_start3A_186 : memref<64x128xf32, #tpu.memory_space<vmem>>) target_semaphore(%run_scoped3A : memref<!tpu.dma_semaphore, #tpu.memory_space<semaphore_mem>>)
      %dma_wait3A_189 = arith.constant 0 : i32
      %dma_wait3A_190 = arith.constant 0 : i32
      %dma_wait3A_191 = tpu.memref_slice %arg8[%dma_wait3A_189, %dma_wait3A_190] : memref<128x128xf32, #tpu.memory_space<vmem>> -> memref<64x128xf32, #tpu.memory_space<vmem>>
      %dma_wait3A_192 = arith.constant 0 : i32
      %dma_wait3A_193 = tpu.memref_slice %arg10[%add3A_166, %dma_wait3A_192] : memref<10240x128xf32, #tpu.memory_space<vmem_shared>> -> memref<64x128xf32, #tpu.memory_space<vmem_shared>>
      %dma_wait3A_194 = arith.constant 0 : i32
      %dma_wait3A_195 = arith.constant 0 : i32
      %dma_wait3A_196 = tpu.memref_slice %arg8[%dma_wait3A_194, %dma_wait3A_195] : memref<128x128xf32, #tpu.memory_space<vmem>> -> memref<64x128xf32, #tpu.memory_space<vmem>>
      %dma_wait3A_197 = arith.constant 0 : i32
      %dma_wait3A_198 = tpu.memref_slice %arg10[%add3A_166, %dma_wait3A_197] : memref<10240x128xf32, #tpu.memory_space<vmem_shared>> -> memref<64x128xf32, #tpu.memory_space<vmem_shared>>
      tpu.wait_dma2 semaphore(%run_scoped3A : memref<!tpu.dma_semaphore, #tpu.memory_space<semaphore_mem>>) src(%dma_wait3A_198 : memref<64x128xf32, #tpu.memory_space<vmem_shared>>) dst(%dma_wait3A_196 : memref<64x128xf32, #tpu.memory_space<vmem>>)
      tpu.yield
    }) : () -> ()
    %mul3A_167 = arith.constant 640 : i32
    %mul3A_168 = arith.muli %arg1, %mul3A_167 : i32
    %add3A_169 = arith.constant 512 : i32
    %add3A_170 = arith.addi %mul3A_168, %add3A_169 : i32
    "tpu.region"() ({
      %run_scoped3A = tpu.sem_alloc : memref<!tpu.dma_semaphore, #tpu.memory_space<semaphore_mem>>
      %dma_start3A_179 = arith.constant 0 : i32
      %dma_start3A_180 = arith.constant 0 : i32
      %dma_start3A_181 = tpu.memref_slice %arg8[%dma_start3A_179, %dma_start3A_180] : memref<128x128xf32, #tpu.memory_space<vmem>> -> memref<64x128xf32, #tpu.memory_space<vmem>>
      %dma_start3A_182 = arith.constant 0 : i32
      %dma_start3A_183 = tpu.memref_slice %arg5[%arg0, %add3A_170, %dma_start3A_182] : memref<2x10240x128xf32, #tpu.memory_space<hbm>> -> memref<1x64x128xf32, #tpu.memory_space<hbm>>
      %dma_start3A_184 = tpu.memref_squeeze %dma_start3A_183 : memref<1x64x128xf32, #tpu.memory_space<hbm>> -> memref<64x128xf32, #tpu.memory_space<hbm>>
      %dma_start3A_185 = arith.constant 0 : i32
      %dma_start3A_186 = tpu.memref_slice %arg5[%arg0, %add3A_170, %dma_start3A_185] : memref<2x10240x128xf32, #tpu.memory_space<hbm>> -> memref<1x64x128xf32, #tpu.memory_space<hbm>>
      %dma_start3A_187 = tpu.memref_squeeze %dma_start3A_186 : memref<1x64x128xf32, #tpu.memory_space<hbm>> -> memref<64x128xf32, #tpu.memory_space<hbm>>
      %dma_start3A_188 = arith.constant 0 : i32
      %dma_start3A_189 = arith.constant 0 : i32
      %dma_start3A_190 = tpu.memref_slice %arg8[%dma_start3A_188, %dma_start3A_189] : memref<128x128xf32, #tpu.memory_space<vmem>> -> memref<64x128xf32, #tpu.memory_space<vmem>>
      tpu.enqueue_dma source(%dma_start3A_190 : memref<64x128xf32, #tpu.memory_space<vmem>>) target(%dma_start3A_187 : memref<64x128xf32, #tpu.memory_space<hbm>>) target_semaphore(%run_scoped3A : memref<!tpu.dma_semaphore, #tpu.memory_space<semaphore_mem>>)
      %dma_wait3A_191 = arith.constant 0 : i32
      %dma_wait3A_192 = arith.constant 0 : i32
      %dma_wait3A_193 = tpu.memref_slice %arg8[%dma_wait3A_191, %dma_wait3A_192] : memref<128x128xf32, #tpu.memory_space<vmem>> -> memref<64x128xf32, #tpu.memory_space<vmem>>
      %dma_wait3A_194 = arith.constant 0 : i32
      %dma_wait3A_195 = tpu.memref_slice %arg5[%arg0, %add3A_170, %dma_wait3A_194] : memref<2x10240x128xf32, #tpu.memory_space<hbm>> -> memref<1x64x128xf32, #tpu.memory_space<hbm>>
      %dma_wait3A_196 = tpu.memref_squeeze %dma_wait3A_195 : memref<1x64x128xf32, #tpu.memory_space<hbm>> -> memref<64x128xf32, #tpu.memory_space<hbm>>
      %dma_wait3A_197 = arith.constant 0 : i32
      %dma_wait3A_198 = tpu.memref_slice %arg5[%arg0, %add3A_170, %dma_wait3A_197] : memref<2x10240x128xf32, #tpu.memory_space<hbm>> -> memref<1x64x128xf32, #tpu.memory_space<hbm>>
      %dma_wait3A_199 = tpu.memref_squeeze %dma_wait3A_198 : memref<1x64x128xf32, #tpu.memory_space<hbm>> -> memref<64x128xf32, #tpu.memory_space<hbm>>
      %dma_wait3A_200 = arith.constant 0 : i32
      %dma_wait3A_201 = arith.constant 0 : i32
      %dma_wait3A_202 = tpu.memref_slice %arg8[%dma_wait3A_200, %dma_wait3A_201] : memref<128x128xf32, #tpu.memory_space<vmem>> -> memref<64x128xf32, #tpu.memory_space<vmem>>
      tpu.wait_dma2 semaphore(%run_scoped3A : memref<!tpu.dma_semaphore, #tpu.memory_space<semaphore_mem>>) src(%dma_wait3A_202 : memref<64x128xf32, #tpu.memory_space<vmem>>) dst(%dma_wait3A_199 : memref<64x128xf32, #tpu.memory_space<hbm>>)
      tpu.yield
    }) : () -> ()
    %mul3A_171 = arith.constant 640 : i32
    %mul3A_172 = arith.muli %arg1, %mul3A_171 : i32
    %add3A_173 = arith.constant 576 : i32
    %add3A_174 = arith.addi %mul3A_172, %add3A_173 : i32
    "tpu.region"() ({
      %run_scoped3A = tpu.sem_alloc : memref<!tpu.dma_semaphore, #tpu.memory_space<semaphore_mem>>
      %dma_start3A_179 = arith.constant 0 : i32
      %dma_start3A_180 = arith.constant 0 : i32
      %dma_start3A_181 = tpu.memref_slice %arg8[%dma_start3A_179, %dma_start3A_180] : memref<128x128xf32, #tpu.memory_space<vmem>> -> memref<64x128xf32, #tpu.memory_space<vmem>>
      %dma_start3A_182 = arith.constant 0 : i32
      %dma_start3A_183 = tpu.memref_slice %arg10[%add3A_174, %dma_start3A_182] : memref<10240x128xf32, #tpu.memory_space<vmem_shared>> -> memref<64x128xf32, #tpu.memory_space<vmem_shared>>
      %dma_start3A_184 = arith.constant 0 : i32
      %dma_start3A_185 = arith.constant 0 : i32
      %dma_start3A_186 = tpu.memref_slice %arg8[%dma_start3A_184, %dma_start3A_185] : memref<128x128xf32, #tpu.memory_space<vmem>> -> memref<64x128xf32, #tpu.memory_space<vmem>>
      %dma_start3A_187 = arith.constant 0 : i32
      %dma_start3A_188 = tpu.memref_slice %arg10[%add3A_174, %dma_start3A_187] : memref<10240x128xf32, #tpu.memory_space<vmem_shared>> -> memref<64x128xf32, #tpu.memory_space<vmem_shared>>
      tpu.enqueue_dma source(%dma_start3A_188 : memref<64x128xf32, #tpu.memory_space<vmem_shared>>) target(%dma_start3A_186 : memref<64x128xf32, #tpu.memory_space<vmem>>) target_semaphore(%run_scoped3A : memref<!tpu.dma_semaphore, #tpu.memory_space<semaphore_mem>>)
      %dma_wait3A_189 = arith.constant 0 : i32
      %dma_wait3A_190 = arith.constant 0 : i32
      %dma_wait3A_191 = tpu.memref_slice %arg8[%dma_wait3A_189, %dma_wait3A_190] : memref<128x128xf32, #tpu.memory_space<vmem>> -> memref<64x128xf32, #tpu.memory_space<vmem>>
      %dma_wait3A_192 = arith.constant 0 : i32
      %dma_wait3A_193 = tpu.memref_slice %arg10[%add3A_174, %dma_wait3A_192] : memref<10240x128xf32, #tpu.memory_space<vmem_shared>> -> memref<64x128xf32, #tpu.memory_space<vmem_shared>>
      %dma_wait3A_194 = arith.constant 0 : i32
      %dma_wait3A_195 = arith.constant 0 : i32
      %dma_wait3A_196 = tpu.memref_slice %arg8[%dma_wait3A_194, %dma_wait3A_195] : memref<128x128xf32, #tpu.memory_space<vmem>> -> memref<64x128xf32, #tpu.memory_space<vmem>>
      %dma_wait3A_197 = arith.constant 0 : i32
      %dma_wait3A_198 = tpu.memref_slice %arg10[%add3A_174, %dma_wait3A_197] : memref<10240x128xf32, #tpu.memory_space<vmem_shared>> -> memref<64x128xf32, #tpu.memory_space<vmem_shared>>
      tpu.wait_dma2 semaphore(%run_scoped3A : memref<!tpu.dma_semaphore, #tpu.memory_space<semaphore_mem>>) src(%dma_wait3A_198 : memref<64x128xf32, #tpu.memory_space<vmem_shared>>) dst(%dma_wait3A_196 : memref<64x128xf32, #tpu.memory_space<vmem>>)
      tpu.yield
    }) : () -> ()
    %mul3A_175 = arith.constant 640 : i32
    %mul3A_176 = arith.muli %arg1, %mul3A_175 : i32
    %add3A_177 = arith.constant 576 : i32
    %add3A_178 = arith.addi %mul3A_176, %add3A_177 : i32
    "tpu.region"() ({
      %run_scoped3A = tpu.sem_alloc : memref<!tpu.dma_semaphore, #tpu.memory_space<semaphore_mem>>
      %dma_start3A_179 = arith.constant 0 : i32
      %dma_start3A_180 = arith.constant 0 : i32
      %dma_start3A_181 = tpu.memref_slice %arg8[%dma_start3A_179, %dma_start3A_180] : memref<128x128xf32, #tpu.memory_space<vmem>> -> memref<64x128xf32, #tpu.memory_space<vmem>>
      %dma_start3A_182 = arith.constant 0 : i32
      %dma_start3A_183 = tpu.memref_slice %arg5[%arg0, %add3A_178, %dma_start3A_182] : memref<2x10240x128xf32, #tpu.memory_space<hbm>> -> memref<1x64x128xf32, #tpu.memory_space<hbm>>
      %dma_start3A_184 = tpu.memref_squeeze %dma_start3A_183 : memref<1x64x128xf32, #tpu.memory_space<hbm>> -> memref<64x128xf32, #tpu.memory_space<hbm>>
      %dma_start3A_185 = arith.constant 0 : i32
      %dma_start3A_186 = tpu.memref_slice %arg5[%arg0, %add3A_178, %dma_start3A_185] : memref<2x10240x128xf32, #tpu.memory_space<hbm>> -> memref<1x64x128xf32, #tpu.memory_space<hbm>>
      %dma_start3A_187 = tpu.memref_squeeze %dma_start3A_186 : memref<1x64x128xf32, #tpu.memory_space<hbm>> -> memref<64x128xf32, #tpu.memory_space<hbm>>
      %dma_start3A_188 = arith.constant 0 : i32
      %dma_start3A_189 = arith.constant 0 : i32
      %dma_start3A_190 = tpu.memref_slice %arg8[%dma_start3A_188, %dma_start3A_189] : memref<128x128xf32, #tpu.memory_space<vmem>> -> memref<64x128xf32, #tpu.memory_space<vmem>>
      tpu.enqueue_dma source(%dma_start3A_190 : memref<64x128xf32, #tpu.memory_space<vmem>>) target(%dma_start3A_187 : memref<64x128xf32, #tpu.memory_space<hbm>>) target_semaphore(%run_scoped3A : memref<!tpu.dma_semaphore, #tpu.memory_space<semaphore_mem>>)
      %dma_wait3A_191 = arith.constant 0 : i32
      %dma_wait3A_192 = arith.constant 0 : i32
      %dma_wait3A_193 = tpu.memref_slice %arg8[%dma_wait3A_191, %dma_wait3A_192] : memref<128x128xf32, #tpu.memory_space<vmem>> -> memref<64x128xf32, #tpu.memory_space<vmem>>
      %dma_wait3A_194 = arith.constant 0 : i32
      %dma_wait3A_195 = tpu.memref_slice %arg5[%arg0, %add3A_178, %dma_wait3A_194] : memref<2x10240x128xf32, #tpu.memory_space<hbm>> -> memref<1x64x128xf32, #tpu.memory_space<hbm>>
      %dma_wait3A_196 = tpu.memref_squeeze %dma_wait3A_195 : memref<1x64x128xf32, #tpu.memory_space<hbm>> -> memref<64x128xf32, #tpu.memory_space<hbm>>
      %dma_wait3A_197 = arith.constant 0 : i32
      %dma_wait3A_198 = tpu.memref_slice %arg5[%arg0, %add3A_178, %dma_wait3A_197] : memref<2x10240x128xf32, #tpu.memory_space<hbm>> -> memref<1x64x128xf32, #tpu.memory_space<hbm>>
      %dma_wait3A_199 = tpu.memref_squeeze %dma_wait3A_198 : memref<1x64x128xf32, #tpu.memory_space<hbm>> -> memref<64x128xf32, #tpu.memory_space<hbm>>
      %dma_wait3A_200 = arith.constant 0 : i32
      %dma_wait3A_201 = arith.constant 0 : i32
      %dma_wait3A_202 = tpu.memref_slice %arg8[%dma_wait3A_200, %dma_wait3A_201] : memref<128x128xf32, #tpu.memory_space<vmem>> -> memref<64x128xf32, #tpu.memory_space<vmem>>
      tpu.wait_dma2 semaphore(%run_scoped3A : memref<!tpu.dma_semaphore, #tpu.memory_space<semaphore_mem>>) src(%dma_wait3A_202 : memref<64x128xf32, #tpu.memory_space<vmem>>) dst(%dma_wait3A_199 : memref<64x128xf32, #tpu.memory_space<hbm>>)
      tpu.yield
    }) : () -> ()
    return
  }
}

#map = affine_map<(d0, d1) -> (0, 0, 0)>
#map1 = affine_map<(d0, d1) -> (0, 0)>
module attributes {stable_mosaic.version = 14 : i64} {
  func.func @k(%arg0: i32, %arg1: i32, %arg2: memref<32x125x80xi32, #tpu.memory_space<hbm>>, %arg3: memref<2x10240xf32, #tpu.memory_space<hbm>>, %arg4: memref<125x80xi32, #tpu.memory_space<vmem>>, %arg5: memref<80xf32, #tpu.memory_space<vmem>>, %arg6: memref<640xf32, #tpu.memory_space<vmem>>, %arg7: memref<10240xf32, #tpu.memory_space<vmem_shared>>) attributes {dimension_semantics = [#tpu.dimension_semantics<core_parallel>, #tpu.dimension_semantics<subcore_parallel>], iteration_bounds = array<i64: 2, 16>, scalar_prefetch = 0 : i64, scratch_operands = 4 : i64, tpu.core_type = #tpu.core_type<sc_vector_subcore>, window_params = [{transform_indices = #map}, {transform_indices = #map1}]} {
    %mul3A = arith.constant 16 : i32
    %mul3A_0 = arith.muli %arg0, %mul3A : i32
    %add3A = arith.addi %mul3A_0, %arg1 : i32
    %scan3A = arith.constant 0 : i32
    %scan3A_1 = arith.constant 0 : i32
    %scan3A_2 = arith.constant 40 : i32
    %scan3A_3 = arith.addi %scan3A_1, %scan3A_2 : i32
    %scan3A_4 = arith.constant 1 : i32
    scf.for %scan3A_25 = %scan3A_1 to %scan3A_3 step %scan3A_4  : i32 {
      %broadcast_in_dim3A = arith.constant 0.000000e+00 : f32
      %broadcast_in_dim3A_26 = vector.broadcast %broadcast_in_dim3A : f32 to vector<16xf32>
      %mul3A_27 = arith.constant 16 : i32
      %mul3A_28 = arith.muli %scan3A_25, %mul3A_27 : i32
      %swap3A = arith.index_cast %mul3A_28 : i32 to index
      %swap3A_29 = tpu.vector_load %arg6[%swap3A] {strides = array<i32>} : memref<640xf32, #tpu.memory_space<vmem>>, vector<16xf32>,
      %swap3A_30 = vector.shape_cast %swap3A_29 : vector<16xf32> to vector<16xf32>
      %swap3A_31 = vector.shape_cast %broadcast_in_dim3A_26 : vector<16xf32> to vector<16xf32>
      tpu.vector_store %arg6[%swap3A], %swap3A_31 {strides = array<i32>} : memref<640xf32, #tpu.memory_space<vmem>>, vector<16xf32>,
    }
    %scan3A_5 = arith.constant 40 : i32
    %scan3A_6 = arith.constant 0 : i32
    %scan3A_7 = arith.constant 0 : i32
    %scan3A_8 = arith.constant 5 : i32
    %scan3A_9 = arith.addi %scan3A_7, %scan3A_8 : i32
    %scan3A_10 = arith.constant 1 : i32
    scf.for %scan3A_25 = %scan3A_7 to %scan3A_9 step %scan3A_10  : i32 {
      %broadcast_in_dim3A = arith.constant 1.000000e+00 : f32
      %broadcast_in_dim3A_26 = vector.broadcast %broadcast_in_dim3A : f32 to vector<16xf32>
      %mul3A_27 = arith.constant 16 : i32
      %mul3A_28 = arith.muli %scan3A_25, %mul3A_27 : i32
      %swap3A = arith.index_cast %mul3A_28 : i32 to index
      %swap3A_29 = tpu.vector_load %arg5[%swap3A] {strides = array<i32>} : memref<80xf32, #tpu.memory_space<vmem>>, vector<16xf32>,
      %swap3A_30 = vector.shape_cast %swap3A_29 : vector<16xf32> to vector<16xf32>
      %swap3A_31 = vector.shape_cast %broadcast_in_dim3A_26 : vector<16xf32> to vector<16xf32>
      tpu.vector_store %arg5[%swap3A], %swap3A_31 {strides = array<i32>} : memref<80xf32, #tpu.memory_space<vmem>>, vector<16xf32>,
    }
    %scan3A_11 = arith.constant 5 : i32
    %mul3A_12 = arith.constant 640 : i32
    %mul3A_13 = arith.muli %arg1, %mul3A_12 : i32
    "tpu.region"() ({
      %run_scoped3A = tpu.sem_alloc : memref<!tpu.dma_semaphore, #tpu.memory_space<semaphore_mem>>
      %dma_start3A = tpu.memref_slice %arg7[%mul3A_13] : memref<10240xf32, #tpu.memory_space<vmem_shared>> -> memref<640xf32, #tpu.memory_space<vmem_shared>>
      %dma_start3A_25 = tpu.memref_slice %arg7[%mul3A_13] : memref<10240xf32, #tpu.memory_space<vmem_shared>> -> memref<640xf32, #tpu.memory_space<vmem_shared>>
      tpu.enqueue_dma source(%arg6 : memref<640xf32, #tpu.memory_space<vmem>>) target(%dma_start3A_25 : memref<640xf32, #tpu.memory_space<vmem_shared>>) target_semaphore(%run_scoped3A : memref<!tpu.dma_semaphore, #tpu.memory_space<semaphore_mem>>)
      %dma_wait3A = tpu.memref_slice %arg7[%mul3A_13] : memref<10240xf32, #tpu.memory_space<vmem_shared>> -> memref<640xf32, #tpu.memory_space<vmem_shared>>
      %dma_wait3A_26 = tpu.memref_slice %arg7[%mul3A_13] : memref<10240xf32, #tpu.memory_space<vmem_shared>> -> memref<640xf32, #tpu.memory_space<vmem_shared>>
      tpu.wait_dma2 semaphore(%run_scoped3A : memref<!tpu.dma_semaphore, #tpu.memory_space<semaphore_mem>>) src(%arg6 : memref<640xf32, #tpu.memory_space<vmem>>) dst(%dma_wait3A_26 : memref<640xf32, #tpu.memory_space<vmem_shared>>)
      tpu.yield
    }) : () -> ()
    %barrier3A = arith.constant 0 : index
    tpu.barrier barrier_id(%barrier3A)
    "tpu.region"() ({
      %run_scoped3A = tpu.sem_alloc : memref<!tpu.dma_semaphore, #tpu.memory_space<semaphore_mem>>
      %dma_start3A = arith.constant 0 : i32
      %dma_start3A_25 = arith.constant 0 : i32
      %dma_start3A_26 = tpu.memref_slice %arg2[%add3A, %dma_start3A, %dma_start3A_25] : memref<32x125x80xi32, #tpu.memory_space<hbm>> -> memref<1x125x80xi32, #tpu.memory_space<hbm>>
      %dma_start3A_27 = tpu.memref_squeeze %dma_start3A_26 : memref<1x125x80xi32, #tpu.memory_space<hbm>> -> memref<125x80xi32, #tpu.memory_space<hbm>>
      %dma_start3A_28 = arith.constant 0 : i32
      %dma_start3A_29 = arith.constant 0 : i32
      %dma_start3A_30 = tpu.memref_slice %arg2[%add3A, %dma_start3A_28, %dma_start3A_29] : memref<32x125x80xi32, #tpu.memory_space<hbm>> -> memref<1x125x80xi32, #tpu.memory_space<hbm>>
      %dma_start3A_31 = tpu.memref_squeeze %dma_start3A_30 : memref<1x125x80xi32, #tpu.memory_space<hbm>> -> memref<125x80xi32, #tpu.memory_space<hbm>>
      tpu.enqueue_dma source(%dma_start3A_31 : memref<125x80xi32, #tpu.memory_space<hbm>>) target(%arg4 : memref<125x80xi32, #tpu.memory_space<vmem>>) target_semaphore(%run_scoped3A : memref<!tpu.dma_semaphore, #tpu.memory_space<semaphore_mem>>)
      %dma_wait3A = arith.constant 0 : i32
      %dma_wait3A_32 = arith.constant 0 : i32
      %dma_wait3A_33 = tpu.memref_slice %arg2[%add3A, %dma_wait3A, %dma_wait3A_32] : memref<32x125x80xi32, #tpu.memory_space<hbm>> -> memref<1x125x80xi32, #tpu.memory_space<hbm>>
      %dma_wait3A_34 = tpu.memref_squeeze %dma_wait3A_33 : memref<1x125x80xi32, #tpu.memory_space<hbm>> -> memref<125x80xi32, #tpu.memory_space<hbm>>
      %dma_wait3A_35 = arith.constant 0 : i32
      %dma_wait3A_36 = arith.constant 0 : i32
      %dma_wait3A_37 = tpu.memref_slice %arg2[%add3A, %dma_wait3A_35, %dma_wait3A_36] : memref<32x125x80xi32, #tpu.memory_space<hbm>> -> memref<1x125x80xi32, #tpu.memory_space<hbm>>
      %dma_wait3A_38 = tpu.memref_squeeze %dma_wait3A_37 : memref<1x125x80xi32, #tpu.memory_space<hbm>> -> memref<125x80xi32, #tpu.memory_space<hbm>>
      tpu.wait_dma2 semaphore(%run_scoped3A : memref<!tpu.dma_semaphore, #tpu.memory_space<semaphore_mem>>) src(%dma_wait3A_38 : memref<125x80xi32, #tpu.memory_space<hbm>>) dst(%arg4 : memref<125x80xi32, #tpu.memory_space<vmem>>)
      tpu.yield
    }) : () -> ()
    %scan3A_14 = arith.constant 0 : i32
    %scan3A_15 = arith.constant 0 : i32
    %scan3A_16 = arith.constant 125 : i32
    %scan3A_17 = arith.addi %scan3A_15, %scan3A_16 : i32
    %scan3A_18 = arith.constant 1 : i32
    scf.for %scan3A_25 = %scan3A_15 to %scan3A_17 step %scan3A_18  : i32 {
      "tpu.region"() ({
        %run_scoped3A = tpu.sem_alloc : memref<!tpu.dma_semaphore, #tpu.memory_space<semaphore_mem>>
        %dma_start3A = arith.constant 0 : i32
        %dma_start3A_26 = tpu.memref_slice %arg4[%scan3A_25, %dma_start3A] : memref<125x80xi32, #tpu.memory_space<vmem>> -> memref<1x80xi32, #tpu.memory_space<vmem>>
        %dma_start3A_27 = tpu.memref_squeeze %dma_start3A_26 : memref<1x80xi32, #tpu.memory_space<vmem>> -> memref<80xi32, #tpu.memory_space<vmem>>
        %dma_start3A_28 = arith.constant 0 : i32
        %dma_start3A_29 = tpu.memref_slice %arg7[%dma_start3A_28] : memref<10240xf32, #tpu.memory_space<vmem_shared>> -> memref<10240xf32, #tpu.memory_space<vmem_shared>>
        tpu.enqueue_indirect_dma source(%arg5 : memref<80xf32, #tpu.memory_space<vmem>>) target(%dma_start3A_29 : memref<10240xf32, #tpu.memory_space<vmem_shared>>) offsets(%dma_start3A_27 : memref<80xi32, #tpu.memory_space<vmem>>) semaphore(%run_scoped3A : memref<!tpu.dma_semaphore, #tpu.memory_space<semaphore_mem>>) {add = true}
        %dma_wait3A = arith.constant 0 : i32
        %dma_wait3A_30 = tpu.memref_slice %arg4[%scan3A_25, %dma_wait3A] : memref<125x80xi32, #tpu.memory_space<vmem>> -> memref<1x80xi32, #tpu.memory_space<vmem>>
        %dma_wait3A_31 = tpu.memref_squeeze %dma_wait3A_30 : memref<1x80xi32, #tpu.memory_space<vmem>> -> memref<80xi32, #tpu.memory_space<vmem>>
        %dma_wait3A_32 = arith.constant 0 : i32
        %dma_wait3A_33 = tpu.memref_slice %arg7[%dma_wait3A_32] : memref<10240xf32, #tpu.memory_space<vmem_shared>> -> memref<10240xf32, #tpu.memory_space<vmem_shared>>
        tpu.wait_indirect_dma semaphore(%run_scoped3A : memref<!tpu.dma_semaphore, #tpu.memory_space<semaphore_mem>>) src(%arg5 : memref<80xf32, #tpu.memory_space<vmem>>) dst(%dma_wait3A_33 : memref<10240xf32, #tpu.memory_space<vmem_shared>>)
        tpu.yield
      }) : () -> ()
    }
    %scan3A_19 = arith.constant 125 : i32
    %barrier3A_20 = arith.constant 0 : index
    tpu.barrier barrier_id(%barrier3A_20)
    %mul3A_21 = arith.constant 640 : i32
    %mul3A_22 = arith.muli %arg1, %mul3A_21 : i32
    "tpu.region"() ({
      %run_scoped3A = tpu.sem_alloc : memref<!tpu.dma_semaphore, #tpu.memory_space<semaphore_mem>>
      %dma_start3A = tpu.memref_slice %arg7[%mul3A_22] : memref<10240xf32, #tpu.memory_space<vmem_shared>> -> memref<640xf32, #tpu.memory_space<vmem_shared>>
      %dma_start3A_25 = tpu.memref_slice %arg7[%mul3A_22] : memref<10240xf32, #tpu.memory_space<vmem_shared>> -> memref<640xf32, #tpu.memory_space<vmem_shared>>
      tpu.enqueue_dma source(%dma_start3A_25 : memref<640xf32, #tpu.memory_space<vmem_shared>>) target(%arg6 : memref<640xf32, #tpu.memory_space<vmem>>) target_semaphore(%run_scoped3A : memref<!tpu.dma_semaphore, #tpu.memory_space<semaphore_mem>>)
      %dma_wait3A = tpu.memref_slice %arg7[%mul3A_22] : memref<10240xf32, #tpu.memory_space<vmem_shared>> -> memref<640xf32, #tpu.memory_space<vmem_shared>>
      %dma_wait3A_26 = tpu.memref_slice %arg7[%mul3A_22] : memref<10240xf32, #tpu.memory_space<vmem_shared>> -> memref<640xf32, #tpu.memory_space<vmem_shared>>
      tpu.wait_dma2 semaphore(%run_scoped3A : memref<!tpu.dma_semaphore, #tpu.memory_space<semaphore_mem>>) src(%dma_wait3A_26 : memref<640xf32, #tpu.memory_space<vmem_shared>>) dst(%arg6 : memref<640xf32, #tpu.memory_space<vmem>>)
      tpu.yield
    }) : () -> ()
    %mul3A_23 = arith.constant 640 : i32
    %mul3A_24 = arith.muli %arg1, %mul3A_23 : i32
    "tpu.region"() ({
      %run_scoped3A = tpu.sem_alloc : memref<!tpu.dma_semaphore, #tpu.memory_space<semaphore_mem>>
      %dma_start3A = tpu.memref_slice %arg3[%arg0, %mul3A_24] : memref<2x10240xf32, #tpu.memory_space<hbm>> -> memref<1x640xf32, #tpu.memory_space<hbm>>
      %dma_start3A_25 = tpu.memref_squeeze %dma_start3A : memref<1x640xf32, #tpu.memory_space<hbm>> -> memref<640xf32, #tpu.memory_space<hbm>>
      %dma_start3A_26 = tpu.memref_slice %arg3[%arg0, %mul3A_24] : memref<2x10240xf32, #tpu.memory_space<hbm>> -> memref<1x640xf32, #tpu.memory_space<hbm>>
      %dma_start3A_27 = tpu.memref_squeeze %dma_start3A_26 : memref<1x640xf32, #tpu.memory_space<hbm>> -> memref<640xf32, #tpu.memory_space<hbm>>
      tpu.enqueue_dma source(%arg6 : memref<640xf32, #tpu.memory_space<vmem>>) target(%dma_start3A_27 : memref<640xf32, #tpu.memory_space<hbm>>) target_semaphore(%run_scoped3A : memref<!tpu.dma_semaphore, #tpu.memory_space<semaphore_mem>>)
      %dma_wait3A = tpu.memref_slice %arg3[%arg0, %mul3A_24] : memref<2x10240xf32, #tpu.memory_space<hbm>> -> memref<1x640xf32, #tpu.memory_space<hbm>>
      %dma_wait3A_28 = tpu.memref_squeeze %dma_wait3A : memref<1x640xf32, #tpu.memory_space<hbm>> -> memref<640xf32, #tpu.memory_space<hbm>>
      %dma_wait3A_29 = tpu.memref_slice %arg3[%arg0, %mul3A_24] : memref<2x10240xf32, #tpu.memory_space<hbm>> -> memref<1x640xf32, #tpu.memory_space<hbm>>
      %dma_wait3A_30 = tpu.memref_squeeze %dma_wait3A_29 : memref<1x640xf32, #tpu.memory_space<hbm>> -> memref<640xf32, #tpu.memory_space<hbm>>
      tpu.wait_dma2 semaphore(%run_scoped3A : memref<!tpu.dma_semaphore, #tpu.memory_space<semaphore_mem>>) src(%arg6 : memref<640xf32, #tpu.memory_space<vmem>>) dst(%dma_wait3A_30 : memref<640xf32, #tpu.memory_space<hbm>>)
      tpu.yield
    }) : () -> ()
    return
  }
}

#map = affine_map<(d0, d1) -> (0, 0)>
#map1 = affine_map<(d0, d1) -> (0, 0, 0)>
module attributes {stable_mosaic.version = 14 : i64} {
  func.func @k(%arg0: i32, %arg1: i32, %arg2: memref<10000x128xf32, #tpu.memory_space<hbm>>, %arg3: memref<32x80x128xi32, #tpu.memory_space<hbm>>, %arg4: memref<32x80x128xi32, #tpu.memory_space<hbm>>, %arg5: memref<2x10240x128xf32, #tpu.memory_space<hbm>>, %arg6: memref<40x128xi32, #tpu.memory_space<vmem>>, %arg7: memref<40x128xi32, #tpu.memory_space<vmem>>, %arg8: memref<128x128xf32, #tpu.memory_space<vmem>>, %arg9: memref<128x128xf32, #tpu.memory_space<vmem>>, %arg10: memref<10240x128xf32, #tpu.memory_space<vmem_shared>>, %arg11: memref<!tpu.dma_semaphore, #tpu.memory_space<semaphore_mem>>, %arg12: memref<!tpu.dma_semaphore, #tpu.memory_space<semaphore_mem>>) attributes {dimension_semantics = [#tpu.dimension_semantics<core_parallel>, #tpu.dimension_semantics<subcore_parallel>], iteration_bounds = array<i64: 2, 16>, scalar_prefetch = 0 : i64, scratch_operands = 7 : i64, tpu.core_type = #tpu.core_type<sc_vector_subcore>, window_params = [{transform_indices = #map}, {transform_indices = #map1}, {transform_indices = #map1}, {transform_indices = #map1}]} {
    %mul3A = arith.constant 16 : i32
    %mul3A_0 = arith.muli %arg0, %mul3A : i32
    %add3A = arith.addi %mul3A_0, %arg1 : i32
    %scan3A = arith.constant 0 : i32
    %scan3A_1 = arith.constant 0 : i32
    %scan3A_2 = arith.constant 64 : i32
    %scan3A_3 = arith.addi %scan3A_1, %scan3A_2 : i32
    %scan3A_4 = arith.constant 1 : i32
    scf.for %scan3A_179 = %scan3A_1 to %scan3A_3 step %scan3A_4  : i32 {
      %broadcast_in_dim3A = arith.constant 0.000000e+00 : f32
      %broadcast_in_dim3A_180 = vector.broadcast %broadcast_in_dim3A : f32 to vector<16xf32>
      %swap3A = arith.index_cast %scan3A_179 : i32 to index
      %swap3A_181 = arith.constant 0 : index
      %swap3A_182 = tpu.vector_load %arg8[%swap3A, %swap3A_181] {strides = array<i32>} : memref<128x128xf32, #tpu.memory_space<vmem>>, vector<1x16xf32>,
      %swap3A_183 = vector.shape_cast %swap3A_182 : vector<1x16xf32> to vector<16xf32>
      %swap3A_184 = vector.shape_cast %broadcast_in_dim3A_180 : vector<16xf32> to vector<1x16xf32>
      tpu.vector_store %arg8[%swap3A, %swap3A_181], %swap3A_184 {strides = array<i32>} : memref<128x128xf32, #tpu.memory_space<vmem>>, vector<1x16xf32>,
      %broadcast_in_dim3A_185 = arith.constant 0.000000e+00 : f32
      %broadcast_in_dim3A_186 = vector.broadcast %broadcast_in_dim3A_185 : f32 to vector<16xf32>
      %swap3A_187 = arith.index_cast %scan3A_179 : i32 to index
      %swap3A_188 = arith.constant 16 : index
      %swap3A_189 = tpu.vector_load %arg8[%swap3A_187, %swap3A_188] {strides = array<i32>} : memref<128x128xf32, #tpu.memory_space<vmem>>, vector<1x16xf32>,
      %swap3A_190 = vector.shape_cast %swap3A_189 : vector<1x16xf32> to vector<16xf32>
      %swap3A_191 = vector.shape_cast %broadcast_in_dim3A_186 : vector<16xf32> to vector<1x16xf32>
      tpu.vector_store %arg8[%swap3A_187, %swap3A_188], %swap3A_191 {strides = array<i32>} : memref<128x128xf32, #tpu.memory_space<vmem>>, vector<1x16xf32>,
      %broadcast_in_dim3A_192 = arith.constant 0.000000e+00 : f32
      %broadcast_in_dim3A_193 = vector.broadcast %broadcast_in_dim3A_192 : f32 to vector<16xf32>
      %swap3A_194 = arith.index_cast %scan3A_179 : i32 to index
      %swap3A_195 = arith.constant 32 : index
      %swap3A_196 = tpu.vector_load %arg8[%swap3A_194, %swap3A_195] {strides = array<i32>} : memref<128x128xf32, #tpu.memory_space<vmem>>, vector<1x16xf32>,
      %swap3A_197 = vector.shape_cast %swap3A_196 : vector<1x16xf32> to vector<16xf32>
      %swap3A_198 = vector.shape_cast %broadcast_in_dim3A_193 : vector<16xf32> to vector<1x16xf32>
      tpu.vector_store %arg8[%swap3A_194, %swap3A_195], %swap3A_198 {strides = array<i32>} : memref<128x128xf32, #tpu.memory_space<vmem>>, vector<1x16xf32>,
      %broadcast_in_dim3A_199 = arith.constant 0.000000e+00 : f32
      %broadcast_in_dim3A_200 = vector.broadcast %broadcast_in_dim3A_199 : f32 to vector<16xf32>
      %swap3A_201 = arith.index_cast %scan3A_179 : i32 to index
      %swap3A_202 = arith.constant 48 : index
      %swap3A_203 = tpu.vector_load %arg8[%swap3A_201, %swap3A_202] {strides = array<i32>} : memref<128x128xf32, #tpu.memory_space<vmem>>, vector<1x16xf32>,
      %swap3A_204 = vector.shape_cast %swap3A_203 : vector<1x16xf32> to vector<16xf32>
      %swap3A_205 = vector.shape_cast %broadcast_in_dim3A_200 : vector<16xf32> to vector<1x16xf32>
      tpu.vector_store %arg8[%swap3A_201, %swap3A_202], %swap3A_205 {strides = array<i32>} : memref<128x128xf32, #tpu.memory_space<vmem>>, vector<1x16xf32>,
      %broadcast_in_dim3A_206 = arith.constant 0.000000e+00 : f32
      %broadcast_in_dim3A_207 = vector.broadcast %broadcast_in_dim3A_206 : f32 to vector<16xf32>
      %swap3A_208 = arith.index_cast %scan3A_179 : i32 to index
      %swap3A_209 = arith.constant 64 : index
      %swap3A_210 = tpu.vector_load %arg8[%swap3A_208, %swap3A_209] {strides = array<i32>} : memref<128x128xf32, #tpu.memory_space<vmem>>, vector<1x16xf32>,
      %swap3A_211 = vector.shape_cast %swap3A_210 : vector<1x16xf32> to vector<16xf32>
      %swap3A_212 = vector.shape_cast %broadcast_in_dim3A_207 : vector<16xf32> to vector<1x16xf32>
      tpu.vector_store %arg8[%swap3A_208, %swap3A_209], %swap3A_212 {strides = array<i32>} : memref<128x128xf32, #tpu.memory_space<vmem>>, vector<1x16xf32>,
      %broadcast_in_dim3A_213 = arith.constant 0.000000e+00 : f32
      %broadcast_in_dim3A_214 = vector.broadcast %broadcast_in_dim3A_213 : f32 to vector<16xf32>
      %swap3A_215 = arith.index_cast %scan3A_179 : i32 to index
      %swap3A_216 = arith.constant 80 : index
      %swap3A_217 = tpu.vector_load %arg8[%swap3A_215, %swap3A_216] {strides = array<i32>} : memref<128x128xf32, #tpu.memory_space<vmem>>, vector<1x16xf32>,
      %swap3A_218 = vector.shape_cast %swap3A_217 : vector<1x16xf32> to vector<16xf32>
      %swap3A_219 = vector.shape_cast %broadcast_in_dim3A_214 : vector<16xf32> to vector<1x16xf32>
      tpu.vector_store %arg8[%swap3A_215, %swap3A_216], %swap3A_219 {strides = array<i32>} : memref<128x128xf32, #tpu.memory_space<vmem>>, vector<1x16xf32>,
      %broadcast_in_dim3A_220 = arith.constant 0.000000e+00 : f32
      %broadcast_in_dim3A_221 = vector.broadcast %broadcast_in_dim3A_220 : f32 to vector<16xf32>
      %swap3A_222 = arith.index_cast %scan3A_179 : i32 to index
      %swap3A_223 = arith.constant 96 : index
      %swap3A_224 = tpu.vector_load %arg8[%swap3A_222, %swap3A_223] {strides = array<i32>} : memref<128x128xf32, #tpu.memory_space<vmem>>, vector<1x16xf32>,
      %swap3A_225 = vector.shape_cast %swap3A_224 : vector<1x16xf32> to vector<16xf32>
      %swap3A_226 = vector.shape_cast %broadcast_in_dim3A_221 : vector<16xf32> to vector<1x16xf32>
      tpu.vector_store %arg8[%swap3A_222, %swap3A_223], %swap3A_226 {strides = array<i32>} : memref<128x128xf32, #tpu.memory_space<vmem>>, vector<1x16xf32>,
      %broadcast_in_dim3A_227 = arith.constant 0.000000e+00 : f32
      %broadcast_in_dim3A_228 = vector.broadcast %broadcast_in_dim3A_227 : f32 to vector<16xf32>
      %swap3A_229 = arith.index_cast %scan3A_179 : i32 to index
      %swap3A_230 = arith.constant 112 : index
      %swap3A_231 = tpu.vector_load %arg8[%swap3A_229, %swap3A_230] {strides = array<i32>} : memref<128x128xf32, #tpu.memory_space<vmem>>, vector<1x16xf32>,
      %swap3A_232 = vector.shape_cast %swap3A_231 : vector<1x16xf32> to vector<16xf32>
      %swap3A_233 = vector.shape_cast %broadcast_in_dim3A_228 : vector<16xf32> to vector<1x16xf32>
      tpu.vector_store %arg8[%swap3A_229, %swap3A_230], %swap3A_233 {strides = array<i32>} : memref<128x128xf32, #tpu.memory_space<vmem>>, vector<1x16xf32>,
    }
    %scan3A_5 = arith.constant 64 : i32
    %mul3A_6 = arith.constant 640 : i32
    %mul3A_7 = arith.muli %arg1, %mul3A_6 : i32
    %add3A_8 = arith.constant 0 : i32
    %add3A_9 = arith.addi %mul3A_7, %add3A_8 : i32
    "tpu.region"() ({
      %run_scoped3A = tpu.sem_alloc : memref<!tpu.dma_semaphore, #tpu.memory_space<semaphore_mem>>
      %dma_start3A_179 = arith.constant 0 : i32
      %dma_start3A_180 = arith.constant 0 : i32
      %dma_start3A_181 = tpu.memref_slice %arg8[%dma_start3A_179, %dma_start3A_180] : memref<128x128xf32, #tpu.memory_space<vmem>> -> memref<64x128xf32, #tpu.memory_space<vmem>>
      %dma_start3A_182 = arith.constant 0 : i32
      %dma_start3A_183 = tpu.memref_slice %arg10[%add3A_9, %dma_start3A_182] : memref<10240x128xf32, #tpu.memory_space<vmem_shared>> -> memref<64x128xf32, #tpu.memory_space<vmem_shared>>
      %dma_start3A_184 = arith.constant 0 : i32
      %dma_start3A_185 = tpu.memref_slice %arg10[%add3A_9, %dma_start3A_184] : memref<10240x128xf32, #tpu.memory_space<vmem_shared>> -> memref<64x128xf32, #tpu.memory_space<vmem_shared>>
      %dma_start3A_186 = arith.constant 0 : i32
      %dma_start3A_187 = arith.constant 0 : i32
      %dma_start3A_188 = tpu.memref_slice %arg8[%dma_start3A_186, %dma_start3A_187] : memref<128x128xf32, #tpu.memory_space<vmem>> -> memref<64x128xf32, #tpu.memory_space<vmem>>
      tpu.enqueue_dma source(%dma_start3A_188 : memref<64x128xf32, #tpu.memory_space<vmem>>) target(%dma_start3A_185 : memref<64x128xf32, #tpu.memory_space<vmem_shared>>) target_semaphore(%run_scoped3A : memref<!tpu.dma_semaphore, #tpu.memory_space<semaphore_mem>>)
      %dma_wait3A_189 = arith.constant 0 : i32
      %dma_wait3A_190 = arith.constant 0 : i32
      %dma_wait3A_191 = tpu.memref_slice %arg8[%dma_wait3A_189, %dma_wait3A_190] : memref<128x128xf32, #tpu.memory_space<vmem>> -> memref<64x128xf32, #tpu.memory_space<vmem>>
      %dma_wait3A_192 = arith.constant 0 : i32
      %dma_wait3A_193 = tpu.memref_slice %arg10[%add3A_9, %dma_wait3A_192] : memref<10240x128xf32, #tpu.memory_space<vmem_shared>> -> memref<64x128xf32, #tpu.memory_space<vmem_shared>>
      %dma_wait3A_194 = arith.constant 0 : i32
      %dma_wait3A_195 = tpu.memref_slice %arg10[%add3A_9, %dma_wait3A_194] : memref<10240x128xf32, #tpu.memory_space<vmem_shared>> -> memref<64x128xf32, #tpu.memory_space<vmem_shared>>
      %dma_wait3A_196 = arith.constant 0 : i32
      %dma_wait3A_197 = arith.constant 0 : i32
      %dma_wait3A_198 = tpu.memref_slice %arg8[%dma_wait3A_196, %dma_wait3A_197] : memref<128x128xf32, #tpu.memory_space<vmem>> -> memref<64x128xf32, #tpu.memory_space<vmem>>
      tpu.wait_dma2 semaphore(%run_scoped3A : memref<!tpu.dma_semaphore, #tpu.memory_space<semaphore_mem>>) src(%dma_wait3A_198 : memref<64x128xf32, #tpu.memory_space<vmem>>) dst(%dma_wait3A_195 : memref<64x128xf32, #tpu.memory_space<vmem_shared>>)
      tpu.yield
    }) : () -> ()
    %mul3A_10 = arith.constant 640 : i32
    %mul3A_11 = arith.muli %arg1, %mul3A_10 : i32
    %add3A_12 = arith.constant 64 : i32
    %add3A_13 = arith.addi %mul3A_11, %add3A_12 : i32
    "tpu.region"() ({
      %run_scoped3A = tpu.sem_alloc : memref<!tpu.dma_semaphore, #tpu.memory_space<semaphore_mem>>
      %dma_start3A_179 = arith.constant 0 : i32
      %dma_start3A_180 = arith.constant 0 : i32
      %dma_start3A_181 = tpu.memref_slice %arg8[%dma_start3A_179, %dma_start3A_180] : memref<128x128xf32, #tpu.memory_space<vmem>> -> memref<64x128xf32, #tpu.memory_space<vmem>>
      %dma_start3A_182 = arith.constant 0 : i32
      %dma_start3A_183 = tpu.memref_slice %arg10[%add3A_13, %dma_start3A_182] : memref<10240x128xf32, #tpu.memory_space<vmem_shared>> -> memref<64x128xf32, #tpu.memory_space<vmem_shared>>
      %dma_start3A_184 = arith.constant 0 : i32
      %dma_start3A_185 = tpu.memref_slice %arg10[%add3A_13, %dma_start3A_184] : memref<10240x128xf32, #tpu.memory_space<vmem_shared>> -> memref<64x128xf32, #tpu.memory_space<vmem_shared>>
      %dma_start3A_186 = arith.constant 0 : i32
      %dma_start3A_187 = arith.constant 0 : i32
      %dma_start3A_188 = tpu.memref_slice %arg8[%dma_start3A_186, %dma_start3A_187] : memref<128x128xf32, #tpu.memory_space<vmem>> -> memref<64x128xf32, #tpu.memory_space<vmem>>
      tpu.enqueue_dma source(%dma_start3A_188 : memref<64x128xf32, #tpu.memory_space<vmem>>) target(%dma_start3A_185 : memref<64x128xf32, #tpu.memory_space<vmem_shared>>) target_semaphore(%run_scoped3A : memref<!tpu.dma_semaphore, #tpu.memory_space<semaphore_mem>>)
      %dma_wait3A_189 = arith.constant 0 : i32
      %dma_wait3A_190 = arith.constant 0 : i32
      %dma_wait3A_191 = tpu.memref_slice %arg8[%dma_wait3A_189, %dma_wait3A_190] : memref<128x128xf32, #tpu.memory_space<vmem>> -> memref<64x128xf32, #tpu.memory_space<vmem>>
      %dma_wait3A_192 = arith.constant 0 : i32
      %dma_wait3A_193 = tpu.memref_slice %arg10[%add3A_13, %dma_wait3A_192] : memref<10240x128xf32, #tpu.memory_space<vmem_shared>> -> memref<64x128xf32, #tpu.memory_space<vmem_shared>>
      %dma_wait3A_194 = arith.constant 0 : i32
      %dma_wait3A_195 = tpu.memref_slice %arg10[%add3A_13, %dma_wait3A_194] : memref<10240x128xf32, #tpu.memory_space<vmem_shared>> -> memref<64x128xf32, #tpu.memory_space<vmem_shared>>
      %dma_wait3A_196 = arith.constant 0 : i32
      %dma_wait3A_197 = arith.constant 0 : i32
      %dma_wait3A_198 = tpu.memref_slice %arg8[%dma_wait3A_196, %dma_wait3A_197] : memref<128x128xf32, #tpu.memory_space<vmem>> -> memref<64x128xf32, #tpu.memory_space<vmem>>
      tpu.wait_dma2 semaphore(%run_scoped3A : memref<!tpu.dma_semaphore, #tpu.memory_space<semaphore_mem>>) src(%dma_wait3A_198 : memref<64x128xf32, #tpu.memory_space<vmem>>) dst(%dma_wait3A_195 : memref<64x128xf32, #tpu.memory_space<vmem_shared>>)
      tpu.yield
    }) : () -> ()
    %mul3A_14 = arith.constant 640 : i32
    %mul3A_15 = arith.muli %arg1, %mul3A_14 : i32
    %add3A_16 = arith.constant 128 : i32
    %add3A_17 = arith.addi %mul3A_15, %add3A_16 : i32
    "tpu.region"() ({
      %run_scoped3A = tpu.sem_alloc : memref<!tpu.dma_semaphore, #tpu.memory_space<semaphore_mem>>
      %dma_start3A_179 = arith.constant 0 : i32
      %dma_start3A_180 = arith.constant 0 : i32
      %dma_start3A_181 = tpu.memref_slice %arg8[%dma_start3A_179, %dma_start3A_180] : memref<128x128xf32, #tpu.memory_space<vmem>> -> memref<64x128xf32, #tpu.memory_space<vmem>>
      %dma_start3A_182 = arith.constant 0 : i32
      %dma_start3A_183 = tpu.memref_slice %arg10[%add3A_17, %dma_start3A_182] : memref<10240x128xf32, #tpu.memory_space<vmem_shared>> -> memref<64x128xf32, #tpu.memory_space<vmem_shared>>
      %dma_start3A_184 = arith.constant 0 : i32
      %dma_start3A_185 = tpu.memref_slice %arg10[%add3A_17, %dma_start3A_184] : memref<10240x128xf32, #tpu.memory_space<vmem_shared>> -> memref<64x128xf32, #tpu.memory_space<vmem_shared>>
      %dma_start3A_186 = arith.constant 0 : i32
      %dma_start3A_187 = arith.constant 0 : i32
      %dma_start3A_188 = tpu.memref_slice %arg8[%dma_start3A_186, %dma_start3A_187] : memref<128x128xf32, #tpu.memory_space<vmem>> -> memref<64x128xf32, #tpu.memory_space<vmem>>
      tpu.enqueue_dma source(%dma_start3A_188 : memref<64x128xf32, #tpu.memory_space<vmem>>) target(%dma_start3A_185 : memref<64x128xf32, #tpu.memory_space<vmem_shared>>) target_semaphore(%run_scoped3A : memref<!tpu.dma_semaphore, #tpu.memory_space<semaphore_mem>>)
      %dma_wait3A_189 = arith.constant 0 : i32
      %dma_wait3A_190 = arith.constant 0 : i32
      %dma_wait3A_191 = tpu.memref_slice %arg8[%dma_wait3A_189, %dma_wait3A_190] : memref<128x128xf32, #tpu.memory_space<vmem>> -> memref<64x128xf32, #tpu.memory_space<vmem>>
      %dma_wait3A_192 = arith.constant 0 : i32
      %dma_wait3A_193 = tpu.memref_slice %arg10[%add3A_17, %dma_wait3A_192] : memref<10240x128xf32, #tpu.memory_space<vmem_shared>> -> memref<64x128xf32, #tpu.memory_space<vmem_shared>>
      %dma_wait3A_194 = arith.constant 0 : i32
      %dma_wait3A_195 = tpu.memref_slice %arg10[%add3A_17, %dma_wait3A_194] : memref<10240x128xf32, #tpu.memory_space<vmem_shared>> -> memref<64x128xf32, #tpu.memory_space<vmem_shared>>
      %dma_wait3A_196 = arith.constant 0 : i32
      %dma_wait3A_197 = arith.constant 0 : i32
      %dma_wait3A_198 = tpu.memref_slice %arg8[%dma_wait3A_196, %dma_wait3A_197] : memref<128x128xf32, #tpu.memory_space<vmem>> -> memref<64x128xf32, #tpu.memory_space<vmem>>
      tpu.wait_dma2 semaphore(%run_scoped3A : memref<!tpu.dma_semaphore, #tpu.memory_space<semaphore_mem>>) src(%dma_wait3A_198 : memref<64x128xf32, #tpu.memory_space<vmem>>) dst(%dma_wait3A_195 : memref<64x128xf32, #tpu.memory_space<vmem_shared>>)
      tpu.yield
    }) : () -> ()
    %mul3A_18 = arith.constant 640 : i32
    %mul3A_19 = arith.muli %arg1, %mul3A_18 : i32
    %add3A_20 = arith.constant 192 : i32
    %add3A_21 = arith.addi %mul3A_19, %add3A_20 : i32
    "tpu.region"() ({
      %run_scoped3A = tpu.sem_alloc : memref<!tpu.dma_semaphore, #tpu.memory_space<semaphore_mem>>
      %dma_start3A_179 = arith.constant 0 : i32
      %dma_start3A_180 = arith.constant 0 : i32
      %dma_start3A_181 = tpu.memref_slice %arg8[%dma_start3A_179, %dma_start3A_180] : memref<128x128xf32, #tpu.memory_space<vmem>> -> memref<64x128xf32, #tpu.memory_space<vmem>>
      %dma_start3A_182 = arith.constant 0 : i32
      %dma_start3A_183 = tpu.memref_slice %arg10[%add3A_21, %dma_start3A_182] : memref<10240x128xf32, #tpu.memory_space<vmem_shared>> -> memref<64x128xf32, #tpu.memory_space<vmem_shared>>
      %dma_start3A_184 = arith.constant 0 : i32
      %dma_start3A_185 = tpu.memref_slice %arg10[%add3A_21, %dma_start3A_184] : memref<10240x128xf32, #tpu.memory_space<vmem_shared>> -> memref<64x128xf32, #tpu.memory_space<vmem_shared>>
      %dma_start3A_186 = arith.constant 0 : i32
      %dma_start3A_187 = arith.constant 0 : i32
      %dma_start3A_188 = tpu.memref_slice %arg8[%dma_start3A_186, %dma_start3A_187] : memref<128x128xf32, #tpu.memory_space<vmem>> -> memref<64x128xf32, #tpu.memory_space<vmem>>
      tpu.enqueue_dma source(%dma_start3A_188 : memref<64x128xf32, #tpu.memory_space<vmem>>) target(%dma_start3A_185 : memref<64x128xf32, #tpu.memory_space<vmem_shared>>) target_semaphore(%run_scoped3A : memref<!tpu.dma_semaphore, #tpu.memory_space<semaphore_mem>>)
      %dma_wait3A_189 = arith.constant 0 : i32
      %dma_wait3A_190 = arith.constant 0 : i32
      %dma_wait3A_191 = tpu.memref_slice %arg8[%dma_wait3A_189, %dma_wait3A_190] : memref<128x128xf32, #tpu.memory_space<vmem>> -> memref<64x128xf32, #tpu.memory_space<vmem>>
      %dma_wait3A_192 = arith.constant 0 : i32
      %dma_wait3A_193 = tpu.memref_slice %arg10[%add3A_21, %dma_wait3A_192] : memref<10240x128xf32, #tpu.memory_space<vmem_shared>> -> memref<64x128xf32, #tpu.memory_space<vmem_shared>>
      %dma_wait3A_194 = arith.constant 0 : i32
      %dma_wait3A_195 = tpu.memref_slice %arg10[%add3A_21, %dma_wait3A_194] : memref<10240x128xf32, #tpu.memory_space<vmem_shared>> -> memref<64x128xf32, #tpu.memory_space<vmem_shared>>
      %dma_wait3A_196 = arith.constant 0 : i32
      %dma_wait3A_197 = arith.constant 0 : i32
      %dma_wait3A_198 = tpu.memref_slice %arg8[%dma_wait3A_196, %dma_wait3A_197] : memref<128x128xf32, #tpu.memory_space<vmem>> -> memref<64x128xf32, #tpu.memory_space<vmem>>
      tpu.wait_dma2 semaphore(%run_scoped3A : memref<!tpu.dma_semaphore, #tpu.memory_space<semaphore_mem>>) src(%dma_wait3A_198 : memref<64x128xf32, #tpu.memory_space<vmem>>) dst(%dma_wait3A_195 : memref<64x128xf32, #tpu.memory_space<vmem_shared>>)
      tpu.yield
    }) : () -> ()
    %mul3A_22 = arith.constant 640 : i32
    %mul3A_23 = arith.muli %arg1, %mul3A_22 : i32
    %add3A_24 = arith.constant 256 : i32
    %add3A_25 = arith.addi %mul3A_23, %add3A_24 : i32
    "tpu.region"() ({
      %run_scoped3A = tpu.sem_alloc : memref<!tpu.dma_semaphore, #tpu.memory_space<semaphore_mem>>
      %dma_start3A_179 = arith.constant 0 : i32
      %dma_start3A_180 = arith.constant 0 : i32
      %dma_start3A_181 = tpu.memref_slice %arg8[%dma_start3A_179, %dma_start3A_180] : memref<128x128xf32, #tpu.memory_space<vmem>> -> memref<64x128xf32, #tpu.memory_space<vmem>>
      %dma_start3A_182 = arith.constant 0 : i32
      %dma_start3A_183 = tpu.memref_slice %arg10[%add3A_25, %dma_start3A_182] : memref<10240x128xf32, #tpu.memory_space<vmem_shared>> -> memref<64x128xf32, #tpu.memory_space<vmem_shared>>
      %dma_start3A_184 = arith.constant 0 : i32
      %dma_start3A_185 = tpu.memref_slice %arg10[%add3A_25, %dma_start3A_184] : memref<10240x128xf32, #tpu.memory_space<vmem_shared>> -> memref<64x128xf32, #tpu.memory_space<vmem_shared>>
      %dma_start3A_186 = arith.constant 0 : i32
      %dma_start3A_187 = arith.constant 0 : i32
      %dma_start3A_188 = tpu.memref_slice %arg8[%dma_start3A_186, %dma_start3A_187] : memref<128x128xf32, #tpu.memory_space<vmem>> -> memref<64x128xf32, #tpu.memory_space<vmem>>
      tpu.enqueue_dma source(%dma_start3A_188 : memref<64x128xf32, #tpu.memory_space<vmem>>) target(%dma_start3A_185 : memref<64x128xf32, #tpu.memory_space<vmem_shared>>) target_semaphore(%run_scoped3A : memref<!tpu.dma_semaphore, #tpu.memory_space<semaphore_mem>>)
      %dma_wait3A_189 = arith.constant 0 : i32
      %dma_wait3A_190 = arith.constant 0 : i32
      %dma_wait3A_191 = tpu.memref_slice %arg8[%dma_wait3A_189, %dma_wait3A_190] : memref<128x128xf32, #tpu.memory_space<vmem>> -> memref<64x128xf32, #tpu.memory_space<vmem>>
      %dma_wait3A_192 = arith.constant 0 : i32
      %dma_wait3A_193 = tpu.memref_slice %arg10[%add3A_25, %dma_wait3A_192] : memref<10240x128xf32, #tpu.memory_space<vmem_shared>> -> memref<64x128xf32, #tpu.memory_space<vmem_shared>>
      %dma_wait3A_194 = arith.constant 0 : i32
      %dma_wait3A_195 = tpu.memref_slice %arg10[%add3A_25, %dma_wait3A_194] : memref<10240x128xf32, #tpu.memory_space<vmem_shared>> -> memref<64x128xf32, #tpu.memory_space<vmem_shared>>
      %dma_wait3A_196 = arith.constant 0 : i32
      %dma_wait3A_197 = arith.constant 0 : i32
      %dma_wait3A_198 = tpu.memref_slice %arg8[%dma_wait3A_196, %dma_wait3A_197] : memref<128x128xf32, #tpu.memory_space<vmem>> -> memref<64x128xf32, #tpu.memory_space<vmem>>
      tpu.wait_dma2 semaphore(%run_scoped3A : memref<!tpu.dma_semaphore, #tpu.memory_space<semaphore_mem>>) src(%dma_wait3A_198 : memref<64x128xf32, #tpu.memory_space<vmem>>) dst(%dma_wait3A_195 : memref<64x128xf32, #tpu.memory_space<vmem_shared>>)
      tpu.yield
    }) : () -> ()
    %mul3A_26 = arith.constant 640 : i32
    %mul3A_27 = arith.muli %arg1, %mul3A_26 : i32
    %add3A_28 = arith.constant 320 : i32
    %add3A_29 = arith.addi %mul3A_27, %add3A_28 : i32
    "tpu.region"() ({
      %run_scoped3A = tpu.sem_alloc : memref<!tpu.dma_semaphore, #tpu.memory_space<semaphore_mem>>
      %dma_start3A_179 = arith.constant 0 : i32
      %dma_start3A_180 = arith.constant 0 : i32
      %dma_start3A_181 = tpu.memref_slice %arg8[%dma_start3A_179, %dma_start3A_180] : memref<128x128xf32, #tpu.memory_space<vmem>> -> memref<64x128xf32, #tpu.memory_space<vmem>>
      %dma_start3A_182 = arith.constant 0 : i32
      %dma_start3A_183 = tpu.memref_slice %arg10[%add3A_29, %dma_start3A_182] : memref<10240x128xf32, #tpu.memory_space<vmem_shared>> -> memref<64x128xf32, #tpu.memory_space<vmem_shared>>
      %dma_start3A_184 = arith.constant 0 : i32
      %dma_start3A_185 = tpu.memref_slice %arg10[%add3A_29, %dma_start3A_184] : memref<10240x128xf32, #tpu.memory_space<vmem_shared>> -> memref<64x128xf32, #tpu.memory_space<vmem_shared>>
      %dma_start3A_186 = arith.constant 0 : i32
      %dma_start3A_187 = arith.constant 0 : i32
      %dma_start3A_188 = tpu.memref_slice %arg8[%dma_start3A_186, %dma_start3A_187] : memref<128x128xf32, #tpu.memory_space<vmem>> -> memref<64x128xf32, #tpu.memory_space<vmem>>
      tpu.enqueue_dma source(%dma_start3A_188 : memref<64x128xf32, #tpu.memory_space<vmem>>) target(%dma_start3A_185 : memref<64x128xf32, #tpu.memory_space<vmem_shared>>) target_semaphore(%run_scoped3A : memref<!tpu.dma_semaphore, #tpu.memory_space<semaphore_mem>>)
      %dma_wait3A_189 = arith.constant 0 : i32
      %dma_wait3A_190 = arith.constant 0 : i32
      %dma_wait3A_191 = tpu.memref_slice %arg8[%dma_wait3A_189, %dma_wait3A_190] : memref<128x128xf32, #tpu.memory_space<vmem>> -> memref<64x128xf32, #tpu.memory_space<vmem>>
      %dma_wait3A_192 = arith.constant 0 : i32
      %dma_wait3A_193 = tpu.memref_slice %arg10[%add3A_29, %dma_wait3A_192] : memref<10240x128xf32, #tpu.memory_space<vmem_shared>> -> memref<64x128xf32, #tpu.memory_space<vmem_shared>>
      %dma_wait3A_194 = arith.constant 0 : i32
      %dma_wait3A_195 = tpu.memref_slice %arg10[%add3A_29, %dma_wait3A_194] : memref<10240x128xf32, #tpu.memory_space<vmem_shared>> -> memref<64x128xf32, #tpu.memory_space<vmem_shared>>
      %dma_wait3A_196 = arith.constant 0 : i32
      %dma_wait3A_197 = arith.constant 0 : i32
      %dma_wait3A_198 = tpu.memref_slice %arg8[%dma_wait3A_196, %dma_wait3A_197] : memref<128x128xf32, #tpu.memory_space<vmem>> -> memref<64x128xf32, #tpu.memory_space<vmem>>
      tpu.wait_dma2 semaphore(%run_scoped3A : memref<!tpu.dma_semaphore, #tpu.memory_space<semaphore_mem>>) src(%dma_wait3A_198 : memref<64x128xf32, #tpu.memory_space<vmem>>) dst(%dma_wait3A_195 : memref<64x128xf32, #tpu.memory_space<vmem_shared>>)
      tpu.yield
    }) : () -> ()
    %mul3A_30 = arith.constant 640 : i32
    %mul3A_31 = arith.muli %arg1, %mul3A_30 : i32
    %add3A_32 = arith.constant 384 : i32
    %add3A_33 = arith.addi %mul3A_31, %add3A_32 : i32
    "tpu.region"() ({
      %run_scoped3A = tpu.sem_alloc : memref<!tpu.dma_semaphore, #tpu.memory_space<semaphore_mem>>
      %dma_start3A_179 = arith.constant 0 : i32
      %dma_start3A_180 = arith.constant 0 : i32
      %dma_start3A_181 = tpu.memref_slice %arg8[%dma_start3A_179, %dma_start3A_180] : memref<128x128xf32, #tpu.memory_space<vmem>> -> memref<64x128xf32, #tpu.memory_space<vmem>>
      %dma_start3A_182 = arith.constant 0 : i32
      %dma_start3A_183 = tpu.memref_slice %arg10[%add3A_33, %dma_start3A_182] : memref<10240x128xf32, #tpu.memory_space<vmem_shared>> -> memref<64x128xf32, #tpu.memory_space<vmem_shared>>
      %dma_start3A_184 = arith.constant 0 : i32
      %dma_start3A_185 = tpu.memref_slice %arg10[%add3A_33, %dma_start3A_184] : memref<10240x128xf32, #tpu.memory_space<vmem_shared>> -> memref<64x128xf32, #tpu.memory_space<vmem_shared>>
      %dma_start3A_186 = arith.constant 0 : i32
      %dma_start3A_187 = arith.constant 0 : i32
      %dma_start3A_188 = tpu.memref_slice %arg8[%dma_start3A_186, %dma_start3A_187] : memref<128x128xf32, #tpu.memory_space<vmem>> -> memref<64x128xf32, #tpu.memory_space<vmem>>
      tpu.enqueue_dma source(%dma_start3A_188 : memref<64x128xf32, #tpu.memory_space<vmem>>) target(%dma_start3A_185 : memref<64x128xf32, #tpu.memory_space<vmem_shared>>) target_semaphore(%run_scoped3A : memref<!tpu.dma_semaphore, #tpu.memory_space<semaphore_mem>>)
      %dma_wait3A_189 = arith.constant 0 : i32
      %dma_wait3A_190 = arith.constant 0 : i32
      %dma_wait3A_191 = tpu.memref_slice %arg8[%dma_wait3A_189, %dma_wait3A_190] : memref<128x128xf32, #tpu.memory_space<vmem>> -> memref<64x128xf32, #tpu.memory_space<vmem>>
      %dma_wait3A_192 = arith.constant 0 : i32
      %dma_wait3A_193 = tpu.memref_slice %arg10[%add3A_33, %dma_wait3A_192] : memref<10240x128xf32, #tpu.memory_space<vmem_shared>> -> memref<64x128xf32, #tpu.memory_space<vmem_shared>>
      %dma_wait3A_194 = arith.constant 0 : i32
      %dma_wait3A_195 = tpu.memref_slice %arg10[%add3A_33, %dma_wait3A_194] : memref<10240x128xf32, #tpu.memory_space<vmem_shared>> -> memref<64x128xf32, #tpu.memory_space<vmem_shared>>
      %dma_wait3A_196 = arith.constant 0 : i32
      %dma_wait3A_197 = arith.constant 0 : i32
      %dma_wait3A_198 = tpu.memref_slice %arg8[%dma_wait3A_196, %dma_wait3A_197] : memref<128x128xf32, #tpu.memory_space<vmem>> -> memref<64x128xf32, #tpu.memory_space<vmem>>
      tpu.wait_dma2 semaphore(%run_scoped3A : memref<!tpu.dma_semaphore, #tpu.memory_space<semaphore_mem>>) src(%dma_wait3A_198 : memref<64x128xf32, #tpu.memory_space<vmem>>) dst(%dma_wait3A_195 : memref<64x128xf32, #tpu.memory_space<vmem_shared>>)
      tpu.yield
    }) : () -> ()
    %mul3A_34 = arith.constant 640 : i32
    %mul3A_35 = arith.muli %arg1, %mul3A_34 : i32
    %add3A_36 = arith.constant 448 : i32
    %add3A_37 = arith.addi %mul3A_35, %add3A_36 : i32
    "tpu.region"() ({
      %run_scoped3A = tpu.sem_alloc : memref<!tpu.dma_semaphore, #tpu.memory_space<semaphore_mem>>
      %dma_start3A_179 = arith.constant 0 : i32
      %dma_start3A_180 = arith.constant 0 : i32
      %dma_start3A_181 = tpu.memref_slice %arg8[%dma_start3A_179, %dma_start3A_180] : memref<128x128xf32, #tpu.memory_space<vmem>> -> memref<64x128xf32, #tpu.memory_space<vmem>>
      %dma_start3A_182 = arith.constant 0 : i32
      %dma_start3A_183 = tpu.memref_slice %arg10[%add3A_37, %dma_start3A_182] : memref<10240x128xf32, #tpu.memory_space<vmem_shared>> -> memref<64x128xf32, #tpu.memory_space<vmem_shared>>
      %dma_start3A_184 = arith.constant 0 : i32
      %dma_start3A_185 = tpu.memref_slice %arg10[%add3A_37, %dma_start3A_184] : memref<10240x128xf32, #tpu.memory_space<vmem_shared>> -> memref<64x128xf32, #tpu.memory_space<vmem_shared>>
      %dma_start3A_186 = arith.constant 0 : i32
      %dma_start3A_187 = arith.constant 0 : i32
      %dma_start3A_188 = tpu.memref_slice %arg8[%dma_start3A_186, %dma_start3A_187] : memref<128x128xf32, #tpu.memory_space<vmem>> -> memref<64x128xf32, #tpu.memory_space<vmem>>
      tpu.enqueue_dma source(%dma_start3A_188 : memref<64x128xf32, #tpu.memory_space<vmem>>) target(%dma_start3A_185 : memref<64x128xf32, #tpu.memory_space<vmem_shared>>) target_semaphore(%run_scoped3A : memref<!tpu.dma_semaphore, #tpu.memory_space<semaphore_mem>>)
      %dma_wait3A_189 = arith.constant 0 : i32
      %dma_wait3A_190 = arith.constant 0 : i32
      %dma_wait3A_191 = tpu.memref_slice %arg8[%dma_wait3A_189, %dma_wait3A_190] : memref<128x128xf32, #tpu.memory_space<vmem>> -> memref<64x128xf32, #tpu.memory_space<vmem>>
      %dma_wait3A_192 = arith.constant 0 : i32
      %dma_wait3A_193 = tpu.memref_slice %arg10[%add3A_37, %dma_wait3A_192] : memref<10240x128xf32, #tpu.memory_space<vmem_shared>> -> memref<64x128xf32, #tpu.memory_space<vmem_shared>>
      %dma_wait3A_194 = arith.constant 0 : i32
      %dma_wait3A_195 = tpu.memref_slice %arg10[%add3A_37, %dma_wait3A_194] : memref<10240x128xf32, #tpu.memory_space<vmem_shared>> -> memref<64x128xf32, #tpu.memory_space<vmem_shared>>
      %dma_wait3A_196 = arith.constant 0 : i32
      %dma_wait3A_197 = arith.constant 0 : i32
      %dma_wait3A_198 = tpu.memref_slice %arg8[%dma_wait3A_196, %dma_wait3A_197] : memref<128x128xf32, #tpu.memory_space<vmem>> -> memref<64x128xf32, #tpu.memory_space<vmem>>
      tpu.wait_dma2 semaphore(%run_scoped3A : memref<!tpu.dma_semaphore, #tpu.memory_space<semaphore_mem>>) src(%dma_wait3A_198 : memref<64x128xf32, #tpu.memory_space<vmem>>) dst(%dma_wait3A_195 : memref<64x128xf32, #tpu.memory_space<vmem_shared>>)
      tpu.yield
    }) : () -> ()
    %mul3A_38 = arith.constant 640 : i32
    %mul3A_39 = arith.muli %arg1, %mul3A_38 : i32
    %add3A_40 = arith.constant 512 : i32
    %add3A_41 = arith.addi %mul3A_39, %add3A_40 : i32
    "tpu.region"() ({
      %run_scoped3A = tpu.sem_alloc : memref<!tpu.dma_semaphore, #tpu.memory_space<semaphore_mem>>
      %dma_start3A_179 = arith.constant 0 : i32
      %dma_start3A_180 = arith.constant 0 : i32
      %dma_start3A_181 = tpu.memref_slice %arg8[%dma_start3A_179, %dma_start3A_180] : memref<128x128xf32, #tpu.memory_space<vmem>> -> memref<64x128xf32, #tpu.memory_space<vmem>>
      %dma_start3A_182 = arith.constant 0 : i32
      %dma_start3A_183 = tpu.memref_slice %arg10[%add3A_41, %dma_start3A_182] : memref<10240x128xf32, #tpu.memory_space<vmem_shared>> -> memref<64x128xf32, #tpu.memory_space<vmem_shared>>
      %dma_start3A_184 = arith.constant 0 : i32
      %dma_start3A_185 = tpu.memref_slice %arg10[%add3A_41, %dma_start3A_184] : memref<10240x128xf32, #tpu.memory_space<vmem_shared>> -> memref<64x128xf32, #tpu.memory_space<vmem_shared>>
      %dma_start3A_186 = arith.constant 0 : i32
      %dma_start3A_187 = arith.constant 0 : i32
      %dma_start3A_188 = tpu.memref_slice %arg8[%dma_start3A_186, %dma_start3A_187] : memref<128x128xf32, #tpu.memory_space<vmem>> -> memref<64x128xf32, #tpu.memory_space<vmem>>
      tpu.enqueue_dma source(%dma_start3A_188 : memref<64x128xf32, #tpu.memory_space<vmem>>) target(%dma_start3A_185 : memref<64x128xf32, #tpu.memory_space<vmem_shared>>) target_semaphore(%run_scoped3A : memref<!tpu.dma_semaphore, #tpu.memory_space<semaphore_mem>>)
      %dma_wait3A_189 = arith.constant 0 : i32
      %dma_wait3A_190 = arith.constant 0 : i32
      %dma_wait3A_191 = tpu.memref_slice %arg8[%dma_wait3A_189, %dma_wait3A_190] : memref<128x128xf32, #tpu.memory_space<vmem>> -> memref<64x128xf32, #tpu.memory_space<vmem>>
      %dma_wait3A_192 = arith.constant 0 : i32
      %dma_wait3A_193 = tpu.memref_slice %arg10[%add3A_41, %dma_wait3A_192] : memref<10240x128xf32, #tpu.memory_space<vmem_shared>> -> memref<64x128xf32, #tpu.memory_space<vmem_shared>>
      %dma_wait3A_194 = arith.constant 0 : i32
      %dma_wait3A_195 = tpu.memref_slice %arg10[%add3A_41, %dma_wait3A_194] : memref<10240x128xf32, #tpu.memory_space<vmem_shared>> -> memref<64x128xf32, #tpu.memory_space<vmem_shared>>
      %dma_wait3A_196 = arith.constant 0 : i32
      %dma_wait3A_197 = arith.constant 0 : i32
      %dma_wait3A_198 = tpu.memref_slice %arg8[%dma_wait3A_196, %dma_wait3A_197] : memref<128x128xf32, #tpu.memory_space<vmem>> -> memref<64x128xf32, #tpu.memory_space<vmem>>
      tpu.wait_dma2 semaphore(%run_scoped3A : memref<!tpu.dma_semaphore, #tpu.memory_space<semaphore_mem>>) src(%dma_wait3A_198 : memref<64x128xf32, #tpu.memory_space<vmem>>) dst(%dma_wait3A_195 : memref<64x128xf32, #tpu.memory_space<vmem_shared>>)
      tpu.yield
    }) : () -> ()
    %mul3A_42 = arith.constant 640 : i32
    %mul3A_43 = arith.muli %arg1, %mul3A_42 : i32
    %add3A_44 = arith.constant 576 : i32
    %add3A_45 = arith.addi %mul3A_43, %add3A_44 : i32
    "tpu.region"() ({
      %run_scoped3A = tpu.sem_alloc : memref<!tpu.dma_semaphore, #tpu.memory_space<semaphore_mem>>
      %dma_start3A_179 = arith.constant 0 : i32
      %dma_start3A_180 = arith.constant 0 : i32
      %dma_start3A_181 = tpu.memref_slice %arg8[%dma_start3A_179, %dma_start3A_180] : memref<128x128xf32, #tpu.memory_space<vmem>> -> memref<64x128xf32, #tpu.memory_space<vmem>>
      %dma_start3A_182 = arith.constant 0 : i32
      %dma_start3A_183 = tpu.memref_slice %arg10[%add3A_45, %dma_start3A_182] : memref<10240x128xf32, #tpu.memory_space<vmem_shared>> -> memref<64x128xf32, #tpu.memory_space<vmem_shared>>
      %dma_start3A_184 = arith.constant 0 : i32
      %dma_start3A_185 = tpu.memref_slice %arg10[%add3A_45, %dma_start3A_184] : memref<10240x128xf32, #tpu.memory_space<vmem_shared>> -> memref<64x128xf32, #tpu.memory_space<vmem_shared>>
      %dma_start3A_186 = arith.constant 0 : i32
      %dma_start3A_187 = arith.constant 0 : i32
      %dma_start3A_188 = tpu.memref_slice %arg8[%dma_start3A_186, %dma_start3A_187] : memref<128x128xf32, #tpu.memory_space<vmem>> -> memref<64x128xf32, #tpu.memory_space<vmem>>
      tpu.enqueue_dma source(%dma_start3A_188 : memref<64x128xf32, #tpu.memory_space<vmem>>) target(%dma_start3A_185 : memref<64x128xf32, #tpu.memory_space<vmem_shared>>) target_semaphore(%run_scoped3A : memref<!tpu.dma_semaphore, #tpu.memory_space<semaphore_mem>>)
      %dma_wait3A_189 = arith.constant 0 : i32
      %dma_wait3A_190 = arith.constant 0 : i32
      %dma_wait3A_191 = tpu.memref_slice %arg8[%dma_wait3A_189, %dma_wait3A_190] : memref<128x128xf32, #tpu.memory_space<vmem>> -> memref<64x128xf32, #tpu.memory_space<vmem>>
      %dma_wait3A_192 = arith.constant 0 : i32
      %dma_wait3A_193 = tpu.memref_slice %arg10[%add3A_45, %dma_wait3A_192] : memref<10240x128xf32, #tpu.memory_space<vmem_shared>> -> memref<64x128xf32, #tpu.memory_space<vmem_shared>>
      %dma_wait3A_194 = arith.constant 0 : i32
      %dma_wait3A_195 = tpu.memref_slice %arg10[%add3A_45, %dma_wait3A_194] : memref<10240x128xf32, #tpu.memory_space<vmem_shared>> -> memref<64x128xf32, #tpu.memory_space<vmem_shared>>
      %dma_wait3A_196 = arith.constant 0 : i32
      %dma_wait3A_197 = arith.constant 0 : i32
      %dma_wait3A_198 = tpu.memref_slice %arg8[%dma_wait3A_196, %dma_wait3A_197] : memref<128x128xf32, #tpu.memory_space<vmem>> -> memref<64x128xf32, #tpu.memory_space<vmem>>
      tpu.wait_dma2 semaphore(%run_scoped3A : memref<!tpu.dma_semaphore, #tpu.memory_space<semaphore_mem>>) src(%dma_wait3A_198 : memref<64x128xf32, #tpu.memory_space<vmem>>) dst(%dma_wait3A_195 : memref<64x128xf32, #tpu.memory_space<vmem_shared>>)
      tpu.yield
    }) : () -> ()
    %barrier3A = arith.constant 0 : index
    tpu.barrier barrier_id(%barrier3A)
    "tpu.region"() ({
      %run_scoped3A = tpu.sem_alloc : memref<!tpu.dma_semaphore, #tpu.memory_space<semaphore_mem>>
      %dma_start3A_179 = arith.constant 0 : i32
      %dma_start3A_180 = arith.constant 0 : i32
      %dma_start3A_181 = tpu.memref_slice %arg3[%add3A, %dma_start3A_179, %dma_start3A_180] : memref<32x80x128xi32, #tpu.memory_space<hbm>> -> memref<1x40x128xi32, #tpu.memory_space<hbm>>
      %dma_start3A_182 = tpu.memref_squeeze %dma_start3A_181 : memref<1x40x128xi32, #tpu.memory_space<hbm>> -> memref<40x128xi32, #tpu.memory_space<hbm>>
      %dma_start3A_183 = arith.constant 0 : i32
      %dma_start3A_184 = arith.constant 0 : i32
      %dma_start3A_185 = tpu.memref_slice %arg3[%add3A, %dma_start3A_183, %dma_start3A_184] : memref<32x80x128xi32, #tpu.memory_space<hbm>> -> memref<1x40x128xi32, #tpu.memory_space<hbm>>
      %dma_start3A_186 = tpu.memref_squeeze %dma_start3A_185 : memref<1x40x128xi32, #tpu.memory_space<hbm>> -> memref<40x128xi32, #tpu.memory_space<hbm>>
      tpu.enqueue_dma source(%dma_start3A_186 : memref<40x128xi32, #tpu.memory_space<hbm>>) target(%arg6 : memref<40x128xi32, #tpu.memory_space<vmem>>) target_semaphore(%run_scoped3A : memref<!tpu.dma_semaphore, #tpu.memory_space<semaphore_mem>>)
      %dma_wait3A_187 = arith.constant 0 : i32
      %dma_wait3A_188 = arith.constant 0 : i32
      %dma_wait3A_189 = tpu.memref_slice %arg3[%add3A, %dma_wait3A_187, %dma_wait3A_188] : memref<32x80x128xi32, #tpu.memory_space<hbm>> -> memref<1x40x128xi32, #tpu.memory_space<hbm>>
      %dma_wait3A_190 = tpu.memref_squeeze %dma_wait3A_189 : memref<1x40x128xi32, #tpu.memory_space<hbm>> -> memref<40x128xi32, #tpu.memory_space<hbm>>
      %dma_wait3A_191 = arith.constant 0 : i32
      %dma_wait3A_192 = arith.constant 0 : i32
      %dma_wait3A_193 = tpu.memref_slice %arg3[%add3A, %dma_wait3A_191, %dma_wait3A_192] : memref<32x80x128xi32, #tpu.memory_space<hbm>> -> memref<1x40x128xi32, #tpu.memory_space<hbm>>
      %dma_wait3A_194 = tpu.memref_squeeze %dma_wait3A_193 : memref<1x40x128xi32, #tpu.memory_space<hbm>> -> memref<40x128xi32, #tpu.memory_space<hbm>>
      tpu.wait_dma2 semaphore(%run_scoped3A : memref<!tpu.dma_semaphore, #tpu.memory_space<semaphore_mem>>) src(%dma_wait3A_194 : memref<40x128xi32, #tpu.memory_space<hbm>>) dst(%arg6 : memref<40x128xi32, #tpu.memory_space<vmem>>)
      tpu.yield
    }) : () -> ()
    "tpu.region"() ({
      %run_scoped3A = tpu.sem_alloc : memref<!tpu.dma_semaphore, #tpu.memory_space<semaphore_mem>>
      %dma_start3A_179 = arith.constant 0 : i32
      %dma_start3A_180 = arith.constant 0 : i32
      %dma_start3A_181 = tpu.memref_slice %arg4[%add3A, %dma_start3A_179, %dma_start3A_180] : memref<32x80x128xi32, #tpu.memory_space<hbm>> -> memref<1x40x128xi32, #tpu.memory_space<hbm>>
      %dma_start3A_182 = tpu.memref_squeeze %dma_start3A_181 : memref<1x40x128xi32, #tpu.memory_space<hbm>> -> memref<40x128xi32, #tpu.memory_space<hbm>>
      %dma_start3A_183 = arith.constant 0 : i32
      %dma_start3A_184 = arith.constant 0 : i32
      %dma_start3A_185 = tpu.memref_slice %arg4[%add3A, %dma_start3A_183, %dma_start3A_184] : memref<32x80x128xi32, #tpu.memory_space<hbm>> -> memref<1x40x128xi32, #tpu.memory_space<hbm>>
      %dma_start3A_186 = tpu.memref_squeeze %dma_start3A_185 : memref<1x40x128xi32, #tpu.memory_space<hbm>> -> memref<40x128xi32, #tpu.memory_space<hbm>>
      tpu.enqueue_dma source(%dma_start3A_186 : memref<40x128xi32, #tpu.memory_space<hbm>>) target(%arg7 : memref<40x128xi32, #tpu.memory_space<vmem>>) target_semaphore(%run_scoped3A : memref<!tpu.dma_semaphore, #tpu.memory_space<semaphore_mem>>)
      %dma_wait3A_187 = arith.constant 0 : i32
      %dma_wait3A_188 = arith.constant 0 : i32
      %dma_wait3A_189 = tpu.memref_slice %arg4[%add3A, %dma_wait3A_187, %dma_wait3A_188] : memref<32x80x128xi32, #tpu.memory_space<hbm>> -> memref<1x40x128xi32, #tpu.memory_space<hbm>>
      %dma_wait3A_190 = tpu.memref_squeeze %dma_wait3A_189 : memref<1x40x128xi32, #tpu.memory_space<hbm>> -> memref<40x128xi32, #tpu.memory_space<hbm>>
      %dma_wait3A_191 = arith.constant 0 : i32
      %dma_wait3A_192 = arith.constant 0 : i32
      %dma_wait3A_193 = tpu.memref_slice %arg4[%add3A, %dma_wait3A_191, %dma_wait3A_192] : memref<32x80x128xi32, #tpu.memory_space<hbm>> -> memref<1x40x128xi32, #tpu.memory_space<hbm>>
      %dma_wait3A_194 = tpu.memref_squeeze %dma_wait3A_193 : memref<1x40x128xi32, #tpu.memory_space<hbm>> -> memref<40x128xi32, #tpu.memory_space<hbm>>
      tpu.wait_dma2 semaphore(%run_scoped3A : memref<!tpu.dma_semaphore, #tpu.memory_space<semaphore_mem>>) src(%dma_wait3A_194 : memref<40x128xi32, #tpu.memory_space<hbm>>) dst(%arg7 : memref<40x128xi32, #tpu.memory_space<vmem>>)
      tpu.yield
    }) : () -> ()
    %dma_start3A = arith.constant 0 : i32
    %dma_start3A_46 = arith.constant 0 : i32
    %dma_start3A_47 = tpu.memref_slice %arg6[%dma_start3A, %dma_start3A_46] : memref<40x128xi32, #tpu.memory_space<vmem>> -> memref<1x128xi32, #tpu.memory_space<vmem>>
    %dma_start3A_48 = tpu.memref_squeeze %dma_start3A_47 : memref<1x128xi32, #tpu.memory_space<vmem>> -> memref<128xi32, #tpu.memory_space<vmem>>
    %dma_start3A_49 = arith.constant 0 : i32
    %dma_start3A_50 = arith.constant 0 : i32
    %dma_start3A_51 = tpu.memref_slice %arg2[%dma_start3A_49, %dma_start3A_50] : memref<10000x128xf32, #tpu.memory_space<hbm>> -> memref<10000x128xf32, #tpu.memory_space<hbm>>
    tpu.enqueue_indirect_dma source(%dma_start3A_51 : memref<10000x128xf32, #tpu.memory_space<hbm>>) target(%arg8 : memref<128x128xf32, #tpu.memory_space<vmem>>) offsets(%dma_start3A_48 : memref<128xi32, #tpu.memory_space<vmem>>) semaphore(%arg11 : memref<!tpu.dma_semaphore, #tpu.memory_space<semaphore_mem>>)
    %scan3A_52 = arith.constant 0 : i32
    %scan3A_53 = arith.constant 0 : i32
    %scan3A_54 = arith.constant 20 : i32
    %scan3A_55 = arith.addi %scan3A_53, %scan3A_54 : i32
    %scan3A_56 = arith.constant 1 : i32
    scf.for %scan3A_179 = %scan3A_53 to %scan3A_55 step %scan3A_56  : i32 {
      %mul3A_180 = arith.constant 2 : i32
      %mul3A_181 = arith.muli %mul3A_180, %scan3A_179 : i32
      %add3A_182 = arith.constant 0 : i32
      %add3A_183 = arith.addi %mul3A_181, %add3A_182 : i32
      %dma_wait3A_184 = arith.constant 0 : i32
      %dma_wait3A_185 = tpu.memref_slice %arg6[%add3A_183, %dma_wait3A_184] : memref<40x128xi32, #tpu.memory_space<vmem>> -> memref<1x128xi32, #tpu.memory_space<vmem>>
      %dma_wait3A_186 = tpu.memref_squeeze %dma_wait3A_185 : memref<1x128xi32, #tpu.memory_space<vmem>> -> memref<128xi32, #tpu.memory_space<vmem>>
      %dma_wait3A_187 = arith.constant 0 : i32
      %dma_wait3A_188 = arith.constant 0 : i32
      %dma_wait3A_189 = tpu.memref_slice %arg2[%dma_wait3A_187, %dma_wait3A_188] : memref<10000x128xf32, #tpu.memory_space<hbm>> -> memref<10000x128xf32, #tpu.memory_space<hbm>>
      tpu.wait_indirect_dma semaphore(%arg11 : memref<!tpu.dma_semaphore, #tpu.memory_space<semaphore_mem>>) src(%dma_wait3A_189 : memref<10000x128xf32, #tpu.memory_space<hbm>>) dst(%arg8 : memref<128x128xf32, #tpu.memory_space<vmem>>)
      %dma_start3A_190 = arith.constant 0 : i32
      %dma_start3A_191 = tpu.memref_slice %arg7[%add3A_183, %dma_start3A_190] : memref<40x128xi32, #tpu.memory_space<vmem>> -> memref<1x128xi32, #tpu.memory_space<vmem>>
      %dma_start3A_192 = tpu.memref_squeeze %dma_start3A_191 : memref<1x128xi32, #tpu.memory_space<vmem>> -> memref<128xi32, #tpu.memory_space<vmem>>
      %dma_start3A_193 = arith.constant 0 : i32
      %dma_start3A_194 = arith.constant 0 : i32
      %dma_start3A_195 = tpu.memref_slice %arg10[%dma_start3A_193, %dma_start3A_194] : memref<10240x128xf32, #tpu.memory_space<vmem_shared>> -> memref<10240x128xf32, #tpu.memory_space<vmem_shared>>
      tpu.enqueue_indirect_dma source(%arg8 : memref<128x128xf32, #tpu.memory_space<vmem>>) target(%dma_start3A_195 : memref<10240x128xf32, #tpu.memory_space<vmem_shared>>) offsets(%dma_start3A_192 : memref<128xi32, #tpu.memory_space<vmem>>) semaphore(%arg12 : memref<!tpu.dma_semaphore, #tpu.memory_space<semaphore_mem>>) {add = true}
      %add3A_196 = arith.constant 1 : i32
      %add3A_197 = arith.addi %add3A_183, %add3A_196 : i32
      %lt3A = arith.constant 40 : i32
      %lt3A_198 = arith.cmpi slt, %add3A_197, %lt3A : i32
      %convert_element_type3A = arith.extui %lt3A_198 : i1 to i32
      %cond3A = arith.constant 0 : i32
      %cond3A_199 = arith.cmpi ne, %convert_element_type3A, %cond3A : i32
      scf.if %cond3A_199 {
        %ge3A = arith.constant 1 : i32
        %ge3A_223 = arith.cmpi sge, %add3A_183, %ge3A : i32
        %convert_element_type3A_224 = arith.extui %ge3A_223 : i1 to i32
        %cond3A_225 = arith.constant 0 : i32
        %cond3A_226 = arith.cmpi ne, %convert_element_type3A_224, %cond3A_225 : i32
        scf.if %cond3A_226 {
          %sub3A = arith.constant 1 : i32
          %sub3A_235 = arith.subi %add3A_183, %sub3A : i32
          %dma_wait3A_236 = arith.constant 0 : i32
          %dma_wait3A_237 = tpu.memref_slice %arg7[%sub3A_235, %dma_wait3A_236] : memref<40x128xi32, #tpu.memory_space<vmem>> -> memref<1x128xi32, #tpu.memory_space<vmem>>
          %dma_wait3A_238 = tpu.memref_squeeze %dma_wait3A_237 : memref<1x128xi32, #tpu.memory_space<vmem>> -> memref<128xi32, #tpu.memory_space<vmem>>
          %dma_wait3A_239 = arith.constant 0 : i32
          %dma_wait3A_240 = arith.constant 0 : i32
          %dma_wait3A_241 = tpu.memref_slice %arg10[%dma_wait3A_239, %dma_wait3A_240] : memref<10240x128xf32, #tpu.memory_space<vmem_shared>> -> memref<10240x128xf32, #tpu.memory_space<vmem_shared>>
          tpu.wait_indirect_dma semaphore(%arg12 : memref<!tpu.dma_semaphore, #tpu.memory_space<semaphore_mem>>) src(%arg9 : memref<128x128xf32, #tpu.memory_space<vmem>>) dst(%dma_wait3A_241 : memref<10240x128xf32, #tpu.memory_space<vmem_shared>>)
        } else {
        }
        %add3A_227 = arith.constant 1 : i32
        %add3A_228 = arith.addi %add3A_183, %add3A_227 : i32
        %dma_start3A_229 = arith.constant 0 : i32
        %dma_start3A_230 = tpu.memref_slice %arg6[%add3A_228, %dma_start3A_229] : memref<40x128xi32, #tpu.memory_space<vmem>> -> memref<1x128xi32, #tpu.memory_space<vmem>>
        %dma_start3A_231 = tpu.memref_squeeze %dma_start3A_230 : memref<1x128xi32, #tpu.memory_space<vmem>> -> memref<128xi32, #tpu.memory_space<vmem>>
        %dma_start3A_232 = arith.constant 0 : i32
        %dma_start3A_233 = arith.constant 0 : i32
        %dma_start3A_234 = tpu.memref_slice %arg2[%dma_start3A_232, %dma_start3A_233] : memref<10000x128xf32, #tpu.memory_space<hbm>> -> memref<10000x128xf32, #tpu.memory_space<hbm>>
        tpu.enqueue_indirect_dma source(%dma_start3A_234 : memref<10000x128xf32, #tpu.memory_space<hbm>>) target(%arg9 : memref<128x128xf32, #tpu.memory_space<vmem>>) offsets(%dma_start3A_231 : memref<128xi32, #tpu.memory_space<vmem>>) semaphore(%arg11 : memref<!tpu.dma_semaphore, #tpu.memory_space<semaphore_mem>>)
      } else {
      }
      %mul3A_200 = arith.constant 2 : i32
      %mul3A_201 = arith.muli %mul3A_200, %scan3A_179 : i32
      %add3A_202 = arith.constant 1 : i32
      %add3A_203 = arith.addi %mul3A_201, %add3A_202 : i32
      %dma_wait3A_204 = arith.constant 0 : i32
      %dma_wait3A_205 = tpu.memref_slice %arg6[%add3A_203, %dma_wait3A_204] : memref<40x128xi32, #tpu.memory_space<vmem>> -> memref<1x128xi32, #tpu.memory_space<vmem>>
      %dma_wait3A_206 = tpu.memref_squeeze %dma_wait3A_205 : memref<1x128xi32, #tpu.memory_space<vmem>> -> memref<128xi32, #tpu.memory_space<vmem>>
      %dma_wait3A_207 = arith.constant 0 : i32
      %dma_wait3A_208 = arith.constant 0 : i32
      %dma_wait3A_209 = tpu.memref_slice %arg2[%dma_wait3A_207, %dma_wait3A_208] : memref<10000x128xf32, #tpu.memory_space<hbm>> -> memref<10000x128xf32, #tpu.memory_space<hbm>>
      tpu.wait_indirect_dma semaphore(%arg11 : memref<!tpu.dma_semaphore, #tpu.memory_space<semaphore_mem>>) src(%dma_wait3A_209 : memref<10000x128xf32, #tpu.memory_space<hbm>>) dst(%arg9 : memref<128x128xf32, #tpu.memory_space<vmem>>)
      %dma_start3A_210 = arith.constant 0 : i32
      %dma_start3A_211 = tpu.memref_slice %arg7[%add3A_203, %dma_start3A_210] : memref<40x128xi32, #tpu.memory_space<vmem>> -> memref<1x128xi32, #tpu.memory_space<vmem>>
      %dma_start3A_212 = tpu.memref_squeeze %dma_start3A_211 : memref<1x128xi32, #tpu.memory_space<vmem>> -> memref<128xi32, #tpu.memory_space<vmem>>
      %dma_start3A_213 = arith.constant 0 : i32
      %dma_start3A_214 = arith.constant 0 : i32
      %dma_start3A_215 = tpu.memref_slice %arg10[%dma_start3A_213, %dma_start3A_214] : memref<10240x128xf32, #tpu.memory_space<vmem_shared>> -> memref<10240x128xf32, #tpu.memory_space<vmem_shared>>
      tpu.enqueue_indirect_dma source(%arg9 : memref<128x128xf32, #tpu.memory_space<vmem>>) target(%dma_start3A_215 : memref<10240x128xf32, #tpu.memory_space<vmem_shared>>) offsets(%dma_start3A_212 : memref<128xi32, #tpu.memory_space<vmem>>) semaphore(%arg12 : memref<!tpu.dma_semaphore, #tpu.memory_space<semaphore_mem>>) {add = true}
      %add3A_216 = arith.constant 1 : i32
      %add3A_217 = arith.addi %add3A_203, %add3A_216 : i32
      %lt3A_218 = arith.constant 40 : i32
      %lt3A_219 = arith.cmpi slt, %add3A_217, %lt3A_218 : i32
      %convert_element_type3A_220 = arith.extui %lt3A_219 : i1 to i32
      %cond3A_221 = arith.constant 0 : i32
      %cond3A_222 = arith.cmpi ne, %convert_element_type3A_220, %cond3A_221 : i32
      scf.if %cond3A_222 {
        %ge3A = arith.constant 1 : i32
        %ge3A_223 = arith.cmpi sge, %add3A_203, %ge3A : i32
        %convert_element_type3A_224 = arith.extui %ge3A_223 : i1 to i32
        %cond3A_225 = arith.constant 0 : i32
        %cond3A_226 = arith.cmpi ne, %convert_element_type3A_224, %cond3A_225 : i32
        scf.if %cond3A_226 {
          %sub3A = arith.constant 1 : i32
          %sub3A_235 = arith.subi %add3A_203, %sub3A : i32
          %dma_wait3A_236 = arith.constant 0 : i32
          %dma_wait3A_237 = tpu.memref_slice %arg7[%sub3A_235, %dma_wait3A_236] : memref<40x128xi32, #tpu.memory_space<vmem>> -> memref<1x128xi32, #tpu.memory_space<vmem>>
          %dma_wait3A_238 = tpu.memref_squeeze %dma_wait3A_237 : memref<1x128xi32, #tpu.memory_space<vmem>> -> memref<128xi32, #tpu.memory_space<vmem>>
          %dma_wait3A_239 = arith.constant 0 : i32
          %dma_wait3A_240 = arith.constant 0 : i32
          %dma_wait3A_241 = tpu.memref_slice %arg10[%dma_wait3A_239, %dma_wait3A_240] : memref<10240x128xf32, #tpu.memory_space<vmem_shared>> -> memref<10240x128xf32, #tpu.memory_space<vmem_shared>>
          tpu.wait_indirect_dma semaphore(%arg12 : memref<!tpu.dma_semaphore, #tpu.memory_space<semaphore_mem>>) src(%arg8 : memref<128x128xf32, #tpu.memory_space<vmem>>) dst(%dma_wait3A_241 : memref<10240x128xf32, #tpu.memory_space<vmem_shared>>)
        } else {
        }
        %add3A_227 = arith.constant 1 : i32
        %add3A_228 = arith.addi %add3A_203, %add3A_227 : i32
        %dma_start3A_229 = arith.constant 0 : i32
        %dma_start3A_230 = tpu.memref_slice %arg6[%add3A_228, %dma_start3A_229] : memref<40x128xi32, #tpu.memory_space<vmem>> -> memref<1x128xi32, #tpu.memory_space<vmem>>
        %dma_start3A_231 = tpu.memref_squeeze %dma_start3A_230 : memref<1x128xi32, #tpu.memory_space<vmem>> -> memref<128xi32, #tpu.memory_space<vmem>>
        %dma_start3A_232 = arith.constant 0 : i32
        %dma_start3A_233 = arith.constant 0 : i32
        %dma_start3A_234 = tpu.memref_slice %arg2[%dma_start3A_232, %dma_start3A_233] : memref<10000x128xf32, #tpu.memory_space<hbm>> -> memref<10000x128xf32, #tpu.memory_space<hbm>>
        tpu.enqueue_indirect_dma source(%dma_start3A_234 : memref<10000x128xf32, #tpu.memory_space<hbm>>) target(%arg8 : memref<128x128xf32, #tpu.memory_space<vmem>>) offsets(%dma_start3A_231 : memref<128xi32, #tpu.memory_space<vmem>>) semaphore(%arg11 : memref<!tpu.dma_semaphore, #tpu.memory_space<semaphore_mem>>)
      } else {
      }
    }
    %scan3A_57 = arith.constant 20 : i32
    %dma_wait3A = arith.constant 38 : i32
    %dma_wait3A_58 = arith.constant 0 : i32
    %dma_wait3A_59 = tpu.memref_slice %arg7[%dma_wait3A, %dma_wait3A_58] : memref<40x128xi32, #tpu.memory_space<vmem>> -> memref<1x128xi32, #tpu.memory_space<vmem>>
    %dma_wait3A_60 = tpu.memref_squeeze %dma_wait3A_59 : memref<1x128xi32, #tpu.memory_space<vmem>> -> memref<128xi32, #tpu.memory_space<vmem>>
    %dma_wait3A_61 = arith.constant 0 : i32
    %dma_wait3A_62 = arith.constant 0 : i32
    %dma_wait3A_63 = tpu.memref_slice %arg10[%dma_wait3A_61, %dma_wait3A_62] : memref<10240x128xf32, #tpu.memory_space<vmem_shared>> -> memref<10240x128xf32, #tpu.memory_space<vmem_shared>>
    tpu.wait_indirect_dma semaphore(%arg12 : memref<!tpu.dma_semaphore, #tpu.memory_space<semaphore_mem>>) src(%arg8 : memref<128x128xf32, #tpu.memory_space<vmem>>) dst(%dma_wait3A_63 : memref<10240x128xf32, #tpu.memory_space<vmem_shared>>)
    %dma_wait3A_64 = arith.constant 39 : i32
    %dma_wait3A_65 = arith.constant 0 : i32
    %dma_wait3A_66 = tpu.memref_slice %arg7[%dma_wait3A_64, %dma_wait3A_65] : memref<40x128xi32, #tpu.memory_space<vmem>> -> memref<1x128xi32, #tpu.memory_space<vmem>>
    %dma_wait3A_67 = tpu.memref_squeeze %dma_wait3A_66 : memref<1x128xi32, #tpu.memory_space<vmem>> -> memref<128xi32, #tpu.memory_space<vmem>>
    %dma_wait3A_68 = arith.constant 0 : i32
    %dma_wait3A_69 = arith.constant 0 : i32
    %dma_wait3A_70 = tpu.memref_slice %arg10[%dma_wait3A_68, %dma_wait3A_69] : memref<10240x128xf32, #tpu.memory_space<vmem_shared>> -> memref<10240x128xf32, #tpu.memory_space<vmem_shared>>
    tpu.wait_indirect_dma semaphore(%arg12 : memref<!tpu.dma_semaphore, #tpu.memory_space<semaphore_mem>>) src(%arg9 : memref<128x128xf32, #tpu.memory_space<vmem>>) dst(%dma_wait3A_70 : memref<10240x128xf32, #tpu.memory_space<vmem_shared>>)
    "tpu.region"() ({
      %run_scoped3A = tpu.sem_alloc : memref<!tpu.dma_semaphore, #tpu.memory_space<semaphore_mem>>
      %dma_start3A_179 = arith.constant 40 : i32
      %dma_start3A_180 = arith.constant 0 : i32
      %dma_start3A_181 = tpu.memref_slice %arg3[%add3A, %dma_start3A_179, %dma_start3A_180] : memref<32x80x128xi32, #tpu.memory_space<hbm>> -> memref<1x40x128xi32, #tpu.memory_space<hbm>>
      %dma_start3A_182 = tpu.memref_squeeze %dma_start3A_181 : memref<1x40x128xi32, #tpu.memory_space<hbm>> -> memref<40x128xi32, #tpu.memory_space<hbm>>
      %dma_start3A_183 = arith.constant 40 : i32
      %dma_start3A_184 = arith.constant 0 : i32
      %dma_start3A_185 = tpu.memref_slice %arg3[%add3A, %dma_start3A_183, %dma_start3A_184] : memref<32x80x128xi32, #tpu.memory_space<hbm>> -> memref<1x40x128xi32, #tpu.memory_space<hbm>>
      %dma_start3A_186 = tpu.memref_squeeze %dma_start3A_185 : memref<1x40x128xi32, #tpu.memory_space<hbm>> -> memref<40x128xi32, #tpu.memory_space<hbm>>
      tpu.enqueue_dma source(%dma_start3A_186 : memref<40x128xi32, #tpu.memory_space<hbm>>) target(%arg6 : memref<40x128xi32, #tpu.memory_space<vmem>>) target_semaphore(%run_scoped3A : memref<!tpu.dma_semaphore, #tpu.memory_space<semaphore_mem>>)
      %dma_wait3A_187 = arith.constant 40 : i32
      %dma_wait3A_188 = arith.constant 0 : i32
      %dma_wait3A_189 = tpu.memref_slice %arg3[%add3A, %dma_wait3A_187, %dma_wait3A_188] : memref<32x80x128xi32, #tpu.memory_space<hbm>> -> memref<1x40x128xi32, #tpu.memory_space<hbm>>
      %dma_wait3A_190 = tpu.memref_squeeze %dma_wait3A_189 : memref<1x40x128xi32, #tpu.memory_space<hbm>> -> memref<40x128xi32, #tpu.memory_space<hbm>>
      %dma_wait3A_191 = arith.constant 40 : i32
      %dma_wait3A_192 = arith.constant 0 : i32
      %dma_wait3A_193 = tpu.memref_slice %arg3[%add3A, %dma_wait3A_191, %dma_wait3A_192] : memref<32x80x128xi32, #tpu.memory_space<hbm>> -> memref<1x40x128xi32, #tpu.memory_space<hbm>>
      %dma_wait3A_194 = tpu.memref_squeeze %dma_wait3A_193 : memref<1x40x128xi32, #tpu.memory_space<hbm>> -> memref<40x128xi32, #tpu.memory_space<hbm>>
      tpu.wait_dma2 semaphore(%run_scoped3A : memref<!tpu.dma_semaphore, #tpu.memory_space<semaphore_mem>>) src(%dma_wait3A_194 : memref<40x128xi32, #tpu.memory_space<hbm>>) dst(%arg6 : memref<40x128xi32, #tpu.memory_space<vmem>>)
      tpu.yield
    }) : () -> ()
    "tpu.region"() ({
      %run_scoped3A = tpu.sem_alloc : memref<!tpu.dma_semaphore, #tpu.memory_space<semaphore_mem>>
      %dma_start3A_179 = arith.constant 40 : i32
      %dma_start3A_180 = arith.constant 0 : i32
      %dma_start3A_181 = tpu.memref_slice %arg4[%add3A, %dma_start3A_179, %dma_start3A_180] : memref<32x80x128xi32, #tpu.memory_space<hbm>> -> memref<1x40x128xi32, #tpu.memory_space<hbm>>
      %dma_start3A_182 = tpu.memref_squeeze %dma_start3A_181 : memref<1x40x128xi32, #tpu.memory_space<hbm>> -> memref<40x128xi32, #tpu.memory_space<hbm>>
      %dma_start3A_183 = arith.constant 40 : i32
      %dma_start3A_184 = arith.constant 0 : i32
      %dma_start3A_185 = tpu.memref_slice %arg4[%add3A, %dma_start3A_183, %dma_start3A_184] : memref<32x80x128xi32, #tpu.memory_space<hbm>> -> memref<1x40x128xi32, #tpu.memory_space<hbm>>
      %dma_start3A_186 = tpu.memref_squeeze %dma_start3A_185 : memref<1x40x128xi32, #tpu.memory_space<hbm>> -> memref<40x128xi32, #tpu.memory_space<hbm>>
      tpu.enqueue_dma source(%dma_start3A_186 : memref<40x128xi32, #tpu.memory_space<hbm>>) target(%arg7 : memref<40x128xi32, #tpu.memory_space<vmem>>) target_semaphore(%run_scoped3A : memref<!tpu.dma_semaphore, #tpu.memory_space<semaphore_mem>>)
      %dma_wait3A_187 = arith.constant 40 : i32
      %dma_wait3A_188 = arith.constant 0 : i32
      %dma_wait3A_189 = tpu.memref_slice %arg4[%add3A, %dma_wait3A_187, %dma_wait3A_188] : memref<32x80x128xi32, #tpu.memory_space<hbm>> -> memref<1x40x128xi32, #tpu.memory_space<hbm>>
      %dma_wait3A_190 = tpu.memref_squeeze %dma_wait3A_189 : memref<1x40x128xi32, #tpu.memory_space<hbm>> -> memref<40x128xi32, #tpu.memory_space<hbm>>
      %dma_wait3A_191 = arith.constant 40 : i32
      %dma_wait3A_192 = arith.constant 0 : i32
      %dma_wait3A_193 = tpu.memref_slice %arg4[%add3A, %dma_wait3A_191, %dma_wait3A_192] : memref<32x80x128xi32, #tpu.memory_space<hbm>> -> memref<1x40x128xi32, #tpu.memory_space<hbm>>
      %dma_wait3A_194 = tpu.memref_squeeze %dma_wait3A_193 : memref<1x40x128xi32, #tpu.memory_space<hbm>> -> memref<40x128xi32, #tpu.memory_space<hbm>>
      tpu.wait_dma2 semaphore(%run_scoped3A : memref<!tpu.dma_semaphore, #tpu.memory_space<semaphore_mem>>) src(%dma_wait3A_194 : memref<40x128xi32, #tpu.memory_space<hbm>>) dst(%arg7 : memref<40x128xi32, #tpu.memory_space<vmem>>)
      tpu.yield
    }) : () -> ()
    %dma_start3A_71 = arith.constant 0 : i32
    %dma_start3A_72 = arith.constant 0 : i32
    %dma_start3A_73 = tpu.memref_slice %arg6[%dma_start3A_71, %dma_start3A_72] : memref<40x128xi32, #tpu.memory_space<vmem>> -> memref<1x128xi32, #tpu.memory_space<vmem>>
    %dma_start3A_74 = tpu.memref_squeeze %dma_start3A_73 : memref<1x128xi32, #tpu.memory_space<vmem>> -> memref<128xi32, #tpu.memory_space<vmem>>
    %dma_start3A_75 = arith.constant 0 : i32
    %dma_start3A_76 = arith.constant 0 : i32
    %dma_start3A_77 = tpu.memref_slice %arg2[%dma_start3A_75, %dma_start3A_76] : memref<10000x128xf32, #tpu.memory_space<hbm>> -> memref<10000x128xf32, #tpu.memory_space<hbm>>
    tpu.enqueue_indirect_dma source(%dma_start3A_77 : memref<10000x128xf32, #tpu.memory_space<hbm>>) target(%arg8 : memref<128x128xf32, #tpu.memory_space<vmem>>) offsets(%dma_start3A_74 : memref<128xi32, #tpu.memory_space<vmem>>) semaphore(%arg11 : memref<!tpu.dma_semaphore, #tpu.memory_space<semaphore_mem>>)
    %scan3A_78 = arith.constant 0 : i32
    %scan3A_79 = arith.constant 0 : i32
    %scan3A_80 = arith.constant 20 : i32
    %scan3A_81 = arith.addi %scan3A_79, %scan3A_80 : i32
    %scan3A_82 = arith.constant 1 : i32
    scf.for %scan3A_179 = %scan3A_79 to %scan3A_81 step %scan3A_82  : i32 {
      %mul3A_180 = arith.constant 2 : i32
      %mul3A_181 = arith.muli %mul3A_180, %scan3A_179 : i32
      %add3A_182 = arith.constant 0 : i32
      %add3A_183 = arith.addi %mul3A_181, %add3A_182 : i32
      %dma_wait3A_184 = arith.constant 0 : i32
      %dma_wait3A_185 = tpu.memref_slice %arg6[%add3A_183, %dma_wait3A_184] : memref<40x128xi32, #tpu.memory_space<vmem>> -> memref<1x128xi32, #tpu.memory_space<vmem>>
      %dma_wait3A_186 = tpu.memref_squeeze %dma_wait3A_185 : memref<1x128xi32, #tpu.memory_space<vmem>> -> memref<128xi32, #tpu.memory_space<vmem>>
      %dma_wait3A_187 = arith.constant 0 : i32
      %dma_wait3A_188 = arith.constant 0 : i32
      %dma_wait3A_189 = tpu.memref_slice %arg2[%dma_wait3A_187, %dma_wait3A_188] : memref<10000x128xf32, #tpu.memory_space<hbm>> -> memref<10000x128xf32, #tpu.memory_space<hbm>>
      tpu.wait_indirect_dma semaphore(%arg11 : memref<!tpu.dma_semaphore, #tpu.memory_space<semaphore_mem>>) src(%dma_wait3A_189 : memref<10000x128xf32, #tpu.memory_space<hbm>>) dst(%arg8 : memref<128x128xf32, #tpu.memory_space<vmem>>)
      %dma_start3A_190 = arith.constant 0 : i32
      %dma_start3A_191 = tpu.memref_slice %arg7[%add3A_183, %dma_start3A_190] : memref<40x128xi32, #tpu.memory_space<vmem>> -> memref<1x128xi32, #tpu.memory_space<vmem>>
      %dma_start3A_192 = tpu.memref_squeeze %dma_start3A_191 : memref<1x128xi32, #tpu.memory_space<vmem>> -> memref<128xi32, #tpu.memory_space<vmem>>
      %dma_start3A_193 = arith.constant 0 : i32
      %dma_start3A_194 = arith.constant 0 : i32
      %dma_start3A_195 = tpu.memref_slice %arg10[%dma_start3A_193, %dma_start3A_194] : memref<10240x128xf32, #tpu.memory_space<vmem_shared>> -> memref<10240x128xf32, #tpu.memory_space<vmem_shared>>
      tpu.enqueue_indirect_dma source(%arg8 : memref<128x128xf32, #tpu.memory_space<vmem>>) target(%dma_start3A_195 : memref<10240x128xf32, #tpu.memory_space<vmem_shared>>) offsets(%dma_start3A_192 : memref<128xi32, #tpu.memory_space<vmem>>) semaphore(%arg12 : memref<!tpu.dma_semaphore, #tpu.memory_space<semaphore_mem>>) {add = true}
      %add3A_196 = arith.constant 1 : i32
      %add3A_197 = arith.addi %add3A_183, %add3A_196 : i32
      %lt3A = arith.constant 40 : i32
      %lt3A_198 = arith.cmpi slt, %add3A_197, %lt3A : i32
      %convert_element_type3A = arith.extui %lt3A_198 : i1 to i32
      %cond3A = arith.constant 0 : i32
      %cond3A_199 = arith.cmpi ne, %convert_element_type3A, %cond3A : i32
      scf.if %cond3A_199 {
        %ge3A = arith.constant 1 : i32
        %ge3A_223 = arith.cmpi sge, %add3A_183, %ge3A : i32
        %convert_element_type3A_224 = arith.extui %ge3A_223 : i1 to i32
        %cond3A_225 = arith.constant 0 : i32
        %cond3A_226 = arith.cmpi ne, %convert_element_type3A_224, %cond3A_225 : i32
        scf.if %cond3A_226 {
          %sub3A = arith.constant 1 : i32
          %sub3A_235 = arith.subi %add3A_183, %sub3A : i32
          %dma_wait3A_236 = arith.constant 0 : i32
          %dma_wait3A_237 = tpu.memref_slice %arg7[%sub3A_235, %dma_wait3A_236] : memref<40x128xi32, #tpu.memory_space<vmem>> -> memref<1x128xi32, #tpu.memory_space<vmem>>
          %dma_wait3A_238 = tpu.memref_squeeze %dma_wait3A_237 : memref<1x128xi32, #tpu.memory_space<vmem>> -> memref<128xi32, #tpu.memory_space<vmem>>
          %dma_wait3A_239 = arith.constant 0 : i32
          %dma_wait3A_240 = arith.constant 0 : i32
          %dma_wait3A_241 = tpu.memref_slice %arg10[%dma_wait3A_239, %dma_wait3A_240] : memref<10240x128xf32, #tpu.memory_space<vmem_shared>> -> memref<10240x128xf32, #tpu.memory_space<vmem_shared>>
          tpu.wait_indirect_dma semaphore(%arg12 : memref<!tpu.dma_semaphore, #tpu.memory_space<semaphore_mem>>) src(%arg9 : memref<128x128xf32, #tpu.memory_space<vmem>>) dst(%dma_wait3A_241 : memref<10240x128xf32, #tpu.memory_space<vmem_shared>>)
        } else {
        }
        %add3A_227 = arith.constant 1 : i32
        %add3A_228 = arith.addi %add3A_183, %add3A_227 : i32
        %dma_start3A_229 = arith.constant 0 : i32
        %dma_start3A_230 = tpu.memref_slice %arg6[%add3A_228, %dma_start3A_229] : memref<40x128xi32, #tpu.memory_space<vmem>> -> memref<1x128xi32, #tpu.memory_space<vmem>>
        %dma_start3A_231 = tpu.memref_squeeze %dma_start3A_230 : memref<1x128xi32, #tpu.memory_space<vmem>> -> memref<128xi32, #tpu.memory_space<vmem>>
        %dma_start3A_232 = arith.constant 0 : i32
        %dma_start3A_233 = arith.constant 0 : i32
        %dma_start3A_234 = tpu.memref_slice %arg2[%dma_start3A_232, %dma_start3A_233] : memref<10000x128xf32, #tpu.memory_space<hbm>> -> memref<10000x128xf32, #tpu.memory_space<hbm>>
        tpu.enqueue_indirect_dma source(%dma_start3A_234 : memref<10000x128xf32, #tpu.memory_space<hbm>>) target(%arg9 : memref<128x128xf32, #tpu.memory_space<vmem>>) offsets(%dma_start3A_231 : memref<128xi32, #tpu.memory_space<vmem>>) semaphore(%arg11 : memref<!tpu.dma_semaphore, #tpu.memory_space<semaphore_mem>>)
      } else {
      }
      %mul3A_200 = arith.constant 2 : i32
      %mul3A_201 = arith.muli %mul3A_200, %scan3A_179 : i32
      %add3A_202 = arith.constant 1 : i32
      %add3A_203 = arith.addi %mul3A_201, %add3A_202 : i32
      %dma_wait3A_204 = arith.constant 0 : i32
      %dma_wait3A_205 = tpu.memref_slice %arg6[%add3A_203, %dma_wait3A_204] : memref<40x128xi32, #tpu.memory_space<vmem>> -> memref<1x128xi32, #tpu.memory_space<vmem>>
      %dma_wait3A_206 = tpu.memref_squeeze %dma_wait3A_205 : memref<1x128xi32, #tpu.memory_space<vmem>> -> memref<128xi32, #tpu.memory_space<vmem>>
      %dma_wait3A_207 = arith.constant 0 : i32
      %dma_wait3A_208 = arith.constant 0 : i32
      %dma_wait3A_209 = tpu.memref_slice %arg2[%dma_wait3A_207, %dma_wait3A_208] : memref<10000x128xf32, #tpu.memory_space<hbm>> -> memref<10000x128xf32, #tpu.memory_space<hbm>>
      tpu.wait_indirect_dma semaphore(%arg11 : memref<!tpu.dma_semaphore, #tpu.memory_space<semaphore_mem>>) src(%dma_wait3A_209 : memref<10000x128xf32, #tpu.memory_space<hbm>>) dst(%arg9 : memref<128x128xf32, #tpu.memory_space<vmem>>)
      %dma_start3A_210 = arith.constant 0 : i32
      %dma_start3A_211 = tpu.memref_slice %arg7[%add3A_203, %dma_start3A_210] : memref<40x128xi32, #tpu.memory_space<vmem>> -> memref<1x128xi32, #tpu.memory_space<vmem>>
      %dma_start3A_212 = tpu.memref_squeeze %dma_start3A_211 : memref<1x128xi32, #tpu.memory_space<vmem>> -> memref<128xi32, #tpu.memory_space<vmem>>
      %dma_start3A_213 = arith.constant 0 : i32
      %dma_start3A_214 = arith.constant 0 : i32
      %dma_start3A_215 = tpu.memref_slice %arg10[%dma_start3A_213, %dma_start3A_214] : memref<10240x128xf32, #tpu.memory_space<vmem_shared>> -> memref<10240x128xf32, #tpu.memory_space<vmem_shared>>
      tpu.enqueue_indirect_dma source(%arg9 : memref<128x128xf32, #tpu.memory_space<vmem>>) target(%dma_start3A_215 : memref<10240x128xf32, #tpu.memory_space<vmem_shared>>) offsets(%dma_start3A_212 : memref<128xi32, #tpu.memory_space<vmem>>) semaphore(%arg12 : memref<!tpu.dma_semaphore, #tpu.memory_space<semaphore_mem>>) {add = true}
      %add3A_216 = arith.constant 1 : i32
      %add3A_217 = arith.addi %add3A_203, %add3A_216 : i32
      %lt3A_218 = arith.constant 40 : i32
      %lt3A_219 = arith.cmpi slt, %add3A_217, %lt3A_218 : i32
      %convert_element_type3A_220 = arith.extui %lt3A_219 : i1 to i32
      %cond3A_221 = arith.constant 0 : i32
      %cond3A_222 = arith.cmpi ne, %convert_element_type3A_220, %cond3A_221 : i32
      scf.if %cond3A_222 {
        %ge3A = arith.constant 1 : i32
        %ge3A_223 = arith.cmpi sge, %add3A_203, %ge3A : i32
        %convert_element_type3A_224 = arith.extui %ge3A_223 : i1 to i32
        %cond3A_225 = arith.constant 0 : i32
        %cond3A_226 = arith.cmpi ne, %convert_element_type3A_224, %cond3A_225 : i32
        scf.if %cond3A_226 {
          %sub3A = arith.constant 1 : i32
          %sub3A_235 = arith.subi %add3A_203, %sub3A : i32
          %dma_wait3A_236 = arith.constant 0 : i32
          %dma_wait3A_237 = tpu.memref_slice %arg7[%sub3A_235, %dma_wait3A_236] : memref<40x128xi32, #tpu.memory_space<vmem>> -> memref<1x128xi32, #tpu.memory_space<vmem>>
          %dma_wait3A_238 = tpu.memref_squeeze %dma_wait3A_237 : memref<1x128xi32, #tpu.memory_space<vmem>> -> memref<128xi32, #tpu.memory_space<vmem>>
          %dma_wait3A_239 = arith.constant 0 : i32
          %dma_wait3A_240 = arith.constant 0 : i32
          %dma_wait3A_241 = tpu.memref_slice %arg10[%dma_wait3A_239, %dma_wait3A_240] : memref<10240x128xf32, #tpu.memory_space<vmem_shared>> -> memref<10240x128xf32, #tpu.memory_space<vmem_shared>>
          tpu.wait_indirect_dma semaphore(%arg12 : memref<!tpu.dma_semaphore, #tpu.memory_space<semaphore_mem>>) src(%arg8 : memref<128x128xf32, #tpu.memory_space<vmem>>) dst(%dma_wait3A_241 : memref<10240x128xf32, #tpu.memory_space<vmem_shared>>)
        } else {
        }
        %add3A_227 = arith.constant 1 : i32
        %add3A_228 = arith.addi %add3A_203, %add3A_227 : i32
        %dma_start3A_229 = arith.constant 0 : i32
        %dma_start3A_230 = tpu.memref_slice %arg6[%add3A_228, %dma_start3A_229] : memref<40x128xi32, #tpu.memory_space<vmem>> -> memref<1x128xi32, #tpu.memory_space<vmem>>
        %dma_start3A_231 = tpu.memref_squeeze %dma_start3A_230 : memref<1x128xi32, #tpu.memory_space<vmem>> -> memref<128xi32, #tpu.memory_space<vmem>>
        %dma_start3A_232 = arith.constant 0 : i32
        %dma_start3A_233 = arith.constant 0 : i32
        %dma_start3A_234 = tpu.memref_slice %arg2[%dma_start3A_232, %dma_start3A_233] : memref<10000x128xf32, #tpu.memory_space<hbm>> -> memref<10000x128xf32, #tpu.memory_space<hbm>>
        tpu.enqueue_indirect_dma source(%dma_start3A_234 : memref<10000x128xf32, #tpu.memory_space<hbm>>) target(%arg8 : memref<128x128xf32, #tpu.memory_space<vmem>>) offsets(%dma_start3A_231 : memref<128xi32, #tpu.memory_space<vmem>>) semaphore(%arg11 : memref<!tpu.dma_semaphore, #tpu.memory_space<semaphore_mem>>)
      } else {
      }
    }
    %scan3A_83 = arith.constant 20 : i32
    %dma_wait3A_84 = arith.constant 38 : i32
    %dma_wait3A_85 = arith.constant 0 : i32
    %dma_wait3A_86 = tpu.memref_slice %arg7[%dma_wait3A_84, %dma_wait3A_85] : memref<40x128xi32, #tpu.memory_space<vmem>> -> memref<1x128xi32, #tpu.memory_space<vmem>>
    %dma_wait3A_87 = tpu.memref_squeeze %dma_wait3A_86 : memref<1x128xi32, #tpu.memory_space<vmem>> -> memref<128xi32, #tpu.memory_space<vmem>>
    %dma_wait3A_88 = arith.constant 0 : i32
    %dma_wait3A_89 = arith.constant 0 : i32
    %dma_wait3A_90 = tpu.memref_slice %arg10[%dma_wait3A_88, %dma_wait3A_89] : memref<10240x128xf32, #tpu.memory_space<vmem_shared>> -> memref<10240x128xf32, #tpu.memory_space<vmem_shared>>
    tpu.wait_indirect_dma semaphore(%arg12 : memref<!tpu.dma_semaphore, #tpu.memory_space<semaphore_mem>>) src(%arg8 : memref<128x128xf32, #tpu.memory_space<vmem>>) dst(%dma_wait3A_90 : memref<10240x128xf32, #tpu.memory_space<vmem_shared>>)
    %dma_wait3A_91 = arith.constant 39 : i32
    %dma_wait3A_92 = arith.constant 0 : i32
    %dma_wait3A_93 = tpu.memref_slice %arg7[%dma_wait3A_91, %dma_wait3A_92] : memref<40x128xi32, #tpu.memory_space<vmem>> -> memref<1x128xi32, #tpu.memory_space<vmem>>
    %dma_wait3A_94 = tpu.memref_squeeze %dma_wait3A_93 : memref<1x128xi32, #tpu.memory_space<vmem>> -> memref<128xi32, #tpu.memory_space<vmem>>
    %dma_wait3A_95 = arith.constant 0 : i32
    %dma_wait3A_96 = arith.constant 0 : i32
    %dma_wait3A_97 = tpu.memref_slice %arg10[%dma_wait3A_95, %dma_wait3A_96] : memref<10240x128xf32, #tpu.memory_space<vmem_shared>> -> memref<10240x128xf32, #tpu.memory_space<vmem_shared>>
    tpu.wait_indirect_dma semaphore(%arg12 : memref<!tpu.dma_semaphore, #tpu.memory_space<semaphore_mem>>) src(%arg9 : memref<128x128xf32, #tpu.memory_space<vmem>>) dst(%dma_wait3A_97 : memref<10240x128xf32, #tpu.memory_space<vmem_shared>>)
    %barrier3A_98 = arith.constant 0 : index
    tpu.barrier barrier_id(%barrier3A_98)
    %mul3A_99 = arith.constant 640 : i32
    %mul3A_100 = arith.muli %arg1, %mul3A_99 : i32
    %add3A_101 = arith.constant 0 : i32
    %add3A_102 = arith.addi %mul3A_100, %add3A_101 : i32
    "tpu.region"() ({
      %run_scoped3A = tpu.sem_alloc : memref<!tpu.dma_semaphore, #tpu.memory_space<semaphore_mem>>
      %dma_start3A_179 = arith.constant 0 : i32
      %dma_start3A_180 = arith.constant 0 : i32
      %dma_start3A_181 = tpu.memref_slice %arg8[%dma_start3A_179, %dma_start3A_180] : memref<128x128xf32, #tpu.memory_space<vmem>> -> memref<64x128xf32, #tpu.memory_space<vmem>>
      %dma_start3A_182 = arith.constant 0 : i32
      %dma_start3A_183 = tpu.memref_slice %arg10[%add3A_102, %dma_start3A_182] : memref<10240x128xf32, #tpu.memory_space<vmem_shared>> -> memref<64x128xf32, #tpu.memory_space<vmem_shared>>
      %dma_start3A_184 = arith.constant 0 : i32
      %dma_start3A_185 = arith.constant 0 : i32
      %dma_start3A_186 = tpu.memref_slice %arg8[%dma_start3A_184, %dma_start3A_185] : memref<128x128xf32, #tpu.memory_space<vmem>> -> memref<64x128xf32, #tpu.memory_space<vmem>>
      %dma_start3A_187 = arith.constant 0 : i32
      %dma_start3A_188 = tpu.memref_slice %arg10[%add3A_102, %dma_start3A_187] : memref<10240x128xf32, #tpu.memory_space<vmem_shared>> -> memref<64x128xf32, #tpu.memory_space<vmem_shared>>
      tpu.enqueue_dma source(%dma_start3A_188 : memref<64x128xf32, #tpu.memory_space<vmem_shared>>) target(%dma_start3A_186 : memref<64x128xf32, #tpu.memory_space<vmem>>) target_semaphore(%run_scoped3A : memref<!tpu.dma_semaphore, #tpu.memory_space<semaphore_mem>>)
      %dma_wait3A_189 = arith.constant 0 : i32
      %dma_wait3A_190 = arith.constant 0 : i32
      %dma_wait3A_191 = tpu.memref_slice %arg8[%dma_wait3A_189, %dma_wait3A_190] : memref<128x128xf32, #tpu.memory_space<vmem>> -> memref<64x128xf32, #tpu.memory_space<vmem>>
      %dma_wait3A_192 = arith.constant 0 : i32
      %dma_wait3A_193 = tpu.memref_slice %arg10[%add3A_102, %dma_wait3A_192] : memref<10240x128xf32, #tpu.memory_space<vmem_shared>> -> memref<64x128xf32, #tpu.memory_space<vmem_shared>>
      %dma_wait3A_194 = arith.constant 0 : i32
      %dma_wait3A_195 = arith.constant 0 : i32
      %dma_wait3A_196 = tpu.memref_slice %arg8[%dma_wait3A_194, %dma_wait3A_195] : memref<128x128xf32, #tpu.memory_space<vmem>> -> memref<64x128xf32, #tpu.memory_space<vmem>>
      %dma_wait3A_197 = arith.constant 0 : i32
      %dma_wait3A_198 = tpu.memref_slice %arg10[%add3A_102, %dma_wait3A_197] : memref<10240x128xf32, #tpu.memory_space<vmem_shared>> -> memref<64x128xf32, #tpu.memory_space<vmem_shared>>
      tpu.wait_dma2 semaphore(%run_scoped3A : memref<!tpu.dma_semaphore, #tpu.memory_space<semaphore_mem>>) src(%dma_wait3A_198 : memref<64x128xf32, #tpu.memory_space<vmem_shared>>) dst(%dma_wait3A_196 : memref<64x128xf32, #tpu.memory_space<vmem>>)
      tpu.yield
    }) : () -> ()
    %mul3A_103 = arith.constant 640 : i32
    %mul3A_104 = arith.muli %arg1, %mul3A_103 : i32
    %add3A_105 = arith.constant 0 : i32
    %add3A_106 = arith.addi %mul3A_104, %add3A_105 : i32
    "tpu.region"() ({
      %run_scoped3A = tpu.sem_alloc : memref<!tpu.dma_semaphore, #tpu.memory_space<semaphore_mem>>
      %dma_start3A_179 = arith.constant 0 : i32
      %dma_start3A_180 = arith.constant 0 : i32
      %dma_start3A_181 = tpu.memref_slice %arg8[%dma_start3A_179, %dma_start3A_180] : memref<128x128xf32, #tpu.memory_space<vmem>> -> memref<64x128xf32, #tpu.memory_space<vmem>>
      %dma_start3A_182 = arith.constant 0 : i32
      %dma_start3A_183 = tpu.memref_slice %arg5[%arg0, %add3A_106, %dma_start3A_182] : memref<2x10240x128xf32, #tpu.memory_space<hbm>> -> memref<1x64x128xf32, #tpu.memory_space<hbm>>
      %dma_start3A_184 = tpu.memref_squeeze %dma_start3A_183 : memref<1x64x128xf32, #tpu.memory_space<hbm>> -> memref<64x128xf32, #tpu.memory_space<hbm>>
      %dma_start3A_185 = arith.constant 0 : i32
      %dma_start3A_186 = tpu.memref_slice %arg5[%arg0, %add3A_106, %dma_start3A_185] : memref<2x10240x128xf32, #tpu.memory_space<hbm>> -> memref<1x64x128xf32, #tpu.memory_space<hbm>>
      %dma_start3A_187 = tpu.memref_squeeze %dma_start3A_186 : memref<1x64x128xf32, #tpu.memory_space<hbm>> -> memref<64x128xf32, #tpu.memory_space<hbm>>
      %dma_start3A_188 = arith.constant 0 : i32
      %dma_start3A_189 = arith.constant 0 : i32
      %dma_start3A_190 = tpu.memref_slice %arg8[%dma_start3A_188, %dma_start3A_189] : memref<128x128xf32, #tpu.memory_space<vmem>> -> memref<64x128xf32, #tpu.memory_space<vmem>>
      tpu.enqueue_dma source(%dma_start3A_190 : memref<64x128xf32, #tpu.memory_space<vmem>>) target(%dma_start3A_187 : memref<64x128xf32, #tpu.memory_space<hbm>>) target_semaphore(%run_scoped3A : memref<!tpu.dma_semaphore, #tpu.memory_space<semaphore_mem>>)
      %dma_wait3A_191 = arith.constant 0 : i32
      %dma_wait3A_192 = arith.constant 0 : i32
      %dma_wait3A_193 = tpu.memref_slice %arg8[%dma_wait3A_191, %dma_wait3A_192] : memref<128x128xf32, #tpu.memory_space<vmem>> -> memref<64x128xf32, #tpu.memory_space<vmem>>
      %dma_wait3A_194 = arith.constant 0 : i32
      %dma_wait3A_195 = tpu.memref_slice %arg5[%arg0, %add3A_106, %dma_wait3A_194] : memref<2x10240x128xf32, #tpu.memory_space<hbm>> -> memref<1x64x128xf32, #tpu.memory_space<hbm>>
      %dma_wait3A_196 = tpu.memref_squeeze %dma_wait3A_195 : memref<1x64x128xf32, #tpu.memory_space<hbm>> -> memref<64x128xf32, #tpu.memory_space<hbm>>
      %dma_wait3A_197 = arith.constant 0 : i32
      %dma_wait3A_198 = tpu.memref_slice %arg5[%arg0, %add3A_106, %dma_wait3A_197] : memref<2x10240x128xf32, #tpu.memory_space<hbm>> -> memref<1x64x128xf32, #tpu.memory_space<hbm>>
      %dma_wait3A_199 = tpu.memref_squeeze %dma_wait3A_198 : memref<1x64x128xf32, #tpu.memory_space<hbm>> -> memref<64x128xf32, #tpu.memory_space<hbm>>
      %dma_wait3A_200 = arith.constant 0 : i32
      %dma_wait3A_201 = arith.constant 0 : i32
      %dma_wait3A_202 = tpu.memref_slice %arg8[%dma_wait3A_200, %dma_wait3A_201] : memref<128x128xf32, #tpu.memory_space<vmem>> -> memref<64x128xf32, #tpu.memory_space<vmem>>
      tpu.wait_dma2 semaphore(%run_scoped3A : memref<!tpu.dma_semaphore, #tpu.memory_space<semaphore_mem>>) src(%dma_wait3A_202 : memref<64x128xf32, #tpu.memory_space<vmem>>) dst(%dma_wait3A_199 : memref<64x128xf32, #tpu.memory_space<hbm>>)
      tpu.yield
    }) : () -> ()
    %mul3A_107 = arith.constant 640 : i32
    %mul3A_108 = arith.muli %arg1, %mul3A_107 : i32
    %add3A_109 = arith.constant 64 : i32
    %add3A_110 = arith.addi %mul3A_108, %add3A_109 : i32
    "tpu.region"() ({
      %run_scoped3A = tpu.sem_alloc : memref<!tpu.dma_semaphore, #tpu.memory_space<semaphore_mem>>
      %dma_start3A_179 = arith.constant 0 : i32
      %dma_start3A_180 = arith.constant 0 : i32
      %dma_start3A_181 = tpu.memref_slice %arg8[%dma_start3A_179, %dma_start3A_180] : memref<128x128xf32, #tpu.memory_space<vmem>> -> memref<64x128xf32, #tpu.memory_space<vmem>>
      %dma_start3A_182 = arith.constant 0 : i32
      %dma_start3A_183 = tpu.memref_slice %arg10[%add3A_110, %dma_start3A_182] : memref<10240x128xf32, #tpu.memory_space<vmem_shared>> -> memref<64x128xf32, #tpu.memory_space<vmem_shared>>
      %dma_start3A_184 = arith.constant 0 : i32
      %dma_start3A_185 = arith.constant 0 : i32
      %dma_start3A_186 = tpu.memref_slice %arg8[%dma_start3A_184, %dma_start3A_185] : memref<128x128xf32, #tpu.memory_space<vmem>> -> memref<64x128xf32, #tpu.memory_space<vmem>>
      %dma_start3A_187 = arith.constant 0 : i32
      %dma_start3A_188 = tpu.memref_slice %arg10[%add3A_110, %dma_start3A_187] : memref<10240x128xf32, #tpu.memory_space<vmem_shared>> -> memref<64x128xf32, #tpu.memory_space<vmem_shared>>
      tpu.enqueue_dma source(%dma_start3A_188 : memref<64x128xf32, #tpu.memory_space<vmem_shared>>) target(%dma_start3A_186 : memref<64x128xf32, #tpu.memory_space<vmem>>) target_semaphore(%run_scoped3A : memref<!tpu.dma_semaphore, #tpu.memory_space<semaphore_mem>>)
      %dma_wait3A_189 = arith.constant 0 : i32
      %dma_wait3A_190 = arith.constant 0 : i32
      %dma_wait3A_191 = tpu.memref_slice %arg8[%dma_wait3A_189, %dma_wait3A_190] : memref<128x128xf32, #tpu.memory_space<vmem>> -> memref<64x128xf32, #tpu.memory_space<vmem>>
      %dma_wait3A_192 = arith.constant 0 : i32
      %dma_wait3A_193 = tpu.memref_slice %arg10[%add3A_110, %dma_wait3A_192] : memref<10240x128xf32, #tpu.memory_space<vmem_shared>> -> memref<64x128xf32, #tpu.memory_space<vmem_shared>>
      %dma_wait3A_194 = arith.constant 0 : i32
      %dma_wait3A_195 = arith.constant 0 : i32
      %dma_wait3A_196 = tpu.memref_slice %arg8[%dma_wait3A_194, %dma_wait3A_195] : memref<128x128xf32, #tpu.memory_space<vmem>> -> memref<64x128xf32, #tpu.memory_space<vmem>>
      %dma_wait3A_197 = arith.constant 0 : i32
      %dma_wait3A_198 = tpu.memref_slice %arg10[%add3A_110, %dma_wait3A_197] : memref<10240x128xf32, #tpu.memory_space<vmem_shared>> -> memref<64x128xf32, #tpu.memory_space<vmem_shared>>
      tpu.wait_dma2 semaphore(%run_scoped3A : memref<!tpu.dma_semaphore, #tpu.memory_space<semaphore_mem>>) src(%dma_wait3A_198 : memref<64x128xf32, #tpu.memory_space<vmem_shared>>) dst(%dma_wait3A_196 : memref<64x128xf32, #tpu.memory_space<vmem>>)
      tpu.yield
    }) : () -> ()
    %mul3A_111 = arith.constant 640 : i32
    %mul3A_112 = arith.muli %arg1, %mul3A_111 : i32
    %add3A_113 = arith.constant 64 : i32
    %add3A_114 = arith.addi %mul3A_112, %add3A_113 : i32
    "tpu.region"() ({
      %run_scoped3A = tpu.sem_alloc : memref<!tpu.dma_semaphore, #tpu.memory_space<semaphore_mem>>
      %dma_start3A_179 = arith.constant 0 : i32
      %dma_start3A_180 = arith.constant 0 : i32
      %dma_start3A_181 = tpu.memref_slice %arg8[%dma_start3A_179, %dma_start3A_180] : memref<128x128xf32, #tpu.memory_space<vmem>> -> memref<64x128xf32, #tpu.memory_space<vmem>>
      %dma_start3A_182 = arith.constant 0 : i32
      %dma_start3A_183 = tpu.memref_slice %arg5[%arg0, %add3A_114, %dma_start3A_182] : memref<2x10240x128xf32, #tpu.memory_space<hbm>> -> memref<1x64x128xf32, #tpu.memory_space<hbm>>
      %dma_start3A_184 = tpu.memref_squeeze %dma_start3A_183 : memref<1x64x128xf32, #tpu.memory_space<hbm>> -> memref<64x128xf32, #tpu.memory_space<hbm>>
      %dma_start3A_185 = arith.constant 0 : i32
      %dma_start3A_186 = tpu.memref_slice %arg5[%arg0, %add3A_114, %dma_start3A_185] : memref<2x10240x128xf32, #tpu.memory_space<hbm>> -> memref<1x64x128xf32, #tpu.memory_space<hbm>>
      %dma_start3A_187 = tpu.memref_squeeze %dma_start3A_186 : memref<1x64x128xf32, #tpu.memory_space<hbm>> -> memref<64x128xf32, #tpu.memory_space<hbm>>
      %dma_start3A_188 = arith.constant 0 : i32
      %dma_start3A_189 = arith.constant 0 : i32
      %dma_start3A_190 = tpu.memref_slice %arg8[%dma_start3A_188, %dma_start3A_189] : memref<128x128xf32, #tpu.memory_space<vmem>> -> memref<64x128xf32, #tpu.memory_space<vmem>>
      tpu.enqueue_dma source(%dma_start3A_190 : memref<64x128xf32, #tpu.memory_space<vmem>>) target(%dma_start3A_187 : memref<64x128xf32, #tpu.memory_space<hbm>>) target_semaphore(%run_scoped3A : memref<!tpu.dma_semaphore, #tpu.memory_space<semaphore_mem>>)
      %dma_wait3A_191 = arith.constant 0 : i32
      %dma_wait3A_192 = arith.constant 0 : i32
      %dma_wait3A_193 = tpu.memref_slice %arg8[%dma_wait3A_191, %dma_wait3A_192] : memref<128x128xf32, #tpu.memory_space<vmem>> -> memref<64x128xf32, #tpu.memory_space<vmem>>
      %dma_wait3A_194 = arith.constant 0 : i32
      %dma_wait3A_195 = tpu.memref_slice %arg5[%arg0, %add3A_114, %dma_wait3A_194] : memref<2x10240x128xf32, #tpu.memory_space<hbm>> -> memref<1x64x128xf32, #tpu.memory_space<hbm>>
      %dma_wait3A_196 = tpu.memref_squeeze %dma_wait3A_195 : memref<1x64x128xf32, #tpu.memory_space<hbm>> -> memref<64x128xf32, #tpu.memory_space<hbm>>
      %dma_wait3A_197 = arith.constant 0 : i32
      %dma_wait3A_198 = tpu.memref_slice %arg5[%arg0, %add3A_114, %dma_wait3A_197] : memref<2x10240x128xf32, #tpu.memory_space<hbm>> -> memref<1x64x128xf32, #tpu.memory_space<hbm>>
      %dma_wait3A_199 = tpu.memref_squeeze %dma_wait3A_198 : memref<1x64x128xf32, #tpu.memory_space<hbm>> -> memref<64x128xf32, #tpu.memory_space<hbm>>
      %dma_wait3A_200 = arith.constant 0 : i32
      %dma_wait3A_201 = arith.constant 0 : i32
      %dma_wait3A_202 = tpu.memref_slice %arg8[%dma_wait3A_200, %dma_wait3A_201] : memref<128x128xf32, #tpu.memory_space<vmem>> -> memref<64x128xf32, #tpu.memory_space<vmem>>
      tpu.wait_dma2 semaphore(%run_scoped3A : memref<!tpu.dma_semaphore, #tpu.memory_space<semaphore_mem>>) src(%dma_wait3A_202 : memref<64x128xf32, #tpu.memory_space<vmem>>) dst(%dma_wait3A_199 : memref<64x128xf32, #tpu.memory_space<hbm>>)
      tpu.yield
    }) : () -> ()
    %mul3A_115 = arith.constant 640 : i32
    %mul3A_116 = arith.muli %arg1, %mul3A_115 : i32
    %add3A_117 = arith.constant 128 : i32
    %add3A_118 = arith.addi %mul3A_116, %add3A_117 : i32
    "tpu.region"() ({
      %run_scoped3A = tpu.sem_alloc : memref<!tpu.dma_semaphore, #tpu.memory_space<semaphore_mem>>
      %dma_start3A_179 = arith.constant 0 : i32
      %dma_start3A_180 = arith.constant 0 : i32
      %dma_start3A_181 = tpu.memref_slice %arg8[%dma_start3A_179, %dma_start3A_180] : memref<128x128xf32, #tpu.memory_space<vmem>> -> memref<64x128xf32, #tpu.memory_space<vmem>>
      %dma_start3A_182 = arith.constant 0 : i32
      %dma_start3A_183 = tpu.memref_slice %arg10[%add3A_118, %dma_start3A_182] : memref<10240x128xf32, #tpu.memory_space<vmem_shared>> -> memref<64x128xf32, #tpu.memory_space<vmem_shared>>
      %dma_start3A_184 = arith.constant 0 : i32
      %dma_start3A_185 = arith.constant 0 : i32
      %dma_start3A_186 = tpu.memref_slice %arg8[%dma_start3A_184, %dma_start3A_185] : memref<128x128xf32, #tpu.memory_space<vmem>> -> memref<64x128xf32, #tpu.memory_space<vmem>>
      %dma_start3A_187 = arith.constant 0 : i32
      %dma_start3A_188 = tpu.memref_slice %arg10[%add3A_118, %dma_start3A_187] : memref<10240x128xf32, #tpu.memory_space<vmem_shared>> -> memref<64x128xf32, #tpu.memory_space<vmem_shared>>
      tpu.enqueue_dma source(%dma_start3A_188 : memref<64x128xf32, #tpu.memory_space<vmem_shared>>) target(%dma_start3A_186 : memref<64x128xf32, #tpu.memory_space<vmem>>) target_semaphore(%run_scoped3A : memref<!tpu.dma_semaphore, #tpu.memory_space<semaphore_mem>>)
      %dma_wait3A_189 = arith.constant 0 : i32
      %dma_wait3A_190 = arith.constant 0 : i32
      %dma_wait3A_191 = tpu.memref_slice %arg8[%dma_wait3A_189, %dma_wait3A_190] : memref<128x128xf32, #tpu.memory_space<vmem>> -> memref<64x128xf32, #tpu.memory_space<vmem>>
      %dma_wait3A_192 = arith.constant 0 : i32
      %dma_wait3A_193 = tpu.memref_slice %arg10[%add3A_118, %dma_wait3A_192] : memref<10240x128xf32, #tpu.memory_space<vmem_shared>> -> memref<64x128xf32, #tpu.memory_space<vmem_shared>>
      %dma_wait3A_194 = arith.constant 0 : i32
      %dma_wait3A_195 = arith.constant 0 : i32
      %dma_wait3A_196 = tpu.memref_slice %arg8[%dma_wait3A_194, %dma_wait3A_195] : memref<128x128xf32, #tpu.memory_space<vmem>> -> memref<64x128xf32, #tpu.memory_space<vmem>>
      %dma_wait3A_197 = arith.constant 0 : i32
      %dma_wait3A_198 = tpu.memref_slice %arg10[%add3A_118, %dma_wait3A_197] : memref<10240x128xf32, #tpu.memory_space<vmem_shared>> -> memref<64x128xf32, #tpu.memory_space<vmem_shared>>
      tpu.wait_dma2 semaphore(%run_scoped3A : memref<!tpu.dma_semaphore, #tpu.memory_space<semaphore_mem>>) src(%dma_wait3A_198 : memref<64x128xf32, #tpu.memory_space<vmem_shared>>) dst(%dma_wait3A_196 : memref<64x128xf32, #tpu.memory_space<vmem>>)
      tpu.yield
    }) : () -> ()
    %mul3A_119 = arith.constant 640 : i32
    %mul3A_120 = arith.muli %arg1, %mul3A_119 : i32
    %add3A_121 = arith.constant 128 : i32
    %add3A_122 = arith.addi %mul3A_120, %add3A_121 : i32
    "tpu.region"() ({
      %run_scoped3A = tpu.sem_alloc : memref<!tpu.dma_semaphore, #tpu.memory_space<semaphore_mem>>
      %dma_start3A_179 = arith.constant 0 : i32
      %dma_start3A_180 = arith.constant 0 : i32
      %dma_start3A_181 = tpu.memref_slice %arg8[%dma_start3A_179, %dma_start3A_180] : memref<128x128xf32, #tpu.memory_space<vmem>> -> memref<64x128xf32, #tpu.memory_space<vmem>>
      %dma_start3A_182 = arith.constant 0 : i32
      %dma_start3A_183 = tpu.memref_slice %arg5[%arg0, %add3A_122, %dma_start3A_182] : memref<2x10240x128xf32, #tpu.memory_space<hbm>> -> memref<1x64x128xf32, #tpu.memory_space<hbm>>
      %dma_start3A_184 = tpu.memref_squeeze %dma_start3A_183 : memref<1x64x128xf32, #tpu.memory_space<hbm>> -> memref<64x128xf32, #tpu.memory_space<hbm>>
      %dma_start3A_185 = arith.constant 0 : i32
      %dma_start3A_186 = tpu.memref_slice %arg5[%arg0, %add3A_122, %dma_start3A_185] : memref<2x10240x128xf32, #tpu.memory_space<hbm>> -> memref<1x64x128xf32, #tpu.memory_space<hbm>>
      %dma_start3A_187 = tpu.memref_squeeze %dma_start3A_186 : memref<1x64x128xf32, #tpu.memory_space<hbm>> -> memref<64x128xf32, #tpu.memory_space<hbm>>
      %dma_start3A_188 = arith.constant 0 : i32
      %dma_start3A_189 = arith.constant 0 : i32
      %dma_start3A_190 = tpu.memref_slice %arg8[%dma_start3A_188, %dma_start3A_189] : memref<128x128xf32, #tpu.memory_space<vmem>> -> memref<64x128xf32, #tpu.memory_space<vmem>>
      tpu.enqueue_dma source(%dma_start3A_190 : memref<64x128xf32, #tpu.memory_space<vmem>>) target(%dma_start3A_187 : memref<64x128xf32, #tpu.memory_space<hbm>>) target_semaphore(%run_scoped3A : memref<!tpu.dma_semaphore, #tpu.memory_space<semaphore_mem>>)
      %dma_wait3A_191 = arith.constant 0 : i32
      %dma_wait3A_192 = arith.constant 0 : i32
      %dma_wait3A_193 = tpu.memref_slice %arg8[%dma_wait3A_191, %dma_wait3A_192] : memref<128x128xf32, #tpu.memory_space<vmem>> -> memref<64x128xf32, #tpu.memory_space<vmem>>
      %dma_wait3A_194 = arith.constant 0 : i32
      %dma_wait3A_195 = tpu.memref_slice %arg5[%arg0, %add3A_122, %dma_wait3A_194] : memref<2x10240x128xf32, #tpu.memory_space<hbm>> -> memref<1x64x128xf32, #tpu.memory_space<hbm>>
      %dma_wait3A_196 = tpu.memref_squeeze %dma_wait3A_195 : memref<1x64x128xf32, #tpu.memory_space<hbm>> -> memref<64x128xf32, #tpu.memory_space<hbm>>
      %dma_wait3A_197 = arith.constant 0 : i32
      %dma_wait3A_198 = tpu.memref_slice %arg5[%arg0, %add3A_122, %dma_wait3A_197] : memref<2x10240x128xf32, #tpu.memory_space<hbm>> -> memref<1x64x128xf32, #tpu.memory_space<hbm>>
      %dma_wait3A_199 = tpu.memref_squeeze %dma_wait3A_198 : memref<1x64x128xf32, #tpu.memory_space<hbm>> -> memref<64x128xf32, #tpu.memory_space<hbm>>
      %dma_wait3A_200 = arith.constant 0 : i32
      %dma_wait3A_201 = arith.constant 0 : i32
      %dma_wait3A_202 = tpu.memref_slice %arg8[%dma_wait3A_200, %dma_wait3A_201] : memref<128x128xf32, #tpu.memory_space<vmem>> -> memref<64x128xf32, #tpu.memory_space<vmem>>
      tpu.wait_dma2 semaphore(%run_scoped3A : memref<!tpu.dma_semaphore, #tpu.memory_space<semaphore_mem>>) src(%dma_wait3A_202 : memref<64x128xf32, #tpu.memory_space<vmem>>) dst(%dma_wait3A_199 : memref<64x128xf32, #tpu.memory_space<hbm>>)
      tpu.yield
    }) : () -> ()
    %mul3A_123 = arith.constant 640 : i32
    %mul3A_124 = arith.muli %arg1, %mul3A_123 : i32
    %add3A_125 = arith.constant 192 : i32
    %add3A_126 = arith.addi %mul3A_124, %add3A_125 : i32
    "tpu.region"() ({
      %run_scoped3A = tpu.sem_alloc : memref<!tpu.dma_semaphore, #tpu.memory_space<semaphore_mem>>
      %dma_start3A_179 = arith.constant 0 : i32
      %dma_start3A_180 = arith.constant 0 : i32
      %dma_start3A_181 = tpu.memref_slice %arg8[%dma_start3A_179, %dma_start3A_180] : memref<128x128xf32, #tpu.memory_space<vmem>> -> memref<64x128xf32, #tpu.memory_space<vmem>>
      %dma_start3A_182 = arith.constant 0 : i32
      %dma_start3A_183 = tpu.memref_slice %arg10[%add3A_126, %dma_start3A_182] : memref<10240x128xf32, #tpu.memory_space<vmem_shared>> -> memref<64x128xf32, #tpu.memory_space<vmem_shared>>
      %dma_start3A_184 = arith.constant 0 : i32
      %dma_start3A_185 = arith.constant 0 : i32
      %dma_start3A_186 = tpu.memref_slice %arg8[%dma_start3A_184, %dma_start3A_185] : memref<128x128xf32, #tpu.memory_space<vmem>> -> memref<64x128xf32, #tpu.memory_space<vmem>>
      %dma_start3A_187 = arith.constant 0 : i32
      %dma_start3A_188 = tpu.memref_slice %arg10[%add3A_126, %dma_start3A_187] : memref<10240x128xf32, #tpu.memory_space<vmem_shared>> -> memref<64x128xf32, #tpu.memory_space<vmem_shared>>
      tpu.enqueue_dma source(%dma_start3A_188 : memref<64x128xf32, #tpu.memory_space<vmem_shared>>) target(%dma_start3A_186 : memref<64x128xf32, #tpu.memory_space<vmem>>) target_semaphore(%run_scoped3A : memref<!tpu.dma_semaphore, #tpu.memory_space<semaphore_mem>>)
      %dma_wait3A_189 = arith.constant 0 : i32
      %dma_wait3A_190 = arith.constant 0 : i32
      %dma_wait3A_191 = tpu.memref_slice %arg8[%dma_wait3A_189, %dma_wait3A_190] : memref<128x128xf32, #tpu.memory_space<vmem>> -> memref<64x128xf32, #tpu.memory_space<vmem>>
      %dma_wait3A_192 = arith.constant 0 : i32
      %dma_wait3A_193 = tpu.memref_slice %arg10[%add3A_126, %dma_wait3A_192] : memref<10240x128xf32, #tpu.memory_space<vmem_shared>> -> memref<64x128xf32, #tpu.memory_space<vmem_shared>>
      %dma_wait3A_194 = arith.constant 0 : i32
      %dma_wait3A_195 = arith.constant 0 : i32
      %dma_wait3A_196 = tpu.memref_slice %arg8[%dma_wait3A_194, %dma_wait3A_195] : memref<128x128xf32, #tpu.memory_space<vmem>> -> memref<64x128xf32, #tpu.memory_space<vmem>>
      %dma_wait3A_197 = arith.constant 0 : i32
      %dma_wait3A_198 = tpu.memref_slice %arg10[%add3A_126, %dma_wait3A_197] : memref<10240x128xf32, #tpu.memory_space<vmem_shared>> -> memref<64x128xf32, #tpu.memory_space<vmem_shared>>
      tpu.wait_dma2 semaphore(%run_scoped3A : memref<!tpu.dma_semaphore, #tpu.memory_space<semaphore_mem>>) src(%dma_wait3A_198 : memref<64x128xf32, #tpu.memory_space<vmem_shared>>) dst(%dma_wait3A_196 : memref<64x128xf32, #tpu.memory_space<vmem>>)
      tpu.yield
    }) : () -> ()
    %mul3A_127 = arith.constant 640 : i32
    %mul3A_128 = arith.muli %arg1, %mul3A_127 : i32
    %add3A_129 = arith.constant 192 : i32
    %add3A_130 = arith.addi %mul3A_128, %add3A_129 : i32
    "tpu.region"() ({
      %run_scoped3A = tpu.sem_alloc : memref<!tpu.dma_semaphore, #tpu.memory_space<semaphore_mem>>
      %dma_start3A_179 = arith.constant 0 : i32
      %dma_start3A_180 = arith.constant 0 : i32
      %dma_start3A_181 = tpu.memref_slice %arg8[%dma_start3A_179, %dma_start3A_180] : memref<128x128xf32, #tpu.memory_space<vmem>> -> memref<64x128xf32, #tpu.memory_space<vmem>>
      %dma_start3A_182 = arith.constant 0 : i32
      %dma_start3A_183 = tpu.memref_slice %arg5[%arg0, %add3A_130, %dma_start3A_182] : memref<2x10240x128xf32, #tpu.memory_space<hbm>> -> memref<1x64x128xf32, #tpu.memory_space<hbm>>
      %dma_start3A_184 = tpu.memref_squeeze %dma_start3A_183 : memref<1x64x128xf32, #tpu.memory_space<hbm>> -> memref<64x128xf32, #tpu.memory_space<hbm>>
      %dma_start3A_185 = arith.constant 0 : i32
      %dma_start3A_186 = tpu.memref_slice %arg5[%arg0, %add3A_130, %dma_start3A_185] : memref<2x10240x128xf32, #tpu.memory_space<hbm>> -> memref<1x64x128xf32, #tpu.memory_space<hbm>>
      %dma_start3A_187 = tpu.memref_squeeze %dma_start3A_186 : memref<1x64x128xf32, #tpu.memory_space<hbm>> -> memref<64x128xf32, #tpu.memory_space<hbm>>
      %dma_start3A_188 = arith.constant 0 : i32
      %dma_start3A_189 = arith.constant 0 : i32
      %dma_start3A_190 = tpu.memref_slice %arg8[%dma_start3A_188, %dma_start3A_189] : memref<128x128xf32, #tpu.memory_space<vmem>> -> memref<64x128xf32, #tpu.memory_space<vmem>>
      tpu.enqueue_dma source(%dma_start3A_190 : memref<64x128xf32, #tpu.memory_space<vmem>>) target(%dma_start3A_187 : memref<64x128xf32, #tpu.memory_space<hbm>>) target_semaphore(%run_scoped3A : memref<!tpu.dma_semaphore, #tpu.memory_space<semaphore_mem>>)
      %dma_wait3A_191 = arith.constant 0 : i32
      %dma_wait3A_192 = arith.constant 0 : i32
      %dma_wait3A_193 = tpu.memref_slice %arg8[%dma_wait3A_191, %dma_wait3A_192] : memref<128x128xf32, #tpu.memory_space<vmem>> -> memref<64x128xf32, #tpu.memory_space<vmem>>
      %dma_wait3A_194 = arith.constant 0 : i32
      %dma_wait3A_195 = tpu.memref_slice %arg5[%arg0, %add3A_130, %dma_wait3A_194] : memref<2x10240x128xf32, #tpu.memory_space<hbm>> -> memref<1x64x128xf32, #tpu.memory_space<hbm>>
      %dma_wait3A_196 = tpu.memref_squeeze %dma_wait3A_195 : memref<1x64x128xf32, #tpu.memory_space<hbm>> -> memref<64x128xf32, #tpu.memory_space<hbm>>
      %dma_wait3A_197 = arith.constant 0 : i32
      %dma_wait3A_198 = tpu.memref_slice %arg5[%arg0, %add3A_130, %dma_wait3A_197] : memref<2x10240x128xf32, #tpu.memory_space<hbm>> -> memref<1x64x128xf32, #tpu.memory_space<hbm>>
      %dma_wait3A_199 = tpu.memref_squeeze %dma_wait3A_198 : memref<1x64x128xf32, #tpu.memory_space<hbm>> -> memref<64x128xf32, #tpu.memory_space<hbm>>
      %dma_wait3A_200 = arith.constant 0 : i32
      %dma_wait3A_201 = arith.constant 0 : i32
      %dma_wait3A_202 = tpu.memref_slice %arg8[%dma_wait3A_200, %dma_wait3A_201] : memref<128x128xf32, #tpu.memory_space<vmem>> -> memref<64x128xf32, #tpu.memory_space<vmem>>
      tpu.wait_dma2 semaphore(%run_scoped3A : memref<!tpu.dma_semaphore, #tpu.memory_space<semaphore_mem>>) src(%dma_wait3A_202 : memref<64x128xf32, #tpu.memory_space<vmem>>) dst(%dma_wait3A_199 : memref<64x128xf32, #tpu.memory_space<hbm>>)
      tpu.yield
    }) : () -> ()
    %mul3A_131 = arith.constant 640 : i32
    %mul3A_132 = arith.muli %arg1, %mul3A_131 : i32
    %add3A_133 = arith.constant 256 : i32
    %add3A_134 = arith.addi %mul3A_132, %add3A_133 : i32
    "tpu.region"() ({
      %run_scoped3A = tpu.sem_alloc : memref<!tpu.dma_semaphore, #tpu.memory_space<semaphore_mem>>
      %dma_start3A_179 = arith.constant 0 : i32
      %dma_start3A_180 = arith.constant 0 : i32
      %dma_start3A_181 = tpu.memref_slice %arg8[%dma_start3A_179, %dma_start3A_180] : memref<128x128xf32, #tpu.memory_space<vmem>> -> memref<64x128xf32, #tpu.memory_space<vmem>>
      %dma_start3A_182 = arith.constant 0 : i32
      %dma_start3A_183 = tpu.memref_slice %arg10[%add3A_134, %dma_start3A_182] : memref<10240x128xf32, #tpu.memory_space<vmem_shared>> -> memref<64x128xf32, #tpu.memory_space<vmem_shared>>
      %dma_start3A_184 = arith.constant 0 : i32
      %dma_start3A_185 = arith.constant 0 : i32
      %dma_start3A_186 = tpu.memref_slice %arg8[%dma_start3A_184, %dma_start3A_185] : memref<128x128xf32, #tpu.memory_space<vmem>> -> memref<64x128xf32, #tpu.memory_space<vmem>>
      %dma_start3A_187 = arith.constant 0 : i32
      %dma_start3A_188 = tpu.memref_slice %arg10[%add3A_134, %dma_start3A_187] : memref<10240x128xf32, #tpu.memory_space<vmem_shared>> -> memref<64x128xf32, #tpu.memory_space<vmem_shared>>
      tpu.enqueue_dma source(%dma_start3A_188 : memref<64x128xf32, #tpu.memory_space<vmem_shared>>) target(%dma_start3A_186 : memref<64x128xf32, #tpu.memory_space<vmem>>) target_semaphore(%run_scoped3A : memref<!tpu.dma_semaphore, #tpu.memory_space<semaphore_mem>>)
      %dma_wait3A_189 = arith.constant 0 : i32
      %dma_wait3A_190 = arith.constant 0 : i32
      %dma_wait3A_191 = tpu.memref_slice %arg8[%dma_wait3A_189, %dma_wait3A_190] : memref<128x128xf32, #tpu.memory_space<vmem>> -> memref<64x128xf32, #tpu.memory_space<vmem>>
      %dma_wait3A_192 = arith.constant 0 : i32
      %dma_wait3A_193 = tpu.memref_slice %arg10[%add3A_134, %dma_wait3A_192] : memref<10240x128xf32, #tpu.memory_space<vmem_shared>> -> memref<64x128xf32, #tpu.memory_space<vmem_shared>>
      %dma_wait3A_194 = arith.constant 0 : i32
      %dma_wait3A_195 = arith.constant 0 : i32
      %dma_wait3A_196 = tpu.memref_slice %arg8[%dma_wait3A_194, %dma_wait3A_195] : memref<128x128xf32, #tpu.memory_space<vmem>> -> memref<64x128xf32, #tpu.memory_space<vmem>>
      %dma_wait3A_197 = arith.constant 0 : i32
      %dma_wait3A_198 = tpu.memref_slice %arg10[%add3A_134, %dma_wait3A_197] : memref<10240x128xf32, #tpu.memory_space<vmem_shared>> -> memref<64x128xf32, #tpu.memory_space<vmem_shared>>
      tpu.wait_dma2 semaphore(%run_scoped3A : memref<!tpu.dma_semaphore, #tpu.memory_space<semaphore_mem>>) src(%dma_wait3A_198 : memref<64x128xf32, #tpu.memory_space<vmem_shared>>) dst(%dma_wait3A_196 : memref<64x128xf32, #tpu.memory_space<vmem>>)
      tpu.yield
    }) : () -> ()
    %mul3A_135 = arith.constant 640 : i32
    %mul3A_136 = arith.muli %arg1, %mul3A_135 : i32
    %add3A_137 = arith.constant 256 : i32
    %add3A_138 = arith.addi %mul3A_136, %add3A_137 : i32
    "tpu.region"() ({
      %run_scoped3A = tpu.sem_alloc : memref<!tpu.dma_semaphore, #tpu.memory_space<semaphore_mem>>
      %dma_start3A_179 = arith.constant 0 : i32
      %dma_start3A_180 = arith.constant 0 : i32
      %dma_start3A_181 = tpu.memref_slice %arg8[%dma_start3A_179, %dma_start3A_180] : memref<128x128xf32, #tpu.memory_space<vmem>> -> memref<64x128xf32, #tpu.memory_space<vmem>>
      %dma_start3A_182 = arith.constant 0 : i32
      %dma_start3A_183 = tpu.memref_slice %arg5[%arg0, %add3A_138, %dma_start3A_182] : memref<2x10240x128xf32, #tpu.memory_space<hbm>> -> memref<1x64x128xf32, #tpu.memory_space<hbm>>
      %dma_start3A_184 = tpu.memref_squeeze %dma_start3A_183 : memref<1x64x128xf32, #tpu.memory_space<hbm>> -> memref<64x128xf32, #tpu.memory_space<hbm>>
      %dma_start3A_185 = arith.constant 0 : i32
      %dma_start3A_186 = tpu.memref_slice %arg5[%arg0, %add3A_138, %dma_start3A_185] : memref<2x10240x128xf32, #tpu.memory_space<hbm>> -> memref<1x64x128xf32, #tpu.memory_space<hbm>>
      %dma_start3A_187 = tpu.memref_squeeze %dma_start3A_186 : memref<1x64x128xf32, #tpu.memory_space<hbm>> -> memref<64x128xf32, #tpu.memory_space<hbm>>
      %dma_start3A_188 = arith.constant 0 : i32
      %dma_start3A_189 = arith.constant 0 : i32
      %dma_start3A_190 = tpu.memref_slice %arg8[%dma_start3A_188, %dma_start3A_189] : memref<128x128xf32, #tpu.memory_space<vmem>> -> memref<64x128xf32, #tpu.memory_space<vmem>>
      tpu.enqueue_dma source(%dma_start3A_190 : memref<64x128xf32, #tpu.memory_space<vmem>>) target(%dma_start3A_187 : memref<64x128xf32, #tpu.memory_space<hbm>>) target_semaphore(%run_scoped3A : memref<!tpu.dma_semaphore, #tpu.memory_space<semaphore_mem>>)
      %dma_wait3A_191 = arith.constant 0 : i32
      %dma_wait3A_192 = arith.constant 0 : i32
      %dma_wait3A_193 = tpu.memref_slice %arg8[%dma_wait3A_191, %dma_wait3A_192] : memref<128x128xf32, #tpu.memory_space<vmem>> -> memref<64x128xf32, #tpu.memory_space<vmem>>
      %dma_wait3A_194 = arith.constant 0 : i32
      %dma_wait3A_195 = tpu.memref_slice %arg5[%arg0, %add3A_138, %dma_wait3A_194] : memref<2x10240x128xf32, #tpu.memory_space<hbm>> -> memref<1x64x128xf32, #tpu.memory_space<hbm>>
      %dma_wait3A_196 = tpu.memref_squeeze %dma_wait3A_195 : memref<1x64x128xf32, #tpu.memory_space<hbm>> -> memref<64x128xf32, #tpu.memory_space<hbm>>
      %dma_wait3A_197 = arith.constant 0 : i32
      %dma_wait3A_198 = tpu.memref_slice %arg5[%arg0, %add3A_138, %dma_wait3A_197] : memref<2x10240x128xf32, #tpu.memory_space<hbm>> -> memref<1x64x128xf32, #tpu.memory_space<hbm>>
      %dma_wait3A_199 = tpu.memref_squeeze %dma_wait3A_198 : memref<1x64x128xf32, #tpu.memory_space<hbm>> -> memref<64x128xf32, #tpu.memory_space<hbm>>
      %dma_wait3A_200 = arith.constant 0 : i32
      %dma_wait3A_201 = arith.constant 0 : i32
      %dma_wait3A_202 = tpu.memref_slice %arg8[%dma_wait3A_200, %dma_wait3A_201] : memref<128x128xf32, #tpu.memory_space<vmem>> -> memref<64x128xf32, #tpu.memory_space<vmem>>
      tpu.wait_dma2 semaphore(%run_scoped3A : memref<!tpu.dma_semaphore, #tpu.memory_space<semaphore_mem>>) src(%dma_wait3A_202 : memref<64x128xf32, #tpu.memory_space<vmem>>) dst(%dma_wait3A_199 : memref<64x128xf32, #tpu.memory_space<hbm>>)
      tpu.yield
    }) : () -> ()
    %mul3A_139 = arith.constant 640 : i32
    %mul3A_140 = arith.muli %arg1, %mul3A_139 : i32
    %add3A_141 = arith.constant 320 : i32
    %add3A_142 = arith.addi %mul3A_140, %add3A_141 : i32
    "tpu.region"() ({
      %run_scoped3A = tpu.sem_alloc : memref<!tpu.dma_semaphore, #tpu.memory_space<semaphore_mem>>
      %dma_start3A_179 = arith.constant 0 : i32
      %dma_start3A_180 = arith.constant 0 : i32
      %dma_start3A_181 = tpu.memref_slice %arg8[%dma_start3A_179, %dma_start3A_180] : memref<128x128xf32, #tpu.memory_space<vmem>> -> memref<64x128xf32, #tpu.memory_space<vmem>>
      %dma_start3A_182 = arith.constant 0 : i32
      %dma_start3A_183 = tpu.memref_slice %arg10[%add3A_142, %dma_start3A_182] : memref<10240x128xf32, #tpu.memory_space<vmem_shared>> -> memref<64x128xf32, #tpu.memory_space<vmem_shared>>
      %dma_start3A_184 = arith.constant 0 : i32
      %dma_start3A_185 = arith.constant 0 : i32
      %dma_start3A_186 = tpu.memref_slice %arg8[%dma_start3A_184, %dma_start3A_185] : memref<128x128xf32, #tpu.memory_space<vmem>> -> memref<64x128xf32, #tpu.memory_space<vmem>>
      %dma_start3A_187 = arith.constant 0 : i32
      %dma_start3A_188 = tpu.memref_slice %arg10[%add3A_142, %dma_start3A_187] : memref<10240x128xf32, #tpu.memory_space<vmem_shared>> -> memref<64x128xf32, #tpu.memory_space<vmem_shared>>
      tpu.enqueue_dma source(%dma_start3A_188 : memref<64x128xf32, #tpu.memory_space<vmem_shared>>) target(%dma_start3A_186 : memref<64x128xf32, #tpu.memory_space<vmem>>) target_semaphore(%run_scoped3A : memref<!tpu.dma_semaphore, #tpu.memory_space<semaphore_mem>>)
      %dma_wait3A_189 = arith.constant 0 : i32
      %dma_wait3A_190 = arith.constant 0 : i32
      %dma_wait3A_191 = tpu.memref_slice %arg8[%dma_wait3A_189, %dma_wait3A_190] : memref<128x128xf32, #tpu.memory_space<vmem>> -> memref<64x128xf32, #tpu.memory_space<vmem>>
      %dma_wait3A_192 = arith.constant 0 : i32
      %dma_wait3A_193 = tpu.memref_slice %arg10[%add3A_142, %dma_wait3A_192] : memref<10240x128xf32, #tpu.memory_space<vmem_shared>> -> memref<64x128xf32, #tpu.memory_space<vmem_shared>>
      %dma_wait3A_194 = arith.constant 0 : i32
      %dma_wait3A_195 = arith.constant 0 : i32
      %dma_wait3A_196 = tpu.memref_slice %arg8[%dma_wait3A_194, %dma_wait3A_195] : memref<128x128xf32, #tpu.memory_space<vmem>> -> memref<64x128xf32, #tpu.memory_space<vmem>>
      %dma_wait3A_197 = arith.constant 0 : i32
      %dma_wait3A_198 = tpu.memref_slice %arg10[%add3A_142, %dma_wait3A_197] : memref<10240x128xf32, #tpu.memory_space<vmem_shared>> -> memref<64x128xf32, #tpu.memory_space<vmem_shared>>
      tpu.wait_dma2 semaphore(%run_scoped3A : memref<!tpu.dma_semaphore, #tpu.memory_space<semaphore_mem>>) src(%dma_wait3A_198 : memref<64x128xf32, #tpu.memory_space<vmem_shared>>) dst(%dma_wait3A_196 : memref<64x128xf32, #tpu.memory_space<vmem>>)
      tpu.yield
    }) : () -> ()
    %mul3A_143 = arith.constant 640 : i32
    %mul3A_144 = arith.muli %arg1, %mul3A_143 : i32
    %add3A_145 = arith.constant 320 : i32
    %add3A_146 = arith.addi %mul3A_144, %add3A_145 : i32
    "tpu.region"() ({
      %run_scoped3A = tpu.sem_alloc : memref<!tpu.dma_semaphore, #tpu.memory_space<semaphore_mem>>
      %dma_start3A_179 = arith.constant 0 : i32
      %dma_start3A_180 = arith.constant 0 : i32
      %dma_start3A_181 = tpu.memref_slice %arg8[%dma_start3A_179, %dma_start3A_180] : memref<128x128xf32, #tpu.memory_space<vmem>> -> memref<64x128xf32, #tpu.memory_space<vmem>>
      %dma_start3A_182 = arith.constant 0 : i32
      %dma_start3A_183 = tpu.memref_slice %arg5[%arg0, %add3A_146, %dma_start3A_182] : memref<2x10240x128xf32, #tpu.memory_space<hbm>> -> memref<1x64x128xf32, #tpu.memory_space<hbm>>
      %dma_start3A_184 = tpu.memref_squeeze %dma_start3A_183 : memref<1x64x128xf32, #tpu.memory_space<hbm>> -> memref<64x128xf32, #tpu.memory_space<hbm>>
      %dma_start3A_185 = arith.constant 0 : i32
      %dma_start3A_186 = tpu.memref_slice %arg5[%arg0, %add3A_146, %dma_start3A_185] : memref<2x10240x128xf32, #tpu.memory_space<hbm>> -> memref<1x64x128xf32, #tpu.memory_space<hbm>>
      %dma_start3A_187 = tpu.memref_squeeze %dma_start3A_186 : memref<1x64x128xf32, #tpu.memory_space<hbm>> -> memref<64x128xf32, #tpu.memory_space<hbm>>
      %dma_start3A_188 = arith.constant 0 : i32
      %dma_start3A_189 = arith.constant 0 : i32
      %dma_start3A_190 = tpu.memref_slice %arg8[%dma_start3A_188, %dma_start3A_189] : memref<128x128xf32, #tpu.memory_space<vmem>> -> memref<64x128xf32, #tpu.memory_space<vmem>>
      tpu.enqueue_dma source(%dma_start3A_190 : memref<64x128xf32, #tpu.memory_space<vmem>>) target(%dma_start3A_187 : memref<64x128xf32, #tpu.memory_space<hbm>>) target_semaphore(%run_scoped3A : memref<!tpu.dma_semaphore, #tpu.memory_space<semaphore_mem>>)
      %dma_wait3A_191 = arith.constant 0 : i32
      %dma_wait3A_192 = arith.constant 0 : i32
      %dma_wait3A_193 = tpu.memref_slice %arg8[%dma_wait3A_191, %dma_wait3A_192] : memref<128x128xf32, #tpu.memory_space<vmem>> -> memref<64x128xf32, #tpu.memory_space<vmem>>
      %dma_wait3A_194 = arith.constant 0 : i32
      %dma_wait3A_195 = tpu.memref_slice %arg5[%arg0, %add3A_146, %dma_wait3A_194] : memref<2x10240x128xf32, #tpu.memory_space<hbm>> -> memref<1x64x128xf32, #tpu.memory_space<hbm>>
      %dma_wait3A_196 = tpu.memref_squeeze %dma_wait3A_195 : memref<1x64x128xf32, #tpu.memory_space<hbm>> -> memref<64x128xf32, #tpu.memory_space<hbm>>
      %dma_wait3A_197 = arith.constant 0 : i32
      %dma_wait3A_198 = tpu.memref_slice %arg5[%arg0, %add3A_146, %dma_wait3A_197] : memref<2x10240x128xf32, #tpu.memory_space<hbm>> -> memref<1x64x128xf32, #tpu.memory_space<hbm>>
      %dma_wait3A_199 = tpu.memref_squeeze %dma_wait3A_198 : memref<1x64x128xf32, #tpu.memory_space<hbm>> -> memref<64x128xf32, #tpu.memory_space<hbm>>
      %dma_wait3A_200 = arith.constant 0 : i32
      %dma_wait3A_201 = arith.constant 0 : i32
      %dma_wait3A_202 = tpu.memref_slice %arg8[%dma_wait3A_200, %dma_wait3A_201] : memref<128x128xf32, #tpu.memory_space<vmem>> -> memref<64x128xf32, #tpu.memory_space<vmem>>
      tpu.wait_dma2 semaphore(%run_scoped3A : memref<!tpu.dma_semaphore, #tpu.memory_space<semaphore_mem>>) src(%dma_wait3A_202 : memref<64x128xf32, #tpu.memory_space<vmem>>) dst(%dma_wait3A_199 : memref<64x128xf32, #tpu.memory_space<hbm>>)
      tpu.yield
    }) : () -> ()
    %mul3A_147 = arith.constant 640 : i32
    %mul3A_148 = arith.muli %arg1, %mul3A_147 : i32
    %add3A_149 = arith.constant 384 : i32
    %add3A_150 = arith.addi %mul3A_148, %add3A_149 : i32
    "tpu.region"() ({
      %run_scoped3A = tpu.sem_alloc : memref<!tpu.dma_semaphore, #tpu.memory_space<semaphore_mem>>
      %dma_start3A_179 = arith.constant 0 : i32
      %dma_start3A_180 = arith.constant 0 : i32
      %dma_start3A_181 = tpu.memref_slice %arg8[%dma_start3A_179, %dma_start3A_180] : memref<128x128xf32, #tpu.memory_space<vmem>> -> memref<64x128xf32, #tpu.memory_space<vmem>>
      %dma_start3A_182 = arith.constant 0 : i32
      %dma_start3A_183 = tpu.memref_slice %arg10[%add3A_150, %dma_start3A_182] : memref<10240x128xf32, #tpu.memory_space<vmem_shared>> -> memref<64x128xf32, #tpu.memory_space<vmem_shared>>
      %dma_start3A_184 = arith.constant 0 : i32
      %dma_start3A_185 = arith.constant 0 : i32
      %dma_start3A_186 = tpu.memref_slice %arg8[%dma_start3A_184, %dma_start3A_185] : memref<128x128xf32, #tpu.memory_space<vmem>> -> memref<64x128xf32, #tpu.memory_space<vmem>>
      %dma_start3A_187 = arith.constant 0 : i32
      %dma_start3A_188 = tpu.memref_slice %arg10[%add3A_150, %dma_start3A_187] : memref<10240x128xf32, #tpu.memory_space<vmem_shared>> -> memref<64x128xf32, #tpu.memory_space<vmem_shared>>
      tpu.enqueue_dma source(%dma_start3A_188 : memref<64x128xf32, #tpu.memory_space<vmem_shared>>) target(%dma_start3A_186 : memref<64x128xf32, #tpu.memory_space<vmem>>) target_semaphore(%run_scoped3A : memref<!tpu.dma_semaphore, #tpu.memory_space<semaphore_mem>>)
      %dma_wait3A_189 = arith.constant 0 : i32
      %dma_wait3A_190 = arith.constant 0 : i32
      %dma_wait3A_191 = tpu.memref_slice %arg8[%dma_wait3A_189, %dma_wait3A_190] : memref<128x128xf32, #tpu.memory_space<vmem>> -> memref<64x128xf32, #tpu.memory_space<vmem>>
      %dma_wait3A_192 = arith.constant 0 : i32
      %dma_wait3A_193 = tpu.memref_slice %arg10[%add3A_150, %dma_wait3A_192] : memref<10240x128xf32, #tpu.memory_space<vmem_shared>> -> memref<64x128xf32, #tpu.memory_space<vmem_shared>>
      %dma_wait3A_194 = arith.constant 0 : i32
      %dma_wait3A_195 = arith.constant 0 : i32
      %dma_wait3A_196 = tpu.memref_slice %arg8[%dma_wait3A_194, %dma_wait3A_195] : memref<128x128xf32, #tpu.memory_space<vmem>> -> memref<64x128xf32, #tpu.memory_space<vmem>>
      %dma_wait3A_197 = arith.constant 0 : i32
      %dma_wait3A_198 = tpu.memref_slice %arg10[%add3A_150, %dma_wait3A_197] : memref<10240x128xf32, #tpu.memory_space<vmem_shared>> -> memref<64x128xf32, #tpu.memory_space<vmem_shared>>
      tpu.wait_dma2 semaphore(%run_scoped3A : memref<!tpu.dma_semaphore, #tpu.memory_space<semaphore_mem>>) src(%dma_wait3A_198 : memref<64x128xf32, #tpu.memory_space<vmem_shared>>) dst(%dma_wait3A_196 : memref<64x128xf32, #tpu.memory_space<vmem>>)
      tpu.yield
    }) : () -> ()
    %mul3A_151 = arith.constant 640 : i32
    %mul3A_152 = arith.muli %arg1, %mul3A_151 : i32
    %add3A_153 = arith.constant 384 : i32
    %add3A_154 = arith.addi %mul3A_152, %add3A_153 : i32
    "tpu.region"() ({
      %run_scoped3A = tpu.sem_alloc : memref<!tpu.dma_semaphore, #tpu.memory_space<semaphore_mem>>
      %dma_start3A_179 = arith.constant 0 : i32
      %dma_start3A_180 = arith.constant 0 : i32
      %dma_start3A_181 = tpu.memref_slice %arg8[%dma_start3A_179, %dma_start3A_180] : memref<128x128xf32, #tpu.memory_space<vmem>> -> memref<64x128xf32, #tpu.memory_space<vmem>>
      %dma_start3A_182 = arith.constant 0 : i32
      %dma_start3A_183 = tpu.memref_slice %arg5[%arg0, %add3A_154, %dma_start3A_182] : memref<2x10240x128xf32, #tpu.memory_space<hbm>> -> memref<1x64x128xf32, #tpu.memory_space<hbm>>
      %dma_start3A_184 = tpu.memref_squeeze %dma_start3A_183 : memref<1x64x128xf32, #tpu.memory_space<hbm>> -> memref<64x128xf32, #tpu.memory_space<hbm>>
      %dma_start3A_185 = arith.constant 0 : i32
      %dma_start3A_186 = tpu.memref_slice %arg5[%arg0, %add3A_154, %dma_start3A_185] : memref<2x10240x128xf32, #tpu.memory_space<hbm>> -> memref<1x64x128xf32, #tpu.memory_space<hbm>>
      %dma_start3A_187 = tpu.memref_squeeze %dma_start3A_186 : memref<1x64x128xf32, #tpu.memory_space<hbm>> -> memref<64x128xf32, #tpu.memory_space<hbm>>
      %dma_start3A_188 = arith.constant 0 : i32
      %dma_start3A_189 = arith.constant 0 : i32
      %dma_start3A_190 = tpu.memref_slice %arg8[%dma_start3A_188, %dma_start3A_189] : memref<128x128xf32, #tpu.memory_space<vmem>> -> memref<64x128xf32, #tpu.memory_space<vmem>>
      tpu.enqueue_dma source(%dma_start3A_190 : memref<64x128xf32, #tpu.memory_space<vmem>>) target(%dma_start3A_187 : memref<64x128xf32, #tpu.memory_space<hbm>>) target_semaphore(%run_scoped3A : memref<!tpu.dma_semaphore, #tpu.memory_space<semaphore_mem>>)
      %dma_wait3A_191 = arith.constant 0 : i32
      %dma_wait3A_192 = arith.constant 0 : i32
      %dma_wait3A_193 = tpu.memref_slice %arg8[%dma_wait3A_191, %dma_wait3A_192] : memref<128x128xf32, #tpu.memory_space<vmem>> -> memref<64x128xf32, #tpu.memory_space<vmem>>
      %dma_wait3A_194 = arith.constant 0 : i32
      %dma_wait3A_195 = tpu.memref_slice %arg5[%arg0, %add3A_154, %dma_wait3A_194] : memref<2x10240x128xf32, #tpu.memory_space<hbm>> -> memref<1x64x128xf32, #tpu.memory_space<hbm>>
      %dma_wait3A_196 = tpu.memref_squeeze %dma_wait3A_195 : memref<1x64x128xf32, #tpu.memory_space<hbm>> -> memref<64x128xf32, #tpu.memory_space<hbm>>
      %dma_wait3A_197 = arith.constant 0 : i32
      %dma_wait3A_198 = tpu.memref_slice %arg5[%arg0, %add3A_154, %dma_wait3A_197] : memref<2x10240x128xf32, #tpu.memory_space<hbm>> -> memref<1x64x128xf32, #tpu.memory_space<hbm>>
      %dma_wait3A_199 = tpu.memref_squeeze %dma_wait3A_198 : memref<1x64x128xf32, #tpu.memory_space<hbm>> -> memref<64x128xf32, #tpu.memory_space<hbm>>
      %dma_wait3A_200 = arith.constant 0 : i32
      %dma_wait3A_201 = arith.constant 0 : i32
      %dma_wait3A_202 = tpu.memref_slice %arg8[%dma_wait3A_200, %dma_wait3A_201] : memref<128x128xf32, #tpu.memory_space<vmem>> -> memref<64x128xf32, #tpu.memory_space<vmem>>
      tpu.wait_dma2 semaphore(%run_scoped3A : memref<!tpu.dma_semaphore, #tpu.memory_space<semaphore_mem>>) src(%dma_wait3A_202 : memref<64x128xf32, #tpu.memory_space<vmem>>) dst(%dma_wait3A_199 : memref<64x128xf32, #tpu.memory_space<hbm>>)
      tpu.yield
    }) : () -> ()
    %mul3A_155 = arith.constant 640 : i32
    %mul3A_156 = arith.muli %arg1, %mul3A_155 : i32
    %add3A_157 = arith.constant 448 : i32
    %add3A_158 = arith.addi %mul3A_156, %add3A_157 : i32
    "tpu.region"() ({
      %run_scoped3A = tpu.sem_alloc : memref<!tpu.dma_semaphore, #tpu.memory_space<semaphore_mem>>
      %dma_start3A_179 = arith.constant 0 : i32
      %dma_start3A_180 = arith.constant 0 : i32
      %dma_start3A_181 = tpu.memref_slice %arg8[%dma_start3A_179, %dma_start3A_180] : memref<128x128xf32, #tpu.memory_space<vmem>> -> memref<64x128xf32, #tpu.memory_space<vmem>>
      %dma_start3A_182 = arith.constant 0 : i32
      %dma_start3A_183 = tpu.memref_slice %arg10[%add3A_158, %dma_start3A_182] : memref<10240x128xf32, #tpu.memory_space<vmem_shared>> -> memref<64x128xf32, #tpu.memory_space<vmem_shared>>
      %dma_start3A_184 = arith.constant 0 : i32
      %dma_start3A_185 = arith.constant 0 : i32
      %dma_start3A_186 = tpu.memref_slice %arg8[%dma_start3A_184, %dma_start3A_185] : memref<128x128xf32, #tpu.memory_space<vmem>> -> memref<64x128xf32, #tpu.memory_space<vmem>>
      %dma_start3A_187 = arith.constant 0 : i32
      %dma_start3A_188 = tpu.memref_slice %arg10[%add3A_158, %dma_start3A_187] : memref<10240x128xf32, #tpu.memory_space<vmem_shared>> -> memref<64x128xf32, #tpu.memory_space<vmem_shared>>
      tpu.enqueue_dma source(%dma_start3A_188 : memref<64x128xf32, #tpu.memory_space<vmem_shared>>) target(%dma_start3A_186 : memref<64x128xf32, #tpu.memory_space<vmem>>) target_semaphore(%run_scoped3A : memref<!tpu.dma_semaphore, #tpu.memory_space<semaphore_mem>>)
      %dma_wait3A_189 = arith.constant 0 : i32
      %dma_wait3A_190 = arith.constant 0 : i32
      %dma_wait3A_191 = tpu.memref_slice %arg8[%dma_wait3A_189, %dma_wait3A_190] : memref<128x128xf32, #tpu.memory_space<vmem>> -> memref<64x128xf32, #tpu.memory_space<vmem>>
      %dma_wait3A_192 = arith.constant 0 : i32
      %dma_wait3A_193 = tpu.memref_slice %arg10[%add3A_158, %dma_wait3A_192] : memref<10240x128xf32, #tpu.memory_space<vmem_shared>> -> memref<64x128xf32, #tpu.memory_space<vmem_shared>>
      %dma_wait3A_194 = arith.constant 0 : i32
      %dma_wait3A_195 = arith.constant 0 : i32
      %dma_wait3A_196 = tpu.memref_slice %arg8[%dma_wait3A_194, %dma_wait3A_195] : memref<128x128xf32, #tpu.memory_space<vmem>> -> memref<64x128xf32, #tpu.memory_space<vmem>>
      %dma_wait3A_197 = arith.constant 0 : i32
      %dma_wait3A_198 = tpu.memref_slice %arg10[%add3A_158, %dma_wait3A_197] : memref<10240x128xf32, #tpu.memory_space<vmem_shared>> -> memref<64x128xf32, #tpu.memory_space<vmem_shared>>
      tpu.wait_dma2 semaphore(%run_scoped3A : memref<!tpu.dma_semaphore, #tpu.memory_space<semaphore_mem>>) src(%dma_wait3A_198 : memref<64x128xf32, #tpu.memory_space<vmem_shared>>) dst(%dma_wait3A_196 : memref<64x128xf32, #tpu.memory_space<vmem>>)
      tpu.yield
    }) : () -> ()
    %mul3A_159 = arith.constant 640 : i32
    %mul3A_160 = arith.muli %arg1, %mul3A_159 : i32
    %add3A_161 = arith.constant 448 : i32
    %add3A_162 = arith.addi %mul3A_160, %add3A_161 : i32
    "tpu.region"() ({
      %run_scoped3A = tpu.sem_alloc : memref<!tpu.dma_semaphore, #tpu.memory_space<semaphore_mem>>
      %dma_start3A_179 = arith.constant 0 : i32
      %dma_start3A_180 = arith.constant 0 : i32
      %dma_start3A_181 = tpu.memref_slice %arg8[%dma_start3A_179, %dma_start3A_180] : memref<128x128xf32, #tpu.memory_space<vmem>> -> memref<64x128xf32, #tpu.memory_space<vmem>>
      %dma_start3A_182 = arith.constant 0 : i32
      %dma_start3A_183 = tpu.memref_slice %arg5[%arg0, %add3A_162, %dma_start3A_182] : memref<2x10240x128xf32, #tpu.memory_space<hbm>> -> memref<1x64x128xf32, #tpu.memory_space<hbm>>
      %dma_start3A_184 = tpu.memref_squeeze %dma_start3A_183 : memref<1x64x128xf32, #tpu.memory_space<hbm>> -> memref<64x128xf32, #tpu.memory_space<hbm>>
      %dma_start3A_185 = arith.constant 0 : i32
      %dma_start3A_186 = tpu.memref_slice %arg5[%arg0, %add3A_162, %dma_start3A_185] : memref<2x10240x128xf32, #tpu.memory_space<hbm>> -> memref<1x64x128xf32, #tpu.memory_space<hbm>>
      %dma_start3A_187 = tpu.memref_squeeze %dma_start3A_186 : memref<1x64x128xf32, #tpu.memory_space<hbm>> -> memref<64x128xf32, #tpu.memory_space<hbm>>
      %dma_start3A_188 = arith.constant 0 : i32
      %dma_start3A_189 = arith.constant 0 : i32
      %dma_start3A_190 = tpu.memref_slice %arg8[%dma_start3A_188, %dma_start3A_189] : memref<128x128xf32, #tpu.memory_space<vmem>> -> memref<64x128xf32, #tpu.memory_space<vmem>>
      tpu.enqueue_dma source(%dma_start3A_190 : memref<64x128xf32, #tpu.memory_space<vmem>>) target(%dma_start3A_187 : memref<64x128xf32, #tpu.memory_space<hbm>>) target_semaphore(%run_scoped3A : memref<!tpu.dma_semaphore, #tpu.memory_space<semaphore_mem>>)
      %dma_wait3A_191 = arith.constant 0 : i32
      %dma_wait3A_192 = arith.constant 0 : i32
      %dma_wait3A_193 = tpu.memref_slice %arg8[%dma_wait3A_191, %dma_wait3A_192] : memref<128x128xf32, #tpu.memory_space<vmem>> -> memref<64x128xf32, #tpu.memory_space<vmem>>
      %dma_wait3A_194 = arith.constant 0 : i32
      %dma_wait3A_195 = tpu.memref_slice %arg5[%arg0, %add3A_162, %dma_wait3A_194] : memref<2x10240x128xf32, #tpu.memory_space<hbm>> -> memref<1x64x128xf32, #tpu.memory_space<hbm>>
      %dma_wait3A_196 = tpu.memref_squeeze %dma_wait3A_195 : memref<1x64x128xf32, #tpu.memory_space<hbm>> -> memref<64x128xf32, #tpu.memory_space<hbm>>
      %dma_wait3A_197 = arith.constant 0 : i32
      %dma_wait3A_198 = tpu.memref_slice %arg5[%arg0, %add3A_162, %dma_wait3A_197] : memref<2x10240x128xf32, #tpu.memory_space<hbm>> -> memref<1x64x128xf32, #tpu.memory_space<hbm>>
      %dma_wait3A_199 = tpu.memref_squeeze %dma_wait3A_198 : memref<1x64x128xf32, #tpu.memory_space<hbm>> -> memref<64x128xf32, #tpu.memory_space<hbm>>
      %dma_wait3A_200 = arith.constant 0 : i32
      %dma_wait3A_201 = arith.constant 0 : i32
      %dma_wait3A_202 = tpu.memref_slice %arg8[%dma_wait3A_200, %dma_wait3A_201] : memref<128x128xf32, #tpu.memory_space<vmem>> -> memref<64x128xf32, #tpu.memory_space<vmem>>
      tpu.wait_dma2 semaphore(%run_scoped3A : memref<!tpu.dma_semaphore, #tpu.memory_space<semaphore_mem>>) src(%dma_wait3A_202 : memref<64x128xf32, #tpu.memory_space<vmem>>) dst(%dma_wait3A_199 : memref<64x128xf32, #tpu.memory_space<hbm>>)
      tpu.yield
    }) : () -> ()
    %mul3A_163 = arith.constant 640 : i32
    %mul3A_164 = arith.muli %arg1, %mul3A_163 : i32
    %add3A_165 = arith.constant 512 : i32
    %add3A_166 = arith.addi %mul3A_164, %add3A_165 : i32
    "tpu.region"() ({
      %run_scoped3A = tpu.sem_alloc : memref<!tpu.dma_semaphore, #tpu.memory_space<semaphore_mem>>
      %dma_start3A_179 = arith.constant 0 : i32
      %dma_start3A_180 = arith.constant 0 : i32
      %dma_start3A_181 = tpu.memref_slice %arg8[%dma_start3A_179, %dma_start3A_180] : memref<128x128xf32, #tpu.memory_space<vmem>> -> memref<64x128xf32, #tpu.memory_space<vmem>>
      %dma_start3A_182 = arith.constant 0 : i32
      %dma_start3A_183 = tpu.memref_slice %arg10[%add3A_166, %dma_start3A_182] : memref<10240x128xf32, #tpu.memory_space<vmem_shared>> -> memref<64x128xf32, #tpu.memory_space<vmem_shared>>
      %dma_start3A_184 = arith.constant 0 : i32
      %dma_start3A_185 = arith.constant 0 : i32
      %dma_start3A_186 = tpu.memref_slice %arg8[%dma_start3A_184, %dma_start3A_185] : memref<128x128xf32, #tpu.memory_space<vmem>> -> memref<64x128xf32, #tpu.memory_space<vmem>>
      %dma_start3A_187 = arith.constant 0 : i32
      %dma_start3A_188 = tpu.memref_slice %arg10[%add3A_166, %dma_start3A_187] : memref<10240x128xf32, #tpu.memory_space<vmem_shared>> -> memref<64x128xf32, #tpu.memory_space<vmem_shared>>
      tpu.enqueue_dma source(%dma_start3A_188 : memref<64x128xf32, #tpu.memory_space<vmem_shared>>) target(%dma_start3A_186 : memref<64x128xf32, #tpu.memory_space<vmem>>) target_semaphore(%run_scoped3A : memref<!tpu.dma_semaphore, #tpu.memory_space<semaphore_mem>>)
      %dma_wait3A_189 = arith.constant 0 : i32
      %dma_wait3A_190 = arith.constant 0 : i32
      %dma_wait3A_191 = tpu.memref_slice %arg8[%dma_wait3A_189, %dma_wait3A_190] : memref<128x128xf32, #tpu.memory_space<vmem>> -> memref<64x128xf32, #tpu.memory_space<vmem>>
      %dma_wait3A_192 = arith.constant 0 : i32
      %dma_wait3A_193 = tpu.memref_slice %arg10[%add3A_166, %dma_wait3A_192] : memref<10240x128xf32, #tpu.memory_space<vmem_shared>> -> memref<64x128xf32, #tpu.memory_space<vmem_shared>>
      %dma_wait3A_194 = arith.constant 0 : i32
      %dma_wait3A_195 = arith.constant 0 : i32
      %dma_wait3A_196 = tpu.memref_slice %arg8[%dma_wait3A_194, %dma_wait3A_195] : memref<128x128xf32, #tpu.memory_space<vmem>> -> memref<64x128xf32, #tpu.memory_space<vmem>>
      %dma_wait3A_197 = arith.constant 0 : i32
      %dma_wait3A_198 = tpu.memref_slice %arg10[%add3A_166, %dma_wait3A_197] : memref<10240x128xf32, #tpu.memory_space<vmem_shared>> -> memref<64x128xf32, #tpu.memory_space<vmem_shared>>
      tpu.wait_dma2 semaphore(%run_scoped3A : memref<!tpu.dma_semaphore, #tpu.memory_space<semaphore_mem>>) src(%dma_wait3A_198 : memref<64x128xf32, #tpu.memory_space<vmem_shared>>) dst(%dma_wait3A_196 : memref<64x128xf32, #tpu.memory_space<vmem>>)
      tpu.yield
    }) : () -> ()
    %mul3A_167 = arith.constant 640 : i32
    %mul3A_168 = arith.muli %arg1, %mul3A_167 : i32
    %add3A_169 = arith.constant 512 : i32
    %add3A_170 = arith.addi %mul3A_168, %add3A_169 : i32
    "tpu.region"() ({
      %run_scoped3A = tpu.sem_alloc : memref<!tpu.dma_semaphore, #tpu.memory_space<semaphore_mem>>
      %dma_start3A_179 = arith.constant 0 : i32
      %dma_start3A_180 = arith.constant 0 : i32
      %dma_start3A_181 = tpu.memref_slice %arg8[%dma_start3A_179, %dma_start3A_180] : memref<128x128xf32, #tpu.memory_space<vmem>> -> memref<64x128xf32, #tpu.memory_space<vmem>>
      %dma_start3A_182 = arith.constant 0 : i32
      %dma_start3A_183 = tpu.memref_slice %arg5[%arg0, %add3A_170, %dma_start3A_182] : memref<2x10240x128xf32, #tpu.memory_space<hbm>> -> memref<1x64x128xf32, #tpu.memory_space<hbm>>
      %dma_start3A_184 = tpu.memref_squeeze %dma_start3A_183 : memref<1x64x128xf32, #tpu.memory_space<hbm>> -> memref<64x128xf32, #tpu.memory_space<hbm>>
      %dma_start3A_185 = arith.constant 0 : i32
      %dma_start3A_186 = tpu.memref_slice %arg5[%arg0, %add3A_170, %dma_start3A_185] : memref<2x10240x128xf32, #tpu.memory_space<hbm>> -> memref<1x64x128xf32, #tpu.memory_space<hbm>>
      %dma_start3A_187 = tpu.memref_squeeze %dma_start3A_186 : memref<1x64x128xf32, #tpu.memory_space<hbm>> -> memref<64x128xf32, #tpu.memory_space<hbm>>
      %dma_start3A_188 = arith.constant 0 : i32
      %dma_start3A_189 = arith.constant 0 : i32
      %dma_start3A_190 = tpu.memref_slice %arg8[%dma_start3A_188, %dma_start3A_189] : memref<128x128xf32, #tpu.memory_space<vmem>> -> memref<64x128xf32, #tpu.memory_space<vmem>>
      tpu.enqueue_dma source(%dma_start3A_190 : memref<64x128xf32, #tpu.memory_space<vmem>>) target(%dma_start3A_187 : memref<64x128xf32, #tpu.memory_space<hbm>>) target_semaphore(%run_scoped3A : memref<!tpu.dma_semaphore, #tpu.memory_space<semaphore_mem>>)
      %dma_wait3A_191 = arith.constant 0 : i32
      %dma_wait3A_192 = arith.constant 0 : i32
      %dma_wait3A_193 = tpu.memref_slice %arg8[%dma_wait3A_191, %dma_wait3A_192] : memref<128x128xf32, #tpu.memory_space<vmem>> -> memref<64x128xf32, #tpu.memory_space<vmem>>
      %dma_wait3A_194 = arith.constant 0 : i32
      %dma_wait3A_195 = tpu.memref_slice %arg5[%arg0, %add3A_170, %dma_wait3A_194] : memref<2x10240x128xf32, #tpu.memory_space<hbm>> -> memref<1x64x128xf32, #tpu.memory_space<hbm>>
      %dma_wait3A_196 = tpu.memref_squeeze %dma_wait3A_195 : memref<1x64x128xf32, #tpu.memory_space<hbm>> -> memref<64x128xf32, #tpu.memory_space<hbm>>
      %dma_wait3A_197 = arith.constant 0 : i32
      %dma_wait3A_198 = tpu.memref_slice %arg5[%arg0, %add3A_170, %dma_wait3A_197] : memref<2x10240x128xf32, #tpu.memory_space<hbm>> -> memref<1x64x128xf32, #tpu.memory_space<hbm>>
      %dma_wait3A_199 = tpu.memref_squeeze %dma_wait3A_198 : memref<1x64x128xf32, #tpu.memory_space<hbm>> -> memref<64x128xf32, #tpu.memory_space<hbm>>
      %dma_wait3A_200 = arith.constant 0 : i32
      %dma_wait3A_201 = arith.constant 0 : i32
      %dma_wait3A_202 = tpu.memref_slice %arg8[%dma_wait3A_200, %dma_wait3A_201] : memref<128x128xf32, #tpu.memory_space<vmem>> -> memref<64x128xf32, #tpu.memory_space<vmem>>
      tpu.wait_dma2 semaphore(%run_scoped3A : memref<!tpu.dma_semaphore, #tpu.memory_space<semaphore_mem>>) src(%dma_wait3A_202 : memref<64x128xf32, #tpu.memory_space<vmem>>) dst(%dma_wait3A_199 : memref<64x128xf32, #tpu.memory_space<hbm>>)
      tpu.yield
    }) : () -> ()
    %mul3A_171 = arith.constant 640 : i32
    %mul3A_172 = arith.muli %arg1, %mul3A_171 : i32
    %add3A_173 = arith.constant 576 : i32
    %add3A_174 = arith.addi %mul3A_172, %add3A_173 : i32
    "tpu.region"() ({
      %run_scoped3A = tpu.sem_alloc : memref<!tpu.dma_semaphore, #tpu.memory_space<semaphore_mem>>
      %dma_start3A_179 = arith.constant 0 : i32
      %dma_start3A_180 = arith.constant 0 : i32
      %dma_start3A_181 = tpu.memref_slice %arg8[%dma_start3A_179, %dma_start3A_180] : memref<128x128xf32, #tpu.memory_space<vmem>> -> memref<64x128xf32, #tpu.memory_space<vmem>>
      %dma_start3A_182 = arith.constant 0 : i32
      %dma_start3A_183 = tpu.memref_slice %arg10[%add3A_174, %dma_start3A_182] : memref<10240x128xf32, #tpu.memory_space<vmem_shared>> -> memref<64x128xf32, #tpu.memory_space<vmem_shared>>
      %dma_start3A_184 = arith.constant 0 : i32
      %dma_start3A_185 = arith.constant 0 : i32
      %dma_start3A_186 = tpu.memref_slice %arg8[%dma_start3A_184, %dma_start3A_185] : memref<128x128xf32, #tpu.memory_space<vmem>> -> memref<64x128xf32, #tpu.memory_space<vmem>>
      %dma_start3A_187 = arith.constant 0 : i32
      %dma_start3A_188 = tpu.memref_slice %arg10[%add3A_174, %dma_start3A_187] : memref<10240x128xf32, #tpu.memory_space<vmem_shared>> -> memref<64x128xf32, #tpu.memory_space<vmem_shared>>
      tpu.enqueue_dma source(%dma_start3A_188 : memref<64x128xf32, #tpu.memory_space<vmem_shared>>) target(%dma_start3A_186 : memref<64x128xf32, #tpu.memory_space<vmem>>) target_semaphore(%run_scoped3A : memref<!tpu.dma_semaphore, #tpu.memory_space<semaphore_mem>>)
      %dma_wait3A_189 = arith.constant 0 : i32
      %dma_wait3A_190 = arith.constant 0 : i32
      %dma_wait3A_191 = tpu.memref_slice %arg8[%dma_wait3A_189, %dma_wait3A_190] : memref<128x128xf32, #tpu.memory_space<vmem>> -> memref<64x128xf32, #tpu.memory_space<vmem>>
      %dma_wait3A_192 = arith.constant 0 : i32
      %dma_wait3A_193 = tpu.memref_slice %arg10[%add3A_174, %dma_wait3A_192] : memref<10240x128xf32, #tpu.memory_space<vmem_shared>> -> memref<64x128xf32, #tpu.memory_space<vmem_shared>>
      %dma_wait3A_194 = arith.constant 0 : i32
      %dma_wait3A_195 = arith.constant 0 : i32
      %dma_wait3A_196 = tpu.memref_slice %arg8[%dma_wait3A_194, %dma_wait3A_195] : memref<128x128xf32, #tpu.memory_space<vmem>> -> memref<64x128xf32, #tpu.memory_space<vmem>>
      %dma_wait3A_197 = arith.constant 0 : i32
      %dma_wait3A_198 = tpu.memref_slice %arg10[%add3A_174, %dma_wait3A_197] : memref<10240x128xf32, #tpu.memory_space<vmem_shared>> -> memref<64x128xf32, #tpu.memory_space<vmem_shared>>
      tpu.wait_dma2 semaphore(%run_scoped3A : memref<!tpu.dma_semaphore, #tpu.memory_space<semaphore_mem>>) src(%dma_wait3A_198 : memref<64x128xf32, #tpu.memory_space<vmem_shared>>) dst(%dma_wait3A_196 : memref<64x128xf32, #tpu.memory_space<vmem>>)
      tpu.yield
    }) : () -> ()
    %mul3A_175 = arith.constant 640 : i32
    %mul3A_176 = arith.muli %arg1, %mul3A_175 : i32
    %add3A_177 = arith.constant 576 : i32
    %add3A_178 = arith.addi %mul3A_176, %add3A_177 : i32
    "tpu.region"() ({
      %run_scoped3A = tpu.sem_alloc : memref<!tpu.dma_semaphore, #tpu.memory_space<semaphore_mem>>
      %dma_start3A_179 = arith.constant 0 : i32
      %dma_start3A_180 = arith.constant 0 : i32
      %dma_start3A_181 = tpu.memref_slice %arg8[%dma_start3A_179, %dma_start3A_180] : memref<128x128xf32, #tpu.memory_space<vmem>> -> memref<64x128xf32, #tpu.memory_space<vmem>>
      %dma_start3A_182 = arith.constant 0 : i32
      %dma_start3A_183 = tpu.memref_slice %arg5[%arg0, %add3A_178, %dma_start3A_182] : memref<2x10240x128xf32, #tpu.memory_space<hbm>> -> memref<1x64x128xf32, #tpu.memory_space<hbm>>
      %dma_start3A_184 = tpu.memref_squeeze %dma_start3A_183 : memref<1x64x128xf32, #tpu.memory_space<hbm>> -> memref<64x128xf32, #tpu.memory_space<hbm>>
      %dma_start3A_185 = arith.constant 0 : i32
      %dma_start3A_186 = tpu.memref_slice %arg5[%arg0, %add3A_178, %dma_start3A_185] : memref<2x10240x128xf32, #tpu.memory_space<hbm>> -> memref<1x64x128xf32, #tpu.memory_space<hbm>>
      %dma_start3A_187 = tpu.memref_squeeze %dma_start3A_186 : memref<1x64x128xf32, #tpu.memory_space<hbm>> -> memref<64x128xf32, #tpu.memory_space<hbm>>
      %dma_start3A_188 = arith.constant 0 : i32
      %dma_start3A_189 = arith.constant 0 : i32
      %dma_start3A_190 = tpu.memref_slice %arg8[%dma_start3A_188, %dma_start3A_189] : memref<128x128xf32, #tpu.memory_space<vmem>> -> memref<64x128xf32, #tpu.memory_space<vmem>>
      tpu.enqueue_dma source(%dma_start3A_190 : memref<64x128xf32, #tpu.memory_space<vmem>>) target(%dma_start3A_187 : memref<64x128xf32, #tpu.memory_space<hbm>>) target_semaphore(%run_scoped3A : memref<!tpu.dma_semaphore, #tpu.memory_space<semaphore_mem>>)
      %dma_wait3A_191 = arith.constant 0 : i32
      %dma_wait3A_192 = arith.constant 0 : i32
      %dma_wait3A_193 = tpu.memref_slice %arg8[%dma_wait3A_191, %dma_wait3A_192] : memref<128x128xf32, #tpu.memory_space<vmem>> -> memref<64x128xf32, #tpu.memory_space<vmem>>
      %dma_wait3A_194 = arith.constant 0 : i32
      %dma_wait3A_195 = tpu.memref_slice %arg5[%arg0, %add3A_178, %dma_wait3A_194] : memref<2x10240x128xf32, #tpu.memory_space<hbm>> -> memref<1x64x128xf32, #tpu.memory_space<hbm>>
      %dma_wait3A_196 = tpu.memref_squeeze %dma_wait3A_195 : memref<1x64x128xf32, #tpu.memory_space<hbm>> -> memref<64x128xf32, #tpu.memory_space<hbm>>
      %dma_wait3A_197 = arith.constant 0 : i32
      %dma_wait3A_198 = tpu.memref_slice %arg5[%arg0, %add3A_178, %dma_wait3A_197] : memref<2x10240x128xf32, #tpu.memory_space<hbm>> -> memref<1x64x128xf32, #tpu.memory_space<hbm>>
      %dma_wait3A_199 = tpu.memref_squeeze %dma_wait3A_198 : memref<1x64x128xf32, #tpu.memory_space<hbm>> -> memref<64x128xf32, #tpu.memory_space<hbm>>
      %dma_wait3A_200 = arith.constant 0 : i32
      %dma_wait3A_201 = arith.constant 0 : i32
      %dma_wait3A_202 = tpu.memref_slice %arg8[%dma_wait3A_200, %dma_wait3A_201] : memref<128x128xf32, #tpu.memory_space<vmem>> -> memref<64x128xf32, #tpu.memory_space<vmem>>
      tpu.wait_dma2 semaphore(%run_scoped3A : memref<!tpu.dma_semaphore, #tpu.memory_space<semaphore_mem>>) src(%dma_wait3A_202 : memref<64x128xf32, #tpu.memory_space<vmem>>) dst(%dma_wait3A_199 : memref<64x128xf32, #tpu.memory_space<hbm>>)
      tpu.yield
    }) : () -> ()
    return
  }
}

module attributes {stable_mosaic.version = 14 : i64} {
  func.func @body(%arg0: i32, %arg1: memref<2000x128xf32, #tpu.memory_space<vmem>>, %arg2: memref<128x128xf32, #tpu.memory_space<vmem>>, %arg3: memref<2000x1xf32, #tpu.memory_space<vmem>>, %arg4: memref<2000x1xf32, #tpu.memory_space<vmem>>, %arg5: memref<2000x128xf32, #tpu.memory_space<vmem>>, %arg6: memref<2000x1xf32, #tpu.memory_space<vmem>>) attributes {dimension_semantics = [#tpu.dimension_semantics<arbitrary>], iteration_bounds = array<i64: 5>, scalar_prefetch = 0 : i64, scratch_operands = 0 : i64, tpu.core_type = #tpu.core_type<tc>, window_params = [{transform_indices = @transform_0, window_bounds = array<i64: 2000, 128>}, {pipeline_mode = #tpu.pipeline_mode<synchronous>, transform_indices = @transform_1, window_bounds = array<i64: 128, 128>}, {transform_indices = @transform_2, window_bounds = array<i64: 2000, 1>}, {transform_indices = @transform_3, window_bounds = array<i64: 2000, 1>}, {transform_indices = @transform_4, window_bounds = array<i64: 2000, 128>}, {transform_indices = @transform_5, window_bounds = array<i64: 2000, 1>}]} {
    %get3A = arith.constant 0 : index
    %get3A_0 = arith.constant 0 : index
    %get3A_1 = vector.load %arg3[%get3A, %get3A_0] : memref<2000x1xf32, #tpu.memory_space<vmem>>, vector<2000x1xf32>
    %get3A_2 = arith.constant 0 : index
    %get3A_3 = arith.constant 0 : index
    %get3A_4 = vector.load %arg4[%get3A_2, %get3A_3] : memref<2000x1xf32, #tpu.memory_space<vmem>>, vector<2000x1xf32>
    %add3A = arith.addf %get3A_1, %get3A_4 : vector<2000x1xf32>
    %add3A_5 = arith.constant 1.000000e+00 : f32
    %add3A_6 = vector.broadcast %add3A_5 : f32 to vector<2000x1xf32>
    %add3A_7 = arith.addf %add3A, %add3A_6 : vector<2000x1xf32>
    %rsqrt3A = math.rsqrt %add3A_7 : vector<2000x1xf32>
    %get3A_8 = arith.constant 0 : index
    %get3A_9 = arith.constant 0 : index
    %get3A_10 = vector.load %arg1[%get3A_8, %get3A_9] : memref<2000x128xf32, #tpu.memory_space<vmem>>, vector<2000x128xf32>
    %get3A_11 = arith.constant 0 : index
    %get3A_12 = arith.constant 0 : index
    %get3A_13 = vector.load %arg2[%get3A_11, %get3A_12] : memref<128x128xf32, #tpu.memory_space<vmem>>, vector<128x128xf32>
    %dot_general3A = arith.constant dense<0.000000e+00> : vector<2000x128xf32>
    %dot_general3A_14 = tpu.matmul %get3A_10, %get3A_13, %dot_general3A {dimension_numbers = #tpu.dot_dimension_numbers<[1], [0], [0], [1], [0, 0, 1, 1], [], []>, precision = #tpu.contract_precision<fp32>, transpose_lhs_hint = false} : vector<2000x128xf32>, vector<128x128xf32>, vector<2000x128xf32> -> vector<2000x128xf32>
    %mul3A = vector.broadcast %rsqrt3A : vector<2000x1xf32> to vector<2000x128xf32>
    %mul3A_15 = arith.mulf %dot_general3A_14, %mul3A : vector<2000x128xf32>
    %swap3A = arith.constant 0 : index
    %swap3A_16 = arith.constant 0 : index
    %swap3A_17 = vector.load %arg5[%swap3A, %swap3A_16] : memref<2000x128xf32, #tpu.memory_space<vmem>>, vector<2000x128xf32>
    tpu.vector_store %arg5[%swap3A, %swap3A_16], %mul3A_15 {strides = array<i32>} : memref<2000x128xf32, #tpu.memory_space<vmem>>, vector<2000x128xf32>,
    %swap3A_18 = arith.constant 0 : index
    %swap3A_19 = arith.constant 0 : index
    %swap3A_20 = vector.load %arg6[%swap3A_18, %swap3A_19] : memref<2000x1xf32, #tpu.memory_space<vmem>>, vector<2000x1xf32>
    tpu.vector_store %arg6[%swap3A_18, %swap3A_19], %rsqrt3A {strides = array<i32>} : memref<2000x1xf32, #tpu.memory_space<vmem>>, vector<2000x1xf32>,
    return
  }
  func.func @transform_0(%arg0: i32) -> (i32, i32) {
    %c0_i32 = arith.constant 0 : i32
    %c0_i32_0 = arith.constant 0 : i32
    return %arg0, %c0_i32 : i32, i32
  }
  func.func @transform_1(%arg0: i32) -> (i32, i32) {
    %c0_i32 = arith.constant 0 : i32
    %c0_i32_0 = arith.constant 0 : i32
    %c0_i32_1 = arith.constant 0 : i32
    return %c0_i32, %c0_i32_0 : i32, i32
  }
  func.func @transform_2(%arg0: i32) -> (i32, i32) {
    %c0_i32 = arith.constant 0 : i32
    %c0_i32_0 = arith.constant 0 : i32
    return %arg0, %c0_i32 : i32, i32
  }
  func.func @transform_3(%arg0: i32) -> (i32, i32) {
    %c0_i32 = arith.constant 0 : i32
    %c0_i32_0 = arith.constant 0 : i32
    return %arg0, %c0_i32 : i32, i32
  }
  func.func @transform_4(%arg0: i32) -> (i32, i32) {
    %c0_i32 = arith.constant 0 : i32
    %c0_i32_0 = arith.constant 0 : i32
    return %arg0, %c0_i32 : i32, i32
  }
  func.func @transform_5(%arg0: i32) -> (i32, i32) {
    %c0_i32 = arith.constant 0 : i32
    %c0_i32_0 = arith.constant 0 : i32
    return %arg0, %c0_i32 : i32, i32
  }
}

module attributes {stable_mosaic.version = 14 : i64} {
  func.func @body(%arg0: i32, %arg1: i32, %arg2: memref<2000x128xf32, #tpu.memory_space<vmem>>, %arg3: memref<2000x128xf32, #tpu.memory_space<vmem>>, %arg4: memref<2000x128xf32, #tpu.memory_space<vmem>>, %arg5: memref<2000x1xf32, #tpu.memory_space<vmem>>, %arg6: memref<128xf32, #tpu.memory_space<vmem>>, %arg7: memref<2000x1xi32, #tpu.memory_space<vmem>>, %arg8: memref<128xf32, #tpu.memory_space<vmem>>, %arg9: memref<128xf32, #tpu.memory_space<vmem>>, %arg10: memref<128xf32, #tpu.memory_space<vmem>>, %arg11: memref<128x128xf32, #tpu.memory_space<vmem>>, %arg12: memref<2000x128xf32, #tpu.memory_space<vmem>>, %arg13: memref<10000x128xf32, #tpu.memory_space<vmem>>, %arg14: memref<64x128xf32, #tpu.memory_space<vmem>>, %arg15: memref<64x128xf32, #tpu.memory_space<vmem>>, %arg16: memref<64x1xf32, #tpu.memory_space<vmem>>) attributes {dimension_semantics = [#tpu.dimension_semantics<arbitrary>, #tpu.dimension_semantics<arbitrary>], iteration_bounds = array<i64: 2, 5>, scalar_prefetch = 0 : i64, scratch_operands = 4 : i64, tpu.core_type = #tpu.core_type<tc>, window_params = [{transform_indices = @transform_0, window_bounds = array<i64: 2000, 128>}, {transform_indices = @transform_1, window_bounds = array<i64: 2000, 128>}, {transform_indices = @transform_2, window_bounds = array<i64: 2000, 128>}, {transform_indices = @transform_3, window_bounds = array<i64: 2000, 1>}, {pipeline_mode = #tpu.pipeline_mode<synchronous>, transform_indices = @transform_4, window_bounds = array<i64: 128>}, {transform_indices = @transform_5, window_bounds = array<i64: 2000, 1>}, {pipeline_mode = #tpu.pipeline_mode<synchronous>, transform_indices = @transform_6, window_bounds = array<i64: 128>}, {pipeline_mode = #tpu.pipeline_mode<synchronous>, transform_indices = @transform_7, window_bounds = array<i64: 128>}, {pipeline_mode = #tpu.pipeline_mode<synchronous>, transform_indices = @transform_8, window_bounds = array<i64: 128>}, {pipeline_mode = #tpu.pipeline_mode<synchronous>, transform_indices = @transform_9, window_bounds = array<i64: 128, 128>}, {transform_indices = @transform_10, window_bounds = array<i64: 2000, 128>}]} {
    %get3A = arith.constant 0 : index
    %get3A_0 = arith.constant 0 : index
    %get3A_1 = vector.load %arg7[%get3A, %get3A_0] : memref<2000x1xi32, #tpu.memory_space<vmem>>, vector<2000x1xi32>
    %squeeze3A = vector.shape_cast %get3A_1 : vector<2000x1xi32> to vector<2000xi32>
    %eq3A = arith.constant 0 : i32
    %eq3A_2 = arith.cmpi eq, %arg0, %eq3A : i32
    %convert_element_type3A = arith.extui %eq3A_2 : i1 to i32
    %cond3A = arith.constant 0 : i32
    %cond3A_3 = arith.cmpi ne, %convert_element_type3A, %cond3A : i32
    scf.if %cond3A_3 {
      %get3A_9 = arith.constant 0 : index
      %get3A_10 = arith.constant 0 : index
      %get3A_11 = vector.load %arg5[%get3A_9, %get3A_10] : memref<2000x1xf32, #tpu.memory_space<vmem>>, vector<2000x1xf32>
      %get3A_12 = arith.constant 0 : index
      %get3A_13 = arith.constant 0 : index
      %get3A_14 = vector.load %arg2[%get3A_12, %get3A_13] : memref<2000x128xf32, #tpu.memory_space<vmem>>, vector<2000x128xf32>
      %get3A_15 = arith.constant 0 : index
      %get3A_16 = arith.constant 0 : index
      %get3A_17 = vector.load %arg3[%get3A_15, %get3A_16] : memref<2000x128xf32, #tpu.memory_space<vmem>>, vector<2000x128xf32>
      %add3A = arith.addf %get3A_14, %get3A_17 : vector<2000x128xf32>
      %get3A_18 = arith.constant 0 : index
      %get3A_19 = arith.constant 0 : index
      %get3A_20 = vector.load %arg4[%get3A_18, %get3A_19] : memref<2000x128xf32, #tpu.memory_space<vmem>>, vector<2000x128xf32>
      %add3A_21 = arith.addf %add3A, %get3A_20 : vector<2000x128xf32>
      %mul3A = vector.broadcast %get3A_11 : vector<2000x1xf32> to vector<2000x128xf32>
      %mul3A_22 = arith.mulf %mul3A, %add3A_21 : vector<2000x128xf32>
      %get3A_23 = arith.constant 0 : index
      %get3A_24 = vector.load %arg6[%get3A_23] : memref<128xf32, #tpu.memory_space<vmem>>, vector<128xf32>
      %broadcast_in_dim3A = vector.shape_cast %get3A_24 : vector<128xf32> to vector<1x128xf32>
      %add3A_25 = vector.broadcast %broadcast_in_dim3A : vector<1x128xf32> to vector<2000x128xf32>
      %add3A_26 = arith.addf %mul3A_22, %add3A_25 : vector<2000x128xf32>
      %mul3A_27 = arith.constant 2000 : i32
      %mul3A_28 = arith.muli %arg1, %mul3A_27 : i32
      %swap3A = arith.index_cast %mul3A_28 : i32 to index
      %swap3A_29 = arith.constant 0 : index
      %swap3A_30 = vector.load %arg13[%swap3A, %swap3A_29] : memref<10000x128xf32, #tpu.memory_space<vmem>>, vector<2000x128xf32>
      tpu.vector_store %arg13[%swap3A, %swap3A_29], %add3A_26 {strides = array<i32>} : memref<10000x128xf32, #tpu.memory_space<vmem>>, vector<2000x128xf32>,
      %iota3A = tpu.iota {dimensions = array<i32: 0>} : vector<64x2000xi32>
      %broadcast_in_dim3A_31 = vector.shape_cast %squeeze3A : vector<2000xi32> to vector<1x2000xi32>
      %eq3A_32 = vector.broadcast %broadcast_in_dim3A_31 : vector<1x2000xi32> to vector<64x2000xi32>
      %eq3A_33 = arith.cmpi eq, %iota3A, %eq3A_32 : vector<64x2000xi32>
      %convert_element_type3A_34 = arith.extui %eq3A_33 : vector<64x2000xi1> to vector<64x2000xi32>
      %convert_element_type3A_35 = arith.sitofp %convert_element_type3A_34 : vector<64x2000xi32> to vector<64x2000xf32>
      %eq3A_36 = arith.constant 0 : i32
      %eq3A_37 = arith.cmpi eq, %arg1, %eq3A_36 : i32
      %convert_element_type3A_38 = arith.extui %eq3A_37 : i1 to i32
      %cond3A_39 = arith.constant 0 : i32
      %cond3A_40 = arith.cmpi ne, %convert_element_type3A_38, %cond3A_39 : i32
      scf.if %cond3A_40 {
        %broadcast_in_dim3A_68 = arith.constant 0.000000e+00 : f32
        %broadcast_in_dim3A_69 = vector.broadcast %broadcast_in_dim3A_68 : f32 to vector<64x128xf32>
        %swap3A_70 = arith.constant 0 : index
        %swap3A_71 = arith.constant 0 : index
        %swap3A_72 = vector.load %arg14[%swap3A_70, %swap3A_71] : memref<64x128xf32, #tpu.memory_space<vmem>>, vector<64x128xf32>
        tpu.vector_store %arg14[%swap3A_70, %swap3A_71], %broadcast_in_dim3A_69 {strides = array<i32>} : memref<64x128xf32, #tpu.memory_space<vmem>>, vector<64x128xf32>,
        %broadcast_in_dim3A_73 = arith.constant 0.000000e+00 : f32
        %broadcast_in_dim3A_74 = vector.broadcast %broadcast_in_dim3A_73 : f32 to vector<64x128xf32>
        %swap3A_75 = arith.constant 0 : index
        %swap3A_76 = arith.constant 0 : index
        %swap3A_77 = vector.load %arg15[%swap3A_75, %swap3A_76] : memref<64x128xf32, #tpu.memory_space<vmem>>, vector<64x128xf32>
        tpu.vector_store %arg15[%swap3A_75, %swap3A_76], %broadcast_in_dim3A_74 {strides = array<i32>} : memref<64x128xf32, #tpu.memory_space<vmem>>, vector<64x128xf32>,
        %broadcast_in_dim3A_78 = arith.constant 0.000000e+00 : f32
        %broadcast_in_dim3A_79 = vector.broadcast %broadcast_in_dim3A_78 : f32 to vector<64x1xf32>
        %swap3A_80 = arith.constant 0 : index
        %swap3A_81 = arith.constant 0 : index
        %swap3A_82 = vector.load %arg16[%swap3A_80, %swap3A_81] : memref<64x1xf32, #tpu.memory_space<vmem>>, vector<64x1xf32>
        tpu.vector_store %arg16[%swap3A_80, %swap3A_81], %broadcast_in_dim3A_79 {strides = array<i32>} : memref<64x1xf32, #tpu.memory_space<vmem>>, vector<64x1xf32>,
      } else {
      }
      %get3A_41 = arith.constant 0 : index
      %get3A_42 = arith.constant 0 : index
      %get3A_43 = vector.load %arg14[%get3A_41, %get3A_42] : memref<64x128xf32, #tpu.memory_space<vmem>>, vector<64x128xf32>
      %dot_general3A = arith.constant dense<0.000000e+00> : vector<64x128xf32>
      %dot_general3A_44 = tpu.matmul %convert_element_type3A_35, %add3A_26, %dot_general3A {dimension_numbers = #tpu.dot_dimension_numbers<[1], [0], [0], [1], [0, 0, 1, 1], [], []>, precision = #tpu.contract_precision<fp32>, transpose_lhs_hint = false} : vector<64x2000xf32>, vector<2000x128xf32>, vector<64x128xf32> -> vector<64x128xf32>
      %add3A_45 = arith.addf %get3A_43, %dot_general3A_44 : vector<64x128xf32>
      %swap3A_46 = arith.constant 0 : index
      %swap3A_47 = arith.constant 0 : index
      %swap3A_48 = vector.load %arg14[%swap3A_46, %swap3A_47] : memref<64x128xf32, #tpu.memory_space<vmem>>, vector<64x128xf32>
      tpu.vector_store %arg14[%swap3A_46, %swap3A_47], %add3A_45 {strides = array<i32>} : memref<64x128xf32, #tpu.memory_space<vmem>>, vector<64x128xf32>,
      %get3A_49 = arith.constant 0 : index
      %get3A_50 = arith.constant 0 : index
      %get3A_51 = vector.load %arg15[%get3A_49, %get3A_50] : memref<64x128xf32, #tpu.memory_space<vmem>>, vector<64x128xf32>
      %mul3A_52 = arith.mulf %add3A_26, %add3A_26 : vector<2000x128xf32>
      %dot_general3A_53 = arith.constant dense<0.000000e+00> : vector<64x128xf32>
      %dot_general3A_54 = tpu.matmul %convert_element_type3A_35, %mul3A_52, %dot_general3A_53 {dimension_numbers = #tpu.dot_dimension_numbers<[1], [0], [0], [1], [0, 0, 1, 1], [], []>, precision = #tpu.contract_precision<fp32>, transpose_lhs_hint = false} : vector<64x2000xf32>, vector<2000x128xf32>, vector<64x128xf32> -> vector<64x128xf32>
      %add3A_55 = arith.addf %get3A_51, %dot_general3A_54 : vector<64x128xf32>
      %swap3A_56 = arith.constant 0 : index
      %swap3A_57 = arith.constant 0 : index
      %swap3A_58 = vector.load %arg15[%swap3A_56, %swap3A_57] : memref<64x128xf32, #tpu.memory_space<vmem>>, vector<64x128xf32>
      tpu.vector_store %arg15[%swap3A_56, %swap3A_57], %add3A_55 {strides = array<i32>} : memref<64x128xf32, #tpu.memory_space<vmem>>, vector<64x128xf32>,
      %get3A_59 = arith.constant 0 : index
      %get3A_60 = arith.constant 0 : index
      %get3A_61 = vector.load %arg16[%get3A_59, %get3A_60] : memref<64x1xf32, #tpu.memory_space<vmem>>, vector<64x1xf32>
      %reduce_sum3A = arith.constant dense<0.000000e+00> : vector<64xf32>
      %reduce_sum3A_62 = vector.multi_reduction <add>, %convert_element_type3A_35, %reduce_sum3A [1] : vector<64x2000xf32> to vector<64xf32>
      %broadcast_in_dim3A_63 = vector.shape_cast %reduce_sum3A_62 : vector<64xf32> to vector<64x1xf32>
      %add3A_64 = arith.addf %get3A_61, %broadcast_in_dim3A_63 : vector<64x1xf32>
      %swap3A_65 = arith.constant 0 : index
      %swap3A_66 = arith.constant 0 : index
      %swap3A_67 = vector.load %arg16[%swap3A_65, %swap3A_66] : memref<64x1xf32, #tpu.memory_space<vmem>>, vector<64x1xf32>
      tpu.vector_store %arg16[%swap3A_65, %swap3A_66], %add3A_64 {strides = array<i32>} : memref<64x1xf32, #tpu.memory_space<vmem>>, vector<64x1xf32>,
    } else {
    }
    %eq3A_4 = arith.constant 1 : i32
    %eq3A_5 = arith.cmpi eq, %arg0, %eq3A_4 : i32
    %convert_element_type3A_6 = arith.extui %eq3A_5 : i1 to i32
    %cond3A_7 = arith.constant 0 : i32
    %cond3A_8 = arith.cmpi ne, %convert_element_type3A_6, %cond3A_7 : i32
    scf.if %cond3A_8 {
      %get3A_9 = arith.constant 0 : index
      %get3A_10 = vector.load %arg8[%get3A_9] : memref<128xf32, #tpu.memory_space<vmem>>, vector<128xf32>
      %broadcast_in_dim3A = vector.shape_cast %get3A_10 : vector<128xf32> to vector<1x128xf32>
      %get3A_11 = arith.constant 0 : index
      %get3A_12 = arith.constant 0 : index
      %get3A_13 = vector.load %arg16[%get3A_11, %get3A_12] : memref<64x1xf32, #tpu.memory_space<vmem>>, vector<64x1xf32>
      %max3A = arith.constant 1.000000e+00 : f32
      %max3A_14 = vector.broadcast %max3A : f32 to vector<64x1xf32>
      %max3A_15 = arith.maximumf %get3A_13, %max3A_14 : vector<64x1xf32>
      %div3A = arith.constant 1.000000e+00 : f32
      %div3A_16 = vector.broadcast %div3A : f32 to vector<64x1xf32>
      %div3A_17 = arith.divf %div3A_16, %max3A_15 : vector<64x1xf32>
      %get3A_18 = arith.constant 0 : index
      %get3A_19 = arith.constant 0 : index
      %get3A_20 = vector.load %arg14[%get3A_18, %get3A_19] : memref<64x128xf32, #tpu.memory_space<vmem>>, vector<64x128xf32>
      %mul3A = vector.broadcast %div3A_17 : vector<64x1xf32> to vector<64x128xf32>
      %mul3A_21 = arith.mulf %get3A_20, %mul3A : vector<64x128xf32>
      %get3A_22 = arith.constant 0 : index
      %get3A_23 = arith.constant 0 : index
      %get3A_24 = vector.load %arg15[%get3A_22, %get3A_23] : memref<64x128xf32, #tpu.memory_space<vmem>>, vector<64x128xf32>
      %mul3A_25 = vector.broadcast %div3A_17 : vector<64x1xf32> to vector<64x128xf32>
      %mul3A_26 = arith.mulf %get3A_24, %mul3A_25 : vector<64x128xf32>
      %mul3A_27 = arith.mulf %mul3A_21, %mul3A_21 : vector<64x128xf32>
      %sub3A = arith.constant 2.000000e+00 : f32
      %sub3A_28 = vector.broadcast %sub3A : f32 to vector<1x128xf32>
      %sub3A_29 = arith.subf %sub3A_28, %broadcast_in_dim3A : vector<1x128xf32>
      %mul3A_30 = arith.mulf %broadcast_in_dim3A, %sub3A_29 : vector<1x128xf32>
      %mul3A_31 = vector.broadcast %mul3A_30 : vector<1x128xf32> to vector<64x128xf32>
      %mul3A_32 = arith.mulf %mul3A_27, %mul3A_31 : vector<64x128xf32>
      %sub3A_33 = arith.subf %mul3A_26, %mul3A_32 : vector<64x128xf32>
      %max3A_34 = arith.constant 0.000000e+00 : f32
      %max3A_35 = vector.broadcast %max3A_34 : f32 to vector<64x128xf32>
      %max3A_36 = arith.maximumf %sub3A_33, %max3A_35 : vector<64x128xf32>
      %add3A = arith.constant 9.99999974E-6 : f32
      %add3A_37 = vector.broadcast %add3A : f32 to vector<64x128xf32>
      %add3A_38 = arith.addf %max3A_36, %add3A_37 : vector<64x128xf32>
      %sqrt3A = math.sqrt %add3A_38 : vector<64x128xf32>
      %iota3A = tpu.iota {dimensions = array<i32: 1>} : vector<2000x64xi32>
      %broadcast_in_dim3A_39 = vector.shape_cast %squeeze3A : vector<2000xi32> to vector<2000x1xi32>
      %eq3A_40 = vector.broadcast %broadcast_in_dim3A_39 : vector<2000x1xi32> to vector<2000x64xi32>
      %eq3A_41 = arith.cmpi eq, %iota3A, %eq3A_40 : vector<2000x64xi32>
      %convert_element_type3A_42 = arith.extui %eq3A_41 : vector<2000x64xi1> to vector<2000x64xi32>
      %convert_element_type3A_43 = arith.sitofp %convert_element_type3A_42 : vector<2000x64xi32> to vector<2000x64xf32>
      %dot_general3A = arith.constant dense<0.000000e+00> : vector<2000x128xf32>
      %dot_general3A_44 = tpu.matmul %convert_element_type3A_43, %mul3A_21, %dot_general3A {dimension_numbers = #tpu.dot_dimension_numbers<[1], [0], [0], [1], [0, 0, 1, 1], [], []>, precision = #tpu.contract_precision<fp32>, transpose_lhs_hint = false} : vector<2000x64xf32>, vector<64x128xf32>, vector<2000x128xf32> -> vector<2000x128xf32>
      %dot_general3A_45 = arith.constant dense<0.000000e+00> : vector<2000x128xf32>
      %dot_general3A_46 = tpu.matmul %convert_element_type3A_43, %sqrt3A, %dot_general3A_45 {dimension_numbers = #tpu.dot_dimension_numbers<[1], [0], [0], [1], [0, 0, 1, 1], [], []>, precision = #tpu.contract_precision<fp32>, transpose_lhs_hint = false} : vector<2000x64xf32>, vector<64x128xf32>, vector<2000x128xf32> -> vector<2000x128xf32>
      %mul3A_47 = arith.constant 2000 : i32
      %mul3A_48 = arith.muli %arg1, %mul3A_47 : i32
      %get3A_49 = arith.index_cast %mul3A_48 : i32 to index
      %get3A_50 = arith.constant 0 : index
      %get3A_51 = vector.load %arg13[%get3A_49, %get3A_50] : memref<10000x128xf32, #tpu.memory_space<vmem>>, vector<2000x128xf32>
      %mul3A_52 = vector.broadcast %broadcast_in_dim3A : vector<1x128xf32> to vector<2000x128xf32>
      %mul3A_53 = arith.mulf %dot_general3A_44, %mul3A_52 : vector<2000x128xf32>
      %sub3A_54 = arith.subf %get3A_51, %mul3A_53 : vector<2000x128xf32>
      %get3A_55 = arith.constant 0 : index
      %get3A_56 = vector.load %arg9[%get3A_55] : memref<128xf32, #tpu.memory_space<vmem>>, vector<128xf32>
      %broadcast_in_dim3A_57 = vector.shape_cast %get3A_56 : vector<128xf32> to vector<1x128xf32>
      %mul3A_58 = vector.broadcast %broadcast_in_dim3A_57 : vector<1x128xf32> to vector<2000x128xf32>
      %mul3A_59 = arith.mulf %mul3A_58, %sub3A_54 : vector<2000x128xf32>
      %div3A_60 = arith.divf %mul3A_59, %dot_general3A_46 : vector<2000x128xf32>
      %get3A_61 = arith.constant 0 : index
      %get3A_62 = vector.load %arg10[%get3A_61] : memref<128xf32, #tpu.memory_space<vmem>>, vector<128xf32>
      %broadcast_in_dim3A_63 = vector.shape_cast %get3A_62 : vector<128xf32> to vector<1x128xf32>
      %add3A_64 = vector.broadcast %broadcast_in_dim3A_63 : vector<1x128xf32> to vector<2000x128xf32>
      %add3A_65 = arith.addf %div3A_60, %add3A_64 : vector<2000x128xf32>
      %max3A_66 = arith.constant 0.000000e+00 : f32
      %max3A_67 = vector.broadcast %max3A_66 : f32 to vector<2000x128xf32>
      %max3A_68 = arith.maximumf %add3A_65, %max3A_67 : vector<2000x128xf32>
      %get3A_69 = arith.constant 0 : index
      %get3A_70 = arith.constant 0 : index
      %get3A_71 = vector.load %arg11[%get3A_69, %get3A_70] : memref<128x128xf32, #tpu.memory_space<vmem>>, vector<128x128xf32>
      %dot_general3A_72 = arith.constant dense<0.000000e+00> : vector<2000x128xf32>
      %dot_general3A_73 = tpu.matmul %max3A_68, %get3A_71, %dot_general3A_72 {dimension_numbers = #tpu.dot_dimension_numbers<[1], [0], [0], [1], [0, 0, 1, 1], [], []>, precision = #tpu.contract_precision<fp32>, transpose_lhs_hint = false} : vector<2000x128xf32>, vector<128x128xf32>, vector<2000x128xf32> -> vector<2000x128xf32>
      %get3A_74 = arith.constant 0 : index
      %get3A_75 = arith.constant 0 : index
      %get3A_76 = vector.load %arg5[%get3A_74, %get3A_75] : memref<2000x1xf32, #tpu.memory_space<vmem>>, vector<2000x1xf32>
      %mul3A_77 = vector.broadcast %get3A_76 : vector<2000x1xf32> to vector<2000x128xf32>
      %mul3A_78 = arith.mulf %dot_general3A_73, %mul3A_77 : vector<2000x128xf32>
      %swap3A = arith.constant 0 : index
      %swap3A_79 = arith.constant 0 : index
      %swap3A_80 = vector.load %arg12[%swap3A, %swap3A_79] : memref<2000x128xf32, #tpu.memory_space<vmem>>, vector<2000x128xf32>
      tpu.vector_store %arg12[%swap3A, %swap3A_79], %mul3A_78 {strides = array<i32>} : memref<2000x128xf32, #tpu.memory_space<vmem>>, vector<2000x128xf32>,
    } else {
    }
    return
  }
  func.func @transform_0(%arg0: i32, %arg1: i32) -> (i32, i32) {
    %sub3A = arith.constant 1 : i32
    %sub3A_0 = arith.subi %sub3A, %arg0 : i32
    %mul3A = arith.muli %arg1, %sub3A_0 : i32
    %c0_i32 = arith.constant 0 : i32
    %c0_i32_1 = arith.constant 0 : i32
    return %mul3A, %c0_i32 : i32, i32
  }
  func.func @transform_1(%arg0: i32, %arg1: i32) -> (i32, i32) {
    %sub3A = arith.constant 1 : i32
    %sub3A_0 = arith.subi %sub3A, %arg0 : i32
    %mul3A = arith.muli %arg1, %sub3A_0 : i32
    %c0_i32 = arith.constant 0 : i32
    %c0_i32_1 = arith.constant 0 : i32
    return %mul3A, %c0_i32 : i32, i32
  }
  func.func @transform_2(%arg0: i32, %arg1: i32) -> (i32, i32) {
    %sub3A = arith.constant 1 : i32
    %sub3A_0 = arith.subi %sub3A, %arg0 : i32
    %mul3A = arith.muli %arg1, %sub3A_0 : i32
    %c0_i32 = arith.constant 0 : i32
    %c0_i32_1 = arith.constant 0 : i32
    return %mul3A, %c0_i32 : i32, i32
  }
  func.func @transform_3(%arg0: i32, %arg1: i32) -> (i32, i32) {
    %c0_i32 = arith.constant 0 : i32
    %c0_i32_0 = arith.constant 0 : i32
    return %arg1, %c0_i32 : i32, i32
  }
  func.func @transform_4(%arg0: i32, %arg1: i32) -> i32 {
    %c0_i32 = arith.constant 0 : i32
    %c0_i32_0 = arith.constant 0 : i32
    return %c0_i32 : i32
  }
  func.func @transform_5(%arg0: i32, %arg1: i32) -> (i32, i32) {
    %c0_i32 = arith.constant 0 : i32
    %c0_i32_0 = arith.constant 0 : i32
    return %arg1, %c0_i32 : i32, i32
  }
  func.func @transform_6(%arg0: i32, %arg1: i32) -> i32 {
    %c0_i32 = arith.constant 0 : i32
    %c0_i32_0 = arith.constant 0 : i32
    return %c0_i32 : i32
  }
  func.func @transform_7(%arg0: i32, %arg1: i32) -> i32 {
    %c0_i32 = arith.constant 0 : i32
    %c0_i32_0 = arith.constant 0 : i32
    return %c0_i32 : i32
  }
  func.func @transform_8(%arg0: i32, %arg1: i32) -> i32 {
    %c0_i32 = arith.constant 0 : i32
    %c0_i32_0 = arith.constant 0 : i32
    return %c0_i32 : i32
  }
  func.func @transform_9(%arg0: i32, %arg1: i32) -> (i32, i32) {
    %c0_i32 = arith.constant 0 : i32
    %c0_i32_0 = arith.constant 0 : i32
    %c0_i32_1 = arith.constant 0 : i32
    return %c0_i32, %c0_i32_0 : i32, i32
  }
  func.func @transform_10(%arg0: i32, %arg1: i32) -> (i32, i32) {
    %mul3A = arith.muli %arg1, %arg0 : i32
    %c0_i32 = arith.constant 0 : i32
    %c0_i32_0 = arith.constant 0 : i32
    return %mul3A, %c0_i32 : i32, i32
  }
}

module attributes {stable_mosaic.version = 14 : i64} {
  func.func @body(%arg0: i32, %arg1: i32, %arg2: memref<2000x128xf32, #tpu.memory_space<vmem>>, %arg3: memref<2000x128xf32, #tpu.memory_space<vmem>>, %arg4: memref<2000x128xf32, #tpu.memory_space<vmem>>, %arg5: memref<2000x1xf32, #tpu.memory_space<vmem>>, %arg6: memref<128xf32, #tpu.memory_space<vmem>>, %arg7: memref<2000x1xi32, #tpu.memory_space<vmem>>, %arg8: memref<128xf32, #tpu.memory_space<vmem>>, %arg9: memref<128xf32, #tpu.memory_space<vmem>>, %arg10: memref<128xf32, #tpu.memory_space<vmem>>, %arg11: memref<128x10xf32, #tpu.memory_space<vmem>>, %arg12: memref<10xf32, #tpu.memory_space<vmem>>, %arg13: memref<64x10xf32, #tpu.memory_space<vmem>>, %arg14: memref<10000x128xf32, #tpu.memory_space<vmem>>, %arg15: memref<64x128xf32, #tpu.memory_space<vmem>>, %arg16: memref<64x128xf32, #tpu.memory_space<vmem>>, %arg17: memref<64x1xf32, #tpu.memory_space<vmem>>, %arg18: memref<64x128xf32, #tpu.memory_space<vmem>>) attributes {dimension_semantics = [#tpu.dimension_semantics<arbitrary>, #tpu.dimension_semantics<arbitrary>], iteration_bounds = array<i64: 2, 5>, scalar_prefetch = 0 : i64, scratch_operands = 5 : i64, tpu.core_type = #tpu.core_type<tc>, window_params = [{transform_indices = @transform_0, window_bounds = array<i64: 2000, 128>}, {transform_indices = @transform_1, window_bounds = array<i64: 2000, 128>}, {transform_indices = @transform_2, window_bounds = array<i64: 2000, 128>}, {transform_indices = @transform_3, window_bounds = array<i64: 2000, 1>}, {pipeline_mode = #tpu.pipeline_mode<synchronous>, transform_indices = @transform_4, window_bounds = array<i64: 128>}, {transform_indices = @transform_5, window_bounds = array<i64: 2000, 1>}, {pipeline_mode = #tpu.pipeline_mode<synchronous>, transform_indices = @transform_6, window_bounds = array<i64: 128>}, {pipeline_mode = #tpu.pipeline_mode<synchronous>, transform_indices = @transform_7, window_bounds = array<i64: 128>}, {pipeline_mode = #tpu.pipeline_mode<synchronous>, transform_indices = @transform_8, window_bounds = array<i64: 128>}, {pipeline_mode = #tpu.pipeline_mode<synchronous>, transform_indices = @transform_9, window_bounds = array<i64: 128, 10>}, {pipeline_mode = #tpu.pipeline_mode<synchronous>, transform_indices = @transform_10, window_bounds = array<i64: 10>}, {pipeline_mode = #tpu.pipeline_mode<synchronous>, transform_indices = @transform_11, window_bounds = array<i64: 64, 10>}]} {
    %get3A = arith.constant 0 : index
    %get3A_0 = arith.constant 0 : index
    %get3A_1 = vector.load %arg7[%get3A, %get3A_0] : memref<2000x1xi32, #tpu.memory_space<vmem>>, vector<2000x1xi32>
    %squeeze3A = vector.shape_cast %get3A_1 : vector<2000x1xi32> to vector<2000xi32>
    %eq3A = arith.constant 0 : i32
    %eq3A_2 = arith.cmpi eq, %arg0, %eq3A : i32
    %convert_element_type3A = arith.extui %eq3A_2 : i1 to i32
    %cond3A = arith.constant 0 : i32
    %cond3A_3 = arith.cmpi ne, %convert_element_type3A, %cond3A : i32
    scf.if %cond3A_3 {
      %get3A_9 = arith.constant 0 : index
      %get3A_10 = arith.constant 0 : index
      %get3A_11 = vector.load %arg5[%get3A_9, %get3A_10] : memref<2000x1xf32, #tpu.memory_space<vmem>>, vector<2000x1xf32>
      %get3A_12 = arith.constant 0 : index
      %get3A_13 = arith.constant 0 : index
      %get3A_14 = vector.load %arg2[%get3A_12, %get3A_13] : memref<2000x128xf32, #tpu.memory_space<vmem>>, vector<2000x128xf32>
      %get3A_15 = arith.constant 0 : index
      %get3A_16 = arith.constant 0 : index
      %get3A_17 = vector.load %arg3[%get3A_15, %get3A_16] : memref<2000x128xf32, #tpu.memory_space<vmem>>, vector<2000x128xf32>
      %add3A = arith.addf %get3A_14, %get3A_17 : vector<2000x128xf32>
      %get3A_18 = arith.constant 0 : index
      %get3A_19 = arith.constant 0 : index
      %get3A_20 = vector.load %arg4[%get3A_18, %get3A_19] : memref<2000x128xf32, #tpu.memory_space<vmem>>, vector<2000x128xf32>
      %add3A_21 = arith.addf %add3A, %get3A_20 : vector<2000x128xf32>
      %mul3A = vector.broadcast %get3A_11 : vector<2000x1xf32> to vector<2000x128xf32>
      %mul3A_22 = arith.mulf %mul3A, %add3A_21 : vector<2000x128xf32>
      %get3A_23 = arith.constant 0 : index
      %get3A_24 = vector.load %arg6[%get3A_23] : memref<128xf32, #tpu.memory_space<vmem>>, vector<128xf32>
      %broadcast_in_dim3A = vector.shape_cast %get3A_24 : vector<128xf32> to vector<1x128xf32>
      %add3A_25 = vector.broadcast %broadcast_in_dim3A : vector<1x128xf32> to vector<2000x128xf32>
      %add3A_26 = arith.addf %mul3A_22, %add3A_25 : vector<2000x128xf32>
      %mul3A_27 = arith.constant 2000 : i32
      %mul3A_28 = arith.muli %arg1, %mul3A_27 : i32
      %swap3A = arith.index_cast %mul3A_28 : i32 to index
      %swap3A_29 = arith.constant 0 : index
      %swap3A_30 = vector.load %arg14[%swap3A, %swap3A_29] : memref<10000x128xf32, #tpu.memory_space<vmem>>, vector<2000x128xf32>
      tpu.vector_store %arg14[%swap3A, %swap3A_29], %add3A_26 {strides = array<i32>} : memref<10000x128xf32, #tpu.memory_space<vmem>>, vector<2000x128xf32>,
      %iota3A = tpu.iota {dimensions = array<i32: 0>} : vector<64x2000xi32>
      %broadcast_in_dim3A_31 = vector.shape_cast %squeeze3A : vector<2000xi32> to vector<1x2000xi32>
      %eq3A_32 = vector.broadcast %broadcast_in_dim3A_31 : vector<1x2000xi32> to vector<64x2000xi32>
      %eq3A_33 = arith.cmpi eq, %iota3A, %eq3A_32 : vector<64x2000xi32>
      %convert_element_type3A_34 = arith.extui %eq3A_33 : vector<64x2000xi1> to vector<64x2000xi32>
      %convert_element_type3A_35 = arith.sitofp %convert_element_type3A_34 : vector<64x2000xi32> to vector<64x2000xf32>
      %eq3A_36 = arith.constant 0 : i32
      %eq3A_37 = arith.cmpi eq, %arg1, %eq3A_36 : i32
      %convert_element_type3A_38 = arith.extui %eq3A_37 : i1 to i32
      %cond3A_39 = arith.constant 0 : i32
      %cond3A_40 = arith.cmpi ne, %convert_element_type3A_38, %cond3A_39 : i32
      scf.if %cond3A_40 {
        %broadcast_in_dim3A_68 = arith.constant 0.000000e+00 : f32
        %broadcast_in_dim3A_69 = vector.broadcast %broadcast_in_dim3A_68 : f32 to vector<64x128xf32>
        %swap3A_70 = arith.constant 0 : index
        %swap3A_71 = arith.constant 0 : index
        %swap3A_72 = vector.load %arg15[%swap3A_70, %swap3A_71] : memref<64x128xf32, #tpu.memory_space<vmem>>, vector<64x128xf32>
        tpu.vector_store %arg15[%swap3A_70, %swap3A_71], %broadcast_in_dim3A_69 {strides = array<i32>} : memref<64x128xf32, #tpu.memory_space<vmem>>, vector<64x128xf32>,
        %broadcast_in_dim3A_73 = arith.constant 0.000000e+00 : f32
        %broadcast_in_dim3A_74 = vector.broadcast %broadcast_in_dim3A_73 : f32 to vector<64x128xf32>
        %swap3A_75 = arith.constant 0 : index
        %swap3A_76 = arith.constant 0 : index
        %swap3A_77 = vector.load %arg16[%swap3A_75, %swap3A_76] : memref<64x128xf32, #tpu.memory_space<vmem>>, vector<64x128xf32>
        tpu.vector_store %arg16[%swap3A_75, %swap3A_76], %broadcast_in_dim3A_74 {strides = array<i32>} : memref<64x128xf32, #tpu.memory_space<vmem>>, vector<64x128xf32>,
        %broadcast_in_dim3A_78 = arith.constant 0.000000e+00 : f32
        %broadcast_in_dim3A_79 = vector.broadcast %broadcast_in_dim3A_78 : f32 to vector<64x1xf32>
        %swap3A_80 = arith.constant 0 : index
        %swap3A_81 = arith.constant 0 : index
        %swap3A_82 = vector.load %arg17[%swap3A_80, %swap3A_81] : memref<64x1xf32, #tpu.memory_space<vmem>>, vector<64x1xf32>
        tpu.vector_store %arg17[%swap3A_80, %swap3A_81], %broadcast_in_dim3A_79 {strides = array<i32>} : memref<64x1xf32, #tpu.memory_space<vmem>>, vector<64x1xf32>,
      } else {
      }
      %get3A_41 = arith.constant 0 : index
      %get3A_42 = arith.constant 0 : index
      %get3A_43 = vector.load %arg15[%get3A_41, %get3A_42] : memref<64x128xf32, #tpu.memory_space<vmem>>, vector<64x128xf32>
      %dot_general3A = arith.constant dense<0.000000e+00> : vector<64x128xf32>
      %dot_general3A_44 = tpu.matmul %convert_element_type3A_35, %add3A_26, %dot_general3A {dimension_numbers = #tpu.dot_dimension_numbers<[1], [0], [0], [1], [0, 0, 1, 1], [], []>, precision = #tpu.contract_precision<fp32>, transpose_lhs_hint = false} : vector<64x2000xf32>, vector<2000x128xf32>, vector<64x128xf32> -> vector<64x128xf32>
      %add3A_45 = arith.addf %get3A_43, %dot_general3A_44 : vector<64x128xf32>
      %swap3A_46 = arith.constant 0 : index
      %swap3A_47 = arith.constant 0 : index
      %swap3A_48 = vector.load %arg15[%swap3A_46, %swap3A_47] : memref<64x128xf32, #tpu.memory_space<vmem>>, vector<64x128xf32>
      tpu.vector_store %arg15[%swap3A_46, %swap3A_47], %add3A_45 {strides = array<i32>} : memref<64x128xf32, #tpu.memory_space<vmem>>, vector<64x128xf32>,
      %get3A_49 = arith.constant 0 : index
      %get3A_50 = arith.constant 0 : index
      %get3A_51 = vector.load %arg16[%get3A_49, %get3A_50] : memref<64x128xf32, #tpu.memory_space<vmem>>, vector<64x128xf32>
      %mul3A_52 = arith.mulf %add3A_26, %add3A_26 : vector<2000x128xf32>
      %dot_general3A_53 = arith.constant dense<0.000000e+00> : vector<64x128xf32>
      %dot_general3A_54 = tpu.matmul %convert_element_type3A_35, %mul3A_52, %dot_general3A_53 {dimension_numbers = #tpu.dot_dimension_numbers<[1], [0], [0], [1], [0, 0, 1, 1], [], []>, precision = #tpu.contract_precision<fp32>, transpose_lhs_hint = false} : vector<64x2000xf32>, vector<2000x128xf32>, vector<64x128xf32> -> vector<64x128xf32>
      %add3A_55 = arith.addf %get3A_51, %dot_general3A_54 : vector<64x128xf32>
      %swap3A_56 = arith.constant 0 : index
      %swap3A_57 = arith.constant 0 : index
      %swap3A_58 = vector.load %arg16[%swap3A_56, %swap3A_57] : memref<64x128xf32, #tpu.memory_space<vmem>>, vector<64x128xf32>
      tpu.vector_store %arg16[%swap3A_56, %swap3A_57], %add3A_55 {strides = array<i32>} : memref<64x128xf32, #tpu.memory_space<vmem>>, vector<64x128xf32>,
      %get3A_59 = arith.constant 0 : index
      %get3A_60 = arith.constant 0 : index
      %get3A_61 = vector.load %arg17[%get3A_59, %get3A_60] : memref<64x1xf32, #tpu.memory_space<vmem>>, vector<64x1xf32>
      %reduce_sum3A = arith.constant dense<0.000000e+00> : vector<64xf32>
      %reduce_sum3A_62 = vector.multi_reduction <add>, %convert_element_type3A_35, %reduce_sum3A [1] : vector<64x2000xf32> to vector<64xf32>
      %broadcast_in_dim3A_63 = vector.shape_cast %reduce_sum3A_62 : vector<64xf32> to vector<64x1xf32>
      %add3A_64 = arith.addf %get3A_61, %broadcast_in_dim3A_63 : vector<64x1xf32>
      %swap3A_65 = arith.constant 0 : index
      %swap3A_66 = arith.constant 0 : index
      %swap3A_67 = vector.load %arg17[%swap3A_65, %swap3A_66] : memref<64x1xf32, #tpu.memory_space<vmem>>, vector<64x1xf32>
      tpu.vector_store %arg17[%swap3A_65, %swap3A_66], %add3A_64 {strides = array<i32>} : memref<64x1xf32, #tpu.memory_space<vmem>>, vector<64x1xf32>,
    } else {
    }
    %eq3A_4 = arith.constant 1 : i32
    %eq3A_5 = arith.cmpi eq, %arg0, %eq3A_4 : i32
    %convert_element_type3A_6 = arith.extui %eq3A_5 : i1 to i32
    %cond3A_7 = arith.constant 0 : i32
    %cond3A_8 = arith.cmpi ne, %convert_element_type3A_6, %cond3A_7 : i32
    scf.if %cond3A_8 {
      %get3A_9 = arith.constant 0 : index
      %get3A_10 = vector.load %arg8[%get3A_9] : memref<128xf32, #tpu.memory_space<vmem>>, vector<128xf32>
      %broadcast_in_dim3A = vector.shape_cast %get3A_10 : vector<128xf32> to vector<1x128xf32>
      %get3A_11 = arith.constant 0 : index
      %get3A_12 = arith.constant 0 : index
      %get3A_13 = vector.load %arg17[%get3A_11, %get3A_12] : memref<64x1xf32, #tpu.memory_space<vmem>>, vector<64x1xf32>
      %max3A = arith.constant 1.000000e+00 : f32
      %max3A_14 = vector.broadcast %max3A : f32 to vector<64x1xf32>
      %max3A_15 = arith.maximumf %get3A_13, %max3A_14 : vector<64x1xf32>
      %div3A = arith.constant 1.000000e+00 : f32
      %div3A_16 = vector.broadcast %div3A : f32 to vector<64x1xf32>
      %div3A_17 = arith.divf %div3A_16, %max3A_15 : vector<64x1xf32>
      %get3A_18 = arith.constant 0 : index
      %get3A_19 = arith.constant 0 : index
      %get3A_20 = vector.load %arg15[%get3A_18, %get3A_19] : memref<64x128xf32, #tpu.memory_space<vmem>>, vector<64x128xf32>
      %mul3A = vector.broadcast %div3A_17 : vector<64x1xf32> to vector<64x128xf32>
      %mul3A_21 = arith.mulf %get3A_20, %mul3A : vector<64x128xf32>
      %get3A_22 = arith.constant 0 : index
      %get3A_23 = arith.constant 0 : index
      %get3A_24 = vector.load %arg16[%get3A_22, %get3A_23] : memref<64x128xf32, #tpu.memory_space<vmem>>, vector<64x128xf32>
      %mul3A_25 = vector.broadcast %div3A_17 : vector<64x1xf32> to vector<64x128xf32>
      %mul3A_26 = arith.mulf %get3A_24, %mul3A_25 : vector<64x128xf32>
      %mul3A_27 = arith.mulf %mul3A_21, %mul3A_21 : vector<64x128xf32>
      %sub3A = arith.constant 2.000000e+00 : f32
      %sub3A_28 = vector.broadcast %sub3A : f32 to vector<1x128xf32>
      %sub3A_29 = arith.subf %sub3A_28, %broadcast_in_dim3A : vector<1x128xf32>
      %mul3A_30 = arith.mulf %broadcast_in_dim3A, %sub3A_29 : vector<1x128xf32>
      %mul3A_31 = vector.broadcast %mul3A_30 : vector<1x128xf32> to vector<64x128xf32>
      %mul3A_32 = arith.mulf %mul3A_27, %mul3A_31 : vector<64x128xf32>
      %sub3A_33 = arith.subf %mul3A_26, %mul3A_32 : vector<64x128xf32>
      %max3A_34 = arith.constant 0.000000e+00 : f32
      %max3A_35 = vector.broadcast %max3A_34 : f32 to vector<64x128xf32>
      %max3A_36 = arith.maximumf %sub3A_33, %max3A_35 : vector<64x128xf32>
      %add3A = arith.constant 9.99999974E-6 : f32
      %add3A_37 = vector.broadcast %add3A : f32 to vector<64x128xf32>
      %add3A_38 = arith.addf %max3A_36, %add3A_37 : vector<64x128xf32>
      %sqrt3A = math.sqrt %add3A_38 : vector<64x128xf32>
      %iota3A = tpu.iota {dimensions = array<i32: 1>} : vector<2000x64xi32>
      %broadcast_in_dim3A_39 = vector.shape_cast %squeeze3A : vector<2000xi32> to vector<2000x1xi32>
      %eq3A_40 = vector.broadcast %broadcast_in_dim3A_39 : vector<2000x1xi32> to vector<2000x64xi32>
      %eq3A_41 = arith.cmpi eq, %iota3A, %eq3A_40 : vector<2000x64xi32>
      %convert_element_type3A_42 = arith.extui %eq3A_41 : vector<2000x64xi1> to vector<2000x64xi32>
      %convert_element_type3A_43 = arith.sitofp %convert_element_type3A_42 : vector<2000x64xi32> to vector<2000x64xf32>
      %dot_general3A = arith.constant dense<0.000000e+00> : vector<2000x128xf32>
      %dot_general3A_44 = tpu.matmul %convert_element_type3A_43, %mul3A_21, %dot_general3A {dimension_numbers = #tpu.dot_dimension_numbers<[1], [0], [0], [1], [0, 0, 1, 1], [], []>, precision = #tpu.contract_precision<fp32>, transpose_lhs_hint = false} : vector<2000x64xf32>, vector<64x128xf32>, vector<2000x128xf32> -> vector<2000x128xf32>
      %dot_general3A_45 = arith.constant dense<0.000000e+00> : vector<2000x128xf32>
      %dot_general3A_46 = tpu.matmul %convert_element_type3A_43, %sqrt3A, %dot_general3A_45 {dimension_numbers = #tpu.dot_dimension_numbers<[1], [0], [0], [1], [0, 0, 1, 1], [], []>, precision = #tpu.contract_precision<fp32>, transpose_lhs_hint = false} : vector<2000x64xf32>, vector<64x128xf32>, vector<2000x128xf32> -> vector<2000x128xf32>
      %mul3A_47 = arith.constant 2000 : i32
      %mul3A_48 = arith.muli %arg1, %mul3A_47 : i32
      %get3A_49 = arith.index_cast %mul3A_48 : i32 to index
      %get3A_50 = arith.constant 0 : index
      %get3A_51 = vector.load %arg14[%get3A_49, %get3A_50] : memref<10000x128xf32, #tpu.memory_space<vmem>>, vector<2000x128xf32>
      %mul3A_52 = vector.broadcast %broadcast_in_dim3A : vector<1x128xf32> to vector<2000x128xf32>
      %mul3A_53 = arith.mulf %dot_general3A_44, %mul3A_52 : vector<2000x128xf32>
      %sub3A_54 = arith.subf %get3A_51, %mul3A_53 : vector<2000x128xf32>
      %get3A_55 = arith.constant 0 : index
      %get3A_56 = vector.load %arg9[%get3A_55] : memref<128xf32, #tpu.memory_space<vmem>>, vector<128xf32>
      %broadcast_in_dim3A_57 = vector.shape_cast %get3A_56 : vector<128xf32> to vector<1x128xf32>
      %mul3A_58 = vector.broadcast %broadcast_in_dim3A_57 : vector<1x128xf32> to vector<2000x128xf32>
      %mul3A_59 = arith.mulf %mul3A_58, %sub3A_54 : vector<2000x128xf32>
      %div3A_60 = arith.divf %mul3A_59, %dot_general3A_46 : vector<2000x128xf32>
      %get3A_61 = arith.constant 0 : index
      %get3A_62 = vector.load %arg10[%get3A_61] : memref<128xf32, #tpu.memory_space<vmem>>, vector<128xf32>
      %broadcast_in_dim3A_63 = vector.shape_cast %get3A_62 : vector<128xf32> to vector<1x128xf32>
      %add3A_64 = vector.broadcast %broadcast_in_dim3A_63 : vector<1x128xf32> to vector<2000x128xf32>
      %add3A_65 = arith.addf %div3A_60, %add3A_64 : vector<2000x128xf32>
      %max3A_66 = arith.constant 0.000000e+00 : f32
      %max3A_67 = vector.broadcast %max3A_66 : f32 to vector<2000x128xf32>
      %max3A_68 = arith.maximumf %add3A_65, %max3A_67 : vector<2000x128xf32>
      %iota3A_69 = tpu.iota {dimensions = array<i32: 0>} : vector<64x2000xi32>
      %broadcast_in_dim3A_70 = vector.shape_cast %squeeze3A : vector<2000xi32> to vector<1x2000xi32>
      %eq3A_71 = vector.broadcast %broadcast_in_dim3A_70 : vector<1x2000xi32> to vector<64x2000xi32>
      %eq3A_72 = arith.cmpi eq, %iota3A_69, %eq3A_71 : vector<64x2000xi32>
      %convert_element_type3A_73 = arith.extui %eq3A_72 : vector<64x2000xi1> to vector<64x2000xi32>
      %convert_element_type3A_74 = arith.sitofp %convert_element_type3A_73 : vector<64x2000xi32> to vector<64x2000xf32>
      %eq3A_75 = arith.constant 0 : i32
      %eq3A_76 = arith.cmpi eq, %arg1, %eq3A_75 : i32
      %convert_element_type3A_77 = arith.extui %eq3A_76 : i1 to i32
      %cond3A_78 = arith.constant 0 : i32
      %cond3A_79 = arith.cmpi ne, %convert_element_type3A_77, %cond3A_78 : i32
      scf.if %cond3A_79 {
        %broadcast_in_dim3A_93 = arith.constant 0.000000e+00 : f32
        %broadcast_in_dim3A_94 = vector.broadcast %broadcast_in_dim3A_93 : f32 to vector<64x128xf32>
        %swap3A_95 = arith.constant 0 : index
        %swap3A_96 = arith.constant 0 : index
        %swap3A_97 = vector.load %arg18[%swap3A_95, %swap3A_96] : memref<64x128xf32, #tpu.memory_space<vmem>>, vector<64x128xf32>
        tpu.vector_store %arg18[%swap3A_95, %swap3A_96], %broadcast_in_dim3A_94 {strides = array<i32>} : memref<64x128xf32, #tpu.memory_space<vmem>>, vector<64x128xf32>,
      } else {
      }
      %get3A_80 = arith.constant 0 : index
      %get3A_81 = arith.constant 0 : index
      %get3A_82 = vector.load %arg18[%get3A_80, %get3A_81] : memref<64x128xf32, #tpu.memory_space<vmem>>, vector<64x128xf32>
      %dot_general3A_83 = arith.constant dense<0.000000e+00> : vector<64x128xf32>
      %dot_general3A_84 = tpu.matmul %convert_element_type3A_74, %max3A_68, %dot_general3A_83 {dimension_numbers = #tpu.dot_dimension_numbers<[1], [0], [0], [1], [0, 0, 1, 1], [], []>, precision = #tpu.contract_precision<fp32>, transpose_lhs_hint = false} : vector<64x2000xf32>, vector<2000x128xf32>, vector<64x128xf32> -> vector<64x128xf32>
      %add3A_85 = arith.addf %get3A_82, %dot_general3A_84 : vector<64x128xf32>
      %swap3A = arith.constant 0 : index
      %swap3A_86 = arith.constant 0 : index
      %swap3A_87 = vector.load %arg18[%swap3A, %swap3A_86] : memref<64x128xf32, #tpu.memory_space<vmem>>, vector<64x128xf32>
      tpu.vector_store %arg18[%swap3A, %swap3A_86], %add3A_85 {strides = array<i32>} : memref<64x128xf32, #tpu.memory_space<vmem>>, vector<64x128xf32>,
      %eq3A_88 = arith.constant 4 : i32
      %eq3A_89 = arith.cmpi eq, %arg1, %eq3A_88 : i32
      %convert_element_type3A_90 = arith.extui %eq3A_89 : i1 to i32
      %cond3A_91 = arith.constant 0 : i32
      %cond3A_92 = arith.cmpi ne, %convert_element_type3A_90, %cond3A_91 : i32
      scf.if %cond3A_92 {
        %get3A_93 = arith.constant 0 : index
        %get3A_94 = arith.constant 0 : index
        %get3A_95 = vector.load %arg18[%get3A_93, %get3A_94] : memref<64x128xf32, #tpu.memory_space<vmem>>, vector<64x128xf32>
        %get3A_96 = arith.constant 0 : index
        %get3A_97 = arith.constant 0 : index
        %get3A_98 = vector.load %arg17[%get3A_96, %get3A_97] : memref<64x1xf32, #tpu.memory_space<vmem>>, vector<64x1xf32>
        %max3A_99 = arith.constant 1.000000e+00 : f32
        %max3A_100 = vector.broadcast %max3A_99 : f32 to vector<64x1xf32>
        %max3A_101 = arith.maximumf %get3A_98, %max3A_100 : vector<64x1xf32>
        %div3A_102 = vector.broadcast %max3A_101 : vector<64x1xf32> to vector<64x128xf32>
        %div3A_103 = arith.divf %get3A_95, %div3A_102 : vector<64x128xf32>
        %get3A_104 = arith.constant 0 : index
        %get3A_105 = arith.constant 0 : index
        %get3A_106 = vector.load %arg11[%get3A_104, %get3A_105] : memref<128x10xf32, #tpu.memory_space<vmem>>, vector<128x10xf32>
        %dot_general3A_107 = arith.constant dense<0.000000e+00> : vector<64x10xf32>
        %dot_general3A_108 = tpu.matmul %div3A_103, %get3A_106, %dot_general3A_107 {dimension_numbers = #tpu.dot_dimension_numbers<[1], [0], [0], [1], [0, 0, 1, 1], [], []>, precision = #tpu.contract_precision<fp32>, transpose_lhs_hint = false} : vector<64x128xf32>, vector<128x10xf32>, vector<64x10xf32> -> vector<64x10xf32>
        %get3A_109 = arith.constant 0 : index
        %get3A_110 = vector.load %arg12[%get3A_109] : memref<10xf32, #tpu.memory_space<vmem>>, vector<10xf32>
        %broadcast_in_dim3A_111 = vector.shape_cast %get3A_110 : vector<10xf32> to vector<1x10xf32>
        %add3A_112 = vector.broadcast %broadcast_in_dim3A_111 : vector<1x10xf32> to vector<64x10xf32>
        %add3A_113 = arith.addf %dot_general3A_108, %add3A_112 : vector<64x10xf32>
        %swap3A_114 = arith.constant 0 : index
        %swap3A_115 = arith.constant 0 : index
        %swap3A_116 = vector.load %arg13[%swap3A_114, %swap3A_115] : memref<64x10xf32, #tpu.memory_space<vmem>>, vector<64x10xf32>
        tpu.vector_store %arg13[%swap3A_114, %swap3A_115], %add3A_113 {strides = array<i32>} : memref<64x10xf32, #tpu.memory_space<vmem>>, vector<64x10xf32>,
      } else {
      }
    } else {
    }
    return
  }
  func.func @transform_0(%arg0: i32, %arg1: i32) -> (i32, i32) {
    %sub3A = arith.constant 1 : i32
    %sub3A_0 = arith.subi %sub3A, %arg0 : i32
    %mul3A = arith.muli %arg1, %sub3A_0 : i32
    %c0_i32 = arith.constant 0 : i32
    %c0_i32_1 = arith.constant 0 : i32
    return %mul3A, %c0_i32 : i32, i32
  }
  func.func @transform_1(%arg0: i32, %arg1: i32) -> (i32, i32) {
    %sub3A = arith.constant 1 : i32
    %sub3A_0 = arith.subi %sub3A, %arg0 : i32
    %mul3A = arith.muli %arg1, %sub3A_0 : i32
    %c0_i32 = arith.constant 0 : i32
    %c0_i32_1 = arith.constant 0 : i32
    return %mul3A, %c0_i32 : i32, i32
  }
  func.func @transform_2(%arg0: i32, %arg1: i32) -> (i32, i32) {
    %sub3A = arith.constant 1 : i32
    %sub3A_0 = arith.subi %sub3A, %arg0 : i32
    %mul3A = arith.muli %arg1, %sub3A_0 : i32
    %c0_i32 = arith.constant 0 : i32
    %c0_i32_1 = arith.constant 0 : i32
    return %mul3A, %c0_i32 : i32, i32
  }
  func.func @transform_3(%arg0: i32, %arg1: i32) -> (i32, i32) {
    %sub3A = arith.constant 1 : i32
    %sub3A_0 = arith.subi %sub3A, %arg0 : i32
    %mul3A = arith.muli %arg1, %sub3A_0 : i32
    %c0_i32 = arith.constant 0 : i32
    %c0_i32_1 = arith.constant 0 : i32
    return %mul3A, %c0_i32 : i32, i32
  }
  func.func @transform_4(%arg0: i32, %arg1: i32) -> i32 {
    %c0_i32 = arith.constant 0 : i32
    %c0_i32_0 = arith.constant 0 : i32
    return %c0_i32 : i32
  }
  func.func @transform_5(%arg0: i32, %arg1: i32) -> (i32, i32) {
    %c0_i32 = arith.constant 0 : i32
    %c0_i32_0 = arith.constant 0 : i32
    return %arg1, %c0_i32 : i32, i32
  }
  func.func @transform_6(%arg0: i32, %arg1: i32) -> i32 {
    %c0_i32 = arith.constant 0 : i32
    %c0_i32_0 = arith.constant 0 : i32
    return %c0_i32 : i32
  }
  func.func @transform_7(%arg0: i32, %arg1: i32) -> i32 {
    %c0_i32 = arith.constant 0 : i32
    %c0_i32_0 = arith.constant 0 : i32
    return %c0_i32 : i32
  }
  func.func @transform_8(%arg0: i32, %arg1: i32) -> i32 {
    %c0_i32 = arith.constant 0 : i32
    %c0_i32_0 = arith.constant 0 : i32
    return %c0_i32 : i32
  }
  func.func @transform_9(%arg0: i32, %arg1: i32) -> (i32, i32) {
    %c0_i32 = arith.constant 0 : i32
    %c0_i32_0 = arith.constant 0 : i32
    %c0_i32_1 = arith.constant 0 : i32
    return %c0_i32, %c0_i32_0 : i32, i32
  }
  func.func @transform_10(%arg0: i32, %arg1: i32) -> i32 {
    %c0_i32 = arith.constant 0 : i32
    %c0_i32_0 = arith.constant 0 : i32
    return %c0_i32 : i32
  }
  func.func @transform_11(%arg0: i32, %arg1: i32) -> (i32, i32) {
    %c0_i32 = arith.constant 0 : i32
    %c0_i32_0 = arith.constant 0 : i32
    %c0_i32_1 = arith.constant 0 : i32
    return %c0_i32, %c0_i32_0 : i32, i32
  }
}

</mosaic_0001>

<sc_bundles>
// kernel: kernel.11.cloned.1.call-start
scs
__scs_entry_jumppad:
0x0: {  	(pc) =	sbr.rel $0x88, $3  }
0x1: {  	(tag) =	ssettag $0x0;
	lr =	simm.s32 $0x1  }
0x2: {  	[smem:$0x3F92] =	sst lr;
	_ =	strace $0xD0000000  }
0x3: {  	_ = 	snop  }
0x4: {  	_ = 	snop  }
0x5: {  	_ = 	snop  }
0x6: {  	_ = 	snop  }
0x7: {  	_ = 	snop  }
__scs_overlays_trampoline_lowered:
0x8: {  	[smem:$0x3FA1] =	sst s0  }
0x9: {  	[smem:$0x3FA2] =	sst s1  }
0xa: {  	[smem:$0x3FA3] =	sst s2  }
0xb: {  	[smem:$0x3FA4] =	sst s3  }
0xc: {  	[smem:$0x3FA5] =	sst s4  }
0xd: {  	[smem:$0x3FA6] =	sst s5  }
0xe: {  	[smem:$0x3FA7] =	sst s6  }
0xf: {  	[smem:$0x3FA8] =	sst s7  }
0x10: {  	[smem:$0x3FA9] =	sst s8  }
0x11: {  	[smem:$0x3FAA] =	sst s9;
	s0 =	simm.s32 @!p0 $0x0  }
0x12: {  	s1 =	sld [smem:$0x3F90];
	s0 =	simm.s32 @p0 $0x1  }
0x13: {  	[smem:$0x3FAB] =	sst s0;
	s0 =	simm.s32 @!p1 $0x0  }
0x14: {  	s2 =	sld [smem:$0x3F8F];
	s0 =	simm.s32 @p1 $0x1  }
0x15: {  	[smem:$0x3FAC] =	sst s0;
	s0 =	simm.s32 @!p2 $0x0  }
0x16: {  	s3 =	sld [smem:$0x3FDB];
	s0 =	simm.s32 @p2 $0x1  }
0x17: {  	s4 =	simm.s32 $0x1BF5;
	[smem:$0x3FAE] =	sst s0  }
0x18: {  	s0 =	sld [smem:$0x3F91];
	_ =	swait.ge [sflag:s4], $0x0  }
0x19: {  	s7 =	sld [smem:$0x3F92]  }
0x1a: {  	s8 =	sadd.s32 $0xFFFFE003, lr  }
0x1b: {  	s9 =	sadd.s32 $0xFFFFFEF7, lr;
	s5 =	simm.s32 $0xFFFFFFFF;
	p2 =	slt.u32 s8, $0xFFFFF086  }
0x1c: {  	p1 =	slt.u32 s9, $0xF7A;
	s5 =	simm.s32 @!p2 $0x0  }
0x1d: {  	s5 =	simm.s32 @p1 $0x1;
	p0 =	seq.s32 s7, s2  }
0x1e: {  	s7 =	smul.u32 @!p0 $0xF7A, s2;
	p2 =	seq.s32 @!p0 s5, $0x0  }
0x1f: {  	s9 =	smul.u32 $0xF7A, s1;
	s8 =	simm.s32 @!p0 $0x1BF5;
	p2 =	por !p2, p0  }
0x20: {  	[sflag:s8] =	ssyncset.s32 @!p0 $0xFFFFF086;
	s6 =	sadd.s32 @!p0 s3, s7;
	s7 =	simm.s32 @!p0 $0x108  }
0x21: {  	s3 =	sadd.s32 s3, s9;
	s6 =	sadd.s32 @!p0 $0x88, s6;
	s7 =	simm.s32 @p2 $0x1082  }
0x22: {  	[simem:s7], [sflag:s8] =	dma.local @!p0 [hbm:s6], $0xF7A  }
0x23: {  	s9 =	sor.u32 $0xD0000000, s2;
	s6 =	simm.s32 $0x108;
	_ =	swait.ge @!p0 [sflag:s8], $0x0  }
0x24: {  	s3 =	sadd.s32 $0x88, s3;
	s6 =	simm.s32 @!p1 $0x1082;
	[sflag:s4] =	ssyncset.s32 $0xFFFFF086  }
0x25: {  	[simem:s6], [sflag:s4] =	dma.local [hbm:s3], $0xF7A  }
0x26: {  	[smem:$0x3F92] =	sst s1;
	(tag) =	ssettag s2;
	_ =	strace s9  }
0x27: {  	s1 =	sld [smem:$0x3FA2]  }
0x28: {  	s2 =	sld [smem:$0x3FA3]  }
0x29: {  	s4 =	sld [smem:$0x3FA5]  }
0x2a: {  	p0 =	seq.s32 s5, $0x0;
	s5 =	sld [smem:$0x3FA6]  }
0x2b: {  	s6 =	sld [smem:$0x3FA7]  }
0x2c: {  	s7 =	sld [smem:$0x3FA8]  }
0x2d: {  	s3 =	simm.s32 $0x108;
	s8 =	sld [smem:$0x3FA9]  }
0x2e: {  	s3 =	simm.s32 @!p0 $0x1082;
	s9 =	sld [smem:$0x3FAA]  }
0x2f: {  	lr =	sadd.s32 s0, s3;
	s0 =	sld [smem:$0x3FA1]  }
0x30: {  	s3 =	sld [smem:$0x3FA4]  }
0x31: {  	[smem:$0x3FAD] =	sst s10  }
0x32: {  	s10 =	sld [smem:$0x3FAB];
	_ =	sdelay $0x3  }
0x33: {  	p0 =	seq.s32 s10, $0x1;
	s10 =	sld [smem:$0x3FAD];
	_ =	sdelay $0x3  }
0x34: {  	[smem:$0x3FAD] =	sst s10  }
0x35: {  	s10 =	sld [smem:$0x3FAC];
	_ =	sdelay $0x3  }
0x36: {  	p1 =	seq.s32 s10, $0x1;
	s10 =	sld [smem:$0x3FAD];
	_ =	sdelay $0x3  }
0x37: {  	[smem:$0x3FAD] =	sst s10  }
0x38: {  	s10 =	sld [smem:$0x3FAE]  }
0x39: {  	_ = 	snop;
	(pc) =	sbr.ind lr, $3  }
0x3a: {  	_ = 	snop  }
0x3b: {  	_ = 	snop  }
0x3c: {  	p2 =	seq.s32 s10, $0x1;
	s10 =	sld [smem:$0x3FAD]  }
0x3d: {  	_ =	shalt  }
0x3e: {  	_ =	shalt  }
0x3f: {  	_ =	shalt  }
0x40: {  	_ =	shalt  }
0x41: {  	_ =	shalt  }
0x42: {  	_ =	shalt  }
0x43: {  	_ =	shalt  }
0x44: {  	_ =	shalt  }
0x45: {  	_ =	shalt  }
0x46: {  	_ =	shalt  }
0x47: {  	_ =	shalt  }
0x48: {  	_ =	shalt  }
0x49: {  	_ =	shalt  }
0x4a: {  	_ =	shalt  }
0x4b: {  	_ =	shalt  }
0x4c: {  	_ =	shalt  }
0x4d: {  	_ =	shalt  }
0x4e: {  	_ =	shalt  }
0x4f: {  	_ =	shalt  }
0x50: {  	_ =	shalt  }
0x51: {  	_ =	shalt  }
0x52: {  	_ =	shalt  }
0x53: {  	_ =	shalt  }
0x54: {  	_ =	shalt  }
0x55: {  	_ =	shalt  }
0x56: {  	_ =	shalt  }
0x57: {  	_ =	shalt  }
0x58: {  	_ =	shalt  }
0x59: {  	_ =	shalt  }
0x5a: {  	_ =	shalt  }
0x5b: {  	_ =	shalt  }
0x5c: {  	_ =	shalt  }
0x5d: {  	_ =	shalt  }
0x5e: {  	_ =	shalt  }
0x5f: {  	_ =	shalt  }
0x60: {  	_ =	shalt  }
0x61: {  	_ =	shalt  }
0x62: {  	_ =	shalt  }
0x63: {  	_ =	shalt  }
0x64: {  	_ =	shalt  }
0x65: {  	_ =	shalt  }
0x66: {  	_ =	shalt  }
0x67: {  	_ =	shalt  }
0x68: {  	_ =	shalt  }
0x69: {  	_ =	shalt  }
0x6a: {  	_ =	shalt  }
0x6b: {  	_ =	shalt  }
0x6c: {  	_ =	shalt  }
0x6d: {  	_ =	shalt  }
0x6e: {  	_ =	shalt  }
0x6f: {  	_ =	shalt  }
0x70: {  	_ =	shalt  }
0x71: {  	_ =	shalt  }
0x72: {  	_ =	shalt  }
0x73: {  	_ =	shalt  }
0x74: {  	_ =	shalt  }
0x75: {  	_ =	shalt  }
0x76: {  	_ =	shalt  }
0x77: {  	_ =	shalt  }
0x78: {  	_ =	shalt  }
0x79: {  	_ =	shalt  }
0x7a: {  	_ =	shalt  }
0x7b: {  	_ =	shalt  }
0x7c: {  	_ =	shalt  }
0x7d: {  	_ =	shalt  }
0x7e: {  	_ =	shalt  }
0x7f: {  	_ =	shalt  }
0x80: {  	_ =	shalt  }
0x81: {  	_ =	shalt  }
0x82: {  	_ =	shalt  }
0x83: {  	_ =	shalt  }
0x84: {  	_ =	shalt  }
0x85: {  	_ =	shalt  }
0x86: {  	_ =	shalt  }
0x87: {  	_ =	shalt  }
.Lfunc_end0:
.L_simem_size_0:
called_computation.1_lowered:
.L_overlay_start_0:
0x88: {  	s2 =	sld [smem:$0x3FD9]  }
0x89: {  	s3 =	sld [smem:$0x3FFE];
	_ =	sdelay $0x1  }
0x8a: {  	s1 =	srdreg.scid  }
0x8b: {  	s0 =	sand.u32 $0x1, s1  }
0x8c: {  	s16 =	sshll.u32 s0, $0xA;
	s2 =	sadd.s32 s3, s2  }
0x8d: {  	s2 =	sadd.s32 s2, s16  }
0x8e: {  	[smem:$0x3FB9] =	sst s2  }
0x8f: {  	_ = 	snop  }
0x90: {  	(tm) =	ssettm $0x1  }
0x91: {  	s17 =	sld [smem:$0x3FFB];
	_ =	sdelay $0x3  }
0x92: {  	_ =	strace s17  }
0x93: {  	s2 =	sld [smem:$0x3FFC];
	_ =	sdelay $0x3  }
0x94: {  	_ =	strace s2  }
0x95: {  	s2 =	sld [smem:$0x3FFD];
	_ =	sdelay $0x3  }
0x96: {  	_ =	strace s2  }
0x97: {  	_ =	strace $0x8FFFFFFF  }
0x98: {  	s18 =	sld [smem:$0x3FDB];
	_ =	sdelay $0x1  }
0x99: {  	s19 =	simm.s32 $_scs_section_size  }
0x9a: {  	s4 =	simm.s32 $_size__tile_overlayer_lowered;
	s5 =	simm.s32 $_tile_overlayer_lowered  }
0x9b: {  	s22 =	simm.s32 $0x1BFF;
	s21 =	sshll.u32 s5, $0x1;
	s2 =	sadd.s32 s19, s18  }
0x9c: {  	s6 =	simm.s32 $0x0;
	s20 =	sshll.u32 s4, $0x1;
	s4 =	sadd.s32 s21, s2  }
0x9d: {  	[timem:s6], [sflag:s22] =	dma.local [hbm:s4], s20  }
0x9e: {  	_ =	swait.ge [sflag:s22], s20  }
0x9f: {  	s3 =	ssub.s32 $0x0, s20;
	[sflag:s22] =	ssyncset.done $0x0  }
0xa0: {  	[sflag:s22] =	ssyncadd.s32 s3;
	_ =	sdelay $0x1  }
0xa1: {  	s23 =	simm.s32 $0x1B8B  }
0xa2: {  	_ =	swait.ge [sflag:s23], $0x1  }
0xa3: {  	[sflag:s23] =	ssyncset.done $0x0  }
0xa4: {  	s25 =	simm.s32 $0x1B8E;
	s24 =	sld [smem:$0x3FFE];
	[sflag:s23] =	ssyncadd.s32 $0xFFFFFFFF  }
0xa5: {  	s26 =	simm.s32 $execute0_lowered;
	[smem:$0x3FD2] =	sst s25  }
0xa6: {  	s4 =	sshll.u32 s26, $0x1;
	_ =	strace $0x80000049;
	[dreg:$0x1] =	wrdreg $0xFFFFFFFF  }
0xa7: {  	s28 =	simm.s32 $_size_execute0_lowered;
	s2 =	sadd.s32 s2, s4;
	[dreg:$0x0] =	wrdreg $0x0  }
0xa8: {  	s4 =	sshll.u32 s28, $0x1;
	[dreg:$0x2] =	wrdreg s2  }
0xa9: {  	[dreg:$0x3] =	wrdreg s4  }
0xaa: {  	[dreg:$0x4] =	wrdreg $0xC0  }
0xab: {  	_ =	task [dreg:s6], $0x5FFFF  }
0xac: {  	[dreg:$0x1] =	wrdreg $0xFFFFFFFF  }
0xad: {  	[dreg:$0x0] =	wrdreg $0x60  }
0xae: {  	[dreg:$0x2] =	wrdreg s24  }
0xaf: {  	[dreg:$0x3] =	wrdreg $0xA8000  }
0xb0: {  	[dreg:$0x4] =	wrdreg $0x9  }
0xb1: {  	_ =	task.clear_ibuf [dreg:s6], $0x5FFFF;
	_ =	strace $0x90000049  }
0xb2: {  	s29 =	simm.s32 $0x9;
	_ =	strace $0x8000004B  }
0xb3: {  	_ =	swait.ge [sflag:s29], $0x1  }
0xb4: {  	[sflag:s29] =	ssyncadd.s32 $0xFFFFFFFF  }
0xb5: {  	_ =	strace $0x9000004B  }
0xb6: {  	_ =	sfence  }
0xb7: {  	s30 =	sld [smem:$0x0];
	_ =	sdelay $0x2  }
0xb8: {  	s31 =	sshll.u32 s1, $0xD;
	s1 =	sshrl.u32 s1, $0x2  }
0xb9: {  	s3 =	sand.u32 $0x4000, s31;
	s1 =	sadd.s32 s1, s30  }
0xba: {  	s0 =	sor.u32 s3, s0;
	s1 =	sshll.u32 s1, $0x11  }
0xbb: {  	s0 =	sor.u32 s1, s0  }
0xbc: {  	s0 =	sadd.s32 $0x8F2B, s0  }
0xbd: {  	[sflag:s0] =	ssyncadd.remote.s32 $0x1  }
0xbe: {  	_ =	sfence.sel $0xFFFF  }
0xbf: {  	[dreg:$0x0] =	wrdreg $0xFFFFFFFF;
	(pc) =	sbr.abs _section_cstart, $3  }
0xc0: {  	[dreg:$0x1] =	wrdreg $0xFFFFFFFF  }
0xc1: {  	_ =	task.clear_ibuf [dreg:s6], $0x2FFFF;
	_ =	strace $0x9FFFFFFF  }
0xc2: {  	(tm) =	ssettm $0x7FFFFFFF  }
0xc3: {  	_ =	shalt  }
tec
execute0_lowered:
.L_overlay_start_1:
0x0: {  	(tag) =	ssettag $0x1  }
0x1: {  	s1 =	rddreg [dreg:$0x0];
	s0 =	simm.s32 $0x0;
	s2 =	srdreg.scid  }
0x2: {  	s16 =	stileid.u32;
	s31 =	simm.s32 $0x2800;
	[smem:$0x7FF] =	sst s0  }
0x3: {  	s3 =	sand.u32 $0x1, s2;
	s4 =	sadd.s32 $0x14E00, s1;
	s5 =	sadd.s32 $0x1EE00, s1  }
0x4: {  	s7 =	smul.u32 $0x14000, s16;
	s8 =	sadd.s32 $0x50000, s1;
	s2 =	ssub.s32 $0x2, s3  }
0x5: {  	s14 =	sshll.u32 s3, $0x4;
	s3 =	smul.u32 $0x140000, s3;
	s6 =	sshrl.u32 s2, $0x1  }
0x6: {  	s9 =	sor.u32 $0x2000, s7;
	s10 =	sadd.s32 $0x4000, s7;
	s23 =	sadd.s32 $0x8000, s7  }
0x7: {  	s24 =	sadd.s32 $0xA000, s7;
	s25 =	sadd.s32 $0xC000, s7;
	s26 =	sadd.s32 $0xE000, s7  }
0x8: {  	s28 =	sadd.s32 $0x10000, s7;
	s2 =	ssub.s32 s2, s6;
	s6 =	sor.u32 s16, s14  }
0x9: {  	s29 =	sadd.s32 $0x12000, s7;
	s14 =	sadd.s32 $0x6000, s7;
	s6 =	smul.u32 $0x2800, s6  }
0xa: {  	s17 =	sadd.s32 s7, s3;
	s18 =	sadd.s32 s3, s9;
	s20 =	sadd.s32 s3, s10  }
0xb: {  	s13 =	sadd.s32 s3, s25;
	s19 =	sshrl.u32 s18, $0x3;
	s6 =	sshrl.u32 s6, $0x3  }
0xc: {  	s21 =	sshrl.u32 s20, $0x3;
	s22 =	sadd.s32 s3, s14;
	s11 =	sadd.s32 s4, s6  }
0xd: {  	s15 =	sadd.s32 $0x280, s6;
	s6 =	sadd.s32 s5, s6;
	[dreg:$0x3] =	wrdreg s11  }
0xe: {  	s30 =	smax.u32 s2, $0x1;
	s2 =	simm.s32 $0x80;
	[dreg:$0x4] =	wrdreg s6  }
0xf: {  	s4 =	sadd.s32 s4, s15;
	s5 =	sadd.s32 s5, s15;
	s6 =	sadd.s32 s3, s23  }
0x10: {  	s11 =	sadd.s32 s3, s24;
	s15 =	sshrl.u32 s13, $0x3;
	[dreg:$0x5] =	wrdreg s4  }
0x11: {  	[dreg:$0x6] =	wrdreg s5;
	s4 =	sshrl.u32 s17, $0x3;
	s5 =	sshrl.u32 s22, $0x3  }
0x12: {  	s7 =	sshrl.u32 s6, $0x3;
	s12 =	sshrl.u32 s11, $0x3;
	s17 =	sadd.s32 s3, s26  }
0x13: {  	s6 =	simm.s32 $0x2;
	s4 =	sadd.s32 s8, s4;
	s18 =	sshrl.u32 s17, $0x3  }
0x14: {  	[dreg:$0x7] =	wrdreg s4;
	s4 =	sadd.s32 s8, s19;
	s19 =	sadd.s32 s3, s28  }
0x15: {  	s13 =	sadd.s32 s8, s18;
	s3 =	sadd.s32 s3, s29;
	s18 =	sadd.s32 $0x28E00, s1  }
0x16: {  	s1 =	simm.s32 $0x1400;
	[dreg:$0x8] =	wrdreg s4;
	s4 =	sadd.s32 s8, s21  }
0x17: {  	s20 =	sshrl.u32 s19, $0x3;
	s3 =	sshrl.u32 s3, $0x3;
	s21 =	smul.u32 $0x50000, s16  }
0x18: {  	[dreg:$0x9] =	wrdreg s4;
	s4 =	sadd.s32 s8, s5;
	s16 =	sadd.s32 s8, s20  }
0x19: {  	s17 =	sadd.s32 s8, s3;
	s3 =	simm.s32 $0x1;
	s5 =	simm.s32 $0x1480  }
0x1a: {  	[dreg:$0xa] =	wrdreg s4;
	s4 =	sadd.s32 s8, s7;
	s22 =	sshrl.u32 s21, $0x2  }
0x1b: {  	s7 =	simm.s32 $0x100;
	[dreg:$0xb] =	wrdreg s4;
	s4 =	sadd.s32 s8, s12  }
0x1c: {  	s12 =	sadd.s32 s8, s15;
	s15 =	rddreg [dreg:$0x1];
	s8 =	simm.s32 $0x0  }
.Ltmp0:
0x1d: {  	[dreg:$0xc] =	wrdreg s4;
	s19 =	sadd.s32 s22, s15;
	(pc) =	sbr.rel .LBB2_1-.Ltmp0, $4  }
0x1e: {  	s20 =	sadd.s32 s9, s15;
	s21 =	sadd.s32 s10, s15;
	s22 =	sadd.s32 s14, s15  }
0x1f: {  	s23 =	sadd.s32 s23, s15;
	s24 =	sadd.s32 s24, s15;
	s25 =	sadd.s32 s25, s15  }
0x20: {  	s26 =	sadd.s32 s26, s15;
	s28 =	sadd.s32 s28, s15;
	s29 =	sadd.s32 s29, s15  }
0x21: {  	v0 =	vimm.f32 $0.0e+00;
	s14 =	simm.s32 $0x3;
	s4 =	simm.s32 $0x6800;
	_ =	strace $0x8000004A  }
.LBB2_9:
0x22: {  	_ =	swait.ge [sflag:s6], $0x4000  }
0x23: {  	[sflag:s6] =	ssyncset.done $0x0  }
0x24: {  	[sflag:s6] =	ssyncadd.s32 $0xFFFFC000  }
0x25: {  	[bflag:$0x0] =	sbarrier.arrive $0xFFFF  }
0x26: {  	[tilespmem:s31], [sflag:$0x3] =	stream.linear.gather [spmem:s19], $0x2000, $0x38;
	[tilespmem:$0x1E800] =	vst v63  }
0x27: {  	_ =	swait.ge [sflag:s14], $0x2000  }
0x28: {  	[sflag:s14] =	ssyncset.done $0x0  }
0x29: {  	s9 =	rddreg [dreg:$0x7];
	[sflag:s14] =	ssyncadd.s32 $0xFFFFE000  }
0x2a: {  	[hbm4b:s9+s0] =	stream.linear.scatter [tilespmem:s31], [sflag:$0x3], $0x2000, $0x38;
	[tilespmem:$0x1E800] =	vst v63  }
0x2b: {  	_ =	swait.ge [sflag:s14], $0x2000  }
0x2c: {  	[sflag:s14] =	ssyncset.done $0x0  }
0x2d: {  	[sflag:s14] =	ssyncadd.s32 $0xFFFFE000  }
0x2e: {  	[tilespmem:s31], [sflag:$0x3] =	stream.linear.gather [spmem:s20], $0x2000, $0x38;
	[tilespmem:$0x1E800] =	vst v63  }
0x2f: {  	_ =	swait.ge [sflag:s14], $0x2000  }
0x30: {  	[sflag:s14] =	ssyncset.done $0x0  }
0x31: {  	s11 =	rddreg [dreg:$0x8];
	[sflag:s14] =	ssyncadd.s32 $0xFFFFE000  }
0x32: {  	[hbm4b:s11+s0] =	stream.linear.scatter [tilespmem:s31], [sflag:$0x3], $0x2000, $0x38;
	[tilespmem:$0x1E800] =	vst v63  }
0x33: {  	_ =	swait.ge [sflag:s14], $0x2000  }
0x34: {  	[sflag:s14] =	ssyncset.done $0x0  }
0x35: {  	[sflag:s14] =	ssyncadd.s32 $0xFFFFE000  }
0x36: {  	[tilespmem:s31], [sflag:$0x3] =	stream.linear.gather [spmem:s21], $0x2000, $0x38;
	[tilespmem:$0x1E800] =	vst v63  }
0x37: {  	_ =	swait.ge [sflag:s14], $0x2000  }
0x38: {  	[sflag:s14] =	ssyncset.done $0x0  }
0x39: {  	s10 =	rddreg [dreg:$0x9];
	[sflag:s14] =	ssyncadd.s32 $0xFFFFE000  }
0x3a: {  	[hbm4b:s10+s0] =	stream.linear.scatter [tilespmem:s31], [sflag:$0x3], $0x2000, $0x38;
	[tilespmem:$0x1E800] =	vst v63  }
0x3b: {  	_ =	swait.ge [sflag:s14], $0x2000  }
0x3c: {  	[sflag:s14] =	ssyncset.done $0x0  }
0x3d: {  	[sflag:s14] =	ssyncadd.s32 $0xFFFFE000  }
0x3e: {  	[tilespmem:s31], [sflag:$0x3] =	stream.linear.gather [spmem:s22], $0x2000, $0x38;
	[tilespmem:$0x1E800] =	vst v63  }
0x3f: {  	_ =	swait.ge [sflag:s14], $0x2000  }
0x40: {  	[sflag:s14] =	ssyncset.done $0x0  }
0x41: {  	s11 =	rddreg [dreg:$0xa];
	[sflag:s14] =	ssyncadd.s32 $0xFFFFE000  }
0x42: {  	[hbm4b:s11+s0] =	stream.linear.scatter [tilespmem:s31], [sflag:$0x3], $0x2000, $0x38;
	[tilespmem:$0x1E800] =	vst v63  }
0x43: {  	_ =	swait.ge [sflag:s14], $0x2000  }
0x44: {  	[sflag:s14] =	ssyncset.done $0x0  }
0x45: {  	[sflag:s14] =	ssyncadd.s32 $0xFFFFE000  }
0x46: {  	[tilespmem:s31], [sflag:$0x3] =	stream.linear.gather [spmem:s23], $0x2000, $0x38;
	[tilespmem:$0x1E800] =	vst v63  }
0x47: {  	_ =	swait.ge [sflag:s14], $0x2000  }
0x48: {  	[sflag:s14] =	ssyncset.done $0x0  }
0x49: {  	s10 =	rddreg [dreg:$0xb];
	[sflag:s14] =	ssyncadd.s32 $0xFFFFE000  }
0x4a: {  	[hbm4b:s10+s0] =	stream.linear.scatter [tilespmem:s31], [sflag:$0x3], $0x2000, $0x38;
	[tilespmem:$0x1E800] =	vst v63  }
0x4b: {  	_ =	swait.ge [sflag:s14], $0x2000  }
0x4c: {  	[sflag:s14] =	ssyncset.done $0x0  }
0x4d: {  	[sflag:s14] =	ssyncadd.s32 $0xFFFFE000  }
0x4e: {  	[tilespmem:s31], [sflag:$0x3] =	stream.linear.gather [spmem:s24], $0x2000, $0x38;
	[tilespmem:$0x1E800] =	vst v63  }
0x4f: {  	_ =	swait.ge [sflag:s14], $0x2000  }
0x50: {  	[sflag:s14] =	ssyncset.done $0x0  }
0x51: {  	s11 =	rddreg [dreg:$0xc];
	[sflag:s14] =	ssyncadd.s32 $0xFFFFE000  }
0x52: {  	[hbm4b:s11+s0] =	stream.linear.scatter [tilespmem:s31], [sflag:$0x3], $0x2000, $0x38;
	[tilespmem:$0x1E800] =	vst v63  }
0x53: {  	_ =	swait.ge [sflag:s14], $0x2000  }
0x54: {  	[sflag:s14] =	ssyncset.done $0x0  }
0x55: {  	[sflag:s14] =	ssyncadd.s32 $0xFFFFE000  }
0x56: {  	[tilespmem:s31], [sflag:$0x3] =	stream.linear.gather [spmem:s25], $0x2000, $0x38;
	[tilespmem:$0x1E800] =	vst v63  }
0x57: {  	_ =	swait.ge [sflag:s14], $0x2000  }
0x58: {  	[sflag:s14] =	ssyncset.done $0x0  }
0x59: {  	[sflag:s14] =	ssyncadd.s32 $0xFFFFE000  }
0x5a: {  	[hbm4b:s12+s0] =	stream.linear.scatter [tilespmem:s31], [sflag:$0x3], $0x2000, $0x38;
	[tilespmem:$0x1E800] =	vst v63  }
0x5b: {  	_ =	swait.ge [sflag:s14], $0x2000  }
0x5c: {  	[sflag:s14] =	ssyncset.done $0x0  }
0x5d: {  	[sflag:s14] =	ssyncadd.s32 $0xFFFFE000  }
0x5e: {  	[tilespmem:s31], [sflag:$0x3] =	stream.linear.gather [spmem:s26], $0x2000, $0x38;
	[tilespmem:$0x1E800] =	vst v63  }
0x5f: {  	_ =	swait.ge [sflag:s14], $0x2000  }
0x60: {  	[sflag:s14] =	ssyncset.done $0x0  }
0x61: {  	[sflag:s14] =	ssyncadd.s32 $0xFFFFE000  }
0x62: {  	[hbm4b:s13+s0] =	stream.linear.scatter [tilespmem:s31], [sflag:$0x3], $0x2000, $0x38;
	[tilespmem:$0x1E800] =	vst v63  }
0x63: {  	_ =	swait.ge [sflag:s14], $0x2000  }
0x64: {  	[sflag:s14] =	ssyncset.done $0x0  }
0x65: {  	[sflag:s14] =	ssyncadd.s32 $0xFFFFE000  }
0x66: {  	[tilespmem:s31], [sflag:$0x3] =	stream.linear.gather [spmem:s28], $0x2000, $0x38;
	[tilespmem:$0x1E800] =	vst v63  }
0x67: {  	_ =	swait.ge [sflag:s14], $0x2000  }
0x68: {  	[sflag:s14] =	ssyncset.done $0x0  }
0x69: {  	[sflag:s14] =	ssyncadd.s32 $0xFFFFE000  }
0x6a: {  	[hbm4b:s16+s0] =	stream.linear.scatter [tilespmem:s31], [sflag:$0x3], $0x2000, $0x38;
	[tilespmem:$0x1E800] =	vst v63  }
0x6b: {  	_ =	swait.ge [sflag:s14], $0x2000  }
0x6c: {  	[sflag:s14] =	ssyncset.done $0x0  }
0x6d: {  	[sflag:s14] =	ssyncadd.s32 $0xFFFFE000  }
0x6e: {  	[tilespmem:s31], [sflag:$0x3] =	stream.linear.gather [spmem:s29], $0x2000, $0x38;
	[tilespmem:$0x1E800] =	vst v63  }
0x6f: {  	s8 =	sadd.s32 $0x1, s8;
	_ =	swait.ge [sflag:s14], $0x2000  }
0x70: {  	p0 =	sne.s32 s8, s30;
	[sflag:s14] =	ssyncset.done $0x0  }
.Ltmp1:
0x71: {  	[sflag:s14] =	ssyncadd.s32 $0xFFFFE000;
	(pc) =	sbr.rel @!p0 .LBB2_10-.Ltmp1, $4  }
0x72: {  	[hbm4b:s17+s0] =	stream.linear.scatter [tilespmem:s31], [sflag:$0x3], $0x2000, $0x38;
	[tilespmem:$0x1E800] =	vst v63  }
0x73: {  	_ =	swait.ge [sflag:s14], $0x2000  }
0x74: {  	[sflag:s14] =	ssyncset.done $0x0  }
0x75: {  	[sflag:s14] =	ssyncadd.s32 $0xFFFFE000  }
.LBB2_1:
0x76: {  	s9 =	simm.s32 $0x0;
	s10 =	simm.s32 $0x200  }
.LBB2_2:
0x77: {  	p0 =	sne.s32 s10, $0x7E00;
	[tilespmem:s9+$0x2870] =	vst v0  }
0x78: {  	[tilespmem:s9+$0x2800] =	vst v0  }
0x79: {  	[tilespmem:s9+$0x2810] =	vst v0  }
.Ltmp2:
0x7a: {  	[tilespmem:s9+$0x2820] =	vst v0;
	(pc) =	sbr.rel @p0 .LBB2_2-.Ltmp2, $4  }
0x7b: {  	[tilespmem:s9+$0x2830] =	vst v0  }
0x7c: {  	[tilespmem:s9+$0x2840] =	vst v0  }
0x7d: {  	[tilespmem:s9+$0x2850] =	vst v0  }
0x7e: {  	[tilespmem:s9+$0x2860] =	vst v0;
	s9 =	sshra.s32 s10, $0x2;
	s10 =	sadd.s32 $0x200, s10  }
0x7f: {  	[tilespmem:s9+$0x2870] =	vst v0  }
0x80: {  	[tilespmem:s9+$0x2800] =	vst v0  }
0x81: {  	[tilespmem:s9+$0x2810] =	vst v0  }
0x82: {  	[tilespmem:s9+$0x2820] =	vst v0  }
0x83: {  	[tilespmem:s9+$0x2830] =	vst v0  }
0x84: {  	[tilespmem:s9+$0x2840] =	vst v0  }
0x85: {  	[tilespmem:s9+$0x2850] =	vst v0  }
0x86: {  	[tilespmem:s9+$0x2860] =	vst v0  }
0x87: {  	[spmem:s19] =	stream.linear.scatter [tilespmem:s31], [sflag:$0x3], $0x2000, $0x38;
	[tilespmem:$0x1E800] =	vst v63  }
0x88: {  	_ =	swait.ge [sflag:s14], $0x2000  }
0x89: {  	[sflag:s14] =	ssyncset.done $0x0  }
0x8a: {  	[sflag:s14] =	ssyncadd.s32 $0xFFFFE000  }
0x8b: {  	[spmem:s20] =	stream.linear.scatter [tilespmem:s31], [sflag:$0x3], $0x2000, $0x38;
	[tilespmem:$0x1E800] =	vst v63  }
0x8c: {  	_ =	swait.ge [sflag:s14], $0x2000  }
0x8d: {  	[sflag:s14] =	ssyncset.done $0x0  }
0x8e: {  	[sflag:s14] =	ssyncadd.s32 $0xFFFFE000  }
0x8f: {  	[spmem:s21] =	stream.linear.scatter [tilespmem:s31], [sflag:$0x3], $0x2000, $0x38;
	[tilespmem:$0x1E800] =	vst v63  }
0x90: {  	_ =	swait.ge [sflag:s14], $0x2000  }
0x91: {  	[sflag:s14] =	ssyncset.done $0x0  }
0x92: {  	[sflag:s14] =	ssyncadd.s32 $0xFFFFE000  }
0x93: {  	[spmem:s22] =	stream.linear.scatter [tilespmem:s31], [sflag:$0x3], $0x2000, $0x38;
	[tilespmem:$0x1E800] =	vst v63  }
0x94: {  	_ =	swait.ge [sflag:s14], $0x2000  }
0x95: {  	[sflag:s14] =	ssyncset.done $0x0  }
0x96: {  	[sflag:s14] =	ssyncadd.s32 $0xFFFFE000  }
0x97: {  	[spmem:s23] =	stream.linear.scatter [tilespmem:s31], [sflag:$0x3], $0x2000, $0x38;
	[tilespmem:$0x1E800] =	vst v63  }
0x98: {  	_ =	swait.ge [sflag:s14], $0x2000  }
0x99: {  	[sflag:s14] =	ssyncset.done $0x0  }
0x9a: {  	[sflag:s14] =	ssyncadd.s32 $0xFFFFE000  }
0x9b: {  	[spmem:s24] =	stream.linear.scatter [tilespmem:s31], [sflag:$0x3], $0x2000, $0x38;
	[tilespmem:$0x1E800] =	vst v63  }
0x9c: {  	_ =	swait.ge [sflag:s14], $0x2000  }
0x9d: {  	[sflag:s14] =	ssyncset.done $0x0  }
0x9e: {  	[sflag:s14] =	ssyncadd.s32 $0xFFFFE000  }
0x9f: {  	[spmem:s25] =	stream.linear.scatter [tilespmem:s31], [sflag:$0x3], $0x2000, $0x38;
	[tilespmem:$0x1E800] =	vst v63  }
0xa0: {  	_ =	swait.ge [sflag:s14], $0x2000  }
0xa1: {  	[sflag:s14] =	ssyncset.done $0x0  }
0xa2: {  	[sflag:s14] =	ssyncadd.s32 $0xFFFFE000  }
0xa3: {  	[spmem:s26] =	stream.linear.scatter [tilespmem:s31], [sflag:$0x3], $0x2000, $0x38;
	[tilespmem:$0x1E800] =	vst v63  }
0xa4: {  	_ =	swait.ge [sflag:s14], $0x2000  }
0xa5: {  	[sflag:s14] =	ssyncset.done $0x0  }
0xa6: {  	[sflag:s14] =	ssyncadd.s32 $0xFFFFE000  }
0xa7: {  	[spmem:s28] =	stream.linear.scatter [tilespmem:s31], [sflag:$0x3], $0x2000, $0x38;
	[tilespmem:$0x1E800] =	vst v63  }
0xa8: {  	_ =	swait.ge [sflag:s14], $0x2000  }
0xa9: {  	[sflag:s14] =	ssyncset.done $0x0  }
0xaa: {  	[sflag:s14] =	ssyncadd.s32 $0xFFFFE000  }
0xab: {  	[spmem:s29] =	stream.linear.scatter [tilespmem:s31], [sflag:$0x3], $0x2000, $0x38;
	[tilespmem:$0x1E800] =	vst v63  }
0xac: {  	_ =	swait.ge [sflag:s14], $0x2000  }
0xad: {  	[sflag:s14] =	ssyncset.done $0x0  }
0xae: {  	[sflag:s14] =	ssyncadd.s32 $0xFFFFE000  }
0xaf: {  	[bflag:$0x0] =	sbarrier.arrive $0xFFFF  }
0xb0: {  	s10 =	rddreg [dreg:$0x3]  }
0xb1: {  	[tilespmem:s0], [sflag:$0x3] =	stream.linear.gather [hbm4b:s10+s0], $0x1400, $0x38;
	[tilespmem:$0x1E800] =	vst v63  }
0xb2: {  	_ =	swait.ge [sflag:s14], $0x1400  }
0xb3: {  	[sflag:s14] =	ssyncset.done $0x0  }
0xb4: {  	s11 =	rddreg [dreg:$0x4];
	[sflag:s14] =	ssyncadd.s32 $0xFFFFEC00  }
0xb5: {  	[tilespmem:s1], [sflag:$0x3] =	stream.linear.gather [hbm4b:s11+s0], $0x1400, $0x38;
	[tilespmem:$0x1E800] =	vst v63  }
0xb6: {  	_ =	swait.ge [sflag:s14], $0x1400  }
0xb7: {  	[sflag:s14] =	ssyncset.done $0x0  }
0xb8: {  	[sflag:s14] =	ssyncadd.s32 $0xFFFFEC00  }
0xb9: {  	[tilespmem:s31], [sflag:$0x1] =	stream.indirect.gather [hbm4b:s18+s2], $0x80, s0, s2, $0xb8;
	[tilespmem:$0x1E800] =	vst v63  }
0xba: {  	_ =	swait.ge [sflag:s3], $0x4000  }
0xbb: {  	[sflag:s3] =	ssyncset.done $0x0  }
0xbc: {  	[sflag:s3] =	ssyncadd.s32 $0xFFFFC000  }
0xbd: {  	[spmem:s15] =	stream.indirect.scatter.add.f32 [tilespmem:s31], [sflag:$0x2], $0x80, s1, s2, $0xb8;
	[tilespmem:$0x1E800] =	vst v63  }
0xbe: {  	_ = 	snop  }
0xbf: {  	[tilespmem:s4], [sflag:$0x1] =	stream.indirect.gather [hbm4b:s18+s2], $0x80, s2, s2, $0xb8;
	[tilespmem:$0x1E800] =	vst v63  }
0xc0: {  	_ =	swait.ge [sflag:s3], $0x4000  }
0xc1: {  	[sflag:s3] =	ssyncset.done $0x0  }
0xc2: {  	[sflag:s3] =	ssyncadd.s32 $0xFFFFC000  }
0xc3: {  	[spmem:s15] =	stream.indirect.scatter.add.f32 [tilespmem:s4], [sflag:$0x2], $0x80, s5, s2, $0xb8;
	[tilespmem:$0x1E800] =	vst v63  }
0xc4: {  	_ =	swait.ge [sflag:s6], $0x4000  }
0xc5: {  	[sflag:s6] =	ssyncset.done $0x0  }
0xc6: {  	s9 =	simm.s32 $0xFFFFB800;
	[sflag:s6] =	ssyncadd.s32 $0xFFFFC000  }
0xc7: {  	[tilespmem:s31], [sflag:$0x1] =	stream.indirect.gather [hbm4b:s18+s2], $0x80, s7, s2, $0xb8;
	[tilespmem:$0x1E800] =	vst v63  }
.LBB2_4:
0xc8: {  	_ =	swait.ge [sflag:s3], $0x4000  }
0xc9: {  	s10 =	sshra.s32 s9, $0x2;
	[sflag:s3] =	ssyncset.done $0x0  }
0xca: {  	s11 =	sadd.s32 $0x2700, s10;
	[sflag:s3] =	ssyncadd.s32 $0xFFFFC000  }
0xcb: {  	[spmem:s15] =	stream.indirect.scatter.add.f32 [tilespmem:s31], [sflag:$0x2], $0x80, s11, s2, $0xb8;
	[tilespmem:$0x1E800] =	vst v63  }
0xcc: {  	_ =	swait.ge [sflag:s6], $0x4000  }
0xcd: {  	[sflag:s6] =	ssyncset.done $0x0  }
0xce: {  	s11 =	sadd.s32 $0x1380, s10;
	[sflag:s6] =	ssyncadd.s32 $0xFFFFC000  }
0xcf: {  	[tilespmem:s4], [sflag:$0x1] =	stream.indirect.gather [hbm4b:s18+s2], $0x80, s11, s2, $0xb8;
	[tilespmem:$0x1E800] =	vst v63  }
0xd0: {  	_ =	swait.ge [sflag:s3], $0x4000  }
0xd1: {  	p0 =	seq.s32 s9, $0x0;
	[sflag:s3] =	ssyncset.done $0x0  }
.Ltmp3:
0xd2: {  	s11 =	sadd.s32 $0x2780, s10;
	[sflag:s3] =	ssyncadd.s32 $0xFFFFC000;
	(pc) =	sbr.rel @p0 .LBB2_6-.Ltmp3, $4  }
0xd3: {  	[spmem:s15] =	stream.indirect.scatter.add.f32 [tilespmem:s4], [sflag:$0x2], $0x80, s11, s2, $0xb8;
	[tilespmem:$0x1E800] =	vst v63  }
0xd4: {  	_ =	swait.ge [sflag:s6], $0x4000  }
0xd5: {  	[sflag:s6] =	ssyncset.done $0x0  }
0xd6: {  	[sflag:s6] =	ssyncadd.s32 $0xFFFFC000  }
.Ltmp4:
0xd7: {  	(pc) =	sbr.rel .LBB2_4-.Ltmp4, $3  }
0xd8: {  	_ =	sdelay $0x1  }
0xd9: {  	s10 =	sadd.s32 $0x1400, s10;
	s9 =	sadd.s32 $0x400, s9  }
0xda: {  	[tilespmem:s31], [sflag:$0x1] =	stream.indirect.gather [hbm4b:s18+s2], $0x80, s10, s2, $0xb8;
	[tilespmem:$0x1E800] =	vst v63  }
.LBB2_6:
0xdb: {  	_ =	swait.ge [sflag:s6], $0x4000  }
0xdc: {  	[sflag:s6] =	ssyncset.done $0x0  }
0xdd: {  	s9 =	rddreg [dreg:$0x5];
	[sflag:s6] =	ssyncadd.s32 $0xFFFFC000  }
0xde: {  	[tilespmem:s0], [sflag:$0x3] =	stream.linear.gather [hbm4b:s9+s0], $0x1400, $0x38;
	[tilespmem:$0x1E800] =	vst v63  }
0xdf: {  	_ =	swait.ge [sflag:s14], $0x1400  }
0xe0: {  	[sflag:s14] =	ssyncset.done $0x0  }
0xe1: {  	s11 =	rddreg [dreg:$0x6];
	[sflag:s14] =	ssyncadd.s32 $0xFFFFEC00  }
0xe2: {  	[tilespmem:s1], [sflag:$0x3] =	stream.linear.gather [hbm4b:s11+s0], $0x1400, $0x38;
	[tilespmem:$0x1E800] =	vst v63  }
0xe3: {  	_ =	swait.ge [sflag:s14], $0x1400  }
0xe4: {  	[sflag:s14] =	ssyncset.done $0x0  }
0xe5: {  	[sflag:s14] =	ssyncadd.s32 $0xFFFFEC00  }
0xe6: {  	[tilespmem:s31], [sflag:$0x1] =	stream.indirect.gather [hbm4b:s18+s2], $0x80, s0, s2, $0xb8;
	[tilespmem:$0x1E800] =	vst v63  }
0xe7: {  	_ =	swait.ge [sflag:s3], $0x4000  }
0xe8: {  	[sflag:s3] =	ssyncset.done $0x0  }
0xe9: {  	[sflag:s3] =	ssyncadd.s32 $0xFFFFC000  }
0xea: {  	[spmem:s15] =	stream.indirect.scatter.add.f32 [tilespmem:s31], [sflag:$0x2], $0x80, s1, s2, $0xb8;
	[tilespmem:$0x1E800] =	vst v63  }
0xeb: {  	_ = 	snop  }
0xec: {  	[tilespmem:s4], [sflag:$0x1] =	stream.indirect.gather [hbm4b:s18+s2], $0x80, s2, s2, $0xb8;
	[tilespmem:$0x1E800] =	vst v63  }
0xed: {  	_ =	swait.ge [sflag:s3], $0x4000  }
0xee: {  	[sflag:s3] =	ssyncset.done $0x0  }
0xef: {  	[sflag:s3] =	ssyncadd.s32 $0xFFFFC000  }
0xf0: {  	[spmem:s15] =	stream.indirect.scatter.add.f32 [tilespmem:s4], [sflag:$0x2], $0x80, s5, s2, $0xb8;
	[tilespmem:$0x1E800] =	vst v63  }
0xf1: {  	_ =	swait.ge [sflag:s6], $0x4000  }
0xf2: {  	[sflag:s6] =	ssyncset.done $0x0  }
0xf3: {  	s9 =	simm.s32 $0xFFFFB800;
	[sflag:s6] =	ssyncadd.s32 $0xFFFFC000  }
0xf4: {  	[tilespmem:s31], [sflag:$0x1] =	stream.indirect.gather [hbm4b:s18+s2], $0x80, s7, s2, $0xb8;
	[tilespmem:$0x1E800] =	vst v63  }
.LBB2_7:
0xf5: {  	_ =	swait.ge [sflag:s3], $0x4000  }
0xf6: {  	s10 =	sshra.s32 s9, $0x2;
	[sflag:s3] =	ssyncset.done $0x0  }
0xf7: {  	s11 =	sadd.s32 $0x2700, s10;
	[sflag:s3] =	ssyncadd.s32 $0xFFFFC000  }
0xf8: {  	[spmem:s15] =	stream.indirect.scatter.add.f32 [tilespmem:s31], [sflag:$0x2], $0x80, s11, s2, $0xb8;
	[tilespmem:$0x1E800] =	vst v63  }
0xf9: {  	_ =	swait.ge [sflag:s6], $0x4000  }
0xfa: {  	[sflag:s6] =	ssyncset.done $0x0  }
0xfb: {  	s11 =	sadd.s32 $0x1380, s10;
	[sflag:s6] =	ssyncadd.s32 $0xFFFFC000  }
0xfc: {  	[tilespmem:s4], [sflag:$0x1] =	stream.indirect.gather [hbm4b:s18+s2], $0x80, s11, s2, $0xb8;
	[tilespmem:$0x1E800] =	vst v63  }
0xfd: {  	_ =	swait.ge [sflag:s3], $0x4000  }
0xfe: {  	p0 =	seq.s32 s9, $0x0;
	[sflag:s3] =	ssyncset.done $0x0  }
.Ltmp5:
0xff: {  	s11 =	sadd.s32 $0x2780, s10;
	[sflag:s3] =	ssyncadd.s32 $0xFFFFC000;
	(pc) =	sbr.rel @p0 .LBB2_9-.Ltmp5, $4  }
0x100: {  	[spmem:s15] =	stream.indirect.scatter.add.f32 [tilespmem:s4], [sflag:$0x2], $0x80, s11, s2, $0xb8;
	[tilespmem:$0x1E800] =	vst v63  }
0x101: {  	_ =	swait.ge [sflag:s6], $0x4000  }
0x102: {  	[sflag:s6] =	ssyncset.done $0x0  }
0x103: {  	[sflag:s6] =	ssyncadd.s32 $0xFFFFC000  }
.Ltmp6:
0x104: {  	(pc) =	sbr.rel .LBB2_7-.Ltmp6, $3  }
0x105: {  	_ =	sdelay $0x1  }
0x106: {  	s10 =	sadd.s32 $0x1400, s10;
	s9 =	sadd.s32 $0x400, s9  }
0x107: {  	[tilespmem:s31], [sflag:$0x1] =	stream.indirect.gather [hbm4b:s18+s2], $0x80, s10, s2, $0xb8;
	[tilespmem:$0x1E800] =	vst v63  }
.LBB2_10:
0x108: {  	_ =	sfence.sel $0x180000  }
0x109: {  	[bflag:$0x0] =	sbarrier.arrive $0xFFFF  }
0x10a: {  	_ =	strace $0x9000004A  }
0x10b: {  	s0 =	stileid.u32;
	[bflag:$0x2] =	sbarrier.arrive $0xFFFF  }
0x10c: {  	p0 =	sne.s32 s0, $0x0;
	s0 =	rddreg [dreg:$0x2]  }
0x10d: {  	s0 =	sadd.s32 @!p0 $0x100000, s0  }
0x10e: {  	[sflag:s0] =	ssyncadd.tile.s32 @!p0 $0x1;
	_ =	shalt  }
.Lfunc_end2:
_tile_overlayer_lowered:
.L_overlay_start_2:
0x10f: {  	(tag) =	ssettag $0x2  }
0x110: {  	s0 =	rddreg [dreg:$0x0];
	s2 =	stileid.u32  }
0x111: {  	s1 =	rddreg [dreg:$0x1];
	p0 =	sne.s32 s2, $0x0  }
0x112: {  	s3 =	rddreg [dreg:$0x2];
	[bflag:$0x3] =	sbarrier.arrive $0xFFFF;
	s2 =	simm.s32 @!p0 $0x1C03  }
0x113: {  	[timem:s3], [sflag:s2] =	dma.local @!p0 [hbm:s0], s1  }
0x114: {  	s0 =	simm.s32 @!p0 $0x3  }
0x115: {  	_ =	swait.ge @!p0 [sflag:s0], s1  }
0x116: {  	s1 =	ssub.s32 @!p0 $0x0, s1;
	[sflag:s0] =	ssyncset.done @!p0 $0x0  }
0x117: {  	[sflag:s0] =	ssyncadd.s32 @!p0 s1  }
0x118: {  	[bflag:$0x3] =	sbarrier.arrive $0xFFFF  }
0x119: {  	_ =	shalt  }

// kernel: kernel.14.cloned.1.call-start
scs
__scs_entry_jumppad:
0x0: {  	(pc) =	sbr.rel $0x88, $3  }
0x1: {  	(tag) =	ssettag $0x0;
	lr =	simm.s32 $0x1  }
0x2: {  	[smem:$0x3F92] =	sst lr;
	_ =	strace $0xD0000000  }
0x3: {  	_ = 	snop  }
0x4: {  	_ = 	snop  }
0x5: {  	_ = 	snop  }
0x6: {  	_ = 	snop  }
0x7: {  	_ = 	snop  }
__scs_overlays_trampoline_lowered:
0x8: {  	[smem:$0x3FA1] =	sst s0  }
0x9: {  	[smem:$0x3FA2] =	sst s1  }
0xa: {  	[smem:$0x3FA3] =	sst s2  }
0xb: {  	[smem:$0x3FA4] =	sst s3  }
0xc: {  	[smem:$0x3FA5] =	sst s4  }
0xd: {  	[smem:$0x3FA6] =	sst s5  }
0xe: {  	[smem:$0x3FA7] =	sst s6  }
0xf: {  	[smem:$0x3FA8] =	sst s7  }
0x10: {  	[smem:$0x3FA9] =	sst s8  }
0x11: {  	[smem:$0x3FAA] =	sst s9;
	s0 =	simm.s32 @!p0 $0x0  }
0x12: {  	s1 =	sld [smem:$0x3F90];
	s0 =	simm.s32 @p0 $0x1  }
0x13: {  	[smem:$0x3FAB] =	sst s0;
	s0 =	simm.s32 @!p1 $0x0  }
0x14: {  	s2 =	sld [smem:$0x3F8F];
	s0 =	simm.s32 @p1 $0x1  }
0x15: {  	[smem:$0x3FAC] =	sst s0;
	s0 =	simm.s32 @!p2 $0x0  }
0x16: {  	s3 =	sld [smem:$0x3FDB];
	s0 =	simm.s32 @p2 $0x1  }
0x17: {  	s4 =	simm.s32 $0x1BF5;
	[smem:$0x3FAE] =	sst s0  }
0x18: {  	s0 =	sld [smem:$0x3F91];
	_ =	swait.ge [sflag:s4], $0x0  }
0x19: {  	s7 =	sld [smem:$0x3F92]  }
0x1a: {  	s8 =	sadd.s32 $0xFFFFE003, lr  }
0x1b: {  	s9 =	sadd.s32 $0xFFFFFEF7, lr;
	s5 =	simm.s32 $0xFFFFFFFF;
	p2 =	slt.u32 s8, $0xFFFFF086  }
0x1c: {  	p1 =	slt.u32 s9, $0xF7A;
	s5 =	simm.s32 @!p2 $0x0  }
0x1d: {  	s5 =	simm.s32 @p1 $0x1;
	p0 =	seq.s32 s7, s2  }
0x1e: {  	s7 =	smul.u32 @!p0 $0xF7A, s2;
	p2 =	seq.s32 @!p0 s5, $0x0  }
0x1f: {  	s9 =	smul.u32 $0xF7A, s1;
	s8 =	simm.s32 @!p0 $0x1BF5;
	p2 =	por !p2, p0  }
0x20: {  	[sflag:s8] =	ssyncset.s32 @!p0 $0xFFFFF086;
	s6 =	sadd.s32 @!p0 s3, s7;
	s7 =	simm.s32 @!p0 $0x108  }
0x21: {  	s3 =	sadd.s32 s3, s9;
	s6 =	sadd.s32 @!p0 $0x88, s6;
	s7 =	simm.s32 @p2 $0x1082  }
0x22: {  	[simem:s7], [sflag:s8] =	dma.local @!p0 [hbm:s6], $0xF7A  }
0x23: {  	s9 =	sor.u32 $0xD0000000, s2;
	s6 =	simm.s32 $0x108;
	_ =	swait.ge @!p0 [sflag:s8], $0x0  }
0x24: {  	s3 =	sadd.s32 $0x88, s3;
	s6 =	simm.s32 @!p1 $0x1082;
	[sflag:s4] =	ssyncset.s32 $0xFFFFF086  }
0x25: {  	[simem:s6], [sflag:s4] =	dma.local [hbm:s3], $0xF7A  }
0x26: {  	[smem:$0x3F92] =	sst s1;
	(tag) =	ssettag s2;
	_ =	strace s9  }
0x27: {  	s1 =	sld [smem:$0x3FA2]  }
0x28: {  	s2 =	sld [smem:$0x3FA3]  }
0x29: {  	s4 =	sld [smem:$0x3FA5]  }
0x2a: {  	p0 =	seq.s32 s5, $0x0;
	s5 =	sld [smem:$0x3FA6]  }
0x2b: {  	s6 =	sld [smem:$0x3FA7]  }
0x2c: {  	s7 =	sld [smem:$0x3FA8]  }
0x2d: {  	s3 =	simm.s32 $0x108;
	s8 =	sld [smem:$0x3FA9]  }
0x2e: {  	s3 =	simm.s32 @!p0 $0x1082;
	s9 =	sld [smem:$0x3FAA]  }
0x2f: {  	lr =	sadd.s32 s0, s3;
	s0 =	sld [smem:$0x3FA1]  }
0x30: {  	s3 =	sld [smem:$0x3FA4]  }
0x31: {  	[smem:$0x3FAD] =	sst s10  }
0x32: {  	s10 =	sld [smem:$0x3FAB];
	_ =	sdelay $0x3  }
0x33: {  	p0 =	seq.s32 s10, $0x1;
	s10 =	sld [smem:$0x3FAD];
	_ =	sdelay $0x3  }
0x34: {  	[smem:$0x3FAD] =	sst s10  }
0x35: {  	s10 =	sld [smem:$0x3FAC];
	_ =	sdelay $0x3  }
0x36: {  	p1 =	seq.s32 s10, $0x1;
	s10 =	sld [smem:$0x3FAD];
	_ =	sdelay $0x3  }
0x37: {  	[smem:$0x3FAD] =	sst s10  }
0x38: {  	s10 =	sld [smem:$0x3FAE]  }
0x39: {  	_ = 	snop;
	(pc) =	sbr.ind lr, $3  }
0x3a: {  	_ = 	snop  }
0x3b: {  	_ = 	snop  }
0x3c: {  	p2 =	seq.s32 s10, $0x1;
	s10 =	sld [smem:$0x3FAD]  }
0x3d: {  	_ =	shalt  }
0x3e: {  	_ =	shalt  }
0x3f: {  	_ =	shalt  }
0x40: {  	_ =	shalt  }
0x41: {  	_ =	shalt  }
0x42: {  	_ =	shalt  }
0x43: {  	_ =	shalt  }
0x44: {  	_ =	shalt  }
0x45: {  	_ =	shalt  }
0x46: {  	_ =	shalt  }
0x47: {  	_ =	shalt  }
0x48: {  	_ =	shalt  }
0x49: {  	_ =	shalt  }
0x4a: {  	_ =	shalt  }
0x4b: {  	_ =	shalt  }
0x4c: {  	_ =	shalt  }
0x4d: {  	_ =	shalt  }
0x4e: {  	_ =	shalt  }
0x4f: {  	_ =	shalt  }
0x50: {  	_ =	shalt  }
0x51: {  	_ =	shalt  }
0x52: {  	_ =	shalt  }
0x53: {  	_ =	shalt  }
0x54: {  	_ =	shalt  }
0x55: {  	_ =	shalt  }
0x56: {  	_ =	shalt  }
0x57: {  	_ =	shalt  }
0x58: {  	_ =	shalt  }
0x59: {  	_ =	shalt  }
0x5a: {  	_ =	shalt  }
0x5b: {  	_ =	shalt  }
0x5c: {  	_ =	shalt  }
0x5d: {  	_ =	shalt  }
0x5e: {  	_ =	shalt  }
0x5f: {  	_ =	shalt  }
0x60: {  	_ =	shalt  }
0x61: {  	_ =	shalt  }
0x62: {  	_ =	shalt  }
0x63: {  	_ =	shalt  }
0x64: {  	_ =	shalt  }
0x65: {  	_ =	shalt  }
0x66: {  	_ =	shalt  }
0x67: {  	_ =	shalt  }
0x68: {  	_ =	shalt  }
0x69: {  	_ =	shalt  }
0x6a: {  	_ =	shalt  }
0x6b: {  	_ =	shalt  }
0x6c: {  	_ =	shalt  }
0x6d: {  	_ =	shalt  }
0x6e: {  	_ =	shalt  }
0x6f: {  	_ =	shalt  }
0x70: {  	_ =	shalt  }
0x71: {  	_ =	shalt  }
0x72: {  	_ =	shalt  }
0x73: {  	_ =	shalt  }
0x74: {  	_ =	shalt  }
0x75: {  	_ =	shalt  }
0x76: {  	_ =	shalt  }
0x77: {  	_ =	shalt  }
0x78: {  	_ =	shalt  }
0x79: {  	_ =	shalt  }
0x7a: {  	_ =	shalt  }
0x7b: {  	_ =	shalt  }
0x7c: {  	_ =	shalt  }
0x7d: {  	_ =	shalt  }
0x7e: {  	_ =	shalt  }
0x7f: {  	_ =	shalt  }
0x80: {  	_ =	shalt  }
0x81: {  	_ =	shalt  }
0x82: {  	_ =	shalt  }
0x83: {  	_ =	shalt  }
0x84: {  	_ =	shalt  }
0x85: {  	_ =	shalt  }
0x86: {  	_ =	shalt  }
0x87: {  	_ =	shalt  }
.Lfunc_end0:
.L_simem_size_0:
called_computation.2_lowered:
.L_overlay_start_0:
0x88: {  	s2 =	sld [smem:$0x3FD9]  }
0x89: {  	s3 =	sld [smem:$0x3FFE];
	_ =	sdelay $0x1  }
0x8a: {  	s1 =	srdreg.scid  }
0x8b: {  	s0 =	sand.u32 $0x1, s1  }
0x8c: {  	s16 =	sshll.u32 s0, $0xA;
	s2 =	sadd.s32 s3, s2  }
0x8d: {  	s2 =	sadd.s32 s2, s16  }
0x8e: {  	[smem:$0x3FB9] =	sst s2  }
0x8f: {  	_ = 	snop  }
0x90: {  	(tm) =	ssettm $0x1  }
0x91: {  	s17 =	sld [smem:$0x3FFB];
	_ =	sdelay $0x3  }
0x92: {  	_ =	strace s17  }
0x93: {  	s2 =	sld [smem:$0x3FFC];
	_ =	sdelay $0x3  }
0x94: {  	_ =	strace s2  }
0x95: {  	s2 =	sld [smem:$0x3FFD];
	_ =	sdelay $0x3  }
0x96: {  	_ =	strace s2  }
0x97: {  	_ =	strace $0x8FFFFFFF  }
0x98: {  	s18 =	sld [smem:$0x3FDB];
	_ =	sdelay $0x1  }
0x99: {  	s19 =	simm.s32 $_scs_section_size  }
0x9a: {  	s4 =	simm.s32 $_size__tile_overlayer_lowered;
	s5 =	simm.s32 $_tile_overlayer_lowered  }
0x9b: {  	s22 =	simm.s32 $0x1BFF;
	s21 =	sshll.u32 s5, $0x1;
	s2 =	sadd.s32 s19, s18  }
0x9c: {  	s6 =	simm.s32 $0x0;
	s20 =	sshll.u32 s4, $0x1;
	s4 =	sadd.s32 s21, s2  }
0x9d: {  	[timem:s6], [sflag:s22] =	dma.local [hbm:s4], s20  }
0x9e: {  	_ =	swait.ge [sflag:s22], s20  }
0x9f: {  	s3 =	ssub.s32 $0x0, s20;
	[sflag:s22] =	ssyncset.done $0x0  }
0xa0: {  	[sflag:s22] =	ssyncadd.s32 s3;
	_ =	sdelay $0x1  }
0xa1: {  	s23 =	simm.s32 $0x1B8B  }
0xa2: {  	_ =	swait.ge [sflag:s23], $0x1  }
0xa3: {  	[sflag:s23] =	ssyncset.done $0x0  }
0xa4: {  	s25 =	simm.s32 $0x1B8E;
	s24 =	sld [smem:$0x3FFE];
	[sflag:s23] =	ssyncadd.s32 $0xFFFFFFFF  }
0xa5: {  	s26 =	simm.s32 $execute0_lowered;
	[smem:$0x3FD2] =	sst s25  }
0xa6: {  	s4 =	sshll.u32 s26, $0x1;
	_ =	strace $0x8000004C;
	[dreg:$0x1] =	wrdreg $0xFFFFFFFF  }
0xa7: {  	s28 =	simm.s32 $_size_execute0_lowered;
	s2 =	sadd.s32 s2, s4;
	[dreg:$0x0] =	wrdreg $0x0  }
0xa8: {  	s4 =	sshll.u32 s28, $0x1;
	[dreg:$0x2] =	wrdreg s2  }
0xa9: {  	[dreg:$0x3] =	wrdreg s4  }
0xaa: {  	[dreg:$0x4] =	wrdreg $0xC0  }
0xab: {  	_ =	task [dreg:s6], $0x5FFFF  }
0xac: {  	[dreg:$0x1] =	wrdreg $0xFFFFFFFF  }
0xad: {  	[dreg:$0x0] =	wrdreg $0x60  }
0xae: {  	[dreg:$0x2] =	wrdreg s24  }
0xaf: {  	[dreg:$0x3] =	wrdreg $0xA8000  }
0xb0: {  	[dreg:$0x4] =	wrdreg $0x9  }
0xb1: {  	_ =	task.clear_ibuf [dreg:s6], $0x5FFFF;
	_ =	strace $0x9000004C  }
0xb2: {  	s29 =	simm.s32 $0x9;
	_ =	strace $0x8000004E  }
0xb3: {  	_ =	swait.ge [sflag:s29], $0x1  }
0xb4: {  	[sflag:s29] =	ssyncadd.s32 $0xFFFFFFFF  }
0xb5: {  	_ =	strace $0x9000004E  }
0xb6: {  	_ =	sfence  }
0xb7: {  	s30 =	sld [smem:$0x0];
	_ =	sdelay $0x2  }
0xb8: {  	s31 =	sshll.u32 s1, $0xD;
	s1 =	sshrl.u32 s1, $0x2  }
0xb9: {  	s3 =	sand.u32 $0x4000, s31;
	s1 =	sadd.s32 s1, s30  }
0xba: {  	s0 =	sor.u32 s3, s0;
	s1 =	sshll.u32 s1, $0x11  }
0xbb: {  	s0 =	sor.u32 s1, s0  }
0xbc: {  	s0 =	sadd.s32 $0x8F2B, s0  }
0xbd: {  	[sflag:s0] =	ssyncadd.remote.s32 $0x1  }
0xbe: {  	_ =	sfence.sel $0xFFFF  }
0xbf: {  	[dreg:$0x0] =	wrdreg $0xFFFFFFFF;
	(pc) =	sbr.abs _section_cstart, $3  }
0xc0: {  	[dreg:$0x1] =	wrdreg $0xFFFFFFFF  }
0xc1: {  	_ =	task.clear_ibuf [dreg:s6], $0x2FFFF;
	_ =	strace $0x9FFFFFFF  }
0xc2: {  	(tm) =	ssettm $0x7FFFFFFF  }
0xc3: {  	_ =	shalt  }
tec
execute0_lowered:
.L_overlay_start_1:
0x0: {  	(tag) =	ssettag $0x1  }
0x1: {  	s1 =	rddreg [dreg:$0x0];
	s0 =	simm.s32 $0x0;
	s2 =	srdreg.scid  }
0x2: {  	s16 =	stileid.u32;
	s31 =	simm.s32 $0x2800;
	[smem:$0x7FF] =	sst s0  }
0x3: {  	s3 =	sand.u32 $0x1, s2;
	s4 =	sadd.s32 $0x14E00, s1;
	s5 =	sadd.s32 $0x1EE00, s1  }
0x4: {  	s7 =	smul.u32 $0x14000, s16;
	s8 =	sadd.s32 $0x50000, s1;
	s2 =	ssub.s32 $0x2, s3  }
0x5: {  	s14 =	sshll.u32 s3, $0x4;
	s3 =	smul.u32 $0x140000, s3;
	s6 =	sshrl.u32 s2, $0x1  }
0x6: {  	s9 =	sor.u32 $0x2000, s7;
	s10 =	sadd.s32 $0x4000, s7;
	s23 =	sadd.s32 $0x8000, s7  }
0x7: {  	s24 =	sadd.s32 $0xA000, s7;
	s25 =	sadd.s32 $0xC000, s7;
	s26 =	sadd.s32 $0xE000, s7  }
0x8: {  	s28 =	sadd.s32 $0x10000, s7;
	s2 =	ssub.s32 s2, s6;
	s6 =	sor.u32 s16, s14  }
0x9: {  	s29 =	sadd.s32 $0x12000, s7;
	s14 =	sadd.s32 $0x6000, s7;
	s6 =	smul.u32 $0x2800, s6  }
0xa: {  	s17 =	sadd.s32 s7, s3;
	s18 =	sadd.s32 s3, s9;
	s20 =	sadd.s32 s3, s10  }
0xb: {  	s13 =	sadd.s32 s3, s25;
	s19 =	sshrl.u32 s18, $0x3;
	s6 =	sshrl.u32 s6, $0x3  }
0xc: {  	s21 =	sshrl.u32 s20, $0x3;
	s22 =	sadd.s32 s3, s14;
	s11 =	sadd.s32 s4, s6  }
0xd: {  	s15 =	sadd.s32 $0x280, s6;
	s6 =	sadd.s32 s5, s6;
	[dreg:$0x3] =	wrdreg s11  }
0xe: {  	s30 =	smax.u32 s2, $0x1;
	s2 =	simm.s32 $0x80;
	[dreg:$0x4] =	wrdreg s6  }
0xf: {  	s4 =	sadd.s32 s4, s15;
	s5 =	sadd.s32 s5, s15;
	s6 =	sadd.s32 s3, s23  }
0x10: {  	s11 =	sadd.s32 s3, s24;
	s15 =	sshrl.u32 s13, $0x3;
	[dreg:$0x5] =	wrdreg s4  }
0x11: {  	[dreg:$0x6] =	wrdreg s5;
	s4 =	sshrl.u32 s17, $0x3;
	s5 =	sshrl.u32 s22, $0x3  }
0x12: {  	s7 =	sshrl.u32 s6, $0x3;
	s12 =	sshrl.u32 s11, $0x3;
	s17 =	sadd.s32 s3, s26  }
0x13: {  	s6 =	simm.s32 $0x2;
	s4 =	sadd.s32 s8, s4;
	s18 =	sshrl.u32 s17, $0x3  }
0x14: {  	[dreg:$0x7] =	wrdreg s4;
	s4 =	sadd.s32 s8, s19;
	s19 =	sadd.s32 s3, s28  }
0x15: {  	s13 =	sadd.s32 s8, s18;
	s3 =	sadd.s32 s3, s29;
	s18 =	sadd.s32 $0x28E00, s1  }
0x16: {  	s1 =	simm.s32 $0x1400;
	[dreg:$0x8] =	wrdreg s4;
	s4 =	sadd.s32 s8, s21  }
0x17: {  	s20 =	sshrl.u32 s19, $0x3;
	s3 =	sshrl.u32 s3, $0x3;
	s21 =	smul.u32 $0x50000, s16  }
0x18: {  	[dreg:$0x9] =	wrdreg s4;
	s4 =	sadd.s32 s8, s5;
	s16 =	sadd.s32 s8, s20  }
0x19: {  	s17 =	sadd.s32 s8, s3;
	s3 =	simm.s32 $0x1;
	s5 =	simm.s32 $0x1480  }
0x1a: {  	[dreg:$0xa] =	wrdreg s4;
	s4 =	sadd.s32 s8, s7;
	s22 =	sshrl.u32 s21, $0x2  }
0x1b: {  	s7 =	simm.s32 $0x100;
	[dreg:$0xb] =	wrdreg s4;
	s4 =	sadd.s32 s8, s12  }
0x1c: {  	s12 =	sadd.s32 s8, s15;
	s15 =	rddreg [dreg:$0x1];
	s8 =	simm.s32 $0x0  }
.Ltmp0:
0x1d: {  	[dreg:$0xc] =	wrdreg s4;
	s19 =	sadd.s32 s22, s15;
	(pc) =	sbr.rel .LBB2_1-.Ltmp0, $4  }
0x1e: {  	s20 =	sadd.s32 s9, s15;
	s21 =	sadd.s32 s10, s15;
	s22 =	sadd.s32 s14, s15  }
0x1f: {  	s23 =	sadd.s32 s23, s15;
	s24 =	sadd.s32 s24, s15;
	s25 =	sadd.s32 s25, s15  }
0x20: {  	s26 =	sadd.s32 s26, s15;
	s28 =	sadd.s32 s28, s15;
	s29 =	sadd.s32 s29, s15  }
0x21: {  	v0 =	vimm.f32 $0.0e+00;
	s14 =	simm.s32 $0x3;
	s4 =	simm.s32 $0x6800;
	_ =	strace $0x8000004D  }
.LBB2_9:
0x22: {  	_ =	swait.ge [sflag:s6], $0x4000  }
0x23: {  	[sflag:s6] =	ssyncset.done $0x0  }
0x24: {  	[sflag:s6] =	ssyncadd.s32 $0xFFFFC000  }
0x25: {  	[bflag:$0x0] =	sbarrier.arrive $0xFFFF  }
0x26: {  	[tilespmem:s31], [sflag:$0x3] =	stream.linear.gather [spmem:s19], $0x2000, $0x38;
	[tilespmem:$0x1E800] =	vst v63  }
0x27: {  	_ =	swait.ge [sflag:s14], $0x2000  }
0x28: {  	[sflag:s14] =	ssyncset.done $0x0  }
0x29: {  	s9 =	rddreg [dreg:$0x7];
	[sflag:s14] =	ssyncadd.s32 $0xFFFFE000  }
0x2a: {  	[hbm4b:s9+s0] =	stream.linear.scatter [tilespmem:s31], [sflag:$0x3], $0x2000, $0x38;
	[tilespmem:$0x1E800] =	vst v63  }
0x2b: {  	_ =	swait.ge [sflag:s14], $0x2000  }
0x2c: {  	[sflag:s14] =	ssyncset.done $0x0  }
0x2d: {  	[sflag:s14] =	ssyncadd.s32 $0xFFFFE000  }
0x2e: {  	[tilespmem:s31], [sflag:$0x3] =	stream.linear.gather [spmem:s20], $0x2000, $0x38;
	[tilespmem:$0x1E800] =	vst v63  }
0x2f: {  	_ =	swait.ge [sflag:s14], $0x2000  }
0x30: {  	[sflag:s14] =	ssyncset.done $0x0  }
0x31: {  	s11 =	rddreg [dreg:$0x8];
	[sflag:s14] =	ssyncadd.s32 $0xFFFFE000  }
0x32: {  	[hbm4b:s11+s0] =	stream.linear.scatter [tilespmem:s31], [sflag:$0x3], $0x2000, $0x38;
	[tilespmem:$0x1E800] =	vst v63  }
0x33: {  	_ =	swait.ge [sflag:s14], $0x2000  }
0x34: {  	[sflag:s14] =	ssyncset.done $0x0  }
0x35: {  	[sflag:s14] =	ssyncadd.s32 $0xFFFFE000  }
0x36: {  	[tilespmem:s31], [sflag:$0x3] =	stream.linear.gather [spmem:s21], $0x2000, $0x38;
	[tilespmem:$0x1E800] =	vst v63  }
0x37: {  	_ =	swait.ge [sflag:s14], $0x2000  }
0x38: {  	[sflag:s14] =	ssyncset.done $0x0  }
0x39: {  	s10 =	rddreg [dreg:$0x9];
	[sflag:s14] =	ssyncadd.s32 $0xFFFFE000  }
0x3a: {  	[hbm4b:s10+s0] =	stream.linear.scatter [tilespmem:s31], [sflag:$0x3], $0x2000, $0x38;
	[tilespmem:$0x1E800] =	vst v63  }
0x3b: {  	_ =	swait.ge [sflag:s14], $0x2000  }
0x3c: {  	[sflag:s14] =	ssyncset.done $0x0  }
0x3d: {  	[sflag:s14] =	ssyncadd.s32 $0xFFFFE000  }
0x3e: {  	[tilespmem:s31], [sflag:$0x3] =	stream.linear.gather [spmem:s22], $0x2000, $0x38;
	[tilespmem:$0x1E800] =	vst v63  }
0x3f: {  	_ =	swait.ge [sflag:s14], $0x2000  }
0x40: {  	[sflag:s14] =	ssyncset.done $0x0  }
0x41: {  	s11 =	rddreg [dreg:$0xa];
	[sflag:s14] =	ssyncadd.s32 $0xFFFFE000  }
0x42: {  	[hbm4b:s11+s0] =	stream.linear.scatter [tilespmem:s31], [sflag:$0x3], $0x2000, $0x38;
	[tilespmem:$0x1E800] =	vst v63  }
0x43: {  	_ =	swait.ge [sflag:s14], $0x2000  }
0x44: {  	[sflag:s14] =	ssyncset.done $0x0  }
0x45: {  	[sflag:s14] =	ssyncadd.s32 $0xFFFFE000  }
0x46: {  	[tilespmem:s31], [sflag:$0x3] =	stream.linear.gather [spmem:s23], $0x2000, $0x38;
	[tilespmem:$0x1E800] =	vst v63  }
0x47: {  	_ =	swait.ge [sflag:s14], $0x2000  }
0x48: {  	[sflag:s14] =	ssyncset.done $0x0  }
0x49: {  	s10 =	rddreg [dreg:$0xb];
	[sflag:s14] =	ssyncadd.s32 $0xFFFFE000  }
0x4a: {  	[hbm4b:s10+s0] =	stream.linear.scatter [tilespmem:s31], [sflag:$0x3], $0x2000, $0x38;
	[tilespmem:$0x1E800] =	vst v63  }
0x4b: {  	_ =	swait.ge [sflag:s14], $0x2000  }
0x4c: {  	[sflag:s14] =	ssyncset.done $0x0  }
0x4d: {  	[sflag:s14] =	ssyncadd.s32 $0xFFFFE000  }
0x4e: {  	[tilespmem:s31], [sflag:$0x3] =	stream.linear.gather [spmem:s24], $0x2000, $0x38;
	[tilespmem:$0x1E800] =	vst v63  }
0x4f: {  	_ =	swait.ge [sflag:s14], $0x2000  }
0x50: {  	[sflag:s14] =	ssyncset.done $0x0  }
0x51: {  	s11 =	rddreg [dreg:$0xc];
	[sflag:s14] =	ssyncadd.s32 $0xFFFFE000  }
0x52: {  	[hbm4b:s11+s0] =	stream.linear.scatter [tilespmem:s31], [sflag:$0x3], $0x2000, $0x38;
	[tilespmem:$0x1E800] =	vst v63  }
0x53: {  	_ =	swait.ge [sflag:s14], $0x2000  }
0x54: {  	[sflag:s14] =	ssyncset.done $0x0  }
0x55: {  	[sflag:s14] =	ssyncadd.s32 $0xFFFFE000  }
0x56: {  	[tilespmem:s31], [sflag:$0x3] =	stream.linear.gather [spmem:s25], $0x2000, $0x38;
	[tilespmem:$0x1E800] =	vst v63  }
0x57: {  	_ =	swait.ge [sflag:s14], $0x2000  }
0x58: {  	[sflag:s14] =	ssyncset.done $0x0  }
0x59: {  	[sflag:s14] =	ssyncadd.s32 $0xFFFFE000  }
0x5a: {  	[hbm4b:s12+s0] =	stream.linear.scatter [tilespmem:s31], [sflag:$0x3], $0x2000, $0x38;
	[tilespmem:$0x1E800] =	vst v63  }
0x5b: {  	_ =	swait.ge [sflag:s14], $0x2000  }
0x5c: {  	[sflag:s14] =	ssyncset.done $0x0  }
0x5d: {  	[sflag:s14] =	ssyncadd.s32 $0xFFFFE000  }
0x5e: {  	[tilespmem:s31], [sflag:$0x3] =	stream.linear.gather [spmem:s26], $0x2000, $0x38;
	[tilespmem:$0x1E800] =	vst v63  }
0x5f: {  	_ =	swait.ge [sflag:s14], $0x2000  }
0x60: {  	[sflag:s14] =	ssyncset.done $0x0  }
0x61: {  	[sflag:s14] =	ssyncadd.s32 $0xFFFFE000  }
0x62: {  	[hbm4b:s13+s0] =	stream.linear.scatter [tilespmem:s31], [sflag:$0x3], $0x2000, $0x38;
	[tilespmem:$0x1E800] =	vst v63  }
0x63: {  	_ =	swait.ge [sflag:s14], $0x2000  }
0x64: {  	[sflag:s14] =	ssyncset.done $0x0  }
0x65: {  	[sflag:s14] =	ssyncadd.s32 $0xFFFFE000  }
0x66: {  	[tilespmem:s31], [sflag:$0x3] =	stream.linear.gather [spmem:s28], $0x2000, $0x38;
	[tilespmem:$0x1E800] =	vst v63  }
0x67: {  	_ =	swait.ge [sflag:s14], $0x2000  }
0x68: {  	[sflag:s14] =	ssyncset.done $0x0  }
0x69: {  	[sflag:s14] =	ssyncadd.s32 $0xFFFFE000  }
0x6a: {  	[hbm4b:s16+s0] =	stream.linear.scatter [tilespmem:s31], [sflag:$0x3], $0x2000, $0x38;
	[tilespmem:$0x1E800] =	vst v63  }
0x6b: {  	_ =	swait.ge [sflag:s14], $0x2000  }
0x6c: {  	[sflag:s14] =	ssyncset.done $0x0  }
0x6d: {  	[sflag:s14] =	ssyncadd.s32 $0xFFFFE000  }
0x6e: {  	[tilespmem:s31], [sflag:$0x3] =	stream.linear.gather [spmem:s29], $0x2000, $0x38;
	[tilespmem:$0x1E800] =	vst v63  }
0x6f: {  	s8 =	sadd.s32 $0x1, s8;
	_ =	swait.ge [sflag:s14], $0x2000  }
0x70: {  	p0 =	sne.s32 s8, s30;
	[sflag:s14] =	ssyncset.done $0x0  }
.Ltmp1:
0x71: {  	[sflag:s14] =	ssyncadd.s32 $0xFFFFE000;
	(pc) =	sbr.rel @!p0 .LBB2_10-.Ltmp1, $4  }
0x72: {  	[hbm4b:s17+s0] =	stream.linear.scatter [tilespmem:s31], [sflag:$0x3], $0x2000, $0x38;
	[tilespmem:$0x1E800] =	vst v63  }
0x73: {  	_ =	swait.ge [sflag:s14], $0x2000  }
0x74: {  	[sflag:s14] =	ssyncset.done $0x0  }
0x75: {  	[sflag:s14] =	ssyncadd.s32 $0xFFFFE000  }
.LBB2_1:
0x76: {  	s9 =	simm.s32 $0x0;
	s10 =	simm.s32 $0x200  }
.LBB2_2:
0x77: {  	p0 =	sne.s32 s10, $0x7E00;
	[tilespmem:s9+$0x2870] =	vst v0  }
0x78: {  	[tilespmem:s9+$0x2800] =	vst v0  }
0x79: {  	[tilespmem:s9+$0x2810] =	vst v0  }
.Ltmp2:
0x7a: {  	[tilespmem:s9+$0x2820] =	vst v0;
	(pc) =	sbr.rel @p0 .LBB2_2-.Ltmp2, $4  }
0x7b: {  	[tilespmem:s9+$0x2830] =	vst v0  }
0x7c: {  	[tilespmem:s9+$0x2840] =	vst v0  }
0x7d: {  	[tilespmem:s9+$0x2850] =	vst v0  }
0x7e: {  	[tilespmem:s9+$0x2860] =	vst v0;
	s9 =	sshra.s32 s10, $0x2;
	s10 =	sadd.s32 $0x200, s10  }
0x7f: {  	[tilespmem:s9+$0x2870] =	vst v0  }
0x80: {  	[tilespmem:s9+$0x2800] =	vst v0  }
0x81: {  	[tilespmem:s9+$0x2810] =	vst v0  }
0x82: {  	[tilespmem:s9+$0x2820] =	vst v0  }
0x83: {  	[tilespmem:s9+$0x2830] =	vst v0  }
0x84: {  	[tilespmem:s9+$0x2840] =	vst v0  }
0x85: {  	[tilespmem:s9+$0x2850] =	vst v0  }
0x86: {  	[tilespmem:s9+$0x2860] =	vst v0  }
0x87: {  	[spmem:s19] =	stream.linear.scatter [tilespmem:s31], [sflag:$0x3], $0x2000, $0x38;
	[tilespmem:$0x1E800] =	vst v63  }
0x88: {  	_ =	swait.ge [sflag:s14], $0x2000  }
0x89: {  	[sflag:s14] =	ssyncset.done $0x0  }
0x8a: {  	[sflag:s14] =	ssyncadd.s32 $0xFFFFE000  }
0x8b: {  	[spmem:s20] =	stream.linear.scatter [tilespmem:s31], [sflag:$0x3], $0x2000, $0x38;
	[tilespmem:$0x1E800] =	vst v63  }
0x8c: {  	_ =	swait.ge [sflag:s14], $0x2000  }
0x8d: {  	[sflag:s14] =	ssyncset.done $0x0  }
0x8e: {  	[sflag:s14] =	ssyncadd.s32 $0xFFFFE000  }
0x8f: {  	[spmem:s21] =	stream.linear.scatter [tilespmem:s31], [sflag:$0x3], $0x2000, $0x38;
	[tilespmem:$0x1E800] =	vst v63  }
0x90: {  	_ =	swait.ge [sflag:s14], $0x2000  }
0x91: {  	[sflag:s14] =	ssyncset.done $0x0  }
0x92: {  	[sflag:s14] =	ssyncadd.s32 $0xFFFFE000  }
0x93: {  	[spmem:s22] =	stream.linear.scatter [tilespmem:s31], [sflag:$0x3], $0x2000, $0x38;
	[tilespmem:$0x1E800] =	vst v63  }
0x94: {  	_ =	swait.ge [sflag:s14], $0x2000  }
0x95: {  	[sflag:s14] =	ssyncset.done $0x0  }
0x96: {  	[sflag:s14] =	ssyncadd.s32 $0xFFFFE000  }
0x97: {  	[spmem:s23] =	stream.linear.scatter [tilespmem:s31], [sflag:$0x3], $0x2000, $0x38;
	[tilespmem:$0x1E800] =	vst v63  }
0x98: {  	_ =	swait.ge [sflag:s14], $0x2000  }
0x99: {  	[sflag:s14] =	ssyncset.done $0x0  }
0x9a: {  	[sflag:s14] =	ssyncadd.s32 $0xFFFFE000  }
0x9b: {  	[spmem:s24] =	stream.linear.scatter [tilespmem:s31], [sflag:$0x3], $0x2000, $0x38;
	[tilespmem:$0x1E800] =	vst v63  }
0x9c: {  	_ =	swait.ge [sflag:s14], $0x2000  }
0x9d: {  	[sflag:s14] =	ssyncset.done $0x0  }
0x9e: {  	[sflag:s14] =	ssyncadd.s32 $0xFFFFE000  }
0x9f: {  	[spmem:s25] =	stream.linear.scatter [tilespmem:s31], [sflag:$0x3], $0x2000, $0x38;
	[tilespmem:$0x1E800] =	vst v63  }
0xa0: {  	_ =	swait.ge [sflag:s14], $0x2000  }
0xa1: {  	[sflag:s14] =	ssyncset.done $0x0  }
0xa2: {  	[sflag:s14] =	ssyncadd.s32 $0xFFFFE000  }
0xa3: {  	[spmem:s26] =	stream.linear.scatter [tilespmem:s31], [sflag:$0x3], $0x2000, $0x38;
	[tilespmem:$0x1E800] =	vst v63  }
0xa4: {  	_ =	swait.ge [sflag:s14], $0x2000  }
0xa5: {  	[sflag:s14] =	ssyncset.done $0x0  }
0xa6: {  	[sflag:s14] =	ssyncadd.s32 $0xFFFFE000  }
0xa7: {  	[spmem:s28] =	stream.linear.scatter [tilespmem:s31], [sflag:$0x3], $0x2000, $0x38;
	[tilespmem:$0x1E800] =	vst v63  }
0xa8: {  	_ =	swait.ge [sflag:s14], $0x2000  }
0xa9: {  	[sflag:s14] =	ssyncset.done $0x0  }
0xaa: {  	[sflag:s14] =	ssyncadd.s32 $0xFFFFE000  }
0xab: {  	[spmem:s29] =	stream.linear.scatter [tilespmem:s31], [sflag:$0x3], $0x2000, $0x38;
	[tilespmem:$0x1E800] =	vst v63  }
0xac: {  	_ =	swait.ge [sflag:s14], $0x2000  }
0xad: {  	[sflag:s14] =	ssyncset.done $0x0  }
0xae: {  	[sflag:s14] =	ssyncadd.s32 $0xFFFFE000  }
0xaf: {  	[bflag:$0x0] =	sbarrier.arrive $0xFFFF  }
0xb0: {  	s10 =	rddreg [dreg:$0x3]  }
0xb1: {  	[tilespmem:s0], [sflag:$0x3] =	stream.linear.gather [hbm4b:s10+s0], $0x1400, $0x38;
	[tilespmem:$0x1E800] =	vst v63  }
0xb2: {  	_ =	swait.ge [sflag:s14], $0x1400  }
0xb3: {  	[sflag:s14] =	ssyncset.done $0x0  }
0xb4: {  	s11 =	rddreg [dreg:$0x4];
	[sflag:s14] =	ssyncadd.s32 $0xFFFFEC00  }
0xb5: {  	[tilespmem:s1], [sflag:$0x3] =	stream.linear.gather [hbm4b:s11+s0], $0x1400, $0x38;
	[tilespmem:$0x1E800] =	vst v63  }
0xb6: {  	_ =	swait.ge [sflag:s14], $0x1400  }
0xb7: {  	[sflag:s14] =	ssyncset.done $0x0  }
0xb8: {  	[sflag:s14] =	ssyncadd.s32 $0xFFFFEC00  }
0xb9: {  	[tilespmem:s31], [sflag:$0x1] =	stream.indirect.gather [hbm4b:s18+s2], $0x80, s0, s2, $0xb8;
	[tilespmem:$0x1E800] =	vst v63  }
0xba: {  	_ =	swait.ge [sflag:s3], $0x4000  }
0xbb: {  	[sflag:s3] =	ssyncset.done $0x0  }
0xbc: {  	[sflag:s3] =	ssyncadd.s32 $0xFFFFC000  }
0xbd: {  	[spmem:s15] =	stream.indirect.scatter.add.f32 [tilespmem:s31], [sflag:$0x2], $0x80, s1, s2, $0xb8;
	[tilespmem:$0x1E800] =	vst v63  }
0xbe: {  	_ = 	snop  }
0xbf: {  	[tilespmem:s4], [sflag:$0x1] =	stream.indirect.gather [hbm4b:s18+s2], $0x80, s2, s2, $0xb8;
	[tilespmem:$0x1E800] =	vst v63  }
0xc0: {  	_ =	swait.ge [sflag:s3], $0x4000  }
0xc1: {  	[sflag:s3] =	ssyncset.done $0x0  }
0xc2: {  	[sflag:s3] =	ssyncadd.s32 $0xFFFFC000  }
0xc3: {  	[spmem:s15] =	stream.indirect.scatter.add.f32 [tilespmem:s4], [sflag:$0x2], $0x80, s5, s2, $0xb8;
	[tilespmem:$0x1E800] =	vst v63  }
0xc4: {  	_ =	swait.ge [sflag:s6], $0x4000  }
0xc5: {  	[sflag:s6] =	ssyncset.done $0x0  }
0xc6: {  	s9 =	simm.s32 $0xFFFFB800;
	[sflag:s6] =	ssyncadd.s32 $0xFFFFC000  }
0xc7: {  	[tilespmem:s31], [sflag:$0x1] =	stream.indirect.gather [hbm4b:s18+s2], $0x80, s7, s2, $0xb8;
	[tilespmem:$0x1E800] =	vst v63  }
.LBB2_4:
0xc8: {  	_ =	swait.ge [sflag:s3], $0x4000  }
0xc9: {  	s10 =	sshra.s32 s9, $0x2;
	[sflag:s3] =	ssyncset.done $0x0  }
0xca: {  	s11 =	sadd.s32 $0x2700, s10;
	[sflag:s3] =	ssyncadd.s32 $0xFFFFC000  }
0xcb: {  	[spmem:s15] =	stream.indirect.scatter.add.f32 [tilespmem:s31], [sflag:$0x2], $0x80, s11, s2, $0xb8;
	[tilespmem:$0x1E800] =	vst v63  }
0xcc: {  	_ =	swait.ge [sflag:s6], $0x4000  }
0xcd: {  	[sflag:s6] =	ssyncset.done $0x0  }
0xce: {  	s11 =	sadd.s32 $0x1380, s10;
	[sflag:s6] =	ssyncadd.s32 $0xFFFFC000  }
0xcf: {  	[tilespmem:s4], [sflag:$0x1] =	stream.indirect.gather [hbm4b:s18+s2], $0x80, s11, s2, $0xb8;
	[tilespmem:$0x1E800] =	vst v63  }
0xd0: {  	_ =	swait.ge [sflag:s3], $0x4000  }
0xd1: {  	p0 =	seq.s32 s9, $0x0;
	[sflag:s3] =	ssyncset.done $0x0  }
.Ltmp3:
0xd2: {  	s11 =	sadd.s32 $0x2780, s10;
	[sflag:s3] =	ssyncadd.s32 $0xFFFFC000;
	(pc) =	sbr.rel @p0 .LBB2_6-.Ltmp3, $4  }
0xd3: {  	[spmem:s15] =	stream.indirect.scatter.add.f32 [tilespmem:s4], [sflag:$0x2], $0x80, s11, s2, $0xb8;
	[tilespmem:$0x1E800] =	vst v63  }
0xd4: {  	_ =	swait.ge [sflag:s6], $0x4000  }
0xd5: {  	[sflag:s6] =	ssyncset.done $0x0  }
0xd6: {  	[sflag:s6] =	ssyncadd.s32 $0xFFFFC000  }
.Ltmp4:
0xd7: {  	(pc) =	sbr.rel .LBB2_4-.Ltmp4, $3  }
0xd8: {  	_ =	sdelay $0x1  }
0xd9: {  	s10 =	sadd.s32 $0x1400, s10;
	s9 =	sadd.s32 $0x400, s9  }
0xda: {  	[tilespmem:s31], [sflag:$0x1] =	stream.indirect.gather [hbm4b:s18+s2], $0x80, s10, s2, $0xb8;
	[tilespmem:$0x1E800] =	vst v63  }
.LBB2_6:
0xdb: {  	_ =	swait.ge [sflag:s6], $0x4000  }
0xdc: {  	[sflag:s6] =	ssyncset.done $0x0  }
0xdd: {  	s9 =	rddreg [dreg:$0x5];
	[sflag:s6] =	ssyncadd.s32 $0xFFFFC000  }
0xde: {  	[tilespmem:s0], [sflag:$0x3] =	stream.linear.gather [hbm4b:s9+s0], $0x1400, $0x38;
	[tilespmem:$0x1E800] =	vst v63  }
0xdf: {  	_ =	swait.ge [sflag:s14], $0x1400  }
0xe0: {  	[sflag:s14] =	ssyncset.done $0x0  }
0xe1: {  	s11 =	rddreg [dreg:$0x6];
	[sflag:s14] =	ssyncadd.s32 $0xFFFFEC00  }
0xe2: {  	[tilespmem:s1], [sflag:$0x3] =	stream.linear.gather [hbm4b:s11+s0], $0x1400, $0x38;
	[tilespmem:$0x1E800] =	vst v63  }
0xe3: {  	_ =	swait.ge [sflag:s14], $0x1400  }
0xe4: {  	[sflag:s14] =	ssyncset.done $0x0  }
0xe5: {  	[sflag:s14] =	ssyncadd.s32 $0xFFFFEC00  }
0xe6: {  	[tilespmem:s31], [sflag:$0x1] =	stream.indirect.gather [hbm4b:s18+s2], $0x80, s0, s2, $0xb8;
	[tilespmem:$0x1E800] =	vst v63  }
0xe7: {  	_ =	swait.ge [sflag:s3], $0x4000  }
0xe8: {  	[sflag:s3] =	ssyncset.done $0x0  }
0xe9: {  	[sflag:s3] =	ssyncadd.s32 $0xFFFFC000  }
0xea: {  	[spmem:s15] =	stream.indirect.scatter.add.f32 [tilespmem:s31], [sflag:$0x2], $0x80, s1, s2, $0xb8;
	[tilespmem:$0x1E800] =	vst v63  }
0xeb: {  	_ = 	snop  }
0xec: {  	[tilespmem:s4], [sflag:$0x1] =	stream.indirect.gather [hbm4b:s18+s2], $0x80, s2, s2, $0xb8;
	[tilespmem:$0x1E800] =	vst v63  }
0xed: {  	_ =	swait.ge [sflag:s3], $0x4000  }
0xee: {  	[sflag:s3] =	ssyncset.done $0x0  }
0xef: {  	[sflag:s3] =	ssyncadd.s32 $0xFFFFC000  }
0xf0: {  	[spmem:s15] =	stream.indirect.scatter.add.f32 [tilespmem:s4], [sflag:$0x2], $0x80, s5, s2, $0xb8;
	[tilespmem:$0x1E800] =	vst v63  }
0xf1: {  	_ =	swait.ge [sflag:s6], $0x4000  }
0xf2: {  	[sflag:s6] =	ssyncset.done $0x0  }
0xf3: {  	s9 =	simm.s32 $0xFFFFB800;
	[sflag:s6] =	ssyncadd.s32 $0xFFFFC000  }
0xf4: {  	[tilespmem:s31], [sflag:$0x1] =	stream.indirect.gather [hbm4b:s18+s2], $0x80, s7, s2, $0xb8;
	[tilespmem:$0x1E800] =	vst v63  }
.LBB2_7:
0xf5: {  	_ =	swait.ge [sflag:s3], $0x4000  }
0xf6: {  	s10 =	sshra.s32 s9, $0x2;
	[sflag:s3] =	ssyncset.done $0x0  }
0xf7: {  	s11 =	sadd.s32 $0x2700, s10;
	[sflag:s3] =	ssyncadd.s32 $0xFFFFC000  }
0xf8: {  	[spmem:s15] =	stream.indirect.scatter.add.f32 [tilespmem:s31], [sflag:$0x2], $0x80, s11, s2, $0xb8;
	[tilespmem:$0x1E800] =	vst v63  }
0xf9: {  	_ =	swait.ge [sflag:s6], $0x4000  }
0xfa: {  	[sflag:s6] =	ssyncset.done $0x0  }
0xfb: {  	s11 =	sadd.s32 $0x1380, s10;
	[sflag:s6] =	ssyncadd.s32 $0xFFFFC000  }
0xfc: {  	[tilespmem:s4], [sflag:$0x1] =	stream.indirect.gather [hbm4b:s18+s2], $0x80, s11, s2, $0xb8;
	[tilespmem:$0x1E800] =	vst v63  }
0xfd: {  	_ =	swait.ge [sflag:s3], $0x4000  }
0xfe: {  	p0 =	seq.s32 s9, $0x0;
	[sflag:s3] =	ssyncset.done $0x0  }
.Ltmp5:
0xff: {  	s11 =	sadd.s32 $0x2780, s10;
	[sflag:s3] =	ssyncadd.s32 $0xFFFFC000;
	(pc) =	sbr.rel @p0 .LBB2_9-.Ltmp5, $4  }
0x100: {  	[spmem:s15] =	stream.indirect.scatter.add.f32 [tilespmem:s4], [sflag:$0x2], $0x80, s11, s2, $0xb8;
	[tilespmem:$0x1E800] =	vst v63  }
0x101: {  	_ =	swait.ge [sflag:s6], $0x4000  }
0x102: {  	[sflag:s6] =	ssyncset.done $0x0  }
0x103: {  	[sflag:s6] =	ssyncadd.s32 $0xFFFFC000  }
.Ltmp6:
0x104: {  	(pc) =	sbr.rel .LBB2_7-.Ltmp6, $3  }
0x105: {  	_ =	sdelay $0x1  }
0x106: {  	s10 =	sadd.s32 $0x1400, s10;
	s9 =	sadd.s32 $0x400, s9  }
0x107: {  	[tilespmem:s31], [sflag:$0x1] =	stream.indirect.gather [hbm4b:s18+s2], $0x80, s10, s2, $0xb8;
	[tilespmem:$0x1E800] =	vst v63  }
.LBB2_10:
0x108: {  	_ =	sfence.sel $0x180000  }
0x109: {  	[bflag:$0x0] =	sbarrier.arrive $0xFFFF  }
0x10a: {  	_ =	strace $0x9000004D  }
0x10b: {  	s0 =	stileid.u32;
	[bflag:$0x2] =	sbarrier.arrive $0xFFFF  }
0x10c: {  	p0 =	sne.s32 s0, $0x0;
	s0 =	rddreg [dreg:$0x2]  }
0x10d: {  	s0 =	sadd.s32 @!p0 $0x100000, s0  }
0x10e: {  	[sflag:s0] =	ssyncadd.tile.s32 @!p0 $0x1;
	_ =	shalt  }
.Lfunc_end2:
_tile_overlayer_lowered:
.L_overlay_start_2:
0x10f: {  	(tag) =	ssettag $0x2  }
0x110: {  	s0 =	rddreg [dreg:$0x0];
	s2 =	stileid.u32  }
0x111: {  	s1 =	rddreg [dreg:$0x1];
	p0 =	sne.s32 s2, $0x0  }
0x112: {  	s3 =	rddreg [dreg:$0x2];
	[bflag:$0x3] =	sbarrier.arrive $0xFFFF;
	s2 =	simm.s32 @!p0 $0x1C03  }
0x113: {  	[timem:s3], [sflag:s2] =	dma.local @!p0 [hbm:s0], s1  }
0x114: {  	s0 =	simm.s32 @!p0 $0x3  }
0x115: {  	_ =	swait.ge @!p0 [sflag:s0], s1  }
0x116: {  	s1 =	ssub.s32 @!p0 $0x0, s1;
	[sflag:s0] =	ssyncset.done @!p0 $0x0  }
0x117: {  	[sflag:s0] =	ssyncadd.s32 @!p0 s1  }
0x118: {  	[bflag:$0x3] =	sbarrier.arrive $0xFFFF  }
0x119: {  	_ =	shalt  }

// kernel: kernel.8.cloned.1.call-start
scs
__scs_entry_jumppad:
0x0: {  	(pc) =	sbr.rel $0x88, $3  }
0x1: {  	(tag) =	ssettag $0x0;
	lr =	simm.s32 $0x1  }
0x2: {  	[smem:$0x3F92] =	sst lr;
	_ =	strace $0xD0000000  }
0x3: {  	_ = 	snop  }
0x4: {  	_ = 	snop  }
0x5: {  	_ = 	snop  }
0x6: {  	_ = 	snop  }
0x7: {  	_ = 	snop  }
__scs_overlays_trampoline_lowered:
0x8: {  	[smem:$0x3FA1] =	sst s0  }
0x9: {  	[smem:$0x3FA2] =	sst s1  }
0xa: {  	[smem:$0x3FA3] =	sst s2  }
0xb: {  	[smem:$0x3FA4] =	sst s3  }
0xc: {  	[smem:$0x3FA5] =	sst s4  }
0xd: {  	[smem:$0x3FA6] =	sst s5  }
0xe: {  	[smem:$0x3FA7] =	sst s6  }
0xf: {  	[smem:$0x3FA8] =	sst s7  }
0x10: {  	[smem:$0x3FA9] =	sst s8  }
0x11: {  	[smem:$0x3FAA] =	sst s9;
	s0 =	simm.s32 @!p0 $0x0  }
0x12: {  	s1 =	sld [smem:$0x3F90];
	s0 =	simm.s32 @p0 $0x1  }
0x13: {  	[smem:$0x3FAB] =	sst s0;
	s0 =	simm.s32 @!p1 $0x0  }
0x14: {  	s2 =	sld [smem:$0x3F8F];
	s0 =	simm.s32 @p1 $0x1  }
0x15: {  	[smem:$0x3FAC] =	sst s0;
	s0 =	simm.s32 @!p2 $0x0  }
0x16: {  	s3 =	sld [smem:$0x3FDB];
	s0 =	simm.s32 @p2 $0x1  }
0x17: {  	s4 =	simm.s32 $0x1BF5;
	[smem:$0x3FAE] =	sst s0  }
0x18: {  	s0 =	sld [smem:$0x3F91];
	_ =	swait.ge [sflag:s4], $0x0  }
0x19: {  	s7 =	sld [smem:$0x3F92]  }
0x1a: {  	s8 =	sadd.s32 $0xFFFFE003, lr  }
0x1b: {  	s9 =	sadd.s32 $0xFFFFFEF7, lr;
	s5 =	simm.s32 $0xFFFFFFFF;
	p2 =	slt.u32 s8, $0xFFFFF086  }
0x1c: {  	p1 =	slt.u32 s9, $0xF7A;
	s5 =	simm.s32 @!p2 $0x0  }
0x1d: {  	s5 =	simm.s32 @p1 $0x1;
	p0 =	seq.s32 s7, s2  }
0x1e: {  	s7 =	smul.u32 @!p0 $0xF7A, s2;
	p2 =	seq.s32 @!p0 s5, $0x0  }
0x1f: {  	s9 =	smul.u32 $0xF7A, s1;
	s8 =	simm.s32 @!p0 $0x1BF5;
	p2 =	por !p2, p0  }
0x20: {  	[sflag:s8] =	ssyncset.s32 @!p0 $0xFFFFF086;
	s6 =	sadd.s32 @!p0 s3, s7;
	s7 =	simm.s32 @!p0 $0x108  }
0x21: {  	s3 =	sadd.s32 s3, s9;
	s6 =	sadd.s32 @!p0 $0x88, s6;
	s7 =	simm.s32 @p2 $0x1082  }
0x22: {  	[simem:s7], [sflag:s8] =	dma.local @!p0 [hbm:s6], $0xF7A  }
0x23: {  	s9 =	sor.u32 $0xD0000000, s2;
	s6 =	simm.s32 $0x108;
	_ =	swait.ge @!p0 [sflag:s8], $0x0  }
0x24: {  	s3 =	sadd.s32 $0x88, s3;
	s6 =	simm.s32 @!p1 $0x1082;
	[sflag:s4] =	ssyncset.s32 $0xFFFFF086  }
0x25: {  	[simem:s6], [sflag:s4] =	dma.local [hbm:s3], $0xF7A  }
0x26: {  	[smem:$0x3F92] =	sst s1;
	(tag) =	ssettag s2;
	_ =	strace s9  }
0x27: {  	s1 =	sld [smem:$0x3FA2]  }
0x28: {  	s2 =	sld [smem:$0x3FA3]  }
0x29: {  	s4 =	sld [smem:$0x3FA5]  }
0x2a: {  	p0 =	seq.s32 s5, $0x0;
	s5 =	sld [smem:$0x3FA6]  }
0x2b: {  	s6 =	sld [smem:$0x3FA7]  }
0x2c: {  	s7 =	sld [smem:$0x3FA8]  }
0x2d: {  	s3 =	simm.s32 $0x108;
	s8 =	sld [smem:$0x3FA9]  }
0x2e: {  	s3 =	simm.s32 @!p0 $0x1082;
	s9 =	sld [smem:$0x3FAA]  }
0x2f: {  	lr =	sadd.s32 s0, s3;
	s0 =	sld [smem:$0x3FA1]  }
0x30: {  	s3 =	sld [smem:$0x3FA4]  }
0x31: {  	[smem:$0x3FAD] =	sst s10  }
0x32: {  	s10 =	sld [smem:$0x3FAB];
	_ =	sdelay $0x3  }
0x33: {  	p0 =	seq.s32 s10, $0x1;
	s10 =	sld [smem:$0x3FAD];
	_ =	sdelay $0x3  }
0x34: {  	[smem:$0x3FAD] =	sst s10  }
0x35: {  	s10 =	sld [smem:$0x3FAC];
	_ =	sdelay $0x3  }
0x36: {  	p1 =	seq.s32 s10, $0x1;
	s10 =	sld [smem:$0x3FAD];
	_ =	sdelay $0x3  }
0x37: {  	[smem:$0x3FAD] =	sst s10  }
0x38: {  	s10 =	sld [smem:$0x3FAE]  }
0x39: {  	_ = 	snop;
	(pc) =	sbr.ind lr, $3  }
0x3a: {  	_ = 	snop  }
0x3b: {  	_ = 	snop  }
0x3c: {  	p2 =	seq.s32 s10, $0x1;
	s10 =	sld [smem:$0x3FAD]  }
0x3d: {  	_ =	shalt  }
0x3e: {  	_ =	shalt  }
0x3f: {  	_ =	shalt  }
0x40: {  	_ =	shalt  }
0x41: {  	_ =	shalt  }
0x42: {  	_ =	shalt  }
0x43: {  	_ =	shalt  }
0x44: {  	_ =	shalt  }
0x45: {  	_ =	shalt  }
0x46: {  	_ =	shalt  }
0x47: {  	_ =	shalt  }
0x48: {  	_ =	shalt  }
0x49: {  	_ =	shalt  }
0x4a: {  	_ =	shalt  }
0x4b: {  	_ =	shalt  }
0x4c: {  	_ =	shalt  }
0x4d: {  	_ =	shalt  }
0x4e: {  	_ =	shalt  }
0x4f: {  	_ =	shalt  }
0x50: {  	_ =	shalt  }
0x51: {  	_ =	shalt  }
0x52: {  	_ =	shalt  }
0x53: {  	_ =	shalt  }
0x54: {  	_ =	shalt  }
0x55: {  	_ =	shalt  }
0x56: {  	_ =	shalt  }
0x57: {  	_ =	shalt  }
0x58: {  	_ =	shalt  }
0x59: {  	_ =	shalt  }
0x5a: {  	_ =	shalt  }
0x5b: {  	_ =	shalt  }
0x5c: {  	_ =	shalt  }
0x5d: {  	_ =	shalt  }
0x5e: {  	_ =	shalt  }
0x5f: {  	_ =	shalt  }
0x60: {  	_ =	shalt  }
0x61: {  	_ =	shalt  }
0x62: {  	_ =	shalt  }
0x63: {  	_ =	shalt  }
0x64: {  	_ =	shalt  }
0x65: {  	_ =	shalt  }
0x66: {  	_ =	shalt  }
0x67: {  	_ =	shalt  }
0x68: {  	_ =	shalt  }
0x69: {  	_ =	shalt  }
0x6a: {  	_ =	shalt  }
0x6b: {  	_ =	shalt  }
0x6c: {  	_ =	shalt  }
0x6d: {  	_ =	shalt  }
0x6e: {  	_ =	shalt  }
0x6f: {  	_ =	shalt  }
0x70: {  	_ =	shalt  }
0x71: {  	_ =	shalt  }
0x72: {  	_ =	shalt  }
0x73: {  	_ =	shalt  }
0x74: {  	_ =	shalt  }
0x75: {  	_ =	shalt  }
0x76: {  	_ =	shalt  }
0x77: {  	_ =	shalt  }
0x78: {  	_ =	shalt  }
0x79: {  	_ =	shalt  }
0x7a: {  	_ =	shalt  }
0x7b: {  	_ =	shalt  }
0x7c: {  	_ =	shalt  }
0x7d: {  	_ =	shalt  }
0x7e: {  	_ =	shalt  }
0x7f: {  	_ =	shalt  }
0x80: {  	_ =	shalt  }
0x81: {  	_ =	shalt  }
0x82: {  	_ =	shalt  }
0x83: {  	_ =	shalt  }
0x84: {  	_ =	shalt  }
0x85: {  	_ =	shalt  }
0x86: {  	_ =	shalt  }
0x87: {  	_ =	shalt  }
.Lfunc_end0:
.L_simem_size_0:
called_computation_lowered:
.L_overlay_start_0:
0x88: {  	s2 =	sld [smem:$0x3FD9]  }
0x89: {  	s3 =	sld [smem:$0x3FFE];
	_ =	sdelay $0x1  }
0x8a: {  	s1 =	srdreg.scid  }
0x8b: {  	s0 =	sand.u32 $0x1, s1  }
0x8c: {  	s16 =	sshll.u32 s0, $0xA;
	s2 =	sadd.s32 s3, s2  }
0x8d: {  	s2 =	sadd.s32 s2, s16  }
0x8e: {  	[smem:$0x3FB9] =	sst s2  }
0x8f: {  	_ = 	snop  }
0x90: {  	(tm) =	ssettm $0x1  }
0x91: {  	s17 =	sld [smem:$0x3FFB];
	_ =	sdelay $0x3  }
0x92: {  	_ =	strace s17  }
0x93: {  	s2 =	sld [smem:$0x3FFC];
	_ =	sdelay $0x3  }
0x94: {  	_ =	strace s2  }
0x95: {  	s2 =	sld [smem:$0x3FFD];
	_ =	sdelay $0x3  }
0x96: {  	_ =	strace s2  }
0x97: {  	_ =	strace $0x8FFFFFFF  }
0x98: {  	s18 =	sld [smem:$0x3FDB];
	_ =	sdelay $0x1  }
0x99: {  	s19 =	simm.s32 $_scs_section_size  }
0x9a: {  	s4 =	simm.s32 $_size__tile_overlayer_lowered;
	s5 =	simm.s32 $_tile_overlayer_lowered  }
0x9b: {  	s22 =	simm.s32 $0x1BFF;
	s21 =	sshll.u32 s5, $0x1;
	s2 =	sadd.s32 s19, s18  }
0x9c: {  	s6 =	simm.s32 $0x0;
	s20 =	sshll.u32 s4, $0x1;
	s4 =	sadd.s32 s21, s2  }
0x9d: {  	[timem:s6], [sflag:s22] =	dma.local [hbm:s4], s20  }
0x9e: {  	_ =	swait.ge [sflag:s22], s20  }
0x9f: {  	s3 =	ssub.s32 $0x0, s20;
	[sflag:s22] =	ssyncset.done $0x0  }
0xa0: {  	[sflag:s22] =	ssyncadd.s32 s3;
	_ =	sdelay $0x1  }
0xa1: {  	s23 =	simm.s32 $0x1B8B  }
0xa2: {  	_ =	swait.ge [sflag:s23], $0x1  }
0xa3: {  	[sflag:s23] =	ssyncset.done $0x0  }
0xa4: {  	s25 =	simm.s32 $0x1B8E;
	s24 =	sld [smem:$0x3FFE];
	[sflag:s23] =	ssyncadd.s32 $0xFFFFFFFF  }
0xa5: {  	s26 =	simm.s32 $execute0_lowered;
	[smem:$0x3FD2] =	sst s25  }
0xa6: {  	s4 =	sshll.u32 s26, $0x1;
	_ =	strace $0x80000046;
	[dreg:$0x1] =	wrdreg $0xFFFFFFFF  }
0xa7: {  	s28 =	simm.s32 $_size_execute0_lowered;
	s2 =	sadd.s32 s2, s4;
	[dreg:$0x0] =	wrdreg $0x0  }
0xa8: {  	s4 =	sshll.u32 s28, $0x1;
	[dreg:$0x2] =	wrdreg s2  }
0xa9: {  	[dreg:$0x3] =	wrdreg s4  }
0xaa: {  	[dreg:$0x4] =	wrdreg $0xC0  }
0xab: {  	_ =	task [dreg:s6], $0x5FFFF  }
0xac: {  	[dreg:$0x1] =	wrdreg $0xFFFFFFFF  }
0xad: {  	[dreg:$0x0] =	wrdreg $0x60  }
0xae: {  	[dreg:$0x2] =	wrdreg s24  }
0xaf: {  	[dreg:$0x3] =	wrdreg $0x43000  }
0xb0: {  	[dreg:$0x4] =	wrdreg $0x9  }
0xb1: {  	_ =	task.clear_ibuf [dreg:s6], $0x5FFFF;
	_ =	strace $0x90000046  }
0xb2: {  	s29 =	simm.s32 $0x9;
	_ =	strace $0x80000048  }
0xb3: {  	_ =	swait.ge [sflag:s29], $0x1  }
0xb4: {  	[sflag:s29] =	ssyncadd.s32 $0xFFFFFFFF  }
0xb5: {  	_ =	strace $0x90000048  }
0xb6: {  	_ =	sfence  }
0xb7: {  	s30 =	sld [smem:$0x0];
	_ =	sdelay $0x2  }
0xb8: {  	s31 =	sshll.u32 s1, $0xD;
	s1 =	sshrl.u32 s1, $0x2  }
0xb9: {  	s3 =	sand.u32 $0x4000, s31;
	s1 =	sadd.s32 s1, s30  }
0xba: {  	s0 =	sor.u32 s3, s0;
	s1 =	sshll.u32 s1, $0x11  }
0xbb: {  	s0 =	sor.u32 s1, s0  }
0xbc: {  	s0 =	sadd.s32 $0x8F2B, s0  }
0xbd: {  	[sflag:s0] =	ssyncadd.remote.s32 $0x1  }
0xbe: {  	_ =	sfence.sel $0xFFFF  }
0xbf: {  	[dreg:$0x0] =	wrdreg $0xFFFFFFFF;
	(pc) =	sbr.abs _section_cstart, $3  }
0xc0: {  	[dreg:$0x1] =	wrdreg $0xFFFFFFFF  }
0xc1: {  	_ =	task.clear_ibuf [dreg:s6], $0x2FFFF;
	_ =	strace $0x9FFFFFFF  }
0xc2: {  	(tm) =	ssettm $0x7FFFFFFF  }
0xc3: {  	_ =	shalt  }
tec
execute0_lowered:
.L_overlay_start_1:
0x0: {  	(tag) =	ssettag $0x1  }
0x1: {  	s4 =	rddreg [dreg:$0x0]  }
0x2: {  	s2 =	rddreg [dreg:$0x1]  }
0x3: {  	s0 =	rddreg [dreg:$0x2];
	s1 =	stileid.u32  }
0x4: {  	s5 =	srdreg.scid;
	s3 =	simm.s32 $0x0;
	s10 =	simm.s32 $0x50  }
0x5: {  	s11 =	simm.s32 $0x4000;
	s12 =	simm.s32 $0x80;
	s13 =	simm.s32 $0x100  }
0x6: {  	s14 =	simm.s32 $0x0;
	s5 =	sand.u32 $0x1, s5;
	s6 =	smul.u32 $0x500, s1  }
0x7: {  	[smem:$0x7FF] =	sst s3;
	s8 =	sshll.u32 s1, $0xB;
	s29 =	smul.u32 $0xA00, s1  }
0x8: {  	s7 =	sshll.u32 s5, $0x7;
	_ =	strace $0x80000047;
	s28 =	sadd.s32 s8, s4  }
0x9: {  	s30 =	ssub.s32 $0x2, s5;
	s5 =	sshll.u32 s5, $0xF;
	s6 =	sor.u32 s7, s6  }
0xa: {  	s9 =	sshrl.u32 s30, $0x1;
	s8 =	sshrl.u32 s29, $0x2;
	s5 =	sadd.s32 s5, s28  }
0xb: {  	s6 =	sshrl.u32 s6, $0x3;
	s31 =	ssub.s32 s30, s9;
	s5 =	sadd.s32 $0x4400, s5  }
0xc: {  	s9 =	simm.s32 $0x1;
	s6 =	sadd.s32 s6, s4;
	s4 =	sadd.s32 s8, s2  }
0xd: {  	v0 =	vimm.f32 $0.0e+00;
	v1 =	vimm.f32 $1.000000000e+00;
	s7 =	smax.u32 s31, $0x1;
	s8 =	simm.s32 $0x4080;
	s6 =	sadd.s32 $0x14400, s6  }
.LBB2_1:
0xe: {  	[tilespmem:$0x4080] =	vst v0  }
0xf: {  	[tilespmem:$0x4090] =	vst v0  }
0x10: {  	[tilespmem:$0x40A0] =	vst v0  }
0x11: {  	[tilespmem:$0x40B0] =	vst v0  }
0x12: {  	[tilespmem:$0x40C0] =	vst v0  }
0x13: {  	[tilespmem:$0x40D0] =	vst v0  }
0x14: {  	[tilespmem:$0x40E0] =	vst v0  }
0x15: {  	[tilespmem:$0x40F0] =	vst v0  }
0x16: {  	[tilespmem:$0x4100] =	vst v0  }
0x17: {  	[tilespmem:$0x4110] =	vst v0  }
0x18: {  	[tilespmem:$0x4120] =	vst v0  }
0x19: {  	[tilespmem:$0x4130] =	vst v0  }
0x1a: {  	[tilespmem:$0x4140] =	vst v0  }
0x1b: {  	[tilespmem:$0x4150] =	vst v0  }
0x1c: {  	[tilespmem:$0x4160] =	vst v0  }
0x1d: {  	[tilespmem:$0x4170] =	vst v0  }
0x1e: {  	[tilespmem:$0x4180] =	vst v0  }
0x1f: {  	[tilespmem:$0x4190] =	vst v0  }
0x20: {  	[tilespmem:$0x41A0] =	vst v0  }
0x21: {  	[tilespmem:$0x41B0] =	vst v0  }
0x22: {  	[tilespmem:$0x41C0] =	vst v0  }
0x23: {  	[tilespmem:$0x41D0] =	vst v0  }
0x24: {  	[tilespmem:$0x41E0] =	vst v0  }
0x25: {  	[tilespmem:$0x41F0] =	vst v0  }
0x26: {  	[tilespmem:$0x4200] =	vst v0  }
0x27: {  	[tilespmem:$0x4210] =	vst v0  }
0x28: {  	[tilespmem:$0x4220] =	vst v0  }
0x29: {  	[tilespmem:$0x4230] =	vst v0  }
0x2a: {  	[tilespmem:$0x4240] =	vst v0  }
0x2b: {  	[tilespmem:$0x4250] =	vst v0  }
0x2c: {  	[tilespmem:$0x4260] =	vst v0  }
0x2d: {  	[tilespmem:$0x4270] =	vst v0  }
0x2e: {  	[tilespmem:$0x4280] =	vst v0  }
0x2f: {  	[tilespmem:$0x4290] =	vst v0  }
0x30: {  	[tilespmem:$0x42A0] =	vst v0  }
0x31: {  	[tilespmem:$0x42B0] =	vst v0  }
0x32: {  	[tilespmem:$0x42C0] =	vst v0  }
0x33: {  	[tilespmem:$0x42D0] =	vst v0  }
0x34: {  	[tilespmem:$0x42E0] =	vst v0  }
0x35: {  	[tilespmem:$0x42F0] =	vst v0  }
0x36: {  	[tilespmem:$0x4000] =	vst v1  }
0x37: {  	[tilespmem:$0x4010] =	vst v1  }
0x38: {  	[tilespmem:$0x4020] =	vst v1  }
0x39: {  	[tilespmem:$0x4030] =	vst v1  }
0x3a: {  	[tilespmem:$0x4040] =	vst v1  }
0x3b: {  	[spmem:s4] =	stream.linear.scatter [tilespmem:s8], [sflag:$0x1], $0x280, $0x38;
	[tilespmem:$0x4580] =	vst v63  }
0x3c: {  	_ =	swait.ge [sflag:s9], $0x280  }
0x3d: {  	[sflag:s9] =	ssyncset.done $0x0  }
0x3e: {  	[sflag:s9] =	ssyncadd.s32 $0xFFFFFD80  }
0x3f: {  	[bflag:$0x0] =	sbarrier.arrive $0xFFFF  }
0x40: {  	[tilespmem:s3], [sflag:$0x1] =	stream.linear.gather [hbm4b:s5+s3], $0x3E80, $0x38;
	[tilespmem:$0x4580] =	vst v63  }
0x41: {  	_ =	swait.ge [sflag:s9], $0x3E80  }
0x42: {  	[sflag:s9] =	ssyncset.done $0x0  }
0x43: {  	s15 =	simm.s32 $0x0;
	[sflag:s9] =	ssyncadd.s32 $0xFFFFC180  }
0x44: {  	[spmem:s2] =	stream.indirect.scatter.add.f32 [tilespmem:s11], [sflag:$0x1], $0x1, s15, s10, $0xb8;
	[tilespmem:$0x4580] =	vst v63  }
0x45: {  	_ =	swait.ge [sflag:s9], $0x50  }
0x46: {  	s15 =	simm.s32 $0x200;
	[sflag:s9] =	ssyncset.done $0x0  }
.LBB2_2:
0x47: {  	s16 =	sshra.s32 s15, $0x2;
	[sflag:s9] =	ssyncadd.s32 $0xFFFFFFB0;
	p0 =	sne.s32 s15, $0xF800  }
0x48: {  	[spmem:s2] =	stream.indirect.scatter.add.f32 [tilespmem:s11], [sflag:$0x1], $0x1, s16, s10, $0xb8;
	[tilespmem:$0x4580] =	vst v63  }
.Ltmp0:
0x49: {  	_ = 	snop;
	(pc) =	sbr.rel @p0 .LBB2_2-.Ltmp0, $4  }
0x4a: {  	_ = 	snop  }
0x4b: {  	s15 =	sadd.s32 $0x200, s15  }
0x4c: {  	_ =	swait.ge [sflag:s9], $0x50  }
0x4d: {  	[sflag:s9] =	ssyncset.done $0x0  }
0x4e: {  	[sflag:s9] =	ssyncadd.s32 $0xFFFFFFB0  }
0x4f: {  	[bflag:$0x0] =	sbarrier.arrive $0xFFFF  }
0x50: {  	[tilespmem:s8], [sflag:$0x1] =	stream.linear.gather [spmem:s4], $0x280, $0x38;
	[tilespmem:$0x4580] =	vst v63  }
0x51: {  	s14 =	sadd.s32 $0x1, s14;
	_ =	swait.ge [sflag:s9], $0x280  }
0x52: {  	p0 =	sne.s32 s14, s7;
	[sflag:s9] =	ssyncset.done $0x0  }
.Ltmp1:
0x53: {  	[sflag:s9] =	ssyncadd.s32 $0xFFFFFD80;
	(pc) =	sbr.rel @p0 .LBB2_1-.Ltmp1, $4  }
0x54: {  	[hbm4b:s6+s12] =	stream.strided.scatter [tilespmem:s8], [sflag:$0x1], $0x280, s13, s12, $0x38;
	[tilespmem:$0x4580] =	vst v63  }
0x55: {  	_ =	swait.ge [sflag:s9], $0x280  }
0x56: {  	[sflag:s9] =	ssyncset.done $0x0  }
0x57: {  	[sflag:s9] =	ssyncadd.s32 $0xFFFFFD80  }
0x58: {  	_ =	sfence.sel $0x180000  }
0x59: {  	[bflag:$0x0] =	sbarrier.arrive $0xFFFF  }
0x5a: {  	p0 =	sne.s32 s1, $0x0;
	_ =	strace $0x90000047  }
0x5b: {  	s0 =	sadd.s32 @!p0 $0x100000, s0;
	[bflag:$0x2] =	sbarrier.arrive $0xFFFF  }
0x5c: {  	[sflag:s0] =	ssyncadd.tile.s32 @!p0 $0x1;
	_ =	shalt  }
.Lfunc_end2:
_tile_overlayer_lowered:
.L_overlay_start_2:
0x5d: {  	(tag) =	ssettag $0x2  }
0x5e: {  	s0 =	rddreg [dreg:$0x0];
	s2 =	stileid.u32  }
0x5f: {  	s1 =	rddreg [dreg:$0x1];
	p0 =	sne.s32 s2, $0x0  }
0x60: {  	s3 =	rddreg [dreg:$0x2];
	[bflag:$0x3] =	sbarrier.arrive $0xFFFF;
	s2 =	simm.s32 @!p0 $0x1C01  }
0x61: {  	[timem:s3], [sflag:s2] =	dma.local @!p0 [hbm:s0], s1  }
0x62: {  	s0 =	simm.s32 @!p0 $0x1  }
0x63: {  	_ =	swait.ge @!p0 [sflag:s0], s1  }
0x64: {  	s1 =	ssub.s32 @!p0 $0x0, s1;
	[sflag:s0] =	ssyncset.done @!p0 $0x0  }
0x65: {  	[sflag:s0] =	ssyncadd.s32 @!p0 s1  }
0x66: {  	[bflag:$0x3] =	sbarrier.arrive $0xFFFF  }
0x67: {  	_ =	shalt  }

</sc_bundles>
